<compile_context>
chip_gen: v7x
topology: tpu7x:2x2x1
jax: 0.10.2.dev20260603
libtpu: 0.0.44.dev20260713+nightly
codegen_flags: <defaults>
</compile_context>

<pallas_src>
import functools

import jax
import jax.numpy as jnp
from jax import lax
from jax.experimental import pallas as pl
from jax.experimental.pallas import tpu as pltpu
from jax.experimental.pallas import tpu_sc as plsc

N = 10000
E = 320000
D = 128
DQ = D // 4

N_PAD = 10016
E_PAD = 327680
ROWS = E_PAD // 128
ROWS_W = ROWS // 16
EDGES_W = ROWS_W * 128
NROWS_W = N_PAD // 16
BLK = 256
NBLK = EDGES_W // BLK
DBLK = 512


def _tc_proj(x_pad, Wa, a_l2, a_r2):
    blk = 1024

    def body(x_ref, wa_ref, al_ref, ar_ref, zq_ref, zl_ref, zr_ref):
        z = lax.dot_general(x_ref[...], wa_ref[...], (((1,), (1,)), ((), ())),
                            preferred_element_type=jnp.float32)
        for i in range(4):
            zq_ref[i] = z[:, i * DQ:(i + 1) * DQ]
        zl_ref[...] = lax.dot_general(z, al_ref[...], (((1,), (0,)), ((), ())),
                                      preferred_element_type=jnp.float32)
        zr_ref[...] = lax.dot_general(z, ar_ref[...], (((1,), (0,)), ((), ())),
                                      preferred_element_type=jnp.float32)

    return pl.pallas_call(
        body,
        grid=(pl.cdiv(N_PAD, blk),),
        in_specs=[
            pl.BlockSpec((blk, D), lambda i: (i, 0)),
            pl.BlockSpec((D, D), lambda i: (0, 0)),
            pl.BlockSpec((D, 1), lambda i: (0, 0)),
            pl.BlockSpec((D, 1), lambda i: (0, 0)),
        ],
        out_specs=[
            pl.BlockSpec((4, blk, DQ), lambda i: (0, i, 0)),
            pl.BlockSpec((blk, 1), lambda i: (i, 0)),
            pl.BlockSpec((blk, 1), lambda i: (i, 0)),
        ],
        out_shape=[
            jax.ShapeDtypeStruct((4, N_PAD, DQ), jnp.float32),
            jax.ShapeDtypeStruct((N_PAD, 1), jnp.float32),
            jax.ShapeDtypeStruct((N_PAD, 1), jnp.float32),
        ],
    )(x_pad, Wa, a_l2, a_r2)


_mesh = plsc.VectorSubcoreMesh(core_axis_name="c", subcore_axis_name="s")


@functools.partial(
    pl.kernel,
    out_type=jax.ShapeDtypeStruct((4, N_PAD, DQ), jnp.float32),
    mesh=_mesh,
    compiler_params=pltpu.CompilerParams(needs_layout_passes=False,
                                         use_tc_tiling_on_sc=False),
    scratch_types=[
        pltpu.VMEM((EDGES_W,), jnp.int32),
        pltpu.VMEM((EDGES_W,), jnp.int32),
        pltpu.VMEM((EDGES_W,), jnp.float32),
        pltpu.VMEM((N_PAD,), jnp.float32),
        pltpu.VMEM((N_PAD,), jnp.float32),
        pltpu.VMEM((640,), jnp.float32),
        pltpu.VMEM((BLK, DQ), jnp.float32),
        pltpu.VMEM((BLK, DQ), jnp.float32),
        pltpu.VMEM((128, DQ), jnp.float32),
        pltpu.VMEM_SHARED((N_PAD,), jnp.float32),
        pltpu.VMEM_SHARED((N_PAD, DQ), jnp.float32),
        pltpu.SemaphoreType.DMA,
        pltpu.SemaphoreType.DMA,
        pltpu.SemaphoreType.DMA,
        pltpu.SemaphoreType.DMA,
        pltpu.SemaphoreType.DMA,
    ],
)
def _sc_edge_kernel(src_hbm, dst_hbm, pw_hbm, zl_hbm, zr_hbm, zq_hbm, out_hbm,
                    src_v, dst_v, pwex_v, zl_v, zr_v, zden_v, rows_a, rows_b,
                    zrows_v, denom_sp, h_sp, sem_a, sem_b, semd_a, semd_b,
                    sem_s):
    c = lax.axis_index("c")
    s = lax.axis_index("s")
    zeros16 = jnp.zeros((16,), jnp.float32)
    nbase = s * NROWS_W

    def zrow(r, carry):
        for k in range(DQ // 16):
            zrows_v[r, pl.ds(k * 16, 16)] = zeros16
        return carry

    lax.fori_loop(0, 128, zrow, 0)
    for k in range(640 // 16):
        zden_v[pl.ds(k * 16, 16)] = zeros16

    @pl.when(s < 15)
    def _():
        pltpu.sync_copy(zden_v.at[pl.ds(0, 632)],
                        denom_sp.at[pl.ds(s * 632, 632)])

    @pl.when(s == 15)
    def _():
        pltpu.sync_copy(zden_v.at[pl.ds(0, N_PAD - 15 * 632)],
                        denom_sp.at[pl.ds(15 * 632, N_PAD - 15 * 632)])

    plsc.subcore_barrier()

    ebase = s * EDGES_W
    pltpu.sync_copy(src_hbm.at[pl.ds(ebase, EDGES_W)], src_v)
    pltpu.sync_copy(dst_hbm.at[pl.ds(ebase, EDGES_W)], dst_v)
    pltpu.sync_copy(pw_hbm.at[pl.ds(ebase, EDGES_W)], pwex_v)
    pltpu.sync_copy(zl_hbm, zl_v)
    pltpu.sync_copy(zr_hbm, zr_v)

    def arow(r, carry):
        for k in range(8):
            sl = pl.ds(r * 128 + k * 16, 16)
            si = src_v[sl]
            di = dst_v[sl]
            pw = pwex_v[sl]
            t = pw * plsc.load_gather(zl_v, [si]) + plsc.load_gather(zr_v, [di])
            e = jnp.maximum(t, 0.01 * t)
            pwex_v[sl] = jnp.exp(e)
        return carry

    lax.fori_loop(0, ROWS_W, arow, 0)

    ND = EDGES_W // DBLK

    def dstart(g, sem):
        pltpu.async_copy(pwex_v.at[pl.ds(g * DBLK, DBLK)],
                         denom_sp.at[dst_v.at[pl.ds(g * DBLK, DBLK)]],
                         sem, add=True)

    def dwait(g, sem):
        pltpu.make_async_copy(pwex_v.at[pl.ds(g * DBLK, DBLK)],
                              denom_sp.at[dst_v.at[pl.ds(g * DBLK, DBLK)]],
                              sem).wait()

    dstart(0, semd_a)
    dstart(1, semd_b)

    def dgrp(g2, carry):
        g = g2 * 2
        dwait(g, semd_a)

        @pl.when(g + 2 < ND)
        def _(g=g):
            dstart(g + 2, semd_a)

        dwait(g + 1, semd_b)

        @pl.when(g + 3 < ND)
        def _(g=g):
            dstart(g + 3, semd_b)

        return carry

    lax.fori_loop(0, ND // 2, dgrp, 0)
    plsc.subcore_barrier()

    pltpu.sync_copy(denom_sp, zl_v)

    def wrow(r, carry):
        for k in range(8):
            sl = pl.ds(r * 128 + k * 16, 16)
            den = plsc.load_gather(zl_v, [dst_v[sl]])
            pwex_v[sl] = pwex_v[sl] / jnp.maximum(den, 1e-16)
        return carry

    lax.fori_loop(0, ROWS_W, wrow, 0)
    plsc.subcore_barrier()

    def fpass(p, pcarry):
        q = 2 * c + p

        for b in range(NROWS_W // 128):
            pltpu.sync_copy(zrows_v, h_sp.at[pl.ds(nbase + b * 128, 128)])
        rem = NROWS_W % 128
        if rem:
            pltpu.sync_copy(zrows_v.at[pl.ds(0, rem)],
                            h_sp.at[pl.ds(nbase + (NROWS_W // 128) * 128,
                                          rem)])
        plsc.subcore_barrier()

        def consume(g, buf):
            def scale_half(h0):
                def scale_g(gg, c2):
                    wv = pwex_v[pl.ds(g * BLK + h0 + gg * 16, 16)]
                    for jj in range(16):
                        w = wv[jj]
                        row = h0 + gg * 16 + jj
                        for k in range(DQ // 16):
                            sl = pl.ds(k * 16, 16)
                            buf[row, sl] = buf[row, sl] * w
                    return c2

                lax.fori_loop(0, BLK // 32, scale_g, 0)

            scale_half(0)
            pltpu.async_copy(buf.at[pl.ds(0, 128)],
                             h_sp.at[dst_v.at[pl.ds(g * BLK, 128)]],
                             sem_s, add=True)
            scale_half(BLK // 2)
            pltpu.sync_copy(buf.at[pl.ds(128, 128)],
                            h_sp.at[dst_v.at[pl.ds(g * BLK + 128, 128)]],
                            add=True)
            pltpu.make_async_copy(buf.at[pl.ds(0, 128)],
                                  h_sp.at[dst_v.at[pl.ds(g * BLK, 128)]],
                                  sem_s).wait()

        def gidx(g):
            return src_v.at[pl.ds(g * BLK, BLK)]

        pltpu.async_copy(zq_hbm.at[q].at[gidx(0)], rows_a, sem_a)

        def hblk2(g2, carry, q=q):
            g = g2 * 2
            pltpu.async_copy(zq_hbm.at[q].at[gidx(g + 1)], rows_b, sem_b)
            pltpu.make_async_copy(zq_hbm.at[q].at[gidx(g)], rows_a,
                                  sem_a).wait()
            consume(g, rows_a)

            @pl.when(g + 2 < NBLK)
            def _(g=g):
                pltpu.async_copy(zq_hbm.at[q].at[gidx(g + 2)], rows_a, sem_a)

            pltpu.make_async_copy(zq_hbm.at[q].at[gidx(g + 1)], rows_b,
                                  sem_b).wait()
            consume(g + 1, rows_b)
            return carry

        lax.fori_loop(0, NBLK // 2, hblk2, 0)
        plsc.subcore_barrier()

        for b in range(NROWS_W // 128):
            sl = pl.ds(nbase + b * 128, 128)
            pltpu.sync_copy(h_sp.at[sl], out_hbm.at[q].at[sl])
        if NROWS_W % 128:
            sl = pl.ds(nbase + (NROWS_W // 128) * 128, NROWS_W % 128)
            pltpu.sync_copy(h_sp.at[sl], out_hbm.at[q].at[sl])
        plsc.subcore_barrier()
        return pcarry

    lax.fori_loop(0, 2, fpass, 0)


def kernel(x, edge_index, pre_w, Wa, a_l, a_r):
    src = edge_index[0]
    dst = edge_index[1]
    pad = E_PAD - E
    pad_dst = N + (jnp.arange(pad, dtype=jnp.int32) % (N_PAD - N))
    src_p = jnp.concatenate([src, jnp.zeros((pad,), jnp.int32)])
    dst_p = jnp.concatenate([dst, pad_dst])
    pw_p = jnp.concatenate([pre_w[:, 0], jnp.zeros((pad,), jnp.float32)])

    x_pad = jnp.pad(x, ((0, N_PAD - N), (0, 0)))
    zq, zl2, zr2 = _tc_proj(x_pad, Wa, a_l.reshape(D, 1), a_r.reshape(D, 1))
    hp = _sc_edge_kernel(src_p, dst_p, pw_p, zl2.reshape(N_PAD),
                         zr2.reshape(N_PAD), zq)
    h = jnp.concatenate([hp[i, :N] for i in range(4)], axis=1)
    return h.reshape(1, N, D)

# --- scband reference (transcript-rebuilt; emitter-appended) ---
"""Pipeline reference for scband-pw-ga-anlayer-65549790872120 (READ-ONLY COPY).

The authoritative reference and input builder live on the scoring server;
editing this copy changes nothing except your own understanding.
"""

import jax, jax.numpy as jnp
import numpy as np

N = 10000
E = 320000
D_IN = 128
D_OUT = 128


def setup_inputs(seed: int = 0) -> dict:
    key = jax.random.key(seed)
    ks = jax.random.split(key, 6)
    x = jax.random.normal(ks[0], (N, D_IN), dtype=jnp.float32)
    edge_index = jax.random.randint(ks[1], (2, E), 0, N, dtype=jnp.int32)
    pre_w = jax.random.uniform(ks[2], (E, 1), dtype=jnp.float32)
    # learned parameters (xavier-normal-ish scale)
    Wa = jax.random.normal(ks[3], (D_OUT, D_IN), dtype=jnp.float32) * (1.0 / np.sqrt(D_IN))
    a_l = jax.random.normal(ks[4], (D_OUT,), dtype=jnp.float32) * (1.0 / np.sqrt(D_OUT))
    a_r = jax.random.normal(ks[5], (D_OUT,), dtype=jnp.float32) * (1.0 / np.sqrt(D_OUT))
    return {"x": x, "edge_index": edge_index, "pre_w": pre_w, "Wa": Wa, "a_l": a_l, "a_r": a_r}


def reference(x, edge_index, pre_w, Wa, a_l, a_r):
    # z = Wa(feat)
    z = x @ Wa.T  # [N, D_OUT]
    src = edge_index[0]
    dst = edge_index[1]
    # edge attention: e = leaky_relu(att_l(pre_w * z_src) + att_r(z_dst))
    e = jax.nn.leaky_relu((pre_w * z[src]) @ a_l + z[dst] @ a_r, negative_slope=0.01)  # [E]
    # segment softmax over incoming edges of each dst node
    m = jax.ops.segment_max(e, dst, num_segments=N)
    m = jnp.where(jnp.isfinite(m), m, 0.0)
    ex = jnp.exp(e - m[dst])
    denom = jax.ops.segment_sum(ex, dst, num_segments=N)
    alpha = ex / jnp.maximum(denom[dst], 1e-16)  # [E]
    # reduce: h = sum(alpha * proj_z_src), with proj_z = z (node-level projection)
    h = jax.ops.segment_sum(alpha[:, None] * z[src], dst, num_segments=N)  # [N, D_OUT]
    return h.reshape(1, -1, D_OUT)

if __name__ == "__main__":
    import jax
    _d = setup_inputs()
    print(jax.jit(kernel)(*tuple(_d.values())))

</pallas_src>

<mosaic_0001>
#map = affine_map<(d0, d1) -> (0)>
#map1 = affine_map<(d0, d1) -> (0, 0, 0)>
module attributes {stable_mosaic.version = 14 : i64} {
  func.func @_sc_edge_kernel(%arg0: i32, %arg1: i32, %arg2: memref<327680xi32, #tpu.memory_space<hbm>>, %arg3: memref<327680xi32, #tpu.memory_space<hbm>>, %arg4: memref<327680xf32, #tpu.memory_space<hbm>>, %arg5: memref<10016xf32, #tpu.memory_space<hbm>>, %arg6: memref<10016xf32, #tpu.memory_space<hbm>>, %arg7: memref<4x10016x32xf32, #tpu.memory_space<hbm>>, %arg8: memref<4x10016x32xf32, #tpu.memory_space<hbm>>, %arg9: memref<20480xi32, #tpu.memory_space<vmem>>, %arg10: memref<20480xi32, #tpu.memory_space<vmem>>, %arg11: memref<20480xf32, #tpu.memory_space<vmem>>, %arg12: memref<10016xf32, #tpu.memory_space<vmem>>, %arg13: memref<10016xf32, #tpu.memory_space<vmem>>, %arg14: memref<640xf32, #tpu.memory_space<vmem>>, %arg15: memref<256x32xf32, #tpu.memory_space<vmem>>, %arg16: memref<256x32xf32, #tpu.memory_space<vmem>>, %arg17: memref<128x32xf32, #tpu.memory_space<vmem>>, %arg18: memref<10016xf32, #tpu.memory_space<vmem_shared>>, %arg19: memref<10016x32xf32, #tpu.memory_space<vmem_shared>>, %arg20: memref<!tpu.dma_semaphore, #tpu.memory_space<semaphore_mem>>, %arg21: memref<!tpu.dma_semaphore, #tpu.memory_space<semaphore_mem>>, %arg22: memref<!tpu.dma_semaphore, #tpu.memory_space<semaphore_mem>>, %arg23: memref<!tpu.dma_semaphore, #tpu.memory_space<semaphore_mem>>, %arg24: memref<!tpu.dma_semaphore, #tpu.memory_space<semaphore_mem>>) attributes {dimension_semantics = [#tpu.dimension_semantics<core_parallel>, #tpu.dimension_semantics<subcore_parallel>], iteration_bounds = array<i64: 2, 16>, scalar_prefetch = 0 : i64, scratch_operands = 16 : i64, tpu.core_type = #tpu.core_type<sc_vector_subcore>, window_params = [{transform_indices = #map}, {transform_indices = #map}, {transform_indices = #map}, {transform_indices = #map}, {transform_indices = #map}, {transform_indices = #map1}, {transform_indices = #map1}]} {
    %broadcast_in_dim3A = arith.constant 0.000000e+00 : f32
    %broadcast_in_dim3A_0 = vector.broadcast %broadcast_in_dim3A : f32 to vector<16xf32>
    %mul3A = arith.constant 626 : i32
    %mul3A_1 = arith.muli %arg1, %mul3A : i32
    %scan3A = arith.constant 0 : i32
    %scan3A_2 = arith.constant 0 : i32
    %scan3A_3 = arith.constant 128 : i32
    %scan3A_4 = arith.addi %scan3A_2, %scan3A_3 : i32
    %scan3A_5 = arith.constant 1 : i32
    scf.for %scan3A_131 = %scan3A_2 to %scan3A_4 step %scan3A_5  : i32 {
      %swap3A_132 = arith.index_cast %scan3A_131 : i32 to index
      %swap3A_133 = arith.constant 0 : index
      %swap3A_134 = tpu.vector_load %arg17[%swap3A_132, %swap3A_133] {strides = array<i32>} : memref<128x32xf32, #tpu.memory_space<vmem>>, vector<16xf32>,
      tpu.vector_store %arg17[%swap3A_132, %swap3A_133], %broadcast_in_dim3A_0 {strides = array<i32>} : memref<128x32xf32, #tpu.memory_space<vmem>>, vector<16xf32>,
      %swap3A_135 = arith.index_cast %scan3A_131 : i32 to index
      %swap3A_136 = arith.constant 16 : index
      %swap3A_137 = tpu.vector_load %arg17[%swap3A_135, %swap3A_136] {strides = array<i32>} : memref<128x32xf32, #tpu.memory_space<vmem>>, vector<16xf32>,
      tpu.vector_store %arg17[%swap3A_135, %swap3A_136], %broadcast_in_dim3A_0 {strides = array<i32>} : memref<128x32xf32, #tpu.memory_space<vmem>>, vector<16xf32>,
    }
    %scan3A_6 = arith.constant 128 : i32
    %swap3A = arith.constant 0 : index
    %swap3A_7 = tpu.vector_load %arg14[%swap3A] {strides = array<i32>} : memref<640xf32, #tpu.memory_space<vmem>>, vector<16xf32>,
    tpu.vector_store %arg14[%swap3A], %broadcast_in_dim3A_0 {strides = array<i32>} : memref<640xf32, #tpu.memory_space<vmem>>, vector<16xf32>,
    %swap3A_8 = arith.constant 16 : index
    %swap3A_9 = tpu.vector_load %arg14[%swap3A_8] {strides = array<i32>} : memref<640xf32, #tpu.memory_space<vmem>>, vector<16xf32>,
    tpu.vector_store %arg14[%swap3A_8], %broadcast_in_dim3A_0 {strides = array<i32>} : memref<640xf32, #tpu.memory_space<vmem>>, vector<16xf32>,
    %swap3A_10 = arith.constant 32 : index
    %swap3A_11 = tpu.vector_load %arg14[%swap3A_10] {strides = array<i32>} : memref<640xf32, #tpu.memory_space<vmem>>, vector<16xf32>,
    tpu.vector_store %arg14[%swap3A_10], %broadcast_in_dim3A_0 {strides = array<i32>} : memref<640xf32, #tpu.memory_space<vmem>>, vector<16xf32>,
    %swap3A_12 = arith.constant 48 : index
    %swap3A_13 = tpu.vector_load %arg14[%swap3A_12] {strides = array<i32>} : memref<640xf32, #tpu.memory_space<vmem>>, vector<16xf32>,
    tpu.vector_store %arg14[%swap3A_12], %broadcast_in_dim3A_0 {strides = array<i32>} : memref<640xf32, #tpu.memory_space<vmem>>, vector<16xf32>,
    %swap3A_14 = arith.constant 64 : index
    %swap3A_15 = tpu.vector_load %arg14[%swap3A_14] {strides = array<i32>} : memref<640xf32, #tpu.memory_space<vmem>>, vector<16xf32>,
    tpu.vector_store %arg14[%swap3A_14], %broadcast_in_dim3A_0 {strides = array<i32>} : memref<640xf32, #tpu.memory_space<vmem>>, vector<16xf32>,
    %swap3A_16 = arith.constant 80 : index
    %swap3A_17 = tpu.vector_load %arg14[%swap3A_16] {strides = array<i32>} : memref<640xf32, #tpu.memory_space<vmem>>, vector<16xf32>,
    tpu.vector_store %arg14[%swap3A_16], %broadcast_in_dim3A_0 {strides = array<i32>} : memref<640xf32, #tpu.memory_space<vmem>>, vector<16xf32>,
    %swap3A_18 = arith.constant 96 : index
    %swap3A_19 = tpu.vector_load %arg14[%swap3A_18] {strides = array<i32>} : memref<640xf32, #tpu.memory_space<vmem>>, vector<16xf32>,
    tpu.vector_store %arg14[%swap3A_18], %broadcast_in_dim3A_0 {strides = array<i32>} : memref<640xf32, #tpu.memory_space<vmem>>, vector<16xf32>,
    %swap3A_20 = arith.constant 112 : index
    %swap3A_21 = tpu.vector_load %arg14[%swap3A_20] {strides = array<i32>} : memref<640xf32, #tpu.memory_space<vmem>>, vector<16xf32>,
    tpu.vector_store %arg14[%swap3A_20], %broadcast_in_dim3A_0 {strides = array<i32>} : memref<640xf32, #tpu.memory_space<vmem>>, vector<16xf32>,
    %swap3A_22 = arith.constant 128 : index
    %swap3A_23 = tpu.vector_load %arg14[%swap3A_22] {strides = array<i32>} : memref<640xf32, #tpu.memory_space<vmem>>, vector<16xf32>,
    tpu.vector_store %arg14[%swap3A_22], %broadcast_in_dim3A_0 {strides = array<i32>} : memref<640xf32, #tpu.memory_space<vmem>>, vector<16xf32>,
    %swap3A_24 = arith.constant 144 : index
    %swap3A_25 = tpu.vector_load %arg14[%swap3A_24] {strides = array<i32>} : memref<640xf32, #tpu.memory_space<vmem>>, vector<16xf32>,
    tpu.vector_store %arg14[%swap3A_24], %broadcast_in_dim3A_0 {strides = array<i32>} : memref<640xf32, #tpu.memory_space<vmem>>, vector<16xf32>,
    %swap3A_26 = arith.constant 160 : index
    %swap3A_27 = tpu.vector_load %arg14[%swap3A_26] {strides = array<i32>} : memref<640xf32, #tpu.memory_space<vmem>>, vector<16xf32>,
    tpu.vector_store %arg14[%swap3A_26], %broadcast_in_dim3A_0 {strides = array<i32>} : memref<640xf32, #tpu.memory_space<vmem>>, vector<16xf32>,
    %swap3A_28 = arith.constant 176 : index
    %swap3A_29 = tpu.vector_load %arg14[%swap3A_28] {strides = array<i32>} : memref<640xf32, #tpu.memory_space<vmem>>, vector<16xf32>,
    tpu.vector_store %arg14[%swap3A_28], %broadcast_in_dim3A_0 {strides = array<i32>} : memref<640xf32, #tpu.memory_space<vmem>>, vector<16xf32>,
    %swap3A_30 = arith.constant 192 : index
    %swap3A_31 = tpu.vector_load %arg14[%swap3A_30] {strides = array<i32>} : memref<640xf32, #tpu.memory_space<vmem>>, vector<16xf32>,
    tpu.vector_store %arg14[%swap3A_30], %broadcast_in_dim3A_0 {strides = array<i32>} : memref<640xf32, #tpu.memory_space<vmem>>, vector<16xf32>,
    %swap3A_32 = arith.constant 208 : index
    %swap3A_33 = tpu.vector_load %arg14[%swap3A_32] {strides = array<i32>} : memref<640xf32, #tpu.memory_space<vmem>>, vector<16xf32>,
    tpu.vector_store %arg14[%swap3A_32], %broadcast_in_dim3A_0 {strides = array<i32>} : memref<640xf32, #tpu.memory_space<vmem>>, vector<16xf32>,
    %swap3A_34 = arith.constant 224 : index
    %swap3A_35 = tpu.vector_load %arg14[%swap3A_34] {strides = array<i32>} : memref<640xf32, #tpu.memory_space<vmem>>, vector<16xf32>,
    tpu.vector_store %arg14[%swap3A_34], %broadcast_in_dim3A_0 {strides = array<i32>} : memref<640xf32, #tpu.memory_space<vmem>>, vector<16xf32>,
    %swap3A_36 = arith.constant 240 : index
    %swap3A_37 = tpu.vector_load %arg14[%swap3A_36] {strides = array<i32>} : memref<640xf32, #tpu.memory_space<vmem>>, vector<16xf32>,
    tpu.vector_store %arg14[%swap3A_36], %broadcast_in_dim3A_0 {strides = array<i32>} : memref<640xf32, #tpu.memory_space<vmem>>, vector<16xf32>,
    %swap3A_38 = arith.constant 256 : index
    %swap3A_39 = tpu.vector_load %arg14[%swap3A_38] {strides = array<i32>} : memref<640xf32, #tpu.memory_space<vmem>>, vector<16xf32>,
    tpu.vector_store %arg14[%swap3A_38], %broadcast_in_dim3A_0 {strides = array<i32>} : memref<640xf32, #tpu.memory_space<vmem>>, vector<16xf32>,
    %swap3A_40 = arith.constant 272 : index
    %swap3A_41 = tpu.vector_load %arg14[%swap3A_40] {strides = array<i32>} : memref<640xf32, #tpu.memory_space<vmem>>, vector<16xf32>,
    tpu.vector_store %arg14[%swap3A_40], %broadcast_in_dim3A_0 {strides = array<i32>} : memref<640xf32, #tpu.memory_space<vmem>>, vector<16xf32>,
    %swap3A_42 = arith.constant 288 : index
    %swap3A_43 = tpu.vector_load %arg14[%swap3A_42] {strides = array<i32>} : memref<640xf32, #tpu.memory_space<vmem>>, vector<16xf32>,
    tpu.vector_store %arg14[%swap3A_42], %broadcast_in_dim3A_0 {strides = array<i32>} : memref<640xf32, #tpu.memory_space<vmem>>, vector<16xf32>,
    %swap3A_44 = arith.constant 304 : index
    %swap3A_45 = tpu.vector_load %arg14[%swap3A_44] {strides = array<i32>} : memref<640xf32, #tpu.memory_space<vmem>>, vector<16xf32>,
    tpu.vector_store %arg14[%swap3A_44], %broadcast_in_dim3A_0 {strides = array<i32>} : memref<640xf32, #tpu.memory_space<vmem>>, vector<16xf32>,
    %swap3A_46 = arith.constant 320 : index
    %swap3A_47 = tpu.vector_load %arg14[%swap3A_46] {strides = array<i32>} : memref<640xf32, #tpu.memory_space<vmem>>, vector<16xf32>,
    tpu.vector_store %arg14[%swap3A_46], %broadcast_in_dim3A_0 {strides = array<i32>} : memref<640xf32, #tpu.memory_space<vmem>>, vector<16xf32>,
    %swap3A_48 = arith.constant 336 : index
    %swap3A_49 = tpu.vector_load %arg14[%swap3A_48] {strides = array<i32>} : memref<640xf32, #tpu.memory_space<vmem>>, vector<16xf32>,
    tpu.vector_store %arg14[%swap3A_48], %broadcast_in_dim3A_0 {strides = array<i32>} : memref<640xf32, #tpu.memory_space<vmem>>, vector<16xf32>,
    %swap3A_50 = arith.constant 352 : index
    %swap3A_51 = tpu.vector_load %arg14[%swap3A_50] {strides = array<i32>} : memref<640xf32, #tpu.memory_space<vmem>>, vector<16xf32>,
    tpu.vector_store %arg14[%swap3A_50], %broadcast_in_dim3A_0 {strides = array<i32>} : memref<640xf32, #tpu.memory_space<vmem>>, vector<16xf32>,
    %swap3A_52 = arith.constant 368 : index
    %swap3A_53 = tpu.vector_load %arg14[%swap3A_52] {strides = array<i32>} : memref<640xf32, #tpu.memory_space<vmem>>, vector<16xf32>,
    tpu.vector_store %arg14[%swap3A_52], %broadcast_in_dim3A_0 {strides = array<i32>} : memref<640xf32, #tpu.memory_space<vmem>>, vector<16xf32>,
    %swap3A_54 = arith.constant 384 : index
    %swap3A_55 = tpu.vector_load %arg14[%swap3A_54] {strides = array<i32>} : memref<640xf32, #tpu.memory_space<vmem>>, vector<16xf32>,
    tpu.vector_store %arg14[%swap3A_54], %broadcast_in_dim3A_0 {strides = array<i32>} : memref<640xf32, #tpu.memory_space<vmem>>, vector<16xf32>,
    %swap3A_56 = arith.constant 400 : index
    %swap3A_57 = tpu.vector_load %arg14[%swap3A_56] {strides = array<i32>} : memref<640xf32, #tpu.memory_space<vmem>>, vector<16xf32>,
    tpu.vector_store %arg14[%swap3A_56], %broadcast_in_dim3A_0 {strides = array<i32>} : memref<640xf32, #tpu.memory_space<vmem>>, vector<16xf32>,
    %swap3A_58 = arith.constant 416 : index
    %swap3A_59 = tpu.vector_load %arg14[%swap3A_58] {strides = array<i32>} : memref<640xf32, #tpu.memory_space<vmem>>, vector<16xf32>,
    tpu.vector_store %arg14[%swap3A_58], %broadcast_in_dim3A_0 {strides = array<i32>} : memref<640xf32, #tpu.memory_space<vmem>>, vector<16xf32>,
    %swap3A_60 = arith.constant 432 : index
    %swap3A_61 = tpu.vector_load %arg14[%swap3A_60] {strides = array<i32>} : memref<640xf32, #tpu.memory_space<vmem>>, vector<16xf32>,
    tpu.vector_store %arg14[%swap3A_60], %broadcast_in_dim3A_0 {strides = array<i32>} : memref<640xf32, #tpu.memory_space<vmem>>, vector<16xf32>,
    %swap3A_62 = arith.constant 448 : index
    %swap3A_63 = tpu.vector_load %arg14[%swap3A_62] {strides = array<i32>} : memref<640xf32, #tpu.memory_space<vmem>>, vector<16xf32>,
    tpu.vector_store %arg14[%swap3A_62], %broadcast_in_dim3A_0 {strides = array<i32>} : memref<640xf32, #tpu.memory_space<vmem>>, vector<16xf32>,
    %swap3A_64 = arith.constant 464 : index
    %swap3A_65 = tpu.vector_load %arg14[%swap3A_64] {strides = array<i32>} : memref<640xf32, #tpu.memory_space<vmem>>, vector<16xf32>,
    tpu.vector_store %arg14[%swap3A_64], %broadcast_in_dim3A_0 {strides = array<i32>} : memref<640xf32, #tpu.memory_space<vmem>>, vector<16xf32>,
    %swap3A_66 = arith.constant 480 : index
    %swap3A_67 = tpu.vector_load %arg14[%swap3A_66] {strides = array<i32>} : memref<640xf32, #tpu.memory_space<vmem>>, vector<16xf32>,
    tpu.vector_store %arg14[%swap3A_66], %broadcast_in_dim3A_0 {strides = array<i32>} : memref<640xf32, #tpu.memory_space<vmem>>, vector<16xf32>,
    %swap3A_68 = arith.constant 496 : index
    %swap3A_69 = tpu.vector_load %arg14[%swap3A_68] {strides = array<i32>} : memref<640xf32, #tpu.memory_space<vmem>>, vector<16xf32>,
    tpu.vector_store %arg14[%swap3A_68], %broadcast_in_dim3A_0 {strides = array<i32>} : memref<640xf32, #tpu.memory_space<vmem>>, vector<16xf32>,
    %swap3A_70 = arith.constant 512 : index
    %swap3A_71 = tpu.vector_load %arg14[%swap3A_70] {strides = array<i32>} : memref<640xf32, #tpu.memory_space<vmem>>, vector<16xf32>,
    tpu.vector_store %arg14[%swap3A_70], %broadcast_in_dim3A_0 {strides = array<i32>} : memref<640xf32, #tpu.memory_space<vmem>>, vector<16xf32>,
    %swap3A_72 = arith.constant 528 : index
    %swap3A_73 = tpu.vector_load %arg14[%swap3A_72] {strides = array<i32>} : memref<640xf32, #tpu.memory_space<vmem>>, vector<16xf32>,
    tpu.vector_store %arg14[%swap3A_72], %broadcast_in_dim3A_0 {strides = array<i32>} : memref<640xf32, #tpu.memory_space<vmem>>, vector<16xf32>,
    %swap3A_74 = arith.constant 544 : index
    %swap3A_75 = tpu.vector_load %arg14[%swap3A_74] {strides = array<i32>} : memref<640xf32, #tpu.memory_space<vmem>>, vector<16xf32>,
    tpu.vector_store %arg14[%swap3A_74], %broadcast_in_dim3A_0 {strides = array<i32>} : memref<640xf32, #tpu.memory_space<vmem>>, vector<16xf32>,
    %swap3A_76 = arith.constant 560 : index
    %swap3A_77 = tpu.vector_load %arg14[%swap3A_76] {strides = array<i32>} : memref<640xf32, #tpu.memory_space<vmem>>, vector<16xf32>,
    tpu.vector_store %arg14[%swap3A_76], %broadcast_in_dim3A_0 {strides = array<i32>} : memref<640xf32, #tpu.memory_space<vmem>>, vector<16xf32>,
    %swap3A_78 = arith.constant 576 : index
    %swap3A_79 = tpu.vector_load %arg14[%swap3A_78] {strides = array<i32>} : memref<640xf32, #tpu.memory_space<vmem>>, vector<16xf32>,
    tpu.vector_store %arg14[%swap3A_78], %broadcast_in_dim3A_0 {strides = array<i32>} : memref<640xf32, #tpu.memory_space<vmem>>, vector<16xf32>,
    %swap3A_80 = arith.constant 592 : index
    %swap3A_81 = tpu.vector_load %arg14[%swap3A_80] {strides = array<i32>} : memref<640xf32, #tpu.memory_space<vmem>>, vector<16xf32>,
    tpu.vector_store %arg14[%swap3A_80], %broadcast_in_dim3A_0 {strides = array<i32>} : memref<640xf32, #tpu.memory_space<vmem>>, vector<16xf32>,
    %swap3A_82 = arith.constant 608 : index
    %swap3A_83 = tpu.vector_load %arg14[%swap3A_82] {strides = array<i32>} : memref<640xf32, #tpu.memory_space<vmem>>, vector<16xf32>,
    tpu.vector_store %arg14[%swap3A_82], %broadcast_in_dim3A_0 {strides = array<i32>} : memref<640xf32, #tpu.memory_space<vmem>>, vector<16xf32>,
    %swap3A_84 = arith.constant 624 : index
    %swap3A_85 = tpu.vector_load %arg14[%swap3A_84] {strides = array<i32>} : memref<640xf32, #tpu.memory_space<vmem>>, vector<16xf32>,
    tpu.vector_store %arg14[%swap3A_84], %broadcast_in_dim3A_0 {strides = array<i32>} : memref<640xf32, #tpu.memory_space<vmem>>, vector<16xf32>,
    %lt3A = arith.constant 15 : i32
    %lt3A_86 = arith.cmpi slt, %arg1, %lt3A : i32
    %convert_element_type3A = arith.extui %lt3A_86 : i1 to i32
    %cond3A = arith.constant 0 : i32
    %cond3A_87 = arith.cmpi ne, %convert_element_type3A, %cond3A : i32
    scf.if %cond3A_87 {
      %mul3A_131 = arith.constant 632 : i32
      %mul3A_132 = arith.muli %arg1, %mul3A_131 : i32
      "tpu.region"() ({
        %run_scoped3A = tpu.sem_alloc : memref<!tpu.dma_semaphore, #tpu.memory_space<semaphore_mem>>
        %dma_start3A_133 = arith.constant 0 : i32
        %dma_start3A_134 = tpu.memref_slice %arg14[%dma_start3A_133] : memref<640xf32, #tpu.memory_space<vmem>> -> memref<632xf32, #tpu.memory_space<vmem>>
        %dma_start3A_135 = tpu.memref_slice %arg18[%mul3A_132] : memref<10016xf32, #tpu.memory_space<vmem_shared>> -> memref<632xf32, #tpu.memory_space<vmem_shared>>
        %dma_start3A_136 = tpu.memref_slice %arg18[%mul3A_132] : memref<10016xf32, #tpu.memory_space<vmem_shared>> -> memref<632xf32, #tpu.memory_space<vmem_shared>>
        %dma_start3A_137 = arith.constant 0 : i32
        %dma_start3A_138 = tpu.memref_slice %arg14[%dma_start3A_137] : memref<640xf32, #tpu.memory_space<vmem>> -> memref<632xf32, #tpu.memory_space<vmem>>
        tpu.enqueue_dma source(%dma_start3A_138 : memref<632xf32, #tpu.memory_space<vmem>>) target(%dma_start3A_136 : memref<632xf32, #tpu.memory_space<vmem_shared>>) target_semaphore(%run_scoped3A : memref<!tpu.dma_semaphore, #tpu.memory_space<semaphore_mem>>)
        %dma_wait3A = arith.constant 0 : i32
        %dma_wait3A_139 = tpu.memref_slice %arg14[%dma_wait3A] : memref<640xf32, #tpu.memory_space<vmem>> -> memref<632xf32, #tpu.memory_space<vmem>>
        %dma_wait3A_140 = tpu.memref_slice %arg18[%mul3A_132] : memref<10016xf32, #tpu.memory_space<vmem_shared>> -> memref<632xf32, #tpu.memory_space<vmem_shared>>
        %dma_wait3A_141 = tpu.memref_slice %arg18[%mul3A_132] : memref<10016xf32, #tpu.memory_space<vmem_shared>> -> memref<632xf32, #tpu.memory_space<vmem_shared>>
        %dma_wait3A_142 = arith.constant 0 : i32
        %dma_wait3A_143 = tpu.memref_slice %arg14[%dma_wait3A_142] : memref<640xf32, #tpu.memory_space<vmem>> -> memref<632xf32, #tpu.memory_space<vmem>>
        tpu.wait_dma2 semaphore(%run_scoped3A : memref<!tpu.dma_semaphore, #tpu.memory_space<semaphore_mem>>) src(%dma_wait3A_143 : memref<632xf32, #tpu.memory_space<vmem>>) dst(%dma_wait3A_141 : memref<632xf32, #tpu.memory_space<vmem_shared>>)
        tpu.yield
      }) : () -> ()
    } else {
    }
    %eq3A = arith.constant 15 : i32
    %eq3A_88 = arith.cmpi eq, %arg1, %eq3A : i32
    %convert_element_type3A_89 = arith.extui %eq3A_88 : i1 to i32
    %cond3A_90 = arith.constant 0 : i32
    %cond3A_91 = arith.cmpi ne, %convert_element_type3A_89, %cond3A_90 : i32
    scf.if %cond3A_91 {
      "tpu.region"() ({
        %run_scoped3A = tpu.sem_alloc : memref<!tpu.dma_semaphore, #tpu.memory_space<semaphore_mem>>
        %dma_start3A_131 = arith.constant 0 : i32
        %dma_start3A_132 = tpu.memref_slice %arg14[%dma_start3A_131] : memref<640xf32, #tpu.memory_space<vmem>> -> memref<536xf32, #tpu.memory_space<vmem>>
        %dma_start3A_133 = arith.constant 9480 : i32
        %dma_start3A_134 = tpu.memref_slice %arg18[%dma_start3A_133] : memref<10016xf32, #tpu.memory_space<vmem_shared>> -> memref<536xf32, #tpu.memory_space<vmem_shared>>
        %dma_start3A_135 = arith.constant 9480 : i32
        %dma_start3A_136 = tpu.memref_slice %arg18[%dma_start3A_135] : memref<10016xf32, #tpu.memory_space<vmem_shared>> -> memref<536xf32, #tpu.memory_space<vmem_shared>>
        %dma_start3A_137 = arith.constant 0 : i32
        %dma_start3A_138 = tpu.memref_slice %arg14[%dma_start3A_137] : memref<640xf32, #tpu.memory_space<vmem>> -> memref<536xf32, #tpu.memory_space<vmem>>
        tpu.enqueue_dma source(%dma_start3A_138 : memref<536xf32, #tpu.memory_space<vmem>>) target(%dma_start3A_136 : memref<536xf32, #tpu.memory_space<vmem_shared>>) target_semaphore(%run_scoped3A : memref<!tpu.dma_semaphore, #tpu.memory_space<semaphore_mem>>)
        %dma_wait3A = arith.constant 0 : i32
        %dma_wait3A_139 = tpu.memref_slice %arg14[%dma_wait3A] : memref<640xf32, #tpu.memory_space<vmem>> -> memref<536xf32, #tpu.memory_space<vmem>>
        %dma_wait3A_140 = arith.constant 9480 : i32
        %dma_wait3A_141 = tpu.memref_slice %arg18[%dma_wait3A_140] : memref<10016xf32, #tpu.memory_space<vmem_shared>> -> memref<536xf32, #tpu.memory_space<vmem_shared>>
        %dma_wait3A_142 = arith.constant 9480 : i32
        %dma_wait3A_143 = tpu.memref_slice %arg18[%dma_wait3A_142] : memref<10016xf32, #tpu.memory_space<vmem_shared>> -> memref<536xf32, #tpu.memory_space<vmem_shared>>
        %dma_wait3A_144 = arith.constant 0 : i32
        %dma_wait3A_145 = tpu.memref_slice %arg14[%dma_wait3A_144] : memref<640xf32, #tpu.memory_space<vmem>> -> memref<536xf32, #tpu.memory_space<vmem>>
        tpu.wait_dma2 semaphore(%run_scoped3A : memref<!tpu.dma_semaphore, #tpu.memory_space<semaphore_mem>>) src(%dma_wait3A_145 : memref<536xf32, #tpu.memory_space<vmem>>) dst(%dma_wait3A_143 : memref<536xf32, #tpu.memory_space<vmem_shared>>)
        tpu.yield
      }) : () -> ()
    } else {
    }
    %barrier3A = arith.constant 0 : index
    tpu.barrier barrier_id(%barrier3A)
    %mul3A_92 = arith.constant 20480 : i32
    %mul3A_93 = arith.muli %arg1, %mul3A_92 : i32
    "tpu.region"() ({
      %run_scoped3A = tpu.sem_alloc : memref<!tpu.dma_semaphore, #tpu.memory_space<semaphore_mem>>
      %dma_start3A_131 = tpu.memref_slice %arg2[%mul3A_93] : memref<327680xi32, #tpu.memory_space<hbm>> -> memref<20480xi32, #tpu.memory_space<hbm>>
      %dma_start3A_132 = tpu.memref_slice %arg2[%mul3A_93] : memref<327680xi32, #tpu.memory_space<hbm>> -> memref<20480xi32, #tpu.memory_space<hbm>>
      tpu.enqueue_dma source(%dma_start3A_132 : memref<20480xi32, #tpu.memory_space<hbm>>) target(%arg9 : memref<20480xi32, #tpu.memory_space<vmem>>) target_semaphore(%run_scoped3A : memref<!tpu.dma_semaphore, #tpu.memory_space<semaphore_mem>>)
      %dma_wait3A = tpu.memref_slice %arg2[%mul3A_93] : memref<327680xi32, #tpu.memory_space<hbm>> -> memref<20480xi32, #tpu.memory_space<hbm>>
      %dma_wait3A_133 = tpu.memref_slice %arg2[%mul3A_93] : memref<327680xi32, #tpu.memory_space<hbm>> -> memref<20480xi32, #tpu.memory_space<hbm>>
      tpu.wait_dma2 semaphore(%run_scoped3A : memref<!tpu.dma_semaphore, #tpu.memory_space<semaphore_mem>>) src(%dma_wait3A_133 : memref<20480xi32, #tpu.memory_space<hbm>>) dst(%arg9 : memref<20480xi32, #tpu.memory_space<vmem>>)
      tpu.yield
    }) : () -> ()
    "tpu.region"() ({
      %run_scoped3A = tpu.sem_alloc : memref<!tpu.dma_semaphore, #tpu.memory_space<semaphore_mem>>
      %dma_start3A_131 = tpu.memref_slice %arg3[%mul3A_93] : memref<327680xi32, #tpu.memory_space<hbm>> -> memref<20480xi32, #tpu.memory_space<hbm>>
      %dma_start3A_132 = tpu.memref_slice %arg3[%mul3A_93] : memref<327680xi32, #tpu.memory_space<hbm>> -> memref<20480xi32, #tpu.memory_space<hbm>>
      tpu.enqueue_dma source(%dma_start3A_132 : memref<20480xi32, #tpu.memory_space<hbm>>) target(%arg10 : memref<20480xi32, #tpu.memory_space<vmem>>) target_semaphore(%run_scoped3A : memref<!tpu.dma_semaphore, #tpu.memory_space<semaphore_mem>>)
      %dma_wait3A = tpu.memref_slice %arg3[%mul3A_93] : memref<327680xi32, #tpu.memory_space<hbm>> -> memref<20480xi32, #tpu.memory_space<hbm>>
      %dma_wait3A_133 = tpu.memref_slice %arg3[%mul3A_93] : memref<327680xi32, #tpu.memory_space<hbm>> -> memref<20480xi32, #tpu.memory_space<hbm>>
      tpu.wait_dma2 semaphore(%run_scoped3A : memref<!tpu.dma_semaphore, #tpu.memory_space<semaphore_mem>>) src(%dma_wait3A_133 : memref<20480xi32, #tpu.memory_space<hbm>>) dst(%arg10 : memref<20480xi32, #tpu.memory_space<vmem>>)
      tpu.yield
    }) : () -> ()
    "tpu.region"() ({
      %run_scoped3A = tpu.sem_alloc : memref<!tpu.dma_semaphore, #tpu.memory_space<semaphore_mem>>
      %dma_start3A_131 = tpu.memref_slice %arg4[%mul3A_93] : memref<327680xf32, #tpu.memory_space<hbm>> -> memref<20480xf32, #tpu.memory_space<hbm>>
      %dma_start3A_132 = tpu.memref_slice %arg4[%mul3A_93] : memref<327680xf32, #tpu.memory_space<hbm>> -> memref<20480xf32, #tpu.memory_space<hbm>>
      tpu.enqueue_dma source(%dma_start3A_132 : memref<20480xf32, #tpu.memory_space<hbm>>) target(%arg11 : memref<20480xf32, #tpu.memory_space<vmem>>) target_semaphore(%run_scoped3A : memref<!tpu.dma_semaphore, #tpu.memory_space<semaphore_mem>>)
      %dma_wait3A = tpu.memref_slice %arg4[%mul3A_93] : memref<327680xf32, #tpu.memory_space<hbm>> -> memref<20480xf32, #tpu.memory_space<hbm>>
      %dma_wait3A_133 = tpu.memref_slice %arg4[%mul3A_93] : memref<327680xf32, #tpu.memory_space<hbm>> -> memref<20480xf32, #tpu.memory_space<hbm>>
      tpu.wait_dma2 semaphore(%run_scoped3A : memref<!tpu.dma_semaphore, #tpu.memory_space<semaphore_mem>>) src(%dma_wait3A_133 : memref<20480xf32, #tpu.memory_space<hbm>>) dst(%arg11 : memref<20480xf32, #tpu.memory_space<vmem>>)
      tpu.yield
    }) : () -> ()
    "tpu.region"() ({
      %run_scoped3A = tpu.sem_alloc : memref<!tpu.dma_semaphore, #tpu.memory_space<semaphore_mem>>
      tpu.enqueue_dma source(%arg5 : memref<10016xf32, #tpu.memory_space<hbm>>) target(%arg12 : memref<10016xf32, #tpu.memory_space<vmem>>) target_semaphore(%run_scoped3A : memref<!tpu.dma_semaphore, #tpu.memory_space<semaphore_mem>>)
      tpu.wait_dma2 semaphore(%run_scoped3A : memref<!tpu.dma_semaphore, #tpu.memory_space<semaphore_mem>>) src(%arg5 : memref<10016xf32, #tpu.memory_space<hbm>>) dst(%arg12 : memref<10016xf32, #tpu.memory_space<vmem>>)
      tpu.yield
    }) : () -> ()
    "tpu.region"() ({
      %run_scoped3A = tpu.sem_alloc : memref<!tpu.dma_semaphore, #tpu.memory_space<semaphore_mem>>
      tpu.enqueue_dma source(%arg6 : memref<10016xf32, #tpu.memory_space<hbm>>) target(%arg13 : memref<10016xf32, #tpu.memory_space<vmem>>) target_semaphore(%run_scoped3A : memref<!tpu.dma_semaphore, #tpu.memory_space<semaphore_mem>>)
      tpu.wait_dma2 semaphore(%run_scoped3A : memref<!tpu.dma_semaphore, #tpu.memory_space<semaphore_mem>>) src(%arg6 : memref<10016xf32, #tpu.memory_space<hbm>>) dst(%arg13 : memref<10016xf32, #tpu.memory_space<vmem>>)
      tpu.yield
    }) : () -> ()
    %scan3A_94 = arith.constant 0 : i32
    %scan3A_95 = arith.constant 0 : i32
    %scan3A_96 = arith.constant 160 : i32
    %scan3A_97 = arith.addi %scan3A_95, %scan3A_96 : i32
    %scan3A_98 = arith.constant 1 : i32
    scf.for %scan3A_131 = %scan3A_95 to %scan3A_97 step %scan3A_98  : i32 {
      %mul3A_132 = arith.constant 128 : i32
      %mul3A_133 = arith.muli %scan3A_131, %mul3A_132 : i32
      %add3A = arith.constant 0 : i32
      %add3A_134 = arith.addi %mul3A_133, %add3A : i32
      %get3A = arith.index_cast %add3A_134 : i32 to index
      %get3A_135 = tpu.vector_load %arg9[%get3A] {strides = array<i32>} : memref<20480xi32, #tpu.memory_space<vmem>>, vector<16xi32>,
      %get3A_136 = arith.index_cast %add3A_134 : i32 to index
      %get3A_137 = tpu.vector_load %arg10[%get3A_136] {strides = array<i32>} : memref<20480xi32, #tpu.memory_space<vmem>>, vector<16xi32>,
      %get3A_138 = arith.index_cast %add3A_134 : i32 to index
      %get3A_139 = tpu.vector_load %arg11[%get3A_138] {strides = array<i32>} : memref<20480xf32, #tpu.memory_space<vmem>>, vector<16xf32>,
      %gather3A = tpu.vector_load_idx %arg12[%get3A_135] : memref<10016xf32, #tpu.memory_space<vmem>>[vector<16xi32>], vector<16xf32>,
      %mul3A_140 = arith.mulf %get3A_139, %gather3A : vector<16xf32>
      %gather3A_141 = tpu.vector_load_idx %arg13[%get3A_137] : memref<10016xf32, #tpu.memory_space<vmem>>[vector<16xi32>], vector<16xf32>,
      %add3A_142 = arith.addf %mul3A_140, %gather3A_141 : vector<16xf32>
      %mul3A_143 = arith.constant 0.00999999977 : f32
      %mul3A_144 = vector.broadcast %mul3A_143 : f32 to vector<16xf32>
      %mul3A_145 = arith.mulf %mul3A_144, %add3A_142 : vector<16xf32>
      %max3A = arith.maximumf %add3A_142, %mul3A_145 : vector<16xf32>
      %exp3A = math.exp %max3A : vector<16xf32>
      %swap3A_146 = arith.index_cast %add3A_134 : i32 to index
      %swap3A_147 = tpu.vector_load %arg11[%swap3A_146] {strides = array<i32>} : memref<20480xf32, #tpu.memory_space<vmem>>, vector<16xf32>,
      tpu.vector_store %arg11[%swap3A_146], %exp3A {strides = array<i32>} : memref<20480xf32, #tpu.memory_space<vmem>>, vector<16xf32>,
      %mul3A_148 = arith.constant 128 : i32
      %mul3A_149 = arith.muli %scan3A_131, %mul3A_148 : i32
      %add3A_150 = arith.constant 16 : i32
      %add3A_151 = arith.addi %mul3A_149, %add3A_150 : i32
      %get3A_152 = arith.index_cast %add3A_151 : i32 to index
      %get3A_153 = tpu.vector_load %arg9[%get3A_152] {strides = array<i32>} : memref<20480xi32, #tpu.memory_space<vmem>>, vector<16xi32>,
      %get3A_154 = arith.index_cast %add3A_151 : i32 to index
      %get3A_155 = tpu.vector_load %arg10[%get3A_154] {strides = array<i32>} : memref<20480xi32, #tpu.memory_space<vmem>>, vector<16xi32>,
      %get3A_156 = arith.index_cast %add3A_151 : i32 to index
      %get3A_157 = tpu.vector_load %arg11[%get3A_156] {strides = array<i32>} : memref<20480xf32, #tpu.memory_space<vmem>>, vector<16xf32>,
      %gather3A_158 = tpu.vector_load_idx %arg12[%get3A_153] : memref<10016xf32, #tpu.memory_space<vmem>>[vector<16xi32>], vector<16xf32>,
      %mul3A_159 = arith.mulf %get3A_157, %gather3A_158 : vector<16xf32>
      %gather3A_160 = tpu.vector_load_idx %arg13[%get3A_155] : memref<10016xf32, #tpu.memory_space<vmem>>[vector<16xi32>], vector<16xf32>,
      %add3A_161 = arith.addf %mul3A_159, %gather3A_160 : vector<16xf32>
      %mul3A_162 = arith.constant 0.00999999977 : f32
      %mul3A_163 = vector.broadcast %mul3A_162 : f32 to vector<16xf32>
      %mul3A_164 = arith.mulf %mul3A_163, %add3A_161 : vector<16xf32>
      %max3A_165 = arith.maximumf %add3A_161, %mul3A_164 : vector<16xf32>
      %exp3A_166 = math.exp %max3A_165 : vector<16xf32>
      %swap3A_167 = arith.index_cast %add3A_151 : i32 to index
      %swap3A_168 = tpu.vector_load %arg11[%swap3A_167] {strides = array<i32>} : memref<20480xf32, #tpu.memory_space<vmem>>, vector<16xf32>,
      tpu.vector_store %arg11[%swap3A_167], %exp3A_166 {strides = array<i32>} : memref<20480xf32, #tpu.memory_space<vmem>>, vector<16xf32>,
      %mul3A_169 = arith.constant 128 : i32
      %mul3A_170 = arith.muli %scan3A_131, %mul3A_169 : i32
      %add3A_171 = arith.constant 32 : i32
      %add3A_172 = arith.addi %mul3A_170, %add3A_171 : i32
      %get3A_173 = arith.index_cast %add3A_172 : i32 to index
      %get3A_174 = tpu.vector_load %arg9[%get3A_173] {strides = array<i32>} : memref<20480xi32, #tpu.memory_space<vmem>>, vector<16xi32>,
      %get3A_175 = arith.index_cast %add3A_172 : i32 to index
      %get3A_176 = tpu.vector_load %arg10[%get3A_175] {strides = array<i32>} : memref<20480xi32, #tpu.memory_space<vmem>>, vector<16xi32>,
      %get3A_177 = arith.index_cast %add3A_172 : i32 to index
      %get3A_178 = tpu.vector_load %arg11[%get3A_177] {strides = array<i32>} : memref<20480xf32, #tpu.memory_space<vmem>>, vector<16xf32>,
      %gather3A_179 = tpu.vector_load_idx %arg12[%get3A_174] : memref<10016xf32, #tpu.memory_space<vmem>>[vector<16xi32>], vector<16xf32>,
      %mul3A_180 = arith.mulf %get3A_178, %gather3A_179 : vector<16xf32>
      %gather3A_181 = tpu.vector_load_idx %arg13[%get3A_176] : memref<10016xf32, #tpu.memory_space<vmem>>[vector<16xi32>], vector<16xf32>,
      %add3A_182 = arith.addf %mul3A_180, %gather3A_181 : vector<16xf32>
      %mul3A_183 = arith.constant 0.00999999977 : f32
      %mul3A_184 = vector.broadcast %mul3A_183 : f32 to vector<16xf32>
      %mul3A_185 = arith.mulf %mul3A_184, %add3A_182 : vector<16xf32>
      %max3A_186 = arith.maximumf %add3A_182, %mul3A_185 : vector<16xf32>
      %exp3A_187 = math.exp %max3A_186 : vector<16xf32>
      %swap3A_188 = arith.index_cast %add3A_172 : i32 to index
      %swap3A_189 = tpu.vector_load %arg11[%swap3A_188] {strides = array<i32>} : memref<20480xf32, #tpu.memory_space<vmem>>, vector<16xf32>,
      tpu.vector_store %arg11[%swap3A_188], %exp3A_187 {strides = array<i32>} : memref<20480xf32, #tpu.memory_space<vmem>>, vector<16xf32>,
      %mul3A_190 = arith.constant 128 : i32
      %mul3A_191 = arith.muli %scan3A_131, %mul3A_190 : i32
      %add3A_192 = arith.constant 48 : i32
      %add3A_193 = arith.addi %mul3A_191, %add3A_192 : i32
      %get3A_194 = arith.index_cast %add3A_193 : i32 to index
      %get3A_195 = tpu.vector_load %arg9[%get3A_194] {strides = array<i32>} : memref<20480xi32, #tpu.memory_space<vmem>>, vector<16xi32>,
      %get3A_196 = arith.index_cast %add3A_193 : i32 to index
      %get3A_197 = tpu.vector_load %arg10[%get3A_196] {strides = array<i32>} : memref<20480xi32, #tpu.memory_space<vmem>>, vector<16xi32>,
      %get3A_198 = arith.index_cast %add3A_193 : i32 to index
      %get3A_199 = tpu.vector_load %arg11[%get3A_198] {strides = array<i32>} : memref<20480xf32, #tpu.memory_space<vmem>>, vector<16xf32>,
      %gather3A_200 = tpu.vector_load_idx %arg12[%get3A_195] : memref<10016xf32, #tpu.memory_space<vmem>>[vector<16xi32>], vector<16xf32>,
      %mul3A_201 = arith.mulf %get3A_199, %gather3A_200 : vector<16xf32>
      %gather3A_202 = tpu.vector_load_idx %arg13[%get3A_197] : memref<10016xf32, #tpu.memory_space<vmem>>[vector<16xi32>], vector<16xf32>,
      %add3A_203 = arith.addf %mul3A_201, %gather3A_202 : vector<16xf32>
      %mul3A_204 = arith.constant 0.00999999977 : f32
      %mul3A_205 = vector.broadcast %mul3A_204 : f32 to vector<16xf32>
      %mul3A_206 = arith.mulf %mul3A_205, %add3A_203 : vector<16xf32>
      %max3A_207 = arith.maximumf %add3A_203, %mul3A_206 : vector<16xf32>
      %exp3A_208 = math.exp %max3A_207 : vector<16xf32>
      %swap3A_209 = arith.index_cast %add3A_193 : i32 to index
      %swap3A_210 = tpu.vector_load %arg11[%swap3A_209] {strides = array<i32>} : memref<20480xf32, #tpu.memory_space<vmem>>, vector<16xf32>,
      tpu.vector_store %arg11[%swap3A_209], %exp3A_208 {strides = array<i32>} : memref<20480xf32, #tpu.memory_space<vmem>>, vector<16xf32>,
      %mul3A_211 = arith.constant 128 : i32
      %mul3A_212 = arith.muli %scan3A_131, %mul3A_211 : i32
      %add3A_213 = arith.constant 64 : i32
      %add3A_214 = arith.addi %mul3A_212, %add3A_213 : i32
      %get3A_215 = arith.index_cast %add3A_214 : i32 to index
      %get3A_216 = tpu.vector_load %arg9[%get3A_215] {strides = array<i32>} : memref<20480xi32, #tpu.memory_space<vmem>>, vector<16xi32>,
      %get3A_217 = arith.index_cast %add3A_214 : i32 to index
      %get3A_218 = tpu.vector_load %arg10[%get3A_217] {strides = array<i32>} : memref<20480xi32, #tpu.memory_space<vmem>>, vector<16xi32>,
      %get3A_219 = arith.index_cast %add3A_214 : i32 to index
      %get3A_220 = tpu.vector_load %arg11[%get3A_219] {strides = array<i32>} : memref<20480xf32, #tpu.memory_space<vmem>>, vector<16xf32>,
      %gather3A_221 = tpu.vector_load_idx %arg12[%get3A_216] : memref<10016xf32, #tpu.memory_space<vmem>>[vector<16xi32>], vector<16xf32>,
      %mul3A_222 = arith.mulf %get3A_220, %gather3A_221 : vector<16xf32>
      %gather3A_223 = tpu.vector_load_idx %arg13[%get3A_218] : memref<10016xf32, #tpu.memory_space<vmem>>[vector<16xi32>], vector<16xf32>,
      %add3A_224 = arith.addf %mul3A_222, %gather3A_223 : vector<16xf32>
      %mul3A_225 = arith.constant 0.00999999977 : f32
      %mul3A_226 = vector.broadcast %mul3A_225 : f32 to vector<16xf32>
      %mul3A_227 = arith.mulf %mul3A_226, %add3A_224 : vector<16xf32>
      %max3A_228 = arith.maximumf %add3A_224, %mul3A_227 : vector<16xf32>
      %exp3A_229 = math.exp %max3A_228 : vector<16xf32>
      %swap3A_230 = arith.index_cast %add3A_214 : i32 to index
      %swap3A_231 = tpu.vector_load %arg11[%swap3A_230] {strides = array<i32>} : memref<20480xf32, #tpu.memory_space<vmem>>, vector<16xf32>,
      tpu.vector_store %arg11[%swap3A_230], %exp3A_229 {strides = array<i32>} : memref<20480xf32, #tpu.memory_space<vmem>>, vector<16xf32>,
      %mul3A_232 = arith.constant 128 : i32
      %mul3A_233 = arith.muli %scan3A_131, %mul3A_232 : i32
      %add3A_234 = arith.constant 80 : i32
      %add3A_235 = arith.addi %mul3A_233, %add3A_234 : i32
      %get3A_236 = arith.index_cast %add3A_235 : i32 to index
      %get3A_237 = tpu.vector_load %arg9[%get3A_236] {strides = array<i32>} : memref<20480xi32, #tpu.memory_space<vmem>>, vector<16xi32>,
      %get3A_238 = arith.index_cast %add3A_235 : i32 to index
      %get3A_239 = tpu.vector_load %arg10[%get3A_238] {strides = array<i32>} : memref<20480xi32, #tpu.memory_space<vmem>>, vector<16xi32>,
      %get3A_240 = arith.index_cast %add3A_235 : i32 to index
      %get3A_241 = tpu.vector_load %arg11[%get3A_240] {strides = array<i32>} : memref<20480xf32, #tpu.memory_space<vmem>>, vector<16xf32>,
      %gather3A_242 = tpu.vector_load_idx %arg12[%get3A_237] : memref<10016xf32, #tpu.memory_space<vmem>>[vector<16xi32>], vector<16xf32>,
      %mul3A_243 = arith.mulf %get3A_241, %gather3A_242 : vector<16xf32>
      %gather3A_244 = tpu.vector_load_idx %arg13[%get3A_239] : memref<10016xf32, #tpu.memory_space<vmem>>[vector<16xi32>], vector<16xf32>,
      %add3A_245 = arith.addf %mul3A_243, %gather3A_244 : vector<16xf32>
      %mul3A_246 = arith.constant 0.00999999977 : f32
      %mul3A_247 = vector.broadcast %mul3A_246 : f32 to vector<16xf32>
      %mul3A_248 = arith.mulf %mul3A_247, %add3A_245 : vector<16xf32>
      %max3A_249 = arith.maximumf %add3A_245, %mul3A_248 : vector<16xf32>
      %exp3A_250 = math.exp %max3A_249 : vector<16xf32>
      %swap3A_251 = arith.index_cast %add3A_235 : i32 to index
      %swap3A_252 = tpu.vector_load %arg11[%swap3A_251] {strides = array<i32>} : memref<20480xf32, #tpu.memory_space<vmem>>, vector<16xf32>,
      tpu.vector_store %arg11[%swap3A_251], %exp3A_250 {strides = array<i32>} : memref<20480xf32, #tpu.memory_space<vmem>>, vector<16xf32>,
      %mul3A_253 = arith.constant 128 : i32
      %mul3A_254 = arith.muli %scan3A_131, %mul3A_253 : i32
      %add3A_255 = arith.constant 96 : i32
      %add3A_256 = arith.addi %mul3A_254, %add3A_255 : i32
      %get3A_257 = arith.index_cast %add3A_256 : i32 to index
      %get3A_258 = tpu.vector_load %arg9[%get3A_257] {strides = array<i32>} : memref<20480xi32, #tpu.memory_space<vmem>>, vector<16xi32>,
      %get3A_259 = arith.index_cast %add3A_256 : i32 to index
      %get3A_260 = tpu.vector_load %arg10[%get3A_259] {strides = array<i32>} : memref<20480xi32, #tpu.memory_space<vmem>>, vector<16xi32>,
      %get3A_261 = arith.index_cast %add3A_256 : i32 to index
      %get3A_262 = tpu.vector_load %arg11[%get3A_261] {strides = array<i32>} : memref<20480xf32, #tpu.memory_space<vmem>>, vector<16xf32>,
      %gather3A_263 = tpu.vector_load_idx %arg12[%get3A_258] : memref<10016xf32, #tpu.memory_space<vmem>>[vector<16xi32>], vector<16xf32>,
      %mul3A_264 = arith.mulf %get3A_262, %gather3A_263 : vector<16xf32>
      %gather3A_265 = tpu.vector_load_idx %arg13[%get3A_260] : memref<10016xf32, #tpu.memory_space<vmem>>[vector<16xi32>], vector<16xf32>,
      %add3A_266 = arith.addf %mul3A_264, %gather3A_265 : vector<16xf32>
      %mul3A_267 = arith.constant 0.00999999977 : f32
      %mul3A_268 = vector.broadcast %mul3A_267 : f32 to vector<16xf32>
      %mul3A_269 = arith.mulf %mul3A_268, %add3A_266 : vector<16xf32>
      %max3A_270 = arith.maximumf %add3A_266, %mul3A_269 : vector<16xf32>
      %exp3A_271 = math.exp %max3A_270 : vector<16xf32>
      %swap3A_272 = arith.index_cast %add3A_256 : i32 to index
      %swap3A_273 = tpu.vector_load %arg11[%swap3A_272] {strides = array<i32>} : memref<20480xf32, #tpu.memory_space<vmem>>, vector<16xf32>,
      tpu.vector_store %arg11[%swap3A_272], %exp3A_271 {strides = array<i32>} : memref<20480xf32, #tpu.memory_space<vmem>>, vector<16xf32>,
      %mul3A_274 = arith.constant 128 : i32
      %mul3A_275 = arith.muli %scan3A_131, %mul3A_274 : i32
      %add3A_276 = arith.constant 112 : i32
      %add3A_277 = arith.addi %mul3A_275, %add3A_276 : i32
      %get3A_278 = arith.index_cast %add3A_277 : i32 to index
      %get3A_279 = tpu.vector_load %arg9[%get3A_278] {strides = array<i32>} : memref<20480xi32, #tpu.memory_space<vmem>>, vector<16xi32>,
      %get3A_280 = arith.index_cast %add3A_277 : i32 to index
      %get3A_281 = tpu.vector_load %arg10[%get3A_280] {strides = array<i32>} : memref<20480xi32, #tpu.memory_space<vmem>>, vector<16xi32>,
      %get3A_282 = arith.index_cast %add3A_277 : i32 to index
      %get3A_283 = tpu.vector_load %arg11[%get3A_282] {strides = array<i32>} : memref<20480xf32, #tpu.memory_space<vmem>>, vector<16xf32>,
      %gather3A_284 = tpu.vector_load_idx %arg12[%get3A_279] : memref<10016xf32, #tpu.memory_space<vmem>>[vector<16xi32>], vector<16xf32>,
      %mul3A_285 = arith.mulf %get3A_283, %gather3A_284 : vector<16xf32>
      %gather3A_286 = tpu.vector_load_idx %arg13[%get3A_281] : memref<10016xf32, #tpu.memory_space<vmem>>[vector<16xi32>], vector<16xf32>,
      %add3A_287 = arith.addf %mul3A_285, %gather3A_286 : vector<16xf32>
      %mul3A_288 = arith.constant 0.00999999977 : f32
      %mul3A_289 = vector.broadcast %mul3A_288 : f32 to vector<16xf32>
      %mul3A_290 = arith.mulf %mul3A_289, %add3A_287 : vector<16xf32>
      %max3A_291 = arith.maximumf %add3A_287, %mul3A_290 : vector<16xf32>
      %exp3A_292 = math.exp %max3A_291 : vector<16xf32>
      %swap3A_293 = arith.index_cast %add3A_277 : i32 to index
      %swap3A_294 = tpu.vector_load %arg11[%swap3A_293] {strides = array<i32>} : memref<20480xf32, #tpu.memory_space<vmem>>, vector<16xf32>,
      tpu.vector_store %arg11[%swap3A_293], %exp3A_292 {strides = array<i32>} : memref<20480xf32, #tpu.memory_space<vmem>>, vector<16xf32>,
    }
    %scan3A_99 = arith.constant 160 : i32
    %dma_start3A = arith.constant 0 : i32
    %dma_start3A_100 = tpu.memref_slice %arg11[%dma_start3A] : memref<20480xf32, #tpu.memory_space<vmem>> -> memref<512xf32, #tpu.memory_space<vmem>>
    %dma_start3A_101 = arith.constant 0 : i32
    %dma_start3A_102 = tpu.memref_slice %arg10[%dma_start3A_101] : memref<20480xi32, #tpu.memory_space<vmem>> -> memref<512xi32, #tpu.memory_space<vmem>>
    %dma_start3A_103 = arith.constant 0 : i32
    %dma_start3A_104 = tpu.memref_slice %arg18[%dma_start3A_103] : memref<10016xf32, #tpu.memory_space<vmem_shared>> -> memref<10016xf32, #tpu.memory_space<vmem_shared>>
    tpu.enqueue_indirect_dma source(%dma_start3A_100 : memref<512xf32, #tpu.memory_space<vmem>>) target(%dma_start3A_104 : memref<10016xf32, #tpu.memory_space<vmem_shared>>) offsets(%dma_start3A_102 : memref<512xi32, #tpu.memory_space<vmem>>) semaphore(%arg22 : memref<!tpu.dma_semaphore, #tpu.memory_space<semaphore_mem>>) {add = true}
    %dma_start3A_105 = arith.constant 512 : i32
    %dma_start3A_106 = tpu.memref_slice %arg11[%dma_start3A_105] : memref<20480xf32, #tpu.memory_space<vmem>> -> memref<512xf32, #tpu.memory_space<vmem>>
    %dma_start3A_107 = arith.constant 512 : i32
    %dma_start3A_108 = tpu.memref_slice %arg10[%dma_start3A_107] : memref<20480xi32, #tpu.memory_space<vmem>> -> memref<512xi32, #tpu.memory_space<vmem>>
    %dma_start3A_109 = arith.constant 0 : i32
    %dma_start3A_110 = tpu.memref_slice %arg18[%dma_start3A_109] : memref<10016xf32, #tpu.memory_space<vmem_shared>> -> memref<10016xf32, #tpu.memory_space<vmem_shared>>
    tpu.enqueue_indirect_dma source(%dma_start3A_106 : memref<512xf32, #tpu.memory_space<vmem>>) target(%dma_start3A_110 : memref<10016xf32, #tpu.memory_space<vmem_shared>>) offsets(%dma_start3A_108 : memref<512xi32, #tpu.memory_space<vmem>>) semaphore(%arg23 : memref<!tpu.dma_semaphore, #tpu.memory_space<semaphore_mem>>) {add = true}
    %scan3A_111 = arith.constant 0 : i32
    %scan3A_112 = arith.constant 0 : i32
    %scan3A_113 = arith.constant 20 : i32
    %scan3A_114 = arith.addi %scan3A_112, %scan3A_113 : i32
    %scan3A_115 = arith.constant 1 : i32
    scf.for %scan3A_131 = %scan3A_112 to %scan3A_114 step %scan3A_115  : i32 {
      %mul3A_132 = arith.constant 2 : i32
      %mul3A_133 = arith.muli %scan3A_131, %mul3A_132 : i32
      %mul3A_134 = arith.constant 512 : i32
      %mul3A_135 = arith.muli %mul3A_133, %mul3A_134 : i32
      %mul3A_136 = arith.constant 512 : i32
      %mul3A_137 = arith.muli %mul3A_133, %mul3A_136 : i32
      %dma_wait3A = tpu.memref_slice %arg11[%mul3A_135] : memref<20480xf32, #tpu.memory_space<vmem>> -> memref<512xf32, #tpu.memory_space<vmem>>
      %dma_wait3A_138 = tpu.memref_slice %arg10[%mul3A_137] : memref<20480xi32, #tpu.memory_space<vmem>> -> memref<512xi32, #tpu.memory_space<vmem>>
      %dma_wait3A_139 = arith.constant 0 : i32
      %dma_wait3A_140 = tpu.memref_slice %arg18[%dma_wait3A_139] : memref<10016xf32, #tpu.memory_space<vmem_shared>> -> memref<10016xf32, #tpu.memory_space<vmem_shared>>
      tpu.wait_indirect_dma semaphore(%arg22 : memref<!tpu.dma_semaphore, #tpu.memory_space<semaphore_mem>>) src(%dma_wait3A : memref<512xf32, #tpu.memory_space<vmem>>) dst(%dma_wait3A_140 : memref<10016xf32, #tpu.memory_space<vmem_shared>>)
      %add3A = arith.constant 2 : i32
      %add3A_141 = arith.addi %mul3A_133, %add3A : i32
      %lt3A_142 = arith.constant 40 : i32
      %lt3A_143 = arith.cmpi slt, %add3A_141, %lt3A_142 : i32
      %convert_element_type3A_144 = arith.extui %lt3A_143 : i1 to i32
      %cond3A_145 = arith.constant 0 : i32
      %cond3A_146 = arith.cmpi ne, %convert_element_type3A_144, %cond3A_145 : i32
      scf.if %cond3A_146 {
        %add3A_164 = arith.constant 2 : i32
        %add3A_165 = arith.addi %mul3A_133, %add3A_164 : i32
        %mul3A_166 = arith.constant 512 : i32
        %mul3A_167 = arith.muli %add3A_165, %mul3A_166 : i32
        %mul3A_168 = arith.constant 512 : i32
        %mul3A_169 = arith.muli %add3A_165, %mul3A_168 : i32
        %dma_start3A_170 = tpu.memref_slice %arg11[%mul3A_167] : memref<20480xf32, #tpu.memory_space<vmem>> -> memref<512xf32, #tpu.memory_space<vmem>>
        %dma_start3A_171 = tpu.memref_slice %arg10[%mul3A_169] : memref<20480xi32, #tpu.memory_space<vmem>> -> memref<512xi32, #tpu.memory_space<vmem>>
        %dma_start3A_172 = arith.constant 0 : i32
        %dma_start3A_173 = tpu.memref_slice %arg18[%dma_start3A_172] : memref<10016xf32, #tpu.memory_space<vmem_shared>> -> memref<10016xf32, #tpu.memory_space<vmem_shared>>
        tpu.enqueue_indirect_dma source(%dma_start3A_170 : memref<512xf32, #tpu.memory_space<vmem>>) target(%dma_start3A_173 : memref<10016xf32, #tpu.memory_space<vmem_shared>>) offsets(%dma_start3A_171 : memref<512xi32, #tpu.memory_space<vmem>>) semaphore(%arg22 : memref<!tpu.dma_semaphore, #tpu.memory_space<semaphore_mem>>) {add = true}
      } else {
      }
      %add3A_147 = arith.constant 1 : i32
      %add3A_148 = arith.addi %mul3A_133, %add3A_147 : i32
      %mul3A_149 = arith.constant 512 : i32
      %mul3A_150 = arith.muli %add3A_148, %mul3A_149 : i32
      %mul3A_151 = arith.constant 512 : i32
      %mul3A_152 = arith.muli %add3A_148, %mul3A_151 : i32
      %dma_wait3A_153 = tpu.memref_slice %arg11[%mul3A_150] : memref<20480xf32, #tpu.memory_space<vmem>> -> memref<512xf32, #tpu.memory_space<vmem>>
      %dma_wait3A_154 = tpu.memref_slice %arg10[%mul3A_152] : memref<20480xi32, #tpu.memory_space<vmem>> -> memref<512xi32, #tpu.memory_space<vmem>>
      %dma_wait3A_155 = arith.constant 0 : i32
      %dma_wait3A_156 = tpu.memref_slice %arg18[%dma_wait3A_155] : memref<10016xf32, #tpu.memory_space<vmem_shared>> -> memref<10016xf32, #tpu.memory_space<vmem_shared>>
      tpu.wait_indirect_dma semaphore(%arg23 : memref<!tpu.dma_semaphore, #tpu.memory_space<semaphore_mem>>) src(%dma_wait3A_153 : memref<512xf32, #tpu.memory_space<vmem>>) dst(%dma_wait3A_156 : memref<10016xf32, #tpu.memory_space<vmem_shared>>)
      %add3A_157 = arith.constant 3 : i32
      %add3A_158 = arith.addi %mul3A_133, %add3A_157 : i32
      %lt3A_159 = arith.constant 40 : i32
      %lt3A_160 = arith.cmpi slt, %add3A_158, %lt3A_159 : i32
      %convert_element_type3A_161 = arith.extui %lt3A_160 : i1 to i32
      %cond3A_162 = arith.constant 0 : i32
      %cond3A_163 = arith.cmpi ne, %convert_element_type3A_161, %cond3A_162 : i32
      scf.if %cond3A_163 {
        %add3A_164 = arith.constant 3 : i32
        %add3A_165 = arith.addi %mul3A_133, %add3A_164 : i32
        %mul3A_166 = arith.constant 512 : i32
        %mul3A_167 = arith.muli %add3A_165, %mul3A_166 : i32
        %mul3A_168 = arith.constant 512 : i32
        %mul3A_169 = arith.muli %add3A_165, %mul3A_168 : i32
        %dma_start3A_170 = tpu.memref_slice %arg11[%mul3A_167] : memref<20480xf32, #tpu.memory_space<vmem>> -> memref<512xf32, #tpu.memory_space<vmem>>
        %dma_start3A_171 = tpu.memref_slice %arg10[%mul3A_169] : memref<20480xi32, #tpu.memory_space<vmem>> -> memref<512xi32, #tpu.memory_space<vmem>>
        %dma_start3A_172 = arith.constant 0 : i32
        %dma_start3A_173 = tpu.memref_slice %arg18[%dma_start3A_172] : memref<10016xf32, #tpu.memory_space<vmem_shared>> -> memref<10016xf32, #tpu.memory_space<vmem_shared>>
        tpu.enqueue_indirect_dma source(%dma_start3A_170 : memref<512xf32, #tpu.memory_space<vmem>>) target(%dma_start3A_173 : memref<10016xf32, #tpu.memory_space<vmem_shared>>) offsets(%dma_start3A_171 : memref<512xi32, #tpu.memory_space<vmem>>) semaphore(%arg23 : memref<!tpu.dma_semaphore, #tpu.memory_space<semaphore_mem>>) {add = true}
      } else {
      }
    }
    %scan3A_116 = arith.constant 20 : i32
    %barrier3A_117 = arith.constant 0 : index
    tpu.barrier barrier_id(%barrier3A_117)
    "tpu.region"() ({
      %run_scoped3A = tpu.sem_alloc : memref<!tpu.dma_semaphore, #tpu.memory_space<semaphore_mem>>
      tpu.enqueue_dma source(%arg18 : memref<10016xf32, #tpu.memory_space<vmem_shared>>) target(%arg12 : memref<10016xf32, #tpu.memory_space<vmem>>) target_semaphore(%run_scoped3A : memref<!tpu.dma_semaphore, #tpu.memory_space<semaphore_mem>>)
      tpu.wait_dma2 semaphore(%run_scoped3A : memref<!tpu.dma_semaphore, #tpu.memory_space<semaphore_mem>>) src(%arg18 : memref<10016xf32, #tpu.memory_space<vmem_shared>>) dst(%arg12 : memref<10016xf32, #tpu.memory_space<vmem>>)
      tpu.yield
    }) : () -> ()
    %scan3A_118 = arith.constant 0 : i32
    %scan3A_119 = arith.constant 0 : i32
    %scan3A_120 = arith.constant 160 : i32
    %scan3A_121 = arith.addi %scan3A_119, %scan3A_120 : i32
    %scan3A_122 = arith.constant 1 : i32
    scf.for %scan3A_131 = %scan3A_119 to %scan3A_121 step %scan3A_122  : i32 {
      %mul3A_132 = arith.constant 128 : i32
      %mul3A_133 = arith.muli %scan3A_131, %mul3A_132 : i32
      %add3A = arith.constant 0 : i32
      %add3A_134 = arith.addi %mul3A_133, %add3A : i32
      %get3A = arith.index_cast %add3A_134 : i32 to index
      %get3A_135 = tpu.vector_load %arg10[%get3A] {strides = array<i32>} : memref<20480xi32, #tpu.memory_space<vmem>>, vector<16xi32>,
      %gather3A = tpu.vector_load_idx %arg12[%get3A_135] : memref<10016xf32, #tpu.memory_space<vmem>>[vector<16xi32>], vector<16xf32>,
      %get3A_136 = arith.index_cast %add3A_134 : i32 to index
      %get3A_137 = tpu.vector_load %arg11[%get3A_136] {strides = array<i32>} : memref<20480xf32, #tpu.memory_space<vmem>>, vector<16xf32>,
      %max3A = arith.constant 1.000000e-16 : f32
      %max3A_138 = vector.broadcast %max3A : f32 to vector<16xf32>
      %max3A_139 = arith.maximumf %gather3A, %max3A_138 : vector<16xf32>
      %div3A = arith.divf %get3A_137, %max3A_139 : vector<16xf32>
      %swap3A_140 = arith.index_cast %add3A_134 : i32 to index
      %swap3A_141 = tpu.vector_load %arg11[%swap3A_140] {strides = array<i32>} : memref<20480xf32, #tpu.memory_space<vmem>>, vector<16xf32>,
      tpu.vector_store %arg11[%swap3A_140], %div3A {strides = array<i32>} : memref<20480xf32, #tpu.memory_space<vmem>>, vector<16xf32>,
      %mul3A_142 = arith.constant 128 : i32
      %mul3A_143 = arith.muli %scan3A_131, %mul3A_142 : i32
      %add3A_144 = arith.constant 16 : i32
      %add3A_145 = arith.addi %mul3A_143, %add3A_144 : i32
      %get3A_146 = arith.index_cast %add3A_145 : i32 to index
      %get3A_147 = tpu.vector_load %arg10[%get3A_146] {strides = array<i32>} : memref<20480xi32, #tpu.memory_space<vmem>>, vector<16xi32>,
      %gather3A_148 = tpu.vector_load_idx %arg12[%get3A_147] : memref<10016xf32, #tpu.memory_space<vmem>>[vector<16xi32>], vector<16xf32>,
      %get3A_149 = arith.index_cast %add3A_145 : i32 to index
      %get3A_150 = tpu.vector_load %arg11[%get3A_149] {strides = array<i32>} : memref<20480xf32, #tpu.memory_space<vmem>>, vector<16xf32>,
      %max3A_151 = arith.constant 1.000000e-16 : f32
      %max3A_152 = vector.broadcast %max3A_151 : f32 to vector<16xf32>
      %max3A_153 = arith.maximumf %gather3A_148, %max3A_152 : vector<16xf32>
      %div3A_154 = arith.divf %get3A_150, %max3A_153 : vector<16xf32>
      %swap3A_155 = arith.index_cast %add3A_145 : i32 to index
      %swap3A_156 = tpu.vector_load %arg11[%swap3A_155] {strides = array<i32>} : memref<20480xf32, #tpu.memory_space<vmem>>, vector<16xf32>,
      tpu.vector_store %arg11[%swap3A_155], %div3A_154 {strides = array<i32>} : memref<20480xf32, #tpu.memory_space<vmem>>, vector<16xf32>,
      %mul3A_157 = arith.constant 128 : i32
      %mul3A_158 = arith.muli %scan3A_131, %mul3A_157 : i32
      %add3A_159 = arith.constant 32 : i32
      %add3A_160 = arith.addi %mul3A_158, %add3A_159 : i32
      %get3A_161 = arith.index_cast %add3A_160 : i32 to index
      %get3A_162 = tpu.vector_load %arg10[%get3A_161] {strides = array<i32>} : memref<20480xi32, #tpu.memory_space<vmem>>, vector<16xi32>,
      %gather3A_163 = tpu.vector_load_idx %arg12[%get3A_162] : memref<10016xf32, #tpu.memory_space<vmem>>[vector<16xi32>], vector<16xf32>,
      %get3A_164 = arith.index_cast %add3A_160 : i32 to index
      %get3A_165 = tpu.vector_load %arg11[%get3A_164] {strides = array<i32>} : memref<20480xf32, #tpu.memory_space<vmem>>, vector<16xf32>,
      %max3A_166 = arith.constant 1.000000e-16 : f32
      %max3A_167 = vector.broadcast %max3A_166 : f32 to vector<16xf32>
      %max3A_168 = arith.maximumf %gather3A_163, %max3A_167 : vector<16xf32>
      %div3A_169 = arith.divf %get3A_165, %max3A_168 : vector<16xf32>
      %swap3A_170 = arith.index_cast %add3A_160 : i32 to index
      %swap3A_171 = tpu.vector_load %arg11[%swap3A_170] {strides = array<i32>} : memref<20480xf32, #tpu.memory_space<vmem>>, vector<16xf32>,
      tpu.vector_store %arg11[%swap3A_170], %div3A_169 {strides = array<i32>} : memref<20480xf32, #tpu.memory_space<vmem>>, vector<16xf32>,
      %mul3A_172 = arith.constant 128 : i32
      %mul3A_173 = arith.muli %scan3A_131, %mul3A_172 : i32
      %add3A_174 = arith.constant 48 : i32
      %add3A_175 = arith.addi %mul3A_173, %add3A_174 : i32
      %get3A_176 = arith.index_cast %add3A_175 : i32 to index
      %get3A_177 = tpu.vector_load %arg10[%get3A_176] {strides = array<i32>} : memref<20480xi32, #tpu.memory_space<vmem>>, vector<16xi32>,
      %gather3A_178 = tpu.vector_load_idx %arg12[%get3A_177] : memref<10016xf32, #tpu.memory_space<vmem>>[vector<16xi32>], vector<16xf32>,
      %get3A_179 = arith.index_cast %add3A_175 : i32 to index
      %get3A_180 = tpu.vector_load %arg11[%get3A_179] {strides = array<i32>} : memref<20480xf32, #tpu.memory_space<vmem>>, vector<16xf32>,
      %max3A_181 = arith.constant 1.000000e-16 : f32
      %max3A_182 = vector.broadcast %max3A_181 : f32 to vector<16xf32>
      %max3A_183 = arith.maximumf %gather3A_178, %max3A_182 : vector<16xf32>
      %div3A_184 = arith.divf %get3A_180, %max3A_183 : vector<16xf32>
      %swap3A_185 = arith.index_cast %add3A_175 : i32 to index
      %swap3A_186 = tpu.vector_load %arg11[%swap3A_185] {strides = array<i32>} : memref<20480xf32, #tpu.memory_space<vmem>>, vector<16xf32>,
      tpu.vector_store %arg11[%swap3A_185], %div3A_184 {strides = array<i32>} : memref<20480xf32, #tpu.memory_space<vmem>>, vector<16xf32>,
      %mul3A_187 = arith.constant 128 : i32
      %mul3A_188 = arith.muli %scan3A_131, %mul3A_187 : i32
      %add3A_189 = arith.constant 64 : i32
      %add3A_190 = arith.addi %mul3A_188, %add3A_189 : i32
      %get3A_191 = arith.index_cast %add3A_190 : i32 to index
      %get3A_192 = tpu.vector_load %arg10[%get3A_191] {strides = array<i32>} : memref<20480xi32, #tpu.memory_space<vmem>>, vector<16xi32>,
      %gather3A_193 = tpu.vector_load_idx %arg12[%get3A_192] : memref<10016xf32, #tpu.memory_space<vmem>>[vector<16xi32>], vector<16xf32>,
      %get3A_194 = arith.index_cast %add3A_190 : i32 to index
      %get3A_195 = tpu.vector_load %arg11[%get3A_194] {strides = array<i32>} : memref<20480xf32, #tpu.memory_space<vmem>>, vector<16xf32>,
      %max3A_196 = arith.constant 1.000000e-16 : f32
      %max3A_197 = vector.broadcast %max3A_196 : f32 to vector<16xf32>
      %max3A_198 = arith.maximumf %gather3A_193, %max3A_197 : vector<16xf32>
      %div3A_199 = arith.divf %get3A_195, %max3A_198 : vector<16xf32>
      %swap3A_200 = arith.index_cast %add3A_190 : i32 to index
      %swap3A_201 = tpu.vector_load %arg11[%swap3A_200] {strides = array<i32>} : memref<20480xf32, #tpu.memory_space<vmem>>, vector<16xf32>,
      tpu.vector_store %arg11[%swap3A_200], %div3A_199 {strides = array<i32>} : memref<20480xf32, #tpu.memory_space<vmem>>, vector<16xf32>,
      %mul3A_202 = arith.constant 128 : i32
      %mul3A_203 = arith.muli %scan3A_131, %mul3A_202 : i32
      %add3A_204 = arith.constant 80 : i32
      %add3A_205 = arith.addi %mul3A_203, %add3A_204 : i32
      %get3A_206 = arith.index_cast %add3A_205 : i32 to index
      %get3A_207 = tpu.vector_load %arg10[%get3A_206] {strides = array<i32>} : memref<20480xi32, #tpu.memory_space<vmem>>, vector<16xi32>,
      %gather3A_208 = tpu.vector_load_idx %arg12[%get3A_207] : memref<10016xf32, #tpu.memory_space<vmem>>[vector<16xi32>], vector<16xf32>,
      %get3A_209 = arith.index_cast %add3A_205 : i32 to index
      %get3A_210 = tpu.vector_load %arg11[%get3A_209] {strides = array<i32>} : memref<20480xf32, #tpu.memory_space<vmem>>, vector<16xf32>,
      %max3A_211 = arith.constant 1.000000e-16 : f32
      %max3A_212 = vector.broadcast %max3A_211 : f32 to vector<16xf32>
      %max3A_213 = arith.maximumf %gather3A_208, %max3A_212 : vector<16xf32>
      %div3A_214 = arith.divf %get3A_210, %max3A_213 : vector<16xf32>
      %swap3A_215 = arith.index_cast %add3A_205 : i32 to index
      %swap3A_216 = tpu.vector_load %arg11[%swap3A_215] {strides = array<i32>} : memref<20480xf32, #tpu.memory_space<vmem>>, vector<16xf32>,
      tpu.vector_store %arg11[%swap3A_215], %div3A_214 {strides = array<i32>} : memref<20480xf32, #tpu.memory_space<vmem>>, vector<16xf32>,
      %mul3A_217 = arith.constant 128 : i32
      %mul3A_218 = arith.muli %scan3A_131, %mul3A_217 : i32
      %add3A_219 = arith.constant 96 : i32
      %add3A_220 = arith.addi %mul3A_218, %add3A_219 : i32
      %get3A_221 = arith.index_cast %add3A_220 : i32 to index
      %get3A_222 = tpu.vector_load %arg10[%get3A_221] {strides = array<i32>} : memref<20480xi32, #tpu.memory_space<vmem>>, vector<16xi32>,
      %gather3A_223 = tpu.vector_load_idx %arg12[%get3A_222] : memref<10016xf32, #tpu.memory_space<vmem>>[vector<16xi32>], vector<16xf32>,
      %get3A_224 = arith.index_cast %add3A_220 : i32 to index
      %get3A_225 = tpu.vector_load %arg11[%get3A_224] {strides = array<i32>} : memref<20480xf32, #tpu.memory_space<vmem>>, vector<16xf32>,
      %max3A_226 = arith.constant 1.000000e-16 : f32
      %max3A_227 = vector.broadcast %max3A_226 : f32 to vector<16xf32>
      %max3A_228 = arith.maximumf %gather3A_223, %max3A_227 : vector<16xf32>
      %div3A_229 = arith.divf %get3A_225, %max3A_228 : vector<16xf32>
      %swap3A_230 = arith.index_cast %add3A_220 : i32 to index
      %swap3A_231 = tpu.vector_load %arg11[%swap3A_230] {strides = array<i32>} : memref<20480xf32, #tpu.memory_space<vmem>>, vector<16xf32>,
      tpu.vector_store %arg11[%swap3A_230], %div3A_229 {strides = array<i32>} : memref<20480xf32, #tpu.memory_space<vmem>>, vector<16xf32>,
      %mul3A_232 = arith.constant 128 : i32
      %mul3A_233 = arith.muli %scan3A_131, %mul3A_232 : i32
      %add3A_234 = arith.constant 112 : i32
      %add3A_235 = arith.addi %mul3A_233, %add3A_234 : i32
      %get3A_236 = arith.index_cast %add3A_235 : i32 to index
      %get3A_237 = tpu.vector_load %arg10[%get3A_236] {strides = array<i32>} : memref<20480xi32, #tpu.memory_space<vmem>>, vector<16xi32>,
      %gather3A_238 = tpu.vector_load_idx %arg12[%get3A_237] : memref<10016xf32, #tpu.memory_space<vmem>>[vector<16xi32>], vector<16xf32>,
      %get3A_239 = arith.index_cast %add3A_235 : i32 to index
      %get3A_240 = tpu.vector_load %arg11[%get3A_239] {strides = array<i32>} : memref<20480xf32, #tpu.memory_space<vmem>>, vector<16xf32>,
      %max3A_241 = arith.constant 1.000000e-16 : f32
      %max3A_242 = vector.broadcast %max3A_241 : f32 to vector<16xf32>
      %max3A_243 = arith.maximumf %gather3A_238, %max3A_242 : vector<16xf32>
      %div3A_244 = arith.divf %get3A_240, %max3A_243 : vector<16xf32>
      %swap3A_245 = arith.index_cast %add3A_235 : i32 to index
      %swap3A_246 = tpu.vector_load %arg11[%swap3A_245] {strides = array<i32>} : memref<20480xf32, #tpu.memory_space<vmem>>, vector<16xf32>,
      tpu.vector_store %arg11[%swap3A_245], %div3A_244 {strides = array<i32>} : memref<20480xf32, #tpu.memory_space<vmem>>, vector<16xf32>,
    }
    %scan3A_123 = arith.constant 160 : i32
    %barrier3A_124 = arith.constant 0 : index
    tpu.barrier barrier_id(%barrier3A_124)
    %scan3A_125 = arith.constant 0 : i32
    %scan3A_126 = arith.constant 0 : i32
    %scan3A_127 = arith.constant 2 : i32
    %scan3A_128 = arith.addi %scan3A_126, %scan3A_127 : i32
    %scan3A_129 = arith.constant 1 : i32
    scf.for %scan3A_131 = %scan3A_126 to %scan3A_128 step %scan3A_129  : i32 {
      %mul3A_132 = arith.constant 2 : i32
      %mul3A_133 = arith.muli %mul3A_132, %arg0 : i32
      %add3A = arith.addi %mul3A_133, %scan3A_131 : i32
      %add3A_134 = arith.constant 0 : i32
      %add3A_135 = arith.addi %mul3A_1, %add3A_134 : i32
      "tpu.region"() ({
        %run_scoped3A = tpu.sem_alloc : memref<!tpu.dma_semaphore, #tpu.memory_space<semaphore_mem>>
        %dma_start3A_172 = arith.constant 0 : i32
        %dma_start3A_173 = tpu.memref_slice %arg19[%add3A_135, %dma_start3A_172] : memref<10016x32xf32, #tpu.memory_space<vmem_shared>> -> memref<128x32xf32, #tpu.memory_space<vmem_shared>>
        %dma_start3A_174 = arith.constant 0 : i32
        %dma_start3A_175 = tpu.memref_slice %arg19[%add3A_135, %dma_start3A_174] : memref<10016x32xf32, #tpu.memory_space<vmem_shared>> -> memref<128x32xf32, #tpu.memory_space<vmem_shared>>
        tpu.enqueue_dma source(%arg17 : memref<128x32xf32, #tpu.memory_space<vmem>>) target(%dma_start3A_175 : memref<128x32xf32, #tpu.memory_space<vmem_shared>>) target_semaphore(%run_scoped3A : memref<!tpu.dma_semaphore, #tpu.memory_space<semaphore_mem>>)
        %dma_wait3A = arith.constant 0 : i32
        %dma_wait3A_176 = tpu.memref_slice %arg19[%add3A_135, %dma_wait3A] : memref<10016x32xf32, #tpu.memory_space<vmem_shared>> -> memref<128x32xf32, #tpu.memory_space<vmem_shared>>
        %dma_wait3A_177 = arith.constant 0 : i32
        %dma_wait3A_178 = tpu.memref_slice %arg19[%add3A_135, %dma_wait3A_177] : memref<10016x32xf32, #tpu.memory_space<vmem_shared>> -> memref<128x32xf32, #tpu.memory_space<vmem_shared>>
        tpu.wait_dma2 semaphore(%run_scoped3A : memref<!tpu.dma_semaphore, #tpu.memory_space<semaphore_mem>>) src(%arg17 : memref<128x32xf32, #tpu.memory_space<vmem>>) dst(%dma_wait3A_178 : memref<128x32xf32, #tpu.memory_space<vmem_shared>>)
        tpu.yield
      }) : () -> ()
      %add3A_136 = arith.constant 128 : i32
      %add3A_137 = arith.addi %mul3A_1, %add3A_136 : i32
      "tpu.region"() ({
        %run_scoped3A = tpu.sem_alloc : memref<!tpu.dma_semaphore, #tpu.memory_space<semaphore_mem>>
        %dma_start3A_172 = arith.constant 0 : i32
        %dma_start3A_173 = tpu.memref_slice %arg19[%add3A_137, %dma_start3A_172] : memref<10016x32xf32, #tpu.memory_space<vmem_shared>> -> memref<128x32xf32, #tpu.memory_space<vmem_shared>>
        %dma_start3A_174 = arith.constant 0 : i32
        %dma_start3A_175 = tpu.memref_slice %arg19[%add3A_137, %dma_start3A_174] : memref<10016x32xf32, #tpu.memory_space<vmem_shared>> -> memref<128x32xf32, #tpu.memory_space<vmem_shared>>
        tpu.enqueue_dma source(%arg17 : memref<128x32xf32, #tpu.memory_space<vmem>>) target(%dma_start3A_175 : memref<128x32xf32, #tpu.memory_space<vmem_shared>>) target_semaphore(%run_scoped3A : memref<!tpu.dma_semaphore, #tpu.memory_space<semaphore_mem>>)
        %dma_wait3A = arith.constant 0 : i32
        %dma_wait3A_176 = tpu.memref_slice %arg19[%add3A_137, %dma_wait3A] : memref<10016x32xf32, #tpu.memory_space<vmem_shared>> -> memref<128x32xf32, #tpu.memory_space<vmem_shared>>
        %dma_wait3A_177 = arith.constant 0 : i32
        %dma_wait3A_178 = tpu.memref_slice %arg19[%add3A_137, %dma_wait3A_177] : memref<10016x32xf32, #tpu.memory_space<vmem_shared>> -> memref<128x32xf32, #tpu.memory_space<vmem_shared>>
        tpu.wait_dma2 semaphore(%run_scoped3A : memref<!tpu.dma_semaphore, #tpu.memory_space<semaphore_mem>>) src(%arg17 : memref<128x32xf32, #tpu.memory_space<vmem>>) dst(%dma_wait3A_178 : memref<128x32xf32, #tpu.memory_space<vmem_shared>>)
        tpu.yield
      }) : () -> ()
      %add3A_138 = arith.constant 256 : i32
      %add3A_139 = arith.addi %mul3A_1, %add3A_138 : i32
      "tpu.region"() ({
        %run_scoped3A = tpu.sem_alloc : memref<!tpu.dma_semaphore, #tpu.memory_space<semaphore_mem>>
        %dma_start3A_172 = arith.constant 0 : i32
        %dma_start3A_173 = tpu.memref_slice %arg19[%add3A_139, %dma_start3A_172] : memref<10016x32xf32, #tpu.memory_space<vmem_shared>> -> memref<128x32xf32, #tpu.memory_space<vmem_shared>>
        %dma_start3A_174 = arith.constant 0 : i32
        %dma_start3A_175 = tpu.memref_slice %arg19[%add3A_139, %dma_start3A_174] : memref<10016x32xf32, #tpu.memory_space<vmem_shared>> -> memref<128x32xf32, #tpu.memory_space<vmem_shared>>
        tpu.enqueue_dma source(%arg17 : memref<128x32xf32, #tpu.memory_space<vmem>>) target(%dma_start3A_175 : memref<128x32xf32, #tpu.memory_space<vmem_shared>>) target_semaphore(%run_scoped3A : memref<!tpu.dma_semaphore, #tpu.memory_space<semaphore_mem>>)
        %dma_wait3A = arith.constant 0 : i32
        %dma_wait3A_176 = tpu.memref_slice %arg19[%add3A_139, %dma_wait3A] : memref<10016x32xf32, #tpu.memory_space<vmem_shared>> -> memref<128x32xf32, #tpu.memory_space<vmem_shared>>
        %dma_wait3A_177 = arith.constant 0 : i32
        %dma_wait3A_178 = tpu.memref_slice %arg19[%add3A_139, %dma_wait3A_177] : memref<10016x32xf32, #tpu.memory_space<vmem_shared>> -> memref<128x32xf32, #tpu.memory_space<vmem_shared>>
        tpu.wait_dma2 semaphore(%run_scoped3A : memref<!tpu.dma_semaphore, #tpu.memory_space<semaphore_mem>>) src(%arg17 : memref<128x32xf32, #tpu.memory_space<vmem>>) dst(%dma_wait3A_178 : memref<128x32xf32, #tpu.memory_space<vmem_shared>>)
        tpu.yield
      }) : () -> ()
      %add3A_140 = arith.constant 384 : i32
      %add3A_141 = arith.addi %mul3A_1, %add3A_140 : i32
      "tpu.region"() ({
        %run_scoped3A = tpu.sem_alloc : memref<!tpu.dma_semaphore, #tpu.memory_space<semaphore_mem>>
        %dma_start3A_172 = arith.constant 0 : i32
        %dma_start3A_173 = tpu.memref_slice %arg19[%add3A_141, %dma_start3A_172] : memref<10016x32xf32, #tpu.memory_space<vmem_shared>> -> memref<128x32xf32, #tpu.memory_space<vmem_shared>>
        %dma_start3A_174 = arith.constant 0 : i32
        %dma_start3A_175 = tpu.memref_slice %arg19[%add3A_141, %dma_start3A_174] : memref<10016x32xf32, #tpu.memory_space<vmem_shared>> -> memref<128x32xf32, #tpu.memory_space<vmem_shared>>
        tpu.enqueue_dma source(%arg17 : memref<128x32xf32, #tpu.memory_space<vmem>>) target(%dma_start3A_175 : memref<128x32xf32, #tpu.memory_space<vmem_shared>>) target_semaphore(%run_scoped3A : memref<!tpu.dma_semaphore, #tpu.memory_space<semaphore_mem>>)
        %dma_wait3A = arith.constant 0 : i32
        %dma_wait3A_176 = tpu.memref_slice %arg19[%add3A_141, %dma_wait3A] : memref<10016x32xf32, #tpu.memory_space<vmem_shared>> -> memref<128x32xf32, #tpu.memory_space<vmem_shared>>
        %dma_wait3A_177 = arith.constant 0 : i32
        %dma_wait3A_178 = tpu.memref_slice %arg19[%add3A_141, %dma_wait3A_177] : memref<10016x32xf32, #tpu.memory_space<vmem_shared>> -> memref<128x32xf32, #tpu.memory_space<vmem_shared>>
        tpu.wait_dma2 semaphore(%run_scoped3A : memref<!tpu.dma_semaphore, #tpu.memory_space<semaphore_mem>>) src(%arg17 : memref<128x32xf32, #tpu.memory_space<vmem>>) dst(%dma_wait3A_178 : memref<128x32xf32, #tpu.memory_space<vmem_shared>>)
        tpu.yield
      }) : () -> ()
      %add3A_142 = arith.constant 512 : i32
      %add3A_143 = arith.addi %mul3A_1, %add3A_142 : i32
      "tpu.region"() ({
        %run_scoped3A = tpu.sem_alloc : memref<!tpu.dma_semaphore, #tpu.memory_space<semaphore_mem>>
        %dma_start3A_172 = arith.constant 0 : i32
        %dma_start3A_173 = arith.constant 0 : i32
        %dma_start3A_174 = tpu.memref_slice %arg17[%dma_start3A_172, %dma_start3A_173] : memref<128x32xf32, #tpu.memory_space<vmem>> -> memref<114x32xf32, #tpu.memory_space<vmem>>
        %dma_start3A_175 = arith.constant 0 : i32
        %dma_start3A_176 = tpu.memref_slice %arg19[%add3A_143, %dma_start3A_175] : memref<10016x32xf32, #tpu.memory_space<vmem_shared>> -> memref<114x32xf32, #tpu.memory_space<vmem_shared>>
        %dma_start3A_177 = arith.constant 0 : i32
        %dma_start3A_178 = tpu.memref_slice %arg19[%add3A_143, %dma_start3A_177] : memref<10016x32xf32, #tpu.memory_space<vmem_shared>> -> memref<114x32xf32, #tpu.memory_space<vmem_shared>>
        %dma_start3A_179 = arith.constant 0 : i32
        %dma_start3A_180 = arith.constant 0 : i32
        %dma_start3A_181 = tpu.memref_slice %arg17[%dma_start3A_179, %dma_start3A_180] : memref<128x32xf32, #tpu.memory_space<vmem>> -> memref<114x32xf32, #tpu.memory_space<vmem>>
        tpu.enqueue_dma source(%dma_start3A_181 : memref<114x32xf32, #tpu.memory_space<vmem>>) target(%dma_start3A_178 : memref<114x32xf32, #tpu.memory_space<vmem_shared>>) target_semaphore(%run_scoped3A : memref<!tpu.dma_semaphore, #tpu.memory_space<semaphore_mem>>)
        %dma_wait3A = arith.constant 0 : i32
        %dma_wait3A_182 = arith.constant 0 : i32
        %dma_wait3A_183 = tpu.memref_slice %arg17[%dma_wait3A, %dma_wait3A_182] : memref<128x32xf32, #tpu.memory_space<vmem>> -> memref<114x32xf32, #tpu.memory_space<vmem>>
        %dma_wait3A_184 = arith.constant 0 : i32
        %dma_wait3A_185 = tpu.memref_slice %arg19[%add3A_143, %dma_wait3A_184] : memref<10016x32xf32, #tpu.memory_space<vmem_shared>> -> memref<114x32xf32, #tpu.memory_space<vmem_shared>>
        %dma_wait3A_186 = arith.constant 0 : i32
        %dma_wait3A_187 = tpu.memref_slice %arg19[%add3A_143, %dma_wait3A_186] : memref<10016x32xf32, #tpu.memory_space<vmem_shared>> -> memref<114x32xf32, #tpu.memory_space<vmem_shared>>
        %dma_wait3A_188 = arith.constant 0 : i32
        %dma_wait3A_189 = arith.constant 0 : i32
        %dma_wait3A_190 = tpu.memref_slice %arg17[%dma_wait3A_188, %dma_wait3A_189] : memref<128x32xf32, #tpu.memory_space<vmem>> -> memref<114x32xf32, #tpu.memory_space<vmem>>
        tpu.wait_dma2 semaphore(%run_scoped3A : memref<!tpu.dma_semaphore, #tpu.memory_space<semaphore_mem>>) src(%dma_wait3A_190 : memref<114x32xf32, #tpu.memory_space<vmem>>) dst(%dma_wait3A_187 : memref<114x32xf32, #tpu.memory_space<vmem_shared>>)
        tpu.yield
      }) : () -> ()
      %barrier3A_144 = arith.constant 0 : index
      tpu.barrier barrier_id(%barrier3A_144)
      %dma_start3A_145 = arith.constant 0 : i32
      %dma_start3A_146 = tpu.memref_slice %arg9[%dma_start3A_145] : memref<20480xi32, #tpu.memory_space<vmem>> -> memref<256xi32, #tpu.memory_space<vmem>>
      %dma_start3A_147 = arith.constant 0 : i32
      %dma_start3A_148 = arith.constant 0 : i32
      %dma_start3A_149 = tpu.memref_slice %arg7[%add3A, %dma_start3A_147, %dma_start3A_148] : memref<4x10016x32xf32, #tpu.memory_space<hbm>> -> memref<1x10016x32xf32, #tpu.memory_space<hbm>>
      %dma_start3A_150 = tpu.memref_squeeze %dma_start3A_149 : memref<1x10016x32xf32, #tpu.memory_space<hbm>> -> memref<10016x32xf32, #tpu.memory_space<hbm>>
      %dma_start3A_151 = arith.constant 0 : i32
      %dma_start3A_152 = arith.constant 0 : i32
      %dma_start3A_153 = tpu.memref_slice %dma_start3A_150[%dma_start3A_151, %dma_start3A_152] : memref<10016x32xf32, #tpu.memory_space<hbm>> -> memref<10016x32xf32, #tpu.memory_space<hbm>>
      tpu.enqueue_indirect_dma source(%dma_start3A_153 : memref<10016x32xf32, #tpu.memory_space<hbm>>) target(%arg15 : memref<256x32xf32, #tpu.memory_space<vmem>>) offsets(%dma_start3A_146 : memref<256xi32, #tpu.memory_space<vmem>>) semaphore(%arg20 : memref<!tpu.dma_semaphore, #tpu.memory_space<semaphore_mem>>)
      %scan3A_154 = arith.constant 0 : i32
      %scan3A_155 = arith.constant 0 : i32
      %scan3A_156 = arith.constant 40 : i32
      %scan3A_157 = arith.addi %scan3A_155, %scan3A_156 : i32
      %scan3A_158 = arith.constant 1 : i32
      scf.for %scan3A_172 = %scan3A_155 to %scan3A_157 step %scan3A_158  : i32 {
        %mul3A_173 = arith.constant 2 : i32
        %mul3A_174 = arith.muli %scan3A_172, %mul3A_173 : i32
        %add3A_175 = arith.constant 1 : i32
        %add3A_176 = arith.addi %mul3A_174, %add3A_175 : i32
        %mul3A_177 = arith.constant 256 : i32
        %mul3A_178 = arith.muli %add3A_176, %mul3A_177 : i32
        %dma_start3A_179 = tpu.memref_slice %arg9[%mul3A_178] : memref<20480xi32, #tpu.memory_space<vmem>> -> memref<256xi32, #tpu.memory_space<vmem>>
        %dma_start3A_180 = arith.constant 0 : i32
        %dma_start3A_181 = arith.constant 0 : i32
        %dma_start3A_182 = tpu.memref_slice %arg7[%add3A, %dma_start3A_180, %dma_start3A_181] : memref<4x10016x32xf32, #tpu.memory_space<hbm>> -> memref<1x10016x32xf32, #tpu.memory_space<hbm>>
        %dma_start3A_183 = tpu.memref_squeeze %dma_start3A_182 : memref<1x10016x32xf32, #tpu.memory_space<hbm>> -> memref<10016x32xf32, #tpu.memory_space<hbm>>
        %dma_start3A_184 = arith.constant 0 : i32
        %dma_start3A_185 = arith.constant 0 : i32
        %dma_start3A_186 = tpu.memref_slice %dma_start3A_183[%dma_start3A_184, %dma_start3A_185] : memref<10016x32xf32, #tpu.memory_space<hbm>> -> memref<10016x32xf32, #tpu.memory_space<hbm>>
        tpu.enqueue_indirect_dma source(%dma_start3A_186 : memref<10016x32xf32, #tpu.memory_space<hbm>>) target(%arg16 : memref<256x32xf32, #tpu.memory_space<vmem>>) offsets(%dma_start3A_179 : memref<256xi32, #tpu.memory_space<vmem>>) semaphore(%arg21 : memref<!tpu.dma_semaphore, #tpu.memory_space<semaphore_mem>>)
        %mul3A_187 = arith.constant 256 : i32
        %mul3A_188 = arith.muli %mul3A_174, %mul3A_187 : i32
        %dma_wait3A = tpu.memref_slice %arg9[%mul3A_188] : memref<20480xi32, #tpu.memory_space<vmem>> -> memref<256xi32, #tpu.memory_space<vmem>>
        %dma_wait3A_189 = arith.constant 0 : i32
        %dma_wait3A_190 = arith.constant 0 : i32
        %dma_wait3A_191 = tpu.memref_slice %arg7[%add3A, %dma_wait3A_189, %dma_wait3A_190] : memref<4x10016x32xf32, #tpu.memory_space<hbm>> -> memref<1x10016x32xf32, #tpu.memory_space<hbm>>
        %dma_wait3A_192 = tpu.memref_squeeze %dma_wait3A_191 : memref<1x10016x32xf32, #tpu.memory_space<hbm>> -> memref<10016x32xf32, #tpu.memory_space<hbm>>
        %dma_wait3A_193 = arith.constant 0 : i32
        %dma_wait3A_194 = arith.constant 0 : i32
        %dma_wait3A_195 = tpu.memref_slice %dma_wait3A_192[%dma_wait3A_193, %dma_wait3A_194] : memref<10016x32xf32, #tpu.memory_space<hbm>> -> memref<10016x32xf32, #tpu.memory_space<hbm>>
        tpu.wait_indirect_dma semaphore(%arg20 : memref<!tpu.dma_semaphore, #tpu.memory_space<semaphore_mem>>) src(%dma_wait3A_195 : memref<10016x32xf32, #tpu.memory_space<hbm>>) dst(%arg15 : memref<256x32xf32, #tpu.memory_space<vmem>>)
        %scan3A_196 = arith.constant 0 : i32
        %scan3A_197 = arith.constant 0 : i32
        %scan3A_198 = arith.constant 8 : i32
        %scan3A_199 = arith.addi %scan3A_197, %scan3A_198 : i32
        %scan3A_200 = arith.constant 1 : i32
        scf.for %scan3A_285 = %scan3A_197 to %scan3A_199 step %scan3A_200  : i32 {
          %mul3A_286 = arith.constant 256 : i32
          %mul3A_287 = arith.muli %mul3A_174, %mul3A_286 : i32
          %add3A_288 = arith.constant 0 : i32
          %add3A_289 = arith.addi %mul3A_287, %add3A_288 : i32
          %mul3A_290 = arith.constant 16 : i32
          %mul3A_291 = arith.muli %scan3A_285, %mul3A_290 : i32
          %add3A_292 = arith.addi %add3A_289, %mul3A_291 : i32
          %get3A = arith.index_cast %add3A_292 : i32 to index
          %get3A_293 = tpu.vector_load %arg11[%get3A] {strides = array<i32>} : memref<20480xf32, #tpu.memory_space<vmem>>, vector<16xf32>,
          %slice3A = vector.extract_strided_slice %get3A_293 {offsets = [0], sizes = [1], strides = [1]} : vector<16xf32> to vector<1xf32>
          %squeeze3A = vector.extract %slice3A[0] : f32 from vector<1xf32>
          %mul3A_294 = arith.constant 16 : i32
          %mul3A_295 = arith.muli %scan3A_285, %mul3A_294 : i32
          %add3A_296 = arith.constant 0 : i32
          %add3A_297 = arith.addi %add3A_296, %mul3A_295 : i32
          %add3A_298 = arith.constant 0 : i32
          %add3A_299 = arith.addi %add3A_297, %add3A_298 : i32
          %get3A_300 = arith.index_cast %add3A_299 : i32 to index
          %get3A_301 = arith.constant 0 : index
          %get3A_302 = tpu.vector_load %arg15[%get3A_300, %get3A_301] {strides = array<i32>} : memref<256x32xf32, #tpu.memory_space<vmem>>, vector<16xf32>,
          %mul3A_303 = vector.broadcast %squeeze3A : f32 to vector<16xf32>
          %mul3A_304 = arith.mulf %get3A_302, %mul3A_303 : vector<16xf32>
          %swap3A_305 = arith.index_cast %add3A_299 : i32 to index
          %swap3A_306 = arith.constant 0 : index
          %swap3A_307 = tpu.vector_load %arg15[%swap3A_305, %swap3A_306] {strides = array<i32>} : memref<256x32xf32, #tpu.memory_space<vmem>>, vector<16xf32>,
          tpu.vector_store %arg15[%swap3A_305, %swap3A_306], %mul3A_304 {strides = array<i32>} : memref<256x32xf32, #tpu.memory_space<vmem>>, vector<16xf32>,
          %get3A_308 = arith.index_cast %add3A_299 : i32 to index
          %get3A_309 = arith.constant 16 : index
          %get3A_310 = tpu.vector_load %arg15[%get3A_308, %get3A_309] {strides = array<i32>} : memref<256x32xf32, #tpu.memory_space<vmem>>, vector<16xf32>,
          %mul3A_311 = vector.broadcast %squeeze3A : f32 to vector<16xf32>
          %mul3A_312 = arith.mulf %get3A_310, %mul3A_311 : vector<16xf32>
          %swap3A_313 = arith.index_cast %add3A_299 : i32 to index
          %swap3A_314 = arith.constant 16 : index
          %swap3A_315 = tpu.vector_load %arg15[%swap3A_313, %swap3A_314] {strides = array<i32>} : memref<256x32xf32, #tpu.memory_space<vmem>>, vector<16xf32>,
          tpu.vector_store %arg15[%swap3A_313, %swap3A_314], %mul3A_312 {strides = array<i32>} : memref<256x32xf32, #tpu.memory_space<vmem>>, vector<16xf32>,
          %slice3A_316 = vector.extract_strided_slice %get3A_293 {offsets = [1], sizes = [1], strides = [1]} : vector<16xf32> to vector<1xf32>
          %squeeze3A_317 = vector.extract %slice3A_316[0] : f32 from vector<1xf32>
          %mul3A_318 = arith.constant 16 : i32
          %mul3A_319 = arith.muli %scan3A_285, %mul3A_318 : i32
          %add3A_320 = arith.constant 0 : i32
          %add3A_321 = arith.addi %add3A_320, %mul3A_319 : i32
          %add3A_322 = arith.constant 1 : i32
          %add3A_323 = arith.addi %add3A_321, %add3A_322 : i32
          %get3A_324 = arith.index_cast %add3A_323 : i32 to index
          %get3A_325 = arith.constant 0 : index
          %get3A_326 = tpu.vector_load %arg15[%get3A_324, %get3A_325] {strides = array<i32>} : memref<256x32xf32, #tpu.memory_space<vmem>>, vector<16xf32>,
          %mul3A_327 = vector.broadcast %squeeze3A_317 : f32 to vector<16xf32>
          %mul3A_328 = arith.mulf %get3A_326, %mul3A_327 : vector<16xf32>
          %swap3A_329 = arith.index_cast %add3A_323 : i32 to index
          %swap3A_330 = arith.constant 0 : index
          %swap3A_331 = tpu.vector_load %arg15[%swap3A_329, %swap3A_330] {strides = array<i32>} : memref<256x32xf32, #tpu.memory_space<vmem>>, vector<16xf32>,
          tpu.vector_store %arg15[%swap3A_329, %swap3A_330], %mul3A_328 {strides = array<i32>} : memref<256x32xf32, #tpu.memory_space<vmem>>, vector<16xf32>,
          %get3A_332 = arith.index_cast %add3A_323 : i32 to index
          %get3A_333 = arith.constant 16 : index
          %get3A_334 = tpu.vector_load %arg15[%get3A_332, %get3A_333] {strides = array<i32>} : memref<256x32xf32, #tpu.memory_space<vmem>>, vector<16xf32>,
          %mul3A_335 = vector.broadcast %squeeze3A_317 : f32 to vector<16xf32>
          %mul3A_336 = arith.mulf %get3A_334, %mul3A_335 : vector<16xf32>
          %swap3A_337 = arith.index_cast %add3A_323 : i32 to index
          %swap3A_338 = arith.constant 16 : index
          %swap3A_339 = tpu.vector_load %arg15[%swap3A_337, %swap3A_338] {strides = array<i32>} : memref<256x32xf32, #tpu.memory_space<vmem>>, vector<16xf32>,
          tpu.vector_store %arg15[%swap3A_337, %swap3A_338], %mul3A_336 {strides = array<i32>} : memref<256x32xf32, #tpu.memory_space<vmem>>, vector<16xf32>,
          %slice3A_340 = vector.extract_strided_slice %get3A_293 {offsets = [2], sizes = [1], strides = [1]} : vector<16xf32> to vector<1xf32>
          %squeeze3A_341 = vector.extract %slice3A_340[0] : f32 from vector<1xf32>
          %mul3A_342 = arith.constant 16 : i32
          %mul3A_343 = arith.muli %scan3A_285, %mul3A_342 : i32
          %add3A_344 = arith.constant 0 : i32
          %add3A_345 = arith.addi %add3A_344, %mul3A_343 : i32
          %add3A_346 = arith.constant 2 : i32
          %add3A_347 = arith.addi %add3A_345, %add3A_346 : i32
          %get3A_348 = arith.index_cast %add3A_347 : i32 to index
          %get3A_349 = arith.constant 0 : index
          %get3A_350 = tpu.vector_load %arg15[%get3A_348, %get3A_349] {strides = array<i32>} : memref<256x32xf32, #tpu.memory_space<vmem>>, vector<16xf32>,
          %mul3A_351 = vector.broadcast %squeeze3A_341 : f32 to vector<16xf32>
          %mul3A_352 = arith.mulf %get3A_350, %mul3A_351 : vector<16xf32>
          %swap3A_353 = arith.index_cast %add3A_347 : i32 to index
          %swap3A_354 = arith.constant 0 : index
          %swap3A_355 = tpu.vector_load %arg15[%swap3A_353, %swap3A_354] {strides = array<i32>} : memref<256x32xf32, #tpu.memory_space<vmem>>, vector<16xf32>,
          tpu.vector_store %arg15[%swap3A_353, %swap3A_354], %mul3A_352 {strides = array<i32>} : memref<256x32xf32, #tpu.memory_space<vmem>>, vector<16xf32>,
          %get3A_356 = arith.index_cast %add3A_347 : i32 to index
          %get3A_357 = arith.constant 16 : index
          %get3A_358 = tpu.vector_load %arg15[%get3A_356, %get3A_357] {strides = array<i32>} : memref<256x32xf32, #tpu.memory_space<vmem>>, vector<16xf32>,
          %mul3A_359 = vector.broadcast %squeeze3A_341 : f32 to vector<16xf32>
          %mul3A_360 = arith.mulf %get3A_358, %mul3A_359 : vector<16xf32>
          %swap3A_361 = arith.index_cast %add3A_347 : i32 to index
          %swap3A_362 = arith.constant 16 : index
          %swap3A_363 = tpu.vector_load %arg15[%swap3A_361, %swap3A_362] {strides = array<i32>} : memref<256x32xf32, #tpu.memory_space<vmem>>, vector<16xf32>,
          tpu.vector_store %arg15[%swap3A_361, %swap3A_362], %mul3A_360 {strides = array<i32>} : memref<256x32xf32, #tpu.memory_space<vmem>>, vector<16xf32>,
          %slice3A_364 = vector.extract_strided_slice %get3A_293 {offsets = [3], sizes = [1], strides = [1]} : vector<16xf32> to vector<1xf32>
          %squeeze3A_365 = vector.extract %slice3A_364[0] : f32 from vector<1xf32>
          %mul3A_366 = arith.constant 16 : i32
          %mul3A_367 = arith.muli %scan3A_285, %mul3A_366 : i32
          %add3A_368 = arith.constant 0 : i32
          %add3A_369 = arith.addi %add3A_368, %mul3A_367 : i32
          %add3A_370 = arith.constant 3 : i32
          %add3A_371 = arith.addi %add3A_369, %add3A_370 : i32
          %get3A_372 = arith.index_cast %add3A_371 : i32 to index
          %get3A_373 = arith.constant 0 : index
          %get3A_374 = tpu.vector_load %arg15[%get3A_372, %get3A_373] {strides = array<i32>} : memref<256x32xf32, #tpu.memory_space<vmem>>, vector<16xf32>,
          %mul3A_375 = vector.broadcast %squeeze3A_365 : f32 to vector<16xf32>
          %mul3A_376 = arith.mulf %get3A_374, %mul3A_375 : vector<16xf32>
          %swap3A_377 = arith.index_cast %add3A_371 : i32 to index
          %swap3A_378 = arith.constant 0 : index
          %swap3A_379 = tpu.vector_load %arg15[%swap3A_377, %swap3A_378] {strides = array<i32>} : memref<256x32xf32, #tpu.memory_space<vmem>>, vector<16xf32>,
          tpu.vector_store %arg15[%swap3A_377, %swap3A_378], %mul3A_376 {strides = array<i32>} : memref<256x32xf32, #tpu.memory_space<vmem>>, vector<16xf32>,
          %get3A_380 = arith.index_cast %add3A_371 : i32 to index
          %get3A_381 = arith.constant 16 : index
          %get3A_382 = tpu.vector_load %arg15[%get3A_380, %get3A_381] {strides = array<i32>} : memref<256x32xf32, #tpu.memory_space<vmem>>, vector<16xf32>,
          %mul3A_383 = vector.broadcast %squeeze3A_365 : f32 to vector<16xf32>
          %mul3A_384 = arith.mulf %get3A_382, %mul3A_383 : vector<16xf32>
          %swap3A_385 = arith.index_cast %add3A_371 : i32 to index
          %swap3A_386 = arith.constant 16 : index
          %swap3A_387 = tpu.vector_load %arg15[%swap3A_385, %swap3A_386] {strides = array<i32>} : memref<256x32xf32, #tpu.memory_space<vmem>>, vector<16xf32>,
          tpu.vector_store %arg15[%swap3A_385, %swap3A_386], %mul3A_384 {strides = array<i32>} : memref<256x32xf32, #tpu.memory_space<vmem>>, vector<16xf32>,
          %slice3A_388 = vector.extract_strided_slice %get3A_293 {offsets = [4], sizes = [1], strides = [1]} : vector<16xf32> to vector<1xf32>
          %squeeze3A_389 = vector.extract %slice3A_388[0] : f32 from vector<1xf32>
          %mul3A_390 = arith.constant 16 : i32
          %mul3A_391 = arith.muli %scan3A_285, %mul3A_390 : i32
          %add3A_392 = arith.constant 0 : i32
          %add3A_393 = arith.addi %add3A_392, %mul3A_391 : i32
          %add3A_394 = arith.constant 4 : i32
          %add3A_395 = arith.addi %add3A_393, %add3A_394 : i32
          %get3A_396 = arith.index_cast %add3A_395 : i32 to index
          %get3A_397 = arith.constant 0 : index
          %get3A_398 = tpu.vector_load %arg15[%get3A_396, %get3A_397] {strides = array<i32>} : memref<256x32xf32, #tpu.memory_space<vmem>>, vector<16xf32>,
          %mul3A_399 = vector.broadcast %squeeze3A_389 : f32 to vector<16xf32>
          %mul3A_400 = arith.mulf %get3A_398, %mul3A_399 : vector<16xf32>
          %swap3A_401 = arith.index_cast %add3A_395 : i32 to index
          %swap3A_402 = arith.constant 0 : index
          %swap3A_403 = tpu.vector_load %arg15[%swap3A_401, %swap3A_402] {strides = array<i32>} : memref<256x32xf32, #tpu.memory_space<vmem>>, vector<16xf32>,
          tpu.vector_store %arg15[%swap3A_401, %swap3A_402], %mul3A_400 {strides = array<i32>} : memref<256x32xf32, #tpu.memory_space<vmem>>, vector<16xf32>,
          %get3A_404 = arith.index_cast %add3A_395 : i32 to index
          %get3A_405 = arith.constant 16 : index
          %get3A_406 = tpu.vector_load %arg15[%get3A_404, %get3A_405] {strides = array<i32>} : memref<256x32xf32, #tpu.memory_space<vmem>>, vector<16xf32>,
          %mul3A_407 = vector.broadcast %squeeze3A_389 : f32 to vector<16xf32>
          %mul3A_408 = arith.mulf %get3A_406, %mul3A_407 : vector<16xf32>
          %swap3A_409 = arith.index_cast %add3A_395 : i32 to index
          %swap3A_410 = arith.constant 16 : index
          %swap3A_411 = tpu.vector_load %arg15[%swap3A_409, %swap3A_410] {strides = array<i32>} : memref<256x32xf32, #tpu.memory_space<vmem>>, vector<16xf32>,
          tpu.vector_store %arg15[%swap3A_409, %swap3A_410], %mul3A_408 {strides = array<i32>} : memref<256x32xf32, #tpu.memory_space<vmem>>, vector<16xf32>,
          %slice3A_412 = vector.extract_strided_slice %get3A_293 {offsets = [5], sizes = [1], strides = [1]} : vector<16xf32> to vector<1xf32>
          %squeeze3A_413 = vector.extract %slice3A_412[0] : f32 from vector<1xf32>
          %mul3A_414 = arith.constant 16 : i32
          %mul3A_415 = arith.muli %scan3A_285, %mul3A_414 : i32
          %add3A_416 = arith.constant 0 : i32
          %add3A_417 = arith.addi %add3A_416, %mul3A_415 : i32
          %add3A_418 = arith.constant 5 : i32
          %add3A_419 = arith.addi %add3A_417, %add3A_418 : i32
          %get3A_420 = arith.index_cast %add3A_419 : i32 to index
          %get3A_421 = arith.constant 0 : index
          %get3A_422 = tpu.vector_load %arg15[%get3A_420, %get3A_421] {strides = array<i32>} : memref<256x32xf32, #tpu.memory_space<vmem>>, vector<16xf32>,
          %mul3A_423 = vector.broadcast %squeeze3A_413 : f32 to vector<16xf32>
          %mul3A_424 = arith.mulf %get3A_422, %mul3A_423 : vector<16xf32>
          %swap3A_425 = arith.index_cast %add3A_419 : i32 to index
          %swap3A_426 = arith.constant 0 : index
          %swap3A_427 = tpu.vector_load %arg15[%swap3A_425, %swap3A_426] {strides = array<i32>} : memref<256x32xf32, #tpu.memory_space<vmem>>, vector<16xf32>,
          tpu.vector_store %arg15[%swap3A_425, %swap3A_426], %mul3A_424 {strides = array<i32>} : memref<256x32xf32, #tpu.memory_space<vmem>>, vector<16xf32>,
          %get3A_428 = arith.index_cast %add3A_419 : i32 to index
          %get3A_429 = arith.constant 16 : index
          %get3A_430 = tpu.vector_load %arg15[%get3A_428, %get3A_429] {strides = array<i32>} : memref<256x32xf32, #tpu.memory_space<vmem>>, vector<16xf32>,
          %mul3A_431 = vector.broadcast %squeeze3A_413 : f32 to vector<16xf32>
          %mul3A_432 = arith.mulf %get3A_430, %mul3A_431 : vector<16xf32>
          %swap3A_433 = arith.index_cast %add3A_419 : i32 to index
          %swap3A_434 = arith.constant 16 : index
          %swap3A_435 = tpu.vector_load %arg15[%swap3A_433, %swap3A_434] {strides = array<i32>} : memref<256x32xf32, #tpu.memory_space<vmem>>, vector<16xf32>,
          tpu.vector_store %arg15[%swap3A_433, %swap3A_434], %mul3A_432 {strides = array<i32>} : memref<256x32xf32, #tpu.memory_space<vmem>>, vector<16xf32>,
          %slice3A_436 = vector.extract_strided_slice %get3A_293 {offsets = [6], sizes = [1], strides = [1]} : vector<16xf32> to vector<1xf32>
          %squeeze3A_437 = vector.extract %slice3A_436[0] : f32 from vector<1xf32>
          %mul3A_438 = arith.constant 16 : i32
          %mul3A_439 = arith.muli %scan3A_285, %mul3A_438 : i32
          %add3A_440 = arith.constant 0 : i32
          %add3A_441 = arith.addi %add3A_440, %mul3A_439 : i32
          %add3A_442 = arith.constant 6 : i32
          %add3A_443 = arith.addi %add3A_441, %add3A_442 : i32
          %get3A_444 = arith.index_cast %add3A_443 : i32 to index
          %get3A_445 = arith.constant 0 : index
          %get3A_446 = tpu.vector_load %arg15[%get3A_444, %get3A_445] {strides = array<i32>} : memref<256x32xf32, #tpu.memory_space<vmem>>, vector<16xf32>,
          %mul3A_447 = vector.broadcast %squeeze3A_437 : f32 to vector<16xf32>
          %mul3A_448 = arith.mulf %get3A_446, %mul3A_447 : vector<16xf32>
          %swap3A_449 = arith.index_cast %add3A_443 : i32 to index
          %swap3A_450 = arith.constant 0 : index
          %swap3A_451 = tpu.vector_load %arg15[%swap3A_449, %swap3A_450] {strides = array<i32>} : memref<256x32xf32, #tpu.memory_space<vmem>>, vector<16xf32>,
          tpu.vector_store %arg15[%swap3A_449, %swap3A_450], %mul3A_448 {strides = array<i32>} : memref<256x32xf32, #tpu.memory_space<vmem>>, vector<16xf32>,
          %get3A_452 = arith.index_cast %add3A_443 : i32 to index
          %get3A_453 = arith.constant 16 : index
          %get3A_454 = tpu.vector_load %arg15[%get3A_452, %get3A_453] {strides = array<i32>} : memref<256x32xf32, #tpu.memory_space<vmem>>, vector<16xf32>,
          %mul3A_455 = vector.broadcast %squeeze3A_437 : f32 to vector<16xf32>
          %mul3A_456 = arith.mulf %get3A_454, %mul3A_455 : vector<16xf32>
          %swap3A_457 = arith.index_cast %add3A_443 : i32 to index
          %swap3A_458 = arith.constant 16 : index
          %swap3A_459 = tpu.vector_load %arg15[%swap3A_457, %swap3A_458] {strides = array<i32>} : memref<256x32xf32, #tpu.memory_space<vmem>>, vector<16xf32>,
          tpu.vector_store %arg15[%swap3A_457, %swap3A_458], %mul3A_456 {strides = array<i32>} : memref<256x32xf32, #tpu.memory_space<vmem>>, vector<16xf32>,
          %slice3A_460 = vector.extract_strided_slice %get3A_293 {offsets = [7], sizes = [1], strides = [1]} : vector<16xf32> to vector<1xf32>
          %squeeze3A_461 = vector.extract %slice3A_460[0] : f32 from vector<1xf32>
          %mul3A_462 = arith.constant 16 : i32
          %mul3A_463 = arith.muli %scan3A_285, %mul3A_462 : i32
          %add3A_464 = arith.constant 0 : i32
          %add3A_465 = arith.addi %add3A_464, %mul3A_463 : i32
          %add3A_466 = arith.constant 7 : i32
          %add3A_467 = arith.addi %add3A_465, %add3A_466 : i32
          %get3A_468 = arith.index_cast %add3A_467 : i32 to index
          %get3A_469 = arith.constant 0 : index
          %get3A_470 = tpu.vector_load %arg15[%get3A_468, %get3A_469] {strides = array<i32>} : memref<256x32xf32, #tpu.memory_space<vmem>>, vector<16xf32>,
          %mul3A_471 = vector.broadcast %squeeze3A_461 : f32 to vector<16xf32>
          %mul3A_472 = arith.mulf %get3A_470, %mul3A_471 : vector<16xf32>
          %swap3A_473 = arith.index_cast %add3A_467 : i32 to index
          %swap3A_474 = arith.constant 0 : index
          %swap3A_475 = tpu.vector_load %arg15[%swap3A_473, %swap3A_474] {strides = array<i32>} : memref<256x32xf32, #tpu.memory_space<vmem>>, vector<16xf32>,
          tpu.vector_store %arg15[%swap3A_473, %swap3A_474], %mul3A_472 {strides = array<i32>} : memref<256x32xf32, #tpu.memory_space<vmem>>, vector<16xf32>,
          %get3A_476 = arith.index_cast %add3A_467 : i32 to index
          %get3A_477 = arith.constant 16 : index
          %get3A_478 = tpu.vector_load %arg15[%get3A_476, %get3A_477] {strides = array<i32>} : memref<256x32xf32, #tpu.memory_space<vmem>>, vector<16xf32>,
          %mul3A_479 = vector.broadcast %squeeze3A_461 : f32 to vector<16xf32>
          %mul3A_480 = arith.mulf %get3A_478, %mul3A_479 : vector<16xf32>
          %swap3A_481 = arith.index_cast %add3A_467 : i32 to index
          %swap3A_482 = arith.constant 16 : index
          %swap3A_483 = tpu.vector_load %arg15[%swap3A_481, %swap3A_482] {strides = array<i32>} : memref<256x32xf32, #tpu.memory_space<vmem>>, vector<16xf32>,
          tpu.vector_store %arg15[%swap3A_481, %swap3A_482], %mul3A_480 {strides = array<i32>} : memref<256x32xf32, #tpu.memory_space<vmem>>, vector<16xf32>,
          %slice3A_484 = vector.extract_strided_slice %get3A_293 {offsets = [8], sizes = [1], strides = [1]} : vector<16xf32> to vector<1xf32>
          %squeeze3A_485 = vector.extract %slice3A_484[0] : f32 from vector<1xf32>
          %mul3A_486 = arith.constant 16 : i32
          %mul3A_487 = arith.muli %scan3A_285, %mul3A_486 : i32
          %add3A_488 = arith.constant 0 : i32
          %add3A_489 = arith.addi %add3A_488, %mul3A_487 : i32
          %add3A_490 = arith.constant 8 : i32
          %add3A_491 = arith.addi %add3A_489, %add3A_490 : i32
          %get3A_492 = arith.index_cast %add3A_491 : i32 to index
          %get3A_493 = arith.constant 0 : index
          %get3A_494 = tpu.vector_load %arg15[%get3A_492, %get3A_493] {strides = array<i32>} : memref<256x32xf32, #tpu.memory_space<vmem>>, vector<16xf32>,
          %mul3A_495 = vector.broadcast %squeeze3A_485 : f32 to vector<16xf32>
          %mul3A_496 = arith.mulf %get3A_494, %mul3A_495 : vector<16xf32>
          %swap3A_497 = arith.index_cast %add3A_491 : i32 to index
          %swap3A_498 = arith.constant 0 : index
          %swap3A_499 = tpu.vector_load %arg15[%swap3A_497, %swap3A_498] {strides = array<i32>} : memref<256x32xf32, #tpu.memory_space<vmem>>, vector<16xf32>,
          tpu.vector_store %arg15[%swap3A_497, %swap3A_498], %mul3A_496 {strides = array<i32>} : memref<256x32xf32, #tpu.memory_space<vmem>>, vector<16xf32>,
          %get3A_500 = arith.index_cast %add3A_491 : i32 to index
          %get3A_501 = arith.constant 16 : index
          %get3A_502 = tpu.vector_load %arg15[%get3A_500, %get3A_501] {strides = array<i32>} : memref<256x32xf32, #tpu.memory_space<vmem>>, vector<16xf32>,
          %mul3A_503 = vector.broadcast %squeeze3A_485 : f32 to vector<16xf32>
          %mul3A_504 = arith.mulf %get3A_502, %mul3A_503 : vector<16xf32>
          %swap3A_505 = arith.index_cast %add3A_491 : i32 to index
          %swap3A_506 = arith.constant 16 : index
          %swap3A_507 = tpu.vector_load %arg15[%swap3A_505, %swap3A_506] {strides = array<i32>} : memref<256x32xf32, #tpu.memory_space<vmem>>, vector<16xf32>,
          tpu.vector_store %arg15[%swap3A_505, %swap3A_506], %mul3A_504 {strides = array<i32>} : memref<256x32xf32, #tpu.memory_space<vmem>>, vector<16xf32>,
          %slice3A_508 = vector.extract_strided_slice %get3A_293 {offsets = [9], sizes = [1], strides = [1]} : vector<16xf32> to vector<1xf32>
          %squeeze3A_509 = vector.extract %slice3A_508[0] : f32 from vector<1xf32>
          %mul3A_510 = arith.constant 16 : i32
          %mul3A_511 = arith.muli %scan3A_285, %mul3A_510 : i32
          %add3A_512 = arith.constant 0 : i32
          %add3A_513 = arith.addi %add3A_512, %mul3A_511 : i32
          %add3A_514 = arith.constant 9 : i32
          %add3A_515 = arith.addi %add3A_513, %add3A_514 : i32
          %get3A_516 = arith.index_cast %add3A_515 : i32 to index
          %get3A_517 = arith.constant 0 : index
          %get3A_518 = tpu.vector_load %arg15[%get3A_516, %get3A_517] {strides = array<i32>} : memref<256x32xf32, #tpu.memory_space<vmem>>, vector<16xf32>,
          %mul3A_519 = vector.broadcast %squeeze3A_509 : f32 to vector<16xf32>
          %mul3A_520 = arith.mulf %get3A_518, %mul3A_519 : vector<16xf32>
          %swap3A_521 = arith.index_cast %add3A_515 : i32 to index
          %swap3A_522 = arith.constant 0 : index
          %swap3A_523 = tpu.vector_load %arg15[%swap3A_521, %swap3A_522] {strides = array<i32>} : memref<256x32xf32, #tpu.memory_space<vmem>>, vector<16xf32>,
          tpu.vector_store %arg15[%swap3A_521, %swap3A_522], %mul3A_520 {strides = array<i32>} : memref<256x32xf32, #tpu.memory_space<vmem>>, vector<16xf32>,
          %get3A_524 = arith.index_cast %add3A_515 : i32 to index
          %get3A_525 = arith.constant 16 : index
          %get3A_526 = tpu.vector_load %arg15[%get3A_524, %get3A_525] {strides = array<i32>} : memref<256x32xf32, #tpu.memory_space<vmem>>, vector<16xf32>,
          %mul3A_527 = vector.broadcast %squeeze3A_509 : f32 to vector<16xf32>
          %mul3A_528 = arith.mulf %get3A_526, %mul3A_527 : vector<16xf32>
          %swap3A_529 = arith.index_cast %add3A_515 : i32 to index
          %swap3A_530 = arith.constant 16 : index
          %swap3A_531 = tpu.vector_load %arg15[%swap3A_529, %swap3A_530] {strides = array<i32>} : memref<256x32xf32, #tpu.memory_space<vmem>>, vector<16xf32>,
          tpu.vector_store %arg15[%swap3A_529, %swap3A_530], %mul3A_528 {strides = array<i32>} : memref<256x32xf32, #tpu.memory_space<vmem>>, vector<16xf32>,
          %slice3A_532 = vector.extract_strided_slice %get3A_293 {offsets = [10], sizes = [1], strides = [1]} : vector<16xf32> to vector<1xf32>
          %squeeze3A_533 = vector.extract %slice3A_532[0] : f32 from vector<1xf32>
          %mul3A_534 = arith.constant 16 : i32
          %mul3A_535 = arith.muli %scan3A_285, %mul3A_534 : i32
          %add3A_536 = arith.constant 0 : i32
          %add3A_537 = arith.addi %add3A_536, %mul3A_535 : i32
          %add3A_538 = arith.constant 10 : i32
          %add3A_539 = arith.addi %add3A_537, %add3A_538 : i32
          %get3A_540 = arith.index_cast %add3A_539 : i32 to index
          %get3A_541 = arith.constant 0 : index
          %get3A_542 = tpu.vector_load %arg15[%get3A_540, %get3A_541] {strides = array<i32>} : memref<256x32xf32, #tpu.memory_space<vmem>>, vector<16xf32>,
          %mul3A_543 = vector.broadcast %squeeze3A_533 : f32 to vector<16xf32>
          %mul3A_544 = arith.mulf %get3A_542, %mul3A_543 : vector<16xf32>
          %swap3A_545 = arith.index_cast %add3A_539 : i32 to index
          %swap3A_546 = arith.constant 0 : index
          %swap3A_547 = tpu.vector_load %arg15[%swap3A_545, %swap3A_546] {strides = array<i32>} : memref<256x32xf32, #tpu.memory_space<vmem>>, vector<16xf32>,
          tpu.vector_store %arg15[%swap3A_545, %swap3A_546], %mul3A_544 {strides = array<i32>} : memref<256x32xf32, #tpu.memory_space<vmem>>, vector<16xf32>,
          %get3A_548 = arith.index_cast %add3A_539 : i32 to index
          %get3A_549 = arith.constant 16 : index
          %get3A_550 = tpu.vector_load %arg15[%get3A_548, %get3A_549] {strides = array<i32>} : memref<256x32xf32, #tpu.memory_space<vmem>>, vector<16xf32>,
          %mul3A_551 = vector.broadcast %squeeze3A_533 : f32 to vector<16xf32>
          %mul3A_552 = arith.mulf %get3A_550, %mul3A_551 : vector<16xf32>
          %swap3A_553 = arith.index_cast %add3A_539 : i32 to index
          %swap3A_554 = arith.constant 16 : index
          %swap3A_555 = tpu.vector_load %arg15[%swap3A_553, %swap3A_554] {strides = array<i32>} : memref<256x32xf32, #tpu.memory_space<vmem>>, vector<16xf32>,
          tpu.vector_store %arg15[%swap3A_553, %swap3A_554], %mul3A_552 {strides = array<i32>} : memref<256x32xf32, #tpu.memory_space<vmem>>, vector<16xf32>,
          %slice3A_556 = vector.extract_strided_slice %get3A_293 {offsets = [11], sizes = [1], strides = [1]} : vector<16xf32> to vector<1xf32>
          %squeeze3A_557 = vector.extract %slice3A_556[0] : f32 from vector<1xf32>
          %mul3A_558 = arith.constant 16 : i32
          %mul3A_559 = arith.muli %scan3A_285, %mul3A_558 : i32
          %add3A_560 = arith.constant 0 : i32
          %add3A_561 = arith.addi %add3A_560, %mul3A_559 : i32
          %add3A_562 = arith.constant 11 : i32
          %add3A_563 = arith.addi %add3A_561, %add3A_562 : i32
          %get3A_564 = arith.index_cast %add3A_563 : i32 to index
          %get3A_565 = arith.constant 0 : index
          %get3A_566 = tpu.vector_load %arg15[%get3A_564, %get3A_565] {strides = array<i32>} : memref<256x32xf32, #tpu.memory_space<vmem>>, vector<16xf32>,
          %mul3A_567 = vector.broadcast %squeeze3A_557 : f32 to vector<16xf32>
          %mul3A_568 = arith.mulf %get3A_566, %mul3A_567 : vector<16xf32>
          %swap3A_569 = arith.index_cast %add3A_563 : i32 to index
          %swap3A_570 = arith.constant 0 : index
          %swap3A_571 = tpu.vector_load %arg15[%swap3A_569, %swap3A_570] {strides = array<i32>} : memref<256x32xf32, #tpu.memory_space<vmem>>, vector<16xf32>,
          tpu.vector_store %arg15[%swap3A_569, %swap3A_570], %mul3A_568 {strides = array<i32>} : memref<256x32xf32, #tpu.memory_space<vmem>>, vector<16xf32>,
          %get3A_572 = arith.index_cast %add3A_563 : i32 to index
          %get3A_573 = arith.constant 16 : index
          %get3A_574 = tpu.vector_load %arg15[%get3A_572, %get3A_573] {strides = array<i32>} : memref<256x32xf32, #tpu.memory_space<vmem>>, vector<16xf32>,
          %mul3A_575 = vector.broadcast %squeeze3A_557 : f32 to vector<16xf32>
          %mul3A_576 = arith.mulf %get3A_574, %mul3A_575 : vector<16xf32>
          %swap3A_577 = arith.index_cast %add3A_563 : i32 to index
          %swap3A_578 = arith.constant 16 : index
          %swap3A_579 = tpu.vector_load %arg15[%swap3A_577, %swap3A_578] {strides = array<i32>} : memref<256x32xf32, #tpu.memory_space<vmem>>, vector<16xf32>,
          tpu.vector_store %arg15[%swap3A_577, %swap3A_578], %mul3A_576 {strides = array<i32>} : memref<256x32xf32, #tpu.memory_space<vmem>>, vector<16xf32>,
          %slice3A_580 = vector.extract_strided_slice %get3A_293 {offsets = [12], sizes = [1], strides = [1]} : vector<16xf32> to vector<1xf32>
          %squeeze3A_581 = vector.extract %slice3A_580[0] : f32 from vector<1xf32>
          %mul3A_582 = arith.constant 16 : i32
          %mul3A_583 = arith.muli %scan3A_285, %mul3A_582 : i32
          %add3A_584 = arith.constant 0 : i32
          %add3A_585 = arith.addi %add3A_584, %mul3A_583 : i32
          %add3A_586 = arith.constant 12 : i32
          %add3A_587 = arith.addi %add3A_585, %add3A_586 : i32
          %get3A_588 = arith.index_cast %add3A_587 : i32 to index
          %get3A_589 = arith.constant 0 : index
          %get3A_590 = tpu.vector_load %arg15[%get3A_588, %get3A_589] {strides = array<i32>} : memref<256x32xf32, #tpu.memory_space<vmem>>, vector<16xf32>,
          %mul3A_591 = vector.broadcast %squeeze3A_581 : f32 to vector<16xf32>
          %mul3A_592 = arith.mulf %get3A_590, %mul3A_591 : vector<16xf32>
          %swap3A_593 = arith.index_cast %add3A_587 : i32 to index
          %swap3A_594 = arith.constant 0 : index
          %swap3A_595 = tpu.vector_load %arg15[%swap3A_593, %swap3A_594] {strides = array<i32>} : memref<256x32xf32, #tpu.memory_space<vmem>>, vector<16xf32>,
          tpu.vector_store %arg15[%swap3A_593, %swap3A_594], %mul3A_592 {strides = array<i32>} : memref<256x32xf32, #tpu.memory_space<vmem>>, vector<16xf32>,
          %get3A_596 = arith.index_cast %add3A_587 : i32 to index
          %get3A_597 = arith.constant 16 : index
          %get3A_598 = tpu.vector_load %arg15[%get3A_596, %get3A_597] {strides = array<i32>} : memref<256x32xf32, #tpu.memory_space<vmem>>, vector<16xf32>,
          %mul3A_599 = vector.broadcast %squeeze3A_581 : f32 to vector<16xf32>
          %mul3A_600 = arith.mulf %get3A_598, %mul3A_599 : vector<16xf32>
          %swap3A_601 = arith.index_cast %add3A_587 : i32 to index
          %swap3A_602 = arith.constant 16 : index
          %swap3A_603 = tpu.vector_load %arg15[%swap3A_601, %swap3A_602] {strides = array<i32>} : memref<256x32xf32, #tpu.memory_space<vmem>>, vector<16xf32>,
          tpu.vector_store %arg15[%swap3A_601, %swap3A_602], %mul3A_600 {strides = array<i32>} : memref<256x32xf32, #tpu.memory_space<vmem>>, vector<16xf32>,
          %slice3A_604 = vector.extract_strided_slice %get3A_293 {offsets = [13], sizes = [1], strides = [1]} : vector<16xf32> to vector<1xf32>
          %squeeze3A_605 = vector.extract %slice3A_604[0] : f32 from vector<1xf32>
          %mul3A_606 = arith.constant 16 : i32
          %mul3A_607 = arith.muli %scan3A_285, %mul3A_606 : i32
          %add3A_608 = arith.constant 0 : i32
          %add3A_609 = arith.addi %add3A_608, %mul3A_607 : i32
          %add3A_610 = arith.constant 13 : i32
          %add3A_611 = arith.addi %add3A_609, %add3A_610 : i32
          %get3A_612 = arith.index_cast %add3A_611 : i32 to index
          %get3A_613 = arith.constant 0 : index
          %get3A_614 = tpu.vector_load %arg15[%get3A_612, %get3A_613] {strides = array<i32>} : memref<256x32xf32, #tpu.memory_space<vmem>>, vector<16xf32>,
          %mul3A_615 = vector.broadcast %squeeze3A_605 : f32 to vector<16xf32>
          %mul3A_616 = arith.mulf %get3A_614, %mul3A_615 : vector<16xf32>
          %swap3A_617 = arith.index_cast %add3A_611 : i32 to index
          %swap3A_618 = arith.constant 0 : index
          %swap3A_619 = tpu.vector_load %arg15[%swap3A_617, %swap3A_618] {strides = array<i32>} : memref<256x32xf32, #tpu.memory_space<vmem>>, vector<16xf32>,
          tpu.vector_store %arg15[%swap3A_617, %swap3A_618], %mul3A_616 {strides = array<i32>} : memref<256x32xf32, #tpu.memory_space<vmem>>, vector<16xf32>,
          %get3A_620 = arith.index_cast %add3A_611 : i32 to index
          %get3A_621 = arith.constant 16 : index
          %get3A_622 = tpu.vector_load %arg15[%get3A_620, %get3A_621] {strides = array<i32>} : memref<256x32xf32, #tpu.memory_space<vmem>>, vector<16xf32>,
          %mul3A_623 = vector.broadcast %squeeze3A_605 : f32 to vector<16xf32>
          %mul3A_624 = arith.mulf %get3A_622, %mul3A_623 : vector<16xf32>
          %swap3A_625 = arith.index_cast %add3A_611 : i32 to index
          %swap3A_626 = arith.constant 16 : index
          %swap3A_627 = tpu.vector_load %arg15[%swap3A_625, %swap3A_626] {strides = array<i32>} : memref<256x32xf32, #tpu.memory_space<vmem>>, vector<16xf32>,
          tpu.vector_store %arg15[%swap3A_625, %swap3A_626], %mul3A_624 {strides = array<i32>} : memref<256x32xf32, #tpu.memory_space<vmem>>, vector<16xf32>,
          %slice3A_628 = vector.extract_strided_slice %get3A_293 {offsets = [14], sizes = [1], strides = [1]} : vector<16xf32> to vector<1xf32>
          %squeeze3A_629 = vector.extract %slice3A_628[0] : f32 from vector<1xf32>
          %mul3A_630 = arith.constant 16 : i32
          %mul3A_631 = arith.muli %scan3A_285, %mul3A_630 : i32
          %add3A_632 = arith.constant 0 : i32
          %add3A_633 = arith.addi %add3A_632, %mul3A_631 : i32
          %add3A_634 = arith.constant 14 : i32
          %add3A_635 = arith.addi %add3A_633, %add3A_634 : i32
          %get3A_636 = arith.index_cast %add3A_635 : i32 to index
          %get3A_637 = arith.constant 0 : index
          %get3A_638 = tpu.vector_load %arg15[%get3A_636, %get3A_637] {strides = array<i32>} : memref<256x32xf32, #tpu.memory_space<vmem>>, vector<16xf32>,
          %mul3A_639 = vector.broadcast %squeeze3A_629 : f32 to vector<16xf32>
          %mul3A_640 = arith.mulf %get3A_638, %mul3A_639 : vector<16xf32>
          %swap3A_641 = arith.index_cast %add3A_635 : i32 to index
          %swap3A_642 = arith.constant 0 : index
          %swap3A_643 = tpu.vector_load %arg15[%swap3A_641, %swap3A_642] {strides = array<i32>} : memref<256x32xf32, #tpu.memory_space<vmem>>, vector<16xf32>,
          tpu.vector_store %arg15[%swap3A_641, %swap3A_642], %mul3A_640 {strides = array<i32>} : memref<256x32xf32, #tpu.memory_space<vmem>>, vector<16xf32>,
          %get3A_644 = arith.index_cast %add3A_635 : i32 to index
          %get3A_645 = arith.constant 16 : index
          %get3A_646 = tpu.vector_load %arg15[%get3A_644, %get3A_645] {strides = array<i32>} : memref<256x32xf32, #tpu.memory_space<vmem>>, vector<16xf32>,
          %mul3A_647 = vector.broadcast %squeeze3A_629 : f32 to vector<16xf32>
          %mul3A_648 = arith.mulf %get3A_646, %mul3A_647 : vector<16xf32>
          %swap3A_649 = arith.index_cast %add3A_635 : i32 to index
          %swap3A_650 = arith.constant 16 : index
          %swap3A_651 = tpu.vector_load %arg15[%swap3A_649, %swap3A_650] {strides = array<i32>} : memref<256x32xf32, #tpu.memory_space<vmem>>, vector<16xf32>,
          tpu.vector_store %arg15[%swap3A_649, %swap3A_650], %mul3A_648 {strides = array<i32>} : memref<256x32xf32, #tpu.memory_space<vmem>>, vector<16xf32>,
          %slice3A_652 = vector.extract_strided_slice %get3A_293 {offsets = [15], sizes = [1], strides = [1]} : vector<16xf32> to vector<1xf32>
          %squeeze3A_653 = vector.extract %slice3A_652[0] : f32 from vector<1xf32>
          %mul3A_654 = arith.constant 16 : i32
          %mul3A_655 = arith.muli %scan3A_285, %mul3A_654 : i32
          %add3A_656 = arith.constant 0 : i32
          %add3A_657 = arith.addi %add3A_656, %mul3A_655 : i32
          %add3A_658 = arith.constant 15 : i32
          %add3A_659 = arith.addi %add3A_657, %add3A_658 : i32
          %get3A_660 = arith.index_cast %add3A_659 : i32 to index
          %get3A_661 = arith.constant 0 : index
          %get3A_662 = tpu.vector_load %arg15[%get3A_660, %get3A_661] {strides = array<i32>} : memref<256x32xf32, #tpu.memory_space<vmem>>, vector<16xf32>,
          %mul3A_663 = vector.broadcast %squeeze3A_653 : f32 to vector<16xf32>
          %mul3A_664 = arith.mulf %get3A_662, %mul3A_663 : vector<16xf32>
          %swap3A_665 = arith.index_cast %add3A_659 : i32 to index
          %swap3A_666 = arith.constant 0 : index
          %swap3A_667 = tpu.vector_load %arg15[%swap3A_665, %swap3A_666] {strides = array<i32>} : memref<256x32xf32, #tpu.memory_space<vmem>>, vector<16xf32>,
          tpu.vector_store %arg15[%swap3A_665, %swap3A_666], %mul3A_664 {strides = array<i32>} : memref<256x32xf32, #tpu.memory_space<vmem>>, vector<16xf32>,
          %get3A_668 = arith.index_cast %add3A_659 : i32 to index
          %get3A_669 = arith.constant 16 : index
          %get3A_670 = tpu.vector_load %arg15[%get3A_668, %get3A_669] {strides = array<i32>} : memref<256x32xf32, #tpu.memory_space<vmem>>, vector<16xf32>,
          %mul3A_671 = vector.broadcast %squeeze3A_653 : f32 to vector<16xf32>
          %mul3A_672 = arith.mulf %get3A_670, %mul3A_671 : vector<16xf32>
          %swap3A_673 = arith.index_cast %add3A_659 : i32 to index
          %swap3A_674 = arith.constant 16 : index
          %swap3A_675 = tpu.vector_load %arg15[%swap3A_673, %swap3A_674] {strides = array<i32>} : memref<256x32xf32, #tpu.memory_space<vmem>>, vector<16xf32>,
          tpu.vector_store %arg15[%swap3A_673, %swap3A_674], %mul3A_672 {strides = array<i32>} : memref<256x32xf32, #tpu.memory_space<vmem>>, vector<16xf32>,
        }
        %scan3A_201 = arith.constant 8 : i32
        %mul3A_202 = arith.constant 256 : i32
        %mul3A_203 = arith.muli %mul3A_174, %mul3A_202 : i32
        %dma_start3A_204 = arith.constant 0 : i32
        %dma_start3A_205 = arith.constant 0 : i32
        %dma_start3A_206 = tpu.memref_slice %arg15[%dma_start3A_204, %dma_start3A_205] : memref<256x32xf32, #tpu.memory_space<vmem>> -> memref<128x32xf32, #tpu.memory_space<vmem>>
        %dma_start3A_207 = tpu.memref_slice %arg10[%mul3A_203] : memref<20480xi32, #tpu.memory_space<vmem>> -> memref<128xi32, #tpu.memory_space<vmem>>
        %dma_start3A_208 = arith.constant 0 : i32
        %dma_start3A_209 = arith.constant 0 : i32
        %dma_start3A_210 = tpu.memref_slice %arg19[%dma_start3A_208, %dma_start3A_209] : memref<10016x32xf32, #tpu.memory_space<vmem_shared>> -> memref<10016x32xf32, #tpu.memory_space<vmem_shared>>
        tpu.enqueue_indirect_dma source(%dma_start3A_206 : memref<128x32xf32, #tpu.memory_space<vmem>>) target(%dma_start3A_210 : memref<10016x32xf32, #tpu.memory_space<vmem_shared>>) offsets(%dma_start3A_207 : memref<128xi32, #tpu.memory_space<vmem>>) semaphore(%arg24 : memref<!tpu.dma_semaphore, #tpu.memory_space<semaphore_mem>>) {add = true}
        %scan3A_211 = arith.constant 0 : i32
        %scan3A_212 = arith.constant 0 : i32
        %scan3A_213 = arith.constant 8 : i32
        %scan3A_214 = arith.addi %scan3A_212, %scan3A_213 : i32
        %scan3A_215 = arith.constant 1 : i32
        scf.for %scan3A_285 = %scan3A_212 to %scan3A_214 step %scan3A_215  : i32 {
          %mul3A_286 = arith.constant 256 : i32
          %mul3A_287 = arith.muli %mul3A_174, %mul3A_286 : i32
          %add3A_288 = arith.constant 128 : i32
          %add3A_289 = arith.addi %mul3A_287, %add3A_288 : i32
          %mul3A_290 = arith.constant 16 : i32
          %mul3A_291 = arith.muli %scan3A_285, %mul3A_290 : i32
          %add3A_292 = arith.addi %add3A_289, %mul3A_291 : i32
          %get3A = arith.index_cast %add3A_292 : i32 to index
          %get3A_293 = tpu.vector_load %arg11[%get3A] {strides = array<i32>} : memref<20480xf32, #tpu.memory_space<vmem>>, vector<16xf32>,
          %slice3A = vector.extract_strided_slice %get3A_293 {offsets = [0], sizes = [1], strides = [1]} : vector<16xf32> to vector<1xf32>
          %squeeze3A = vector.extract %slice3A[0] : f32 from vector<1xf32>
          %mul3A_294 = arith.constant 16 : i32
          %mul3A_295 = arith.muli %scan3A_285, %mul3A_294 : i32
          %add3A_296 = arith.constant 128 : i32
          %add3A_297 = arith.addi %add3A_296, %mul3A_295 : i32
          %add3A_298 = arith.constant 0 : i32
          %add3A_299 = arith.addi %add3A_297, %add3A_298 : i32
          %get3A_300 = arith.index_cast %add3A_299 : i32 to index
          %get3A_301 = arith.constant 0 : index
          %get3A_302 = tpu.vector_load %arg15[%get3A_300, %get3A_301] {strides = array<i32>} : memref<256x32xf32, #tpu.memory_space<vmem>>, vector<16xf32>,
          %mul3A_303 = vector.broadcast %squeeze3A : f32 to vector<16xf32>
          %mul3A_304 = arith.mulf %get3A_302, %mul3A_303 : vector<16xf32>
          %swap3A_305 = arith.index_cast %add3A_299 : i32 to index
          %swap3A_306 = arith.constant 0 : index
          %swap3A_307 = tpu.vector_load %arg15[%swap3A_305, %swap3A_306] {strides = array<i32>} : memref<256x32xf32, #tpu.memory_space<vmem>>, vector<16xf32>,
          tpu.vector_store %arg15[%swap3A_305, %swap3A_306], %mul3A_304 {strides = array<i32>} : memref<256x32xf32, #tpu.memory_space<vmem>>, vector<16xf32>,
          %get3A_308 = arith.index_cast %add3A_299 : i32 to index
          %get3A_309 = arith.constant 16 : index
          %get3A_310 = tpu.vector_load %arg15[%get3A_308, %get3A_309] {strides = array<i32>} : memref<256x32xf32, #tpu.memory_space<vmem>>, vector<16xf32>,
          %mul3A_311 = vector.broadcast %squeeze3A : f32 to vector<16xf32>
          %mul3A_312 = arith.mulf %get3A_310, %mul3A_311 : vector<16xf32>
          %swap3A_313 = arith.index_cast %add3A_299 : i32 to index
          %swap3A_314 = arith.constant 16 : index
          %swap3A_315 = tpu.vector_load %arg15[%swap3A_313, %swap3A_314] {strides = array<i32>} : memref<256x32xf32, #tpu.memory_space<vmem>>, vector<16xf32>,
          tpu.vector_store %arg15[%swap3A_313, %swap3A_314], %mul3A_312 {strides = array<i32>} : memref<256x32xf32, #tpu.memory_space<vmem>>, vector<16xf32>,
          %slice3A_316 = vector.extract_strided_slice %get3A_293 {offsets = [1], sizes = [1], strides = [1]} : vector<16xf32> to vector<1xf32>
          %squeeze3A_317 = vector.extract %slice3A_316[0] : f32 from vector<1xf32>
          %mul3A_318 = arith.constant 16 : i32
          %mul3A_319 = arith.muli %scan3A_285, %mul3A_318 : i32
          %add3A_320 = arith.constant 128 : i32
          %add3A_321 = arith.addi %add3A_320, %mul3A_319 : i32
          %add3A_322 = arith.constant 1 : i32
          %add3A_323 = arith.addi %add3A_321, %add3A_322 : i32
          %get3A_324 = arith.index_cast %add3A_323 : i32 to index
          %get3A_325 = arith.constant 0 : index
          %get3A_326 = tpu.vector_load %arg15[%get3A_324, %get3A_325] {strides = array<i32>} : memref<256x32xf32, #tpu.memory_space<vmem>>, vector<16xf32>,
          %mul3A_327 = vector.broadcast %squeeze3A_317 : f32 to vector<16xf32>
          %mul3A_328 = arith.mulf %get3A_326, %mul3A_327 : vector<16xf32>
          %swap3A_329 = arith.index_cast %add3A_323 : i32 to index
          %swap3A_330 = arith.constant 0 : index
          %swap3A_331 = tpu.vector_load %arg15[%swap3A_329, %swap3A_330] {strides = array<i32>} : memref<256x32xf32, #tpu.memory_space<vmem>>, vector<16xf32>,
          tpu.vector_store %arg15[%swap3A_329, %swap3A_330], %mul3A_328 {strides = array<i32>} : memref<256x32xf32, #tpu.memory_space<vmem>>, vector<16xf32>,
          %get3A_332 = arith.index_cast %add3A_323 : i32 to index
          %get3A_333 = arith.constant 16 : index
          %get3A_334 = tpu.vector_load %arg15[%get3A_332, %get3A_333] {strides = array<i32>} : memref<256x32xf32, #tpu.memory_space<vmem>>, vector<16xf32>,
          %mul3A_335 = vector.broadcast %squeeze3A_317 : f32 to vector<16xf32>
          %mul3A_336 = arith.mulf %get3A_334, %mul3A_335 : vector<16xf32>
          %swap3A_337 = arith.index_cast %add3A_323 : i32 to index
          %swap3A_338 = arith.constant 16 : index
          %swap3A_339 = tpu.vector_load %arg15[%swap3A_337, %swap3A_338] {strides = array<i32>} : memref<256x32xf32, #tpu.memory_space<vmem>>, vector<16xf32>,
          tpu.vector_store %arg15[%swap3A_337, %swap3A_338], %mul3A_336 {strides = array<i32>} : memref<256x32xf32, #tpu.memory_space<vmem>>, vector<16xf32>,
          %slice3A_340 = vector.extract_strided_slice %get3A_293 {offsets = [2], sizes = [1], strides = [1]} : vector<16xf32> to vector<1xf32>
          %squeeze3A_341 = vector.extract %slice3A_340[0] : f32 from vector<1xf32>
          %mul3A_342 = arith.constant 16 : i32
          %mul3A_343 = arith.muli %scan3A_285, %mul3A_342 : i32
          %add3A_344 = arith.constant 128 : i32
          %add3A_345 = arith.addi %add3A_344, %mul3A_343 : i32
          %add3A_346 = arith.constant 2 : i32
          %add3A_347 = arith.addi %add3A_345, %add3A_346 : i32
          %get3A_348 = arith.index_cast %add3A_347 : i32 to index
          %get3A_349 = arith.constant 0 : index
          %get3A_350 = tpu.vector_load %arg15[%get3A_348, %get3A_349] {strides = array<i32>} : memref<256x32xf32, #tpu.memory_space<vmem>>, vector<16xf32>,
          %mul3A_351 = vector.broadcast %squeeze3A_341 : f32 to vector<16xf32>
          %mul3A_352 = arith.mulf %get3A_350, %mul3A_351 : vector<16xf32>
          %swap3A_353 = arith.index_cast %add3A_347 : i32 to index
          %swap3A_354 = arith.constant 0 : index
          %swap3A_355 = tpu.vector_load %arg15[%swap3A_353, %swap3A_354] {strides = array<i32>} : memref<256x32xf32, #tpu.memory_space<vmem>>, vector<16xf32>,
          tpu.vector_store %arg15[%swap3A_353, %swap3A_354], %mul3A_352 {strides = array<i32>} : memref<256x32xf32, #tpu.memory_space<vmem>>, vector<16xf32>,
          %get3A_356 = arith.index_cast %add3A_347 : i32 to index
          %get3A_357 = arith.constant 16 : index
          %get3A_358 = tpu.vector_load %arg15[%get3A_356, %get3A_357] {strides = array<i32>} : memref<256x32xf32, #tpu.memory_space<vmem>>, vector<16xf32>,
          %mul3A_359 = vector.broadcast %squeeze3A_341 : f32 to vector<16xf32>
          %mul3A_360 = arith.mulf %get3A_358, %mul3A_359 : vector<16xf32>
          %swap3A_361 = arith.index_cast %add3A_347 : i32 to index
          %swap3A_362 = arith.constant 16 : index
          %swap3A_363 = tpu.vector_load %arg15[%swap3A_361, %swap3A_362] {strides = array<i32>} : memref<256x32xf32, #tpu.memory_space<vmem>>, vector<16xf32>,
          tpu.vector_store %arg15[%swap3A_361, %swap3A_362], %mul3A_360 {strides = array<i32>} : memref<256x32xf32, #tpu.memory_space<vmem>>, vector<16xf32>,
          %slice3A_364 = vector.extract_strided_slice %get3A_293 {offsets = [3], sizes = [1], strides = [1]} : vector<16xf32> to vector<1xf32>
          %squeeze3A_365 = vector.extract %slice3A_364[0] : f32 from vector<1xf32>
          %mul3A_366 = arith.constant 16 : i32
          %mul3A_367 = arith.muli %scan3A_285, %mul3A_366 : i32
          %add3A_368 = arith.constant 128 : i32
          %add3A_369 = arith.addi %add3A_368, %mul3A_367 : i32
          %add3A_370 = arith.constant 3 : i32
          %add3A_371 = arith.addi %add3A_369, %add3A_370 : i32
          %get3A_372 = arith.index_cast %add3A_371 : i32 to index
          %get3A_373 = arith.constant 0 : index
          %get3A_374 = tpu.vector_load %arg15[%get3A_372, %get3A_373] {strides = array<i32>} : memref<256x32xf32, #tpu.memory_space<vmem>>, vector<16xf32>,
          %mul3A_375 = vector.broadcast %squeeze3A_365 : f32 to vector<16xf32>
          %mul3A_376 = arith.mulf %get3A_374, %mul3A_375 : vector<16xf32>
          %swap3A_377 = arith.index_cast %add3A_371 : i32 to index
          %swap3A_378 = arith.constant 0 : index
          %swap3A_379 = tpu.vector_load %arg15[%swap3A_377, %swap3A_378] {strides = array<i32>} : memref<256x32xf32, #tpu.memory_space<vmem>>, vector<16xf32>,
          tpu.vector_store %arg15[%swap3A_377, %swap3A_378], %mul3A_376 {strides = array<i32>} : memref<256x32xf32, #tpu.memory_space<vmem>>, vector<16xf32>,
          %get3A_380 = arith.index_cast %add3A_371 : i32 to index
          %get3A_381 = arith.constant 16 : index
          %get3A_382 = tpu.vector_load %arg15[%get3A_380, %get3A_381] {strides = array<i32>} : memref<256x32xf32, #tpu.memory_space<vmem>>, vector<16xf32>,
          %mul3A_383 = vector.broadcast %squeeze3A_365 : f32 to vector<16xf32>
          %mul3A_384 = arith.mulf %get3A_382, %mul3A_383 : vector<16xf32>
          %swap3A_385 = arith.index_cast %add3A_371 : i32 to index
          %swap3A_386 = arith.constant 16 : index
          %swap3A_387 = tpu.vector_load %arg15[%swap3A_385, %swap3A_386] {strides = array<i32>} : memref<256x32xf32, #tpu.memory_space<vmem>>, vector<16xf32>,
          tpu.vector_store %arg15[%swap3A_385, %swap3A_386], %mul3A_384 {strides = array<i32>} : memref<256x32xf32, #tpu.memory_space<vmem>>, vector<16xf32>,
          %slice3A_388 = vector.extract_strided_slice %get3A_293 {offsets = [4], sizes = [1], strides = [1]} : vector<16xf32> to vector<1xf32>
          %squeeze3A_389 = vector.extract %slice3A_388[0] : f32 from vector<1xf32>
          %mul3A_390 = arith.constant 16 : i32
          %mul3A_391 = arith.muli %scan3A_285, %mul3A_390 : i32
          %add3A_392 = arith.constant 128 : i32
          %add3A_393 = arith.addi %add3A_392, %mul3A_391 : i32
          %add3A_394 = arith.constant 4 : i32
          %add3A_395 = arith.addi %add3A_393, %add3A_394 : i32
          %get3A_396 = arith.index_cast %add3A_395 : i32 to index
          %get3A_397 = arith.constant 0 : index
          %get3A_398 = tpu.vector_load %arg15[%get3A_396, %get3A_397] {strides = array<i32>} : memref<256x32xf32, #tpu.memory_space<vmem>>, vector<16xf32>,
          %mul3A_399 = vector.broadcast %squeeze3A_389 : f32 to vector<16xf32>
          %mul3A_400 = arith.mulf %get3A_398, %mul3A_399 : vector<16xf32>
          %swap3A_401 = arith.index_cast %add3A_395 : i32 to index
          %swap3A_402 = arith.constant 0 : index
          %swap3A_403 = tpu.vector_load %arg15[%swap3A_401, %swap3A_402] {strides = array<i32>} : memref<256x32xf32, #tpu.memory_space<vmem>>, vector<16xf32>,
          tpu.vector_store %arg15[%swap3A_401, %swap3A_402], %mul3A_400 {strides = array<i32>} : memref<256x32xf32, #tpu.memory_space<vmem>>, vector<16xf32>,
          %get3A_404 = arith.index_cast %add3A_395 : i32 to index
          %get3A_405 = arith.constant 16 : index
          %get3A_406 = tpu.vector_load %arg15[%get3A_404, %get3A_405] {strides = array<i32>} : memref<256x32xf32, #tpu.memory_space<vmem>>, vector<16xf32>,
          %mul3A_407 = vector.broadcast %squeeze3A_389 : f32 to vector<16xf32>
          %mul3A_408 = arith.mulf %get3A_406, %mul3A_407 : vector<16xf32>
          %swap3A_409 = arith.index_cast %add3A_395 : i32 to index
          %swap3A_410 = arith.constant 16 : index
          %swap3A_411 = tpu.vector_load %arg15[%swap3A_409, %swap3A_410] {strides = array<i32>} : memref<256x32xf32, #tpu.memory_space<vmem>>, vector<16xf32>,
          tpu.vector_store %arg15[%swap3A_409, %swap3A_410], %mul3A_408 {strides = array<i32>} : memref<256x32xf32, #tpu.memory_space<vmem>>, vector<16xf32>,
          %slice3A_412 = vector.extract_strided_slice %get3A_293 {offsets = [5], sizes = [1], strides = [1]} : vector<16xf32> to vector<1xf32>
          %squeeze3A_413 = vector.extract %slice3A_412[0] : f32 from vector<1xf32>
          %mul3A_414 = arith.constant 16 : i32
          %mul3A_415 = arith.muli %scan3A_285, %mul3A_414 : i32
          %add3A_416 = arith.constant 128 : i32
          %add3A_417 = arith.addi %add3A_416, %mul3A_415 : i32
          %add3A_418 = arith.constant 5 : i32
          %add3A_419 = arith.addi %add3A_417, %add3A_418 : i32
          %get3A_420 = arith.index_cast %add3A_419 : i32 to index
          %get3A_421 = arith.constant 0 : index
          %get3A_422 = tpu.vector_load %arg15[%get3A_420, %get3A_421] {strides = array<i32>} : memref<256x32xf32, #tpu.memory_space<vmem>>, vector<16xf32>,
          %mul3A_423 = vector.broadcast %squeeze3A_413 : f32 to vector<16xf32>
          %mul3A_424 = arith.mulf %get3A_422, %mul3A_423 : vector<16xf32>
          %swap3A_425 = arith.index_cast %add3A_419 : i32 to index
          %swap3A_426 = arith.constant 0 : index
          %swap3A_427 = tpu.vector_load %arg15[%swap3A_425, %swap3A_426] {strides = array<i32>} : memref<256x32xf32, #tpu.memory_space<vmem>>, vector<16xf32>,
          tpu.vector_store %arg15[%swap3A_425, %swap3A_426], %mul3A_424 {strides = array<i32>} : memref<256x32xf32, #tpu.memory_space<vmem>>, vector<16xf32>,
          %get3A_428 = arith.index_cast %add3A_419 : i32 to index
          %get3A_429 = arith.constant 16 : index
          %get3A_430 = tpu.vector_load %arg15[%get3A_428, %get3A_429] {strides = array<i32>} : memref<256x32xf32, #tpu.memory_space<vmem>>, vector<16xf32>,
          %mul3A_431 = vector.broadcast %squeeze3A_413 : f32 to vector<16xf32>
          %mul3A_432 = arith.mulf %get3A_430, %mul3A_431 : vector<16xf32>
          %swap3A_433 = arith.index_cast %add3A_419 : i32 to index
          %swap3A_434 = arith.constant 16 : index
          %swap3A_435 = tpu.vector_load %arg15[%swap3A_433, %swap3A_434] {strides = array<i32>} : memref<256x32xf32, #tpu.memory_space<vmem>>, vector<16xf32>,
          tpu.vector_store %arg15[%swap3A_433, %swap3A_434], %mul3A_432 {strides = array<i32>} : memref<256x32xf32, #tpu.memory_space<vmem>>, vector<16xf32>,
          %slice3A_436 = vector.extract_strided_slice %get3A_293 {offsets = [6], sizes = [1], strides = [1]} : vector<16xf32> to vector<1xf32>
          %squeeze3A_437 = vector.extract %slice3A_436[0] : f32 from vector<1xf32>
          %mul3A_438 = arith.constant 16 : i32
          %mul3A_439 = arith.muli %scan3A_285, %mul3A_438 : i32
          %add3A_440 = arith.constant 128 : i32
          %add3A_441 = arith.addi %add3A_440, %mul3A_439 : i32
          %add3A_442 = arith.constant 6 : i32
          %add3A_443 = arith.addi %add3A_441, %add3A_442 : i32
          %get3A_444 = arith.index_cast %add3A_443 : i32 to index
          %get3A_445 = arith.constant 0 : index
          %get3A_446 = tpu.vector_load %arg15[%get3A_444, %get3A_445] {strides = array<i32>} : memref<256x32xf32, #tpu.memory_space<vmem>>, vector<16xf32>,
          %mul3A_447 = vector.broadcast %squeeze3A_437 : f32 to vector<16xf32>
          %mul3A_448 = arith.mulf %get3A_446, %mul3A_447 : vector<16xf32>
          %swap3A_449 = arith.index_cast %add3A_443 : i32 to index
          %swap3A_450 = arith.constant 0 : index
          %swap3A_451 = tpu.vector_load %arg15[%swap3A_449, %swap3A_450] {strides = array<i32>} : memref<256x32xf32, #tpu.memory_space<vmem>>, vector<16xf32>,
          tpu.vector_store %arg15[%swap3A_449, %swap3A_450], %mul3A_448 {strides = array<i32>} : memref<256x32xf32, #tpu.memory_space<vmem>>, vector<16xf32>,
          %get3A_452 = arith.index_cast %add3A_443 : i32 to index
          %get3A_453 = arith.constant 16 : index
          %get3A_454 = tpu.vector_load %arg15[%get3A_452, %get3A_453] {strides = array<i32>} : memref<256x32xf32, #tpu.memory_space<vmem>>, vector<16xf32>,
          %mul3A_455 = vector.broadcast %squeeze3A_437 : f32 to vector<16xf32>
          %mul3A_456 = arith.mulf %get3A_454, %mul3A_455 : vector<16xf32>
          %swap3A_457 = arith.index_cast %add3A_443 : i32 to index
          %swap3A_458 = arith.constant 16 : index
          %swap3A_459 = tpu.vector_load %arg15[%swap3A_457, %swap3A_458] {strides = array<i32>} : memref<256x32xf32, #tpu.memory_space<vmem>>, vector<16xf32>,
          tpu.vector_store %arg15[%swap3A_457, %swap3A_458], %mul3A_456 {strides = array<i32>} : memref<256x32xf32, #tpu.memory_space<vmem>>, vector<16xf32>,
          %slice3A_460 = vector.extract_strided_slice %get3A_293 {offsets = [7], sizes = [1], strides = [1]} : vector<16xf32> to vector<1xf32>
          %squeeze3A_461 = vector.extract %slice3A_460[0] : f32 from vector<1xf32>
          %mul3A_462 = arith.constant 16 : i32
          %mul3A_463 = arith.muli %scan3A_285, %mul3A_462 : i32
          %add3A_464 = arith.constant 128 : i32
          %add3A_465 = arith.addi %add3A_464, %mul3A_463 : i32
          %add3A_466 = arith.constant 7 : i32
          %add3A_467 = arith.addi %add3A_465, %add3A_466 : i32
          %get3A_468 = arith.index_cast %add3A_467 : i32 to index
          %get3A_469 = arith.constant 0 : index
          %get3A_470 = tpu.vector_load %arg15[%get3A_468, %get3A_469] {strides = array<i32>} : memref<256x32xf32, #tpu.memory_space<vmem>>, vector<16xf32>,
          %mul3A_471 = vector.broadcast %squeeze3A_461 : f32 to vector<16xf32>
          %mul3A_472 = arith.mulf %get3A_470, %mul3A_471 : vector<16xf32>
          %swap3A_473 = arith.index_cast %add3A_467 : i32 to index
          %swap3A_474 = arith.constant 0 : index
          %swap3A_475 = tpu.vector_load %arg15[%swap3A_473, %swap3A_474] {strides = array<i32>} : memref<256x32xf32, #tpu.memory_space<vmem>>, vector<16xf32>,
          tpu.vector_store %arg15[%swap3A_473, %swap3A_474], %mul3A_472 {strides = array<i32>} : memref<256x32xf32, #tpu.memory_space<vmem>>, vector<16xf32>,
          %get3A_476 = arith.index_cast %add3A_467 : i32 to index
          %get3A_477 = arith.constant 16 : index
          %get3A_478 = tpu.vector_load %arg15[%get3A_476, %get3A_477] {strides = array<i32>} : memref<256x32xf32, #tpu.memory_space<vmem>>, vector<16xf32>,
          %mul3A_479 = vector.broadcast %squeeze3A_461 : f32 to vector<16xf32>
          %mul3A_480 = arith.mulf %get3A_478, %mul3A_479 : vector<16xf32>
          %swap3A_481 = arith.index_cast %add3A_467 : i32 to index
          %swap3A_482 = arith.constant 16 : index
          %swap3A_483 = tpu.vector_load %arg15[%swap3A_481, %swap3A_482] {strides = array<i32>} : memref<256x32xf32, #tpu.memory_space<vmem>>, vector<16xf32>,
          tpu.vector_store %arg15[%swap3A_481, %swap3A_482], %mul3A_480 {strides = array<i32>} : memref<256x32xf32, #tpu.memory_space<vmem>>, vector<16xf32>,
          %slice3A_484 = vector.extract_strided_slice %get3A_293 {offsets = [8], sizes = [1], strides = [1]} : vector<16xf32> to vector<1xf32>
          %squeeze3A_485 = vector.extract %slice3A_484[0] : f32 from vector<1xf32>
          %mul3A_486 = arith.constant 16 : i32
          %mul3A_487 = arith.muli %scan3A_285, %mul3A_486 : i32
          %add3A_488 = arith.constant 128 : i32
          %add3A_489 = arith.addi %add3A_488, %mul3A_487 : i32
          %add3A_490 = arith.constant 8 : i32
          %add3A_491 = arith.addi %add3A_489, %add3A_490 : i32
          %get3A_492 = arith.index_cast %add3A_491 : i32 to index
          %get3A_493 = arith.constant 0 : index
          %get3A_494 = tpu.vector_load %arg15[%get3A_492, %get3A_493] {strides = array<i32>} : memref<256x32xf32, #tpu.memory_space<vmem>>, vector<16xf32>,
          %mul3A_495 = vector.broadcast %squeeze3A_485 : f32 to vector<16xf32>
          %mul3A_496 = arith.mulf %get3A_494, %mul3A_495 : vector<16xf32>
          %swap3A_497 = arith.index_cast %add3A_491 : i32 to index
          %swap3A_498 = arith.constant 0 : index
          %swap3A_499 = tpu.vector_load %arg15[%swap3A_497, %swap3A_498] {strides = array<i32>} : memref<256x32xf32, #tpu.memory_space<vmem>>, vector<16xf32>,
          tpu.vector_store %arg15[%swap3A_497, %swap3A_498], %mul3A_496 {strides = array<i32>} : memref<256x32xf32, #tpu.memory_space<vmem>>, vector<16xf32>,
          %get3A_500 = arith.index_cast %add3A_491 : i32 to index
          %get3A_501 = arith.constant 16 : index
          %get3A_502 = tpu.vector_load %arg15[%get3A_500, %get3A_501] {strides = array<i32>} : memref<256x32xf32, #tpu.memory_space<vmem>>, vector<16xf32>,
          %mul3A_503 = vector.broadcast %squeeze3A_485 : f32 to vector<16xf32>
          %mul3A_504 = arith.mulf %get3A_502, %mul3A_503 : vector<16xf32>
          %swap3A_505 = arith.index_cast %add3A_491 : i32 to index
          %swap3A_506 = arith.constant 16 : index
          %swap3A_507 = tpu.vector_load %arg15[%swap3A_505, %swap3A_506] {strides = array<i32>} : memref<256x32xf32, #tpu.memory_space<vmem>>, vector<16xf32>,
          tpu.vector_store %arg15[%swap3A_505, %swap3A_506], %mul3A_504 {strides = array<i32>} : memref<256x32xf32, #tpu.memory_space<vmem>>, vector<16xf32>,
          %slice3A_508 = vector.extract_strided_slice %get3A_293 {offsets = [9], sizes = [1], strides = [1]} : vector<16xf32> to vector<1xf32>
          %squeeze3A_509 = vector.extract %slice3A_508[0] : f32 from vector<1xf32>
          %mul3A_510 = arith.constant 16 : i32
          %mul3A_511 = arith.muli %scan3A_285, %mul3A_510 : i32
          %add3A_512 = arith.constant 128 : i32
          %add3A_513 = arith.addi %add3A_512, %mul3A_511 : i32
          %add3A_514 = arith.constant 9 : i32
          %add3A_515 = arith.addi %add3A_513, %add3A_514 : i32
          %get3A_516 = arith.index_cast %add3A_515 : i32 to index
          %get3A_517 = arith.constant 0 : index
          %get3A_518 = tpu.vector_load %arg15[%get3A_516, %get3A_517] {strides = array<i32>} : memref<256x32xf32, #tpu.memory_space<vmem>>, vector<16xf32>,
          %mul3A_519 = vector.broadcast %squeeze3A_509 : f32 to vector<16xf32>
          %mul3A_520 = arith.mulf %get3A_518, %mul3A_519 : vector<16xf32>
          %swap3A_521 = arith.index_cast %add3A_515 : i32 to index
          %swap3A_522 = arith.constant 0 : index
          %swap3A_523 = tpu.vector_load %arg15[%swap3A_521, %swap3A_522] {strides = array<i32>} : memref<256x32xf32, #tpu.memory_space<vmem>>, vector<16xf32>,
          tpu.vector_store %arg15[%swap3A_521, %swap3A_522], %mul3A_520 {strides = array<i32>} : memref<256x32xf32, #tpu.memory_space<vmem>>, vector<16xf32>,
          %get3A_524 = arith.index_cast %add3A_515 : i32 to index
          %get3A_525 = arith.constant 16 : index
          %get3A_526 = tpu.vector_load %arg15[%get3A_524, %get3A_525] {strides = array<i32>} : memref<256x32xf32, #tpu.memory_space<vmem>>, vector<16xf32>,
          %mul3A_527 = vector.broadcast %squeeze3A_509 : f32 to vector<16xf32>
          %mul3A_528 = arith.mulf %get3A_526, %mul3A_527 : vector<16xf32>
          %swap3A_529 = arith.index_cast %add3A_515 : i32 to index
          %swap3A_530 = arith.constant 16 : index
          %swap3A_531 = tpu.vector_load %arg15[%swap3A_529, %swap3A_530] {strides = array<i32>} : memref<256x32xf32, #tpu.memory_space<vmem>>, vector<16xf32>,
          tpu.vector_store %arg15[%swap3A_529, %swap3A_530], %mul3A_528 {strides = array<i32>} : memref<256x32xf32, #tpu.memory_space<vmem>>, vector<16xf32>,
          %slice3A_532 = vector.extract_strided_slice %get3A_293 {offsets = [10], sizes = [1], strides = [1]} : vector<16xf32> to vector<1xf32>
          %squeeze3A_533 = vector.extract %slice3A_532[0] : f32 from vector<1xf32>
          %mul3A_534 = arith.constant 16 : i32
          %mul3A_535 = arith.muli %scan3A_285, %mul3A_534 : i32
          %add3A_536 = arith.constant 128 : i32
          %add3A_537 = arith.addi %add3A_536, %mul3A_535 : i32
          %add3A_538 = arith.constant 10 : i32
          %add3A_539 = arith.addi %add3A_537, %add3A_538 : i32
          %get3A_540 = arith.index_cast %add3A_539 : i32 to index
          %get3A_541 = arith.constant 0 : index
          %get3A_542 = tpu.vector_load %arg15[%get3A_540, %get3A_541] {strides = array<i32>} : memref<256x32xf32, #tpu.memory_space<vmem>>, vector<16xf32>,
          %mul3A_543 = vector.broadcast %squeeze3A_533 : f32 to vector<16xf32>
          %mul3A_544 = arith.mulf %get3A_542, %mul3A_543 : vector<16xf32>
          %swap3A_545 = arith.index_cast %add3A_539 : i32 to index
          %swap3A_546 = arith.constant 0 : index
          %swap3A_547 = tpu.vector_load %arg15[%swap3A_545, %swap3A_546] {strides = array<i32>} : memref<256x32xf32, #tpu.memory_space<vmem>>, vector<16xf32>,
          tpu.vector_store %arg15[%swap3A_545, %swap3A_546], %mul3A_544 {strides = array<i32>} : memref<256x32xf32, #tpu.memory_space<vmem>>, vector<16xf32>,
          %get3A_548 = arith.index_cast %add3A_539 : i32 to index
          %get3A_549 = arith.constant 16 : index
          %get3A_550 = tpu.vector_load %arg15[%get3A_548, %get3A_549] {strides = array<i32>} : memref<256x32xf32, #tpu.memory_space<vmem>>, vector<16xf32>,
          %mul3A_551 = vector.broadcast %squeeze3A_533 : f32 to vector<16xf32>
          %mul3A_552 = arith.mulf %get3A_550, %mul3A_551 : vector<16xf32>
          %swap3A_553 = arith.index_cast %add3A_539 : i32 to index
          %swap3A_554 = arith.constant 16 : index
          %swap3A_555 = tpu.vector_load %arg15[%swap3A_553, %swap3A_554] {strides = array<i32>} : memref<256x32xf32, #tpu.memory_space<vmem>>, vector<16xf32>,
          tpu.vector_store %arg15[%swap3A_553, %swap3A_554], %mul3A_552 {strides = array<i32>} : memref<256x32xf32, #tpu.memory_space<vmem>>, vector<16xf32>,
          %slice3A_556 = vector.extract_strided_slice %get3A_293 {offsets = [11], sizes = [1], strides = [1]} : vector<16xf32> to vector<1xf32>
          %squeeze3A_557 = vector.extract %slice3A_556[0] : f32 from vector<1xf32>
          %mul3A_558 = arith.constant 16 : i32
          %mul3A_559 = arith.muli %scan3A_285, %mul3A_558 : i32
          %add3A_560 = arith.constant 128 : i32
          %add3A_561 = arith.addi %add3A_560, %mul3A_559 : i32
          %add3A_562 = arith.constant 11 : i32
          %add3A_563 = arith.addi %add3A_561, %add3A_562 : i32
          %get3A_564 = arith.index_cast %add3A_563 : i32 to index
          %get3A_565 = arith.constant 0 : index
          %get3A_566 = tpu.vector_load %arg15[%get3A_564, %get3A_565] {strides = array<i32>} : memref<256x32xf32, #tpu.memory_space<vmem>>, vector<16xf32>,
          %mul3A_567 = vector.broadcast %squeeze3A_557 : f32 to vector<16xf32>
          %mul3A_568 = arith.mulf %get3A_566, %mul3A_567 : vector<16xf32>
          %swap3A_569 = arith.index_cast %add3A_563 : i32 to index
          %swap3A_570 = arith.constant 0 : index
          %swap3A_571 = tpu.vector_load %arg15[%swap3A_569, %swap3A_570] {strides = array<i32>} : memref<256x32xf32, #tpu.memory_space<vmem>>, vector<16xf32>,
          tpu.vector_store %arg15[%swap3A_569, %swap3A_570], %mul3A_568 {strides = array<i32>} : memref<256x32xf32, #tpu.memory_space<vmem>>, vector<16xf32>,
          %get3A_572 = arith.index_cast %add3A_563 : i32 to index
          %get3A_573 = arith.constant 16 : index
          %get3A_574 = tpu.vector_load %arg15[%get3A_572, %get3A_573] {strides = array<i32>} : memref<256x32xf32, #tpu.memory_space<vmem>>, vector<16xf32>,
          %mul3A_575 = vector.broadcast %squeeze3A_557 : f32 to vector<16xf32>
          %mul3A_576 = arith.mulf %get3A_574, %mul3A_575 : vector<16xf32>
          %swap3A_577 = arith.index_cast %add3A_563 : i32 to index
          %swap3A_578 = arith.constant 16 : index
          %swap3A_579 = tpu.vector_load %arg15[%swap3A_577, %swap3A_578] {strides = array<i32>} : memref<256x32xf32, #tpu.memory_space<vmem>>, vector<16xf32>,
          tpu.vector_store %arg15[%swap3A_577, %swap3A_578], %mul3A_576 {strides = array<i32>} : memref<256x32xf32, #tpu.memory_space<vmem>>, vector<16xf32>,
          %slice3A_580 = vector.extract_strided_slice %get3A_293 {offsets = [12], sizes = [1], strides = [1]} : vector<16xf32> to vector<1xf32>
          %squeeze3A_581 = vector.extract %slice3A_580[0] : f32 from vector<1xf32>
          %mul3A_582 = arith.constant 16 : i32
          %mul3A_583 = arith.muli %scan3A_285, %mul3A_582 : i32
          %add3A_584 = arith.constant 128 : i32
          %add3A_585 = arith.addi %add3A_584, %mul3A_583 : i32
          %add3A_586 = arith.constant 12 : i32
          %add3A_587 = arith.addi %add3A_585, %add3A_586 : i32
          %get3A_588 = arith.index_cast %add3A_587 : i32 to index
          %get3A_589 = arith.constant 0 : index
          %get3A_590 = tpu.vector_load %arg15[%get3A_588, %get3A_589] {strides = array<i32>} : memref<256x32xf32, #tpu.memory_space<vmem>>, vector<16xf32>,
          %mul3A_591 = vector.broadcast %squeeze3A_581 : f32 to vector<16xf32>
          %mul3A_592 = arith.mulf %get3A_590, %mul3A_591 : vector<16xf32>
          %swap3A_593 = arith.index_cast %add3A_587 : i32 to index
          %swap3A_594 = arith.constant 0 : index
          %swap3A_595 = tpu.vector_load %arg15[%swap3A_593, %swap3A_594] {strides = array<i32>} : memref<256x32xf32, #tpu.memory_space<vmem>>, vector<16xf32>,
          tpu.vector_store %arg15[%swap3A_593, %swap3A_594], %mul3A_592 {strides = array<i32>} : memref<256x32xf32, #tpu.memory_space<vmem>>, vector<16xf32>,
          %get3A_596 = arith.index_cast %add3A_587 : i32 to index
          %get3A_597 = arith.constant 16 : index
          %get3A_598 = tpu.vector_load %arg15[%get3A_596, %get3A_597] {strides = array<i32>} : memref<256x32xf32, #tpu.memory_space<vmem>>, vector<16xf32>,
          %mul3A_599 = vector.broadcast %squeeze3A_581 : f32 to vector<16xf32>
          %mul3A_600 = arith.mulf %get3A_598, %mul3A_599 : vector<16xf32>
          %swap3A_601 = arith.index_cast %add3A_587 : i32 to index
          %swap3A_602 = arith.constant 16 : index
          %swap3A_603 = tpu.vector_load %arg15[%swap3A_601, %swap3A_602] {strides = array<i32>} : memref<256x32xf32, #tpu.memory_space<vmem>>, vector<16xf32>,
          tpu.vector_store %arg15[%swap3A_601, %swap3A_602], %mul3A_600 {strides = array<i32>} : memref<256x32xf32, #tpu.memory_space<vmem>>, vector<16xf32>,
          %slice3A_604 = vector.extract_strided_slice %get3A_293 {offsets = [13], sizes = [1], strides = [1]} : vector<16xf32> to vector<1xf32>
          %squeeze3A_605 = vector.extract %slice3A_604[0] : f32 from vector<1xf32>
          %mul3A_606 = arith.constant 16 : i32
          %mul3A_607 = arith.muli %scan3A_285, %mul3A_606 : i32
          %add3A_608 = arith.constant 128 : i32
          %add3A_609 = arith.addi %add3A_608, %mul3A_607 : i32
          %add3A_610 = arith.constant 13 : i32
          %add3A_611 = arith.addi %add3A_609, %add3A_610 : i32
          %get3A_612 = arith.index_cast %add3A_611 : i32 to index
          %get3A_613 = arith.constant 0 : index
          %get3A_614 = tpu.vector_load %arg15[%get3A_612, %get3A_613] {strides = array<i32>} : memref<256x32xf32, #tpu.memory_space<vmem>>, vector<16xf32>,
          %mul3A_615 = vector.broadcast %squeeze3A_605 : f32 to vector<16xf32>
          %mul3A_616 = arith.mulf %get3A_614, %mul3A_615 : vector<16xf32>
          %swap3A_617 = arith.index_cast %add3A_611 : i32 to index
          %swap3A_618 = arith.constant 0 : index
          %swap3A_619 = tpu.vector_load %arg15[%swap3A_617, %swap3A_618] {strides = array<i32>} : memref<256x32xf32, #tpu.memory_space<vmem>>, vector<16xf32>,
          tpu.vector_store %arg15[%swap3A_617, %swap3A_618], %mul3A_616 {strides = array<i32>} : memref<256x32xf32, #tpu.memory_space<vmem>>, vector<16xf32>,
          %get3A_620 = arith.index_cast %add3A_611 : i32 to index
          %get3A_621 = arith.constant 16 : index
          %get3A_622 = tpu.vector_load %arg15[%get3A_620, %get3A_621] {strides = array<i32>} : memref<256x32xf32, #tpu.memory_space<vmem>>, vector<16xf32>,
          %mul3A_623 = vector.broadcast %squeeze3A_605 : f32 to vector<16xf32>
          %mul3A_624 = arith.mulf %get3A_622, %mul3A_623 : vector<16xf32>
          %swap3A_625 = arith.index_cast %add3A_611 : i32 to index
          %swap3A_626 = arith.constant 16 : index
          %swap3A_627 = tpu.vector_load %arg15[%swap3A_625, %swap3A_626] {strides = array<i32>} : memref<256x32xf32, #tpu.memory_space<vmem>>, vector<16xf32>,
          tpu.vector_store %arg15[%swap3A_625, %swap3A_626], %mul3A_624 {strides = array<i32>} : memref<256x32xf32, #tpu.memory_space<vmem>>, vector<16xf32>,
          %slice3A_628 = vector.extract_strided_slice %get3A_293 {offsets = [14], sizes = [1], strides = [1]} : vector<16xf32> to vector<1xf32>
          %squeeze3A_629 = vector.extract %slice3A_628[0] : f32 from vector<1xf32>
          %mul3A_630 = arith.constant 16 : i32
          %mul3A_631 = arith.muli %scan3A_285, %mul3A_630 : i32
          %add3A_632 = arith.constant 128 : i32
          %add3A_633 = arith.addi %add3A_632, %mul3A_631 : i32
          %add3A_634 = arith.constant 14 : i32
          %add3A_635 = arith.addi %add3A_633, %add3A_634 : i32
          %get3A_636 = arith.index_cast %add3A_635 : i32 to index
          %get3A_637 = arith.constant 0 : index
          %get3A_638 = tpu.vector_load %arg15[%get3A_636, %get3A_637] {strides = array<i32>} : memref<256x32xf32, #tpu.memory_space<vmem>>, vector<16xf32>,
          %mul3A_639 = vector.broadcast %squeeze3A_629 : f32 to vector<16xf32>
          %mul3A_640 = arith.mulf %get3A_638, %mul3A_639 : vector<16xf32>
          %swap3A_641 = arith.index_cast %add3A_635 : i32 to index
          %swap3A_642 = arith.constant 0 : index
          %swap3A_643 = tpu.vector_load %arg15[%swap3A_641, %swap3A_642] {strides = array<i32>} : memref<256x32xf32, #tpu.memory_space<vmem>>, vector<16xf32>,
          tpu.vector_store %arg15[%swap3A_641, %swap3A_642], %mul3A_640 {strides = array<i32>} : memref<256x32xf32, #tpu.memory_space<vmem>>, vector<16xf32>,
          %get3A_644 = arith.index_cast %add3A_635 : i32 to index
          %get3A_645 = arith.constant 16 : index
          %get3A_646 = tpu.vector_load %arg15[%get3A_644, %get3A_645] {strides = array<i32>} : memref<256x32xf32, #tpu.memory_space<vmem>>, vector<16xf32>,
          %mul3A_647 = vector.broadcast %squeeze3A_629 : f32 to vector<16xf32>
          %mul3A_648 = arith.mulf %get3A_646, %mul3A_647 : vector<16xf32>
          %swap3A_649 = arith.index_cast %add3A_635 : i32 to index
          %swap3A_650 = arith.constant 16 : index
          %swap3A_651 = tpu.vector_load %arg15[%swap3A_649, %swap3A_650] {strides = array<i32>} : memref<256x32xf32, #tpu.memory_space<vmem>>, vector<16xf32>,
          tpu.vector_store %arg15[%swap3A_649, %swap3A_650], %mul3A_648 {strides = array<i32>} : memref<256x32xf32, #tpu.memory_space<vmem>>, vector<16xf32>,
          %slice3A_652 = vector.extract_strided_slice %get3A_293 {offsets = [15], sizes = [1], strides = [1]} : vector<16xf32> to vector<1xf32>
          %squeeze3A_653 = vector.extract %slice3A_652[0] : f32 from vector<1xf32>
          %mul3A_654 = arith.constant 16 : i32
          %mul3A_655 = arith.muli %scan3A_285, %mul3A_654 : i32
          %add3A_656 = arith.constant 128 : i32
          %add3A_657 = arith.addi %add3A_656, %mul3A_655 : i32
          %add3A_658 = arith.constant 15 : i32
          %add3A_659 = arith.addi %add3A_657, %add3A_658 : i32
          %get3A_660 = arith.index_cast %add3A_659 : i32 to index
          %get3A_661 = arith.constant 0 : index
          %get3A_662 = tpu.vector_load %arg15[%get3A_660, %get3A_661] {strides = array<i32>} : memref<256x32xf32, #tpu.memory_space<vmem>>, vector<16xf32>,
          %mul3A_663 = vector.broadcast %squeeze3A_653 : f32 to vector<16xf32>
          %mul3A_664 = arith.mulf %get3A_662, %mul3A_663 : vector<16xf32>
          %swap3A_665 = arith.index_cast %add3A_659 : i32 to index
          %swap3A_666 = arith.constant 0 : index
          %swap3A_667 = tpu.vector_load %arg15[%swap3A_665, %swap3A_666] {strides = array<i32>} : memref<256x32xf32, #tpu.memory_space<vmem>>, vector<16xf32>,
          tpu.vector_store %arg15[%swap3A_665, %swap3A_666], %mul3A_664 {strides = array<i32>} : memref<256x32xf32, #tpu.memory_space<vmem>>, vector<16xf32>,
          %get3A_668 = arith.index_cast %add3A_659 : i32 to index
          %get3A_669 = arith.constant 16 : index
          %get3A_670 = tpu.vector_load %arg15[%get3A_668, %get3A_669] {strides = array<i32>} : memref<256x32xf32, #tpu.memory_space<vmem>>, vector<16xf32>,
          %mul3A_671 = vector.broadcast %squeeze3A_653 : f32 to vector<16xf32>
          %mul3A_672 = arith.mulf %get3A_670, %mul3A_671 : vector<16xf32>
          %swap3A_673 = arith.index_cast %add3A_659 : i32 to index
          %swap3A_674 = arith.constant 16 : index
          %swap3A_675 = tpu.vector_load %arg15[%swap3A_673, %swap3A_674] {strides = array<i32>} : memref<256x32xf32, #tpu.memory_space<vmem>>, vector<16xf32>,
          tpu.vector_store %arg15[%swap3A_673, %swap3A_674], %mul3A_672 {strides = array<i32>} : memref<256x32xf32, #tpu.memory_space<vmem>>, vector<16xf32>,
        }
        %scan3A_216 = arith.constant 8 : i32
        %mul3A_217 = arith.constant 256 : i32
        %mul3A_218 = arith.muli %mul3A_174, %mul3A_217 : i32
        %add3A_219 = arith.constant 128 : i32
        %add3A_220 = arith.addi %mul3A_218, %add3A_219 : i32
        "tpu.region"() ({
          %run_scoped3A = tpu.sem_alloc : memref<!tpu.dma_semaphore, #tpu.memory_space<semaphore_mem>>
          %dma_start3A_285 = arith.constant 128 : i32
          %dma_start3A_286 = arith.constant 0 : i32
          %dma_start3A_287 = tpu.memref_slice %arg15[%dma_start3A_285, %dma_start3A_286] : memref<256x32xf32, #tpu.memory_space<vmem>> -> memref<128x32xf32, #tpu.memory_space<vmem>>
          %dma_start3A_288 = tpu.memref_slice %arg10[%add3A_220] : memref<20480xi32, #tpu.memory_space<vmem>> -> memref<128xi32, #tpu.memory_space<vmem>>
          %dma_start3A_289 = arith.constant 0 : i32
          %dma_start3A_290 = arith.constant 0 : i32
          %dma_start3A_291 = tpu.memref_slice %arg19[%dma_start3A_289, %dma_start3A_290] : memref<10016x32xf32, #tpu.memory_space<vmem_shared>> -> memref<10016x32xf32, #tpu.memory_space<vmem_shared>>
          tpu.enqueue_indirect_dma source(%dma_start3A_287 : memref<128x32xf32, #tpu.memory_space<vmem>>) target(%dma_start3A_291 : memref<10016x32xf32, #tpu.memory_space<vmem_shared>>) offsets(%dma_start3A_288 : memref<128xi32, #tpu.memory_space<vmem>>) semaphore(%run_scoped3A : memref<!tpu.dma_semaphore, #tpu.memory_space<semaphore_mem>>) {add = true}
          %dma_wait3A_292 = arith.constant 128 : i32
          %dma_wait3A_293 = arith.constant 0 : i32
          %dma_wait3A_294 = tpu.memref_slice %arg15[%dma_wait3A_292, %dma_wait3A_293] : memref<256x32xf32, #tpu.memory_space<vmem>> -> memref<128x32xf32, #tpu.memory_space<vmem>>
          %dma_wait3A_295 = tpu.memref_slice %arg10[%add3A_220] : memref<20480xi32, #tpu.memory_space<vmem>> -> memref<128xi32, #tpu.memory_space<vmem>>
          %dma_wait3A_296 = arith.constant 0 : i32
          %dma_wait3A_297 = arith.constant 0 : i32
          %dma_wait3A_298 = tpu.memref_slice %arg19[%dma_wait3A_296, %dma_wait3A_297] : memref<10016x32xf32, #tpu.memory_space<vmem_shared>> -> memref<10016x32xf32, #tpu.memory_space<vmem_shared>>
          tpu.wait_indirect_dma semaphore(%run_scoped3A : memref<!tpu.dma_semaphore, #tpu.memory_space<semaphore_mem>>) src(%dma_wait3A_294 : memref<128x32xf32, #tpu.memory_space<vmem>>) dst(%dma_wait3A_298 : memref<10016x32xf32, #tpu.memory_space<vmem_shared>>)
          tpu.yield
        }) : () -> ()
        %mul3A_221 = arith.constant 256 : i32
        %mul3A_222 = arith.muli %mul3A_174, %mul3A_221 : i32
        %dma_wait3A_223 = arith.constant 0 : i32
        %dma_wait3A_224 = arith.constant 0 : i32
        %dma_wait3A_225 = tpu.memref_slice %arg15[%dma_wait3A_223, %dma_wait3A_224] : memref<256x32xf32, #tpu.memory_space<vmem>> -> memref<128x32xf32, #tpu.memory_space<vmem>>
        %dma_wait3A_226 = tpu.memref_slice %arg10[%mul3A_222] : memref<20480xi32, #tpu.memory_space<vmem>> -> memref<128xi32, #tpu.memory_space<vmem>>
        %dma_wait3A_227 = arith.constant 0 : i32
        %dma_wait3A_228 = arith.constant 0 : i32
        %dma_wait3A_229 = tpu.memref_slice %arg19[%dma_wait3A_227, %dma_wait3A_228] : memref<10016x32xf32, #tpu.memory_space<vmem_shared>> -> memref<10016x32xf32, #tpu.memory_space<vmem_shared>>
        tpu.wait_indirect_dma semaphore(%arg24 : memref<!tpu.dma_semaphore, #tpu.memory_space<semaphore_mem>>) src(%dma_wait3A_225 : memref<128x32xf32, #tpu.memory_space<vmem>>) dst(%dma_wait3A_229 : memref<10016x32xf32, #tpu.memory_space<vmem_shared>>)
        %add3A_230 = arith.constant 2 : i32
        %add3A_231 = arith.addi %mul3A_174, %add3A_230 : i32
        %lt3A_232 = arith.constant 80 : i32
        %lt3A_233 = arith.cmpi slt, %add3A_231, %lt3A_232 : i32
        %convert_element_type3A_234 = arith.extui %lt3A_233 : i1 to i32
        %cond3A_235 = arith.constant 0 : i32
        %cond3A_236 = arith.cmpi ne, %convert_element_type3A_234, %cond3A_235 : i32
        scf.if %cond3A_236 {
          %add3A_285 = arith.constant 2 : i32
          %add3A_286 = arith.addi %mul3A_174, %add3A_285 : i32
          %mul3A_287 = arith.constant 256 : i32
          %mul3A_288 = arith.muli %add3A_286, %mul3A_287 : i32
          %dma_start3A_289 = tpu.memref_slice %arg9[%mul3A_288] : memref<20480xi32, #tpu.memory_space<vmem>> -> memref<256xi32, #tpu.memory_space<vmem>>
          %dma_start3A_290 = arith.constant 0 : i32
          %dma_start3A_291 = arith.constant 0 : i32
          %dma_start3A_292 = tpu.memref_slice %arg7[%add3A, %dma_start3A_290, %dma_start3A_291] : memref<4x10016x32xf32, #tpu.memory_space<hbm>> -> memref<1x10016x32xf32, #tpu.memory_space<hbm>>
          %dma_start3A_293 = tpu.memref_squeeze %dma_start3A_292 : memref<1x10016x32xf32, #tpu.memory_space<hbm>> -> memref<10016x32xf32, #tpu.memory_space<hbm>>
          %dma_start3A_294 = arith.constant 0 : i32
          %dma_start3A_295 = arith.constant 0 : i32
          %dma_start3A_296 = tpu.memref_slice %dma_start3A_293[%dma_start3A_294, %dma_start3A_295] : memref<10016x32xf32, #tpu.memory_space<hbm>> -> memref<10016x32xf32, #tpu.memory_space<hbm>>
          tpu.enqueue_indirect_dma source(%dma_start3A_296 : memref<10016x32xf32, #tpu.memory_space<hbm>>) target(%arg15 : memref<256x32xf32, #tpu.memory_space<vmem>>) offsets(%dma_start3A_289 : memref<256xi32, #tpu.memory_space<vmem>>) semaphore(%arg20 : memref<!tpu.dma_semaphore, #tpu.memory_space<semaphore_mem>>)
        } else {
        }
        %add3A_237 = arith.constant 1 : i32
        %add3A_238 = arith.addi %mul3A_174, %add3A_237 : i32
        %mul3A_239 = arith.constant 256 : i32
        %mul3A_240 = arith.muli %add3A_238, %mul3A_239 : i32
        %dma_wait3A_241 = tpu.memref_slice %arg9[%mul3A_240] : memref<20480xi32, #tpu.memory_space<vmem>> -> memref<256xi32, #tpu.memory_space<vmem>>
        %dma_wait3A_242 = arith.constant 0 : i32
        %dma_wait3A_243 = arith.constant 0 : i32
        %dma_wait3A_244 = tpu.memref_slice %arg7[%add3A, %dma_wait3A_242, %dma_wait3A_243] : memref<4x10016x32xf32, #tpu.memory_space<hbm>> -> memref<1x10016x32xf32, #tpu.memory_space<hbm>>
        %dma_wait3A_245 = tpu.memref_squeeze %dma_wait3A_244 : memref<1x10016x32xf32, #tpu.memory_space<hbm>> -> memref<10016x32xf32, #tpu.memory_space<hbm>>
        %dma_wait3A_246 = arith.constant 0 : i32
        %dma_wait3A_247 = arith.constant 0 : i32
        %dma_wait3A_248 = tpu.memref_slice %dma_wait3A_245[%dma_wait3A_246, %dma_wait3A_247] : memref<10016x32xf32, #tpu.memory_space<hbm>> -> memref<10016x32xf32, #tpu.memory_space<hbm>>
        tpu.wait_indirect_dma semaphore(%arg21 : memref<!tpu.dma_semaphore, #tpu.memory_space<semaphore_mem>>) src(%dma_wait3A_248 : memref<10016x32xf32, #tpu.memory_space<hbm>>) dst(%arg16 : memref<256x32xf32, #tpu.memory_space<vmem>>)
        %add3A_249 = arith.constant 1 : i32
        %add3A_250 = arith.addi %mul3A_174, %add3A_249 : i32
        %scan3A_251 = arith.constant 0 : i32
        %scan3A_252 = arith.constant 0 : i32
        %scan3A_253 = arith.constant 8 : i32
        %scan3A_254 = arith.addi %scan3A_252, %scan3A_253 : i32
        %scan3A_255 = arith.constant 1 : i32
        scf.for %scan3A_285 = %scan3A_252 to %scan3A_254 step %scan3A_255  : i32 {
          %mul3A_286 = arith.constant 256 : i32
          %mul3A_287 = arith.muli %add3A_250, %mul3A_286 : i32
          %add3A_288 = arith.constant 0 : i32
          %add3A_289 = arith.addi %mul3A_287, %add3A_288 : i32
          %mul3A_290 = arith.constant 16 : i32
          %mul3A_291 = arith.muli %scan3A_285, %mul3A_290 : i32
          %add3A_292 = arith.addi %add3A_289, %mul3A_291 : i32
          %get3A = arith.index_cast %add3A_292 : i32 to index
          %get3A_293 = tpu.vector_load %arg11[%get3A] {strides = array<i32>} : memref<20480xf32, #tpu.memory_space<vmem>>, vector<16xf32>,
          %slice3A = vector.extract_strided_slice %get3A_293 {offsets = [0], sizes = [1], strides = [1]} : vector<16xf32> to vector<1xf32>
          %squeeze3A = vector.extract %slice3A[0] : f32 from vector<1xf32>
          %mul3A_294 = arith.constant 16 : i32
          %mul3A_295 = arith.muli %scan3A_285, %mul3A_294 : i32
          %add3A_296 = arith.constant 0 : i32
          %add3A_297 = arith.addi %add3A_296, %mul3A_295 : i32
          %add3A_298 = arith.constant 0 : i32
          %add3A_299 = arith.addi %add3A_297, %add3A_298 : i32
          %get3A_300 = arith.index_cast %add3A_299 : i32 to index
          %get3A_301 = arith.constant 0 : index
          %get3A_302 = tpu.vector_load %arg16[%get3A_300, %get3A_301] {strides = array<i32>} : memref<256x32xf32, #tpu.memory_space<vmem>>, vector<16xf32>,
          %mul3A_303 = vector.broadcast %squeeze3A : f32 to vector<16xf32>
          %mul3A_304 = arith.mulf %get3A_302, %mul3A_303 : vector<16xf32>
          %swap3A_305 = arith.index_cast %add3A_299 : i32 to index
          %swap3A_306 = arith.constant 0 : index
          %swap3A_307 = tpu.vector_load %arg16[%swap3A_305, %swap3A_306] {strides = array<i32>} : memref<256x32xf32, #tpu.memory_space<vmem>>, vector<16xf32>,
          tpu.vector_store %arg16[%swap3A_305, %swap3A_306], %mul3A_304 {strides = array<i32>} : memref<256x32xf32, #tpu.memory_space<vmem>>, vector<16xf32>,
          %get3A_308 = arith.index_cast %add3A_299 : i32 to index
          %get3A_309 = arith.constant 16 : index
          %get3A_310 = tpu.vector_load %arg16[%get3A_308, %get3A_309] {strides = array<i32>} : memref<256x32xf32, #tpu.memory_space<vmem>>, vector<16xf32>,
          %mul3A_311 = vector.broadcast %squeeze3A : f32 to vector<16xf32>
          %mul3A_312 = arith.mulf %get3A_310, %mul3A_311 : vector<16xf32>
          %swap3A_313 = arith.index_cast %add3A_299 : i32 to index
          %swap3A_314 = arith.constant 16 : index
          %swap3A_315 = tpu.vector_load %arg16[%swap3A_313, %swap3A_314] {strides = array<i32>} : memref<256x32xf32, #tpu.memory_space<vmem>>, vector<16xf32>,
          tpu.vector_store %arg16[%swap3A_313, %swap3A_314], %mul3A_312 {strides = array<i32>} : memref<256x32xf32, #tpu.memory_space<vmem>>, vector<16xf32>,
          %slice3A_316 = vector.extract_strided_slice %get3A_293 {offsets = [1], sizes = [1], strides = [1]} : vector<16xf32> to vector<1xf32>
          %squeeze3A_317 = vector.extract %slice3A_316[0] : f32 from vector<1xf32>
          %mul3A_318 = arith.constant 16 : i32
          %mul3A_319 = arith.muli %scan3A_285, %mul3A_318 : i32
          %add3A_320 = arith.constant 0 : i32
          %add3A_321 = arith.addi %add3A_320, %mul3A_319 : i32
          %add3A_322 = arith.constant 1 : i32
          %add3A_323 = arith.addi %add3A_321, %add3A_322 : i32
          %get3A_324 = arith.index_cast %add3A_323 : i32 to index
          %get3A_325 = arith.constant 0 : index
          %get3A_326 = tpu.vector_load %arg16[%get3A_324, %get3A_325] {strides = array<i32>} : memref<256x32xf32, #tpu.memory_space<vmem>>, vector<16xf32>,
          %mul3A_327 = vector.broadcast %squeeze3A_317 : f32 to vector<16xf32>
          %mul3A_328 = arith.mulf %get3A_326, %mul3A_327 : vector<16xf32>
          %swap3A_329 = arith.index_cast %add3A_323 : i32 to index
          %swap3A_330 = arith.constant 0 : index
          %swap3A_331 = tpu.vector_load %arg16[%swap3A_329, %swap3A_330] {strides = array<i32>} : memref<256x32xf32, #tpu.memory_space<vmem>>, vector<16xf32>,
          tpu.vector_store %arg16[%swap3A_329, %swap3A_330], %mul3A_328 {strides = array<i32>} : memref<256x32xf32, #tpu.memory_space<vmem>>, vector<16xf32>,
          %get3A_332 = arith.index_cast %add3A_323 : i32 to index
          %get3A_333 = arith.constant 16 : index
          %get3A_334 = tpu.vector_load %arg16[%get3A_332, %get3A_333] {strides = array<i32>} : memref<256x32xf32, #tpu.memory_space<vmem>>, vector<16xf32>,
          %mul3A_335 = vector.broadcast %squeeze3A_317 : f32 to vector<16xf32>
          %mul3A_336 = arith.mulf %get3A_334, %mul3A_335 : vector<16xf32>
          %swap3A_337 = arith.index_cast %add3A_323 : i32 to index
          %swap3A_338 = arith.constant 16 : index
          %swap3A_339 = tpu.vector_load %arg16[%swap3A_337, %swap3A_338] {strides = array<i32>} : memref<256x32xf32, #tpu.memory_space<vmem>>, vector<16xf32>,
          tpu.vector_store %arg16[%swap3A_337, %swap3A_338], %mul3A_336 {strides = array<i32>} : memref<256x32xf32, #tpu.memory_space<vmem>>, vector<16xf32>,
          %slice3A_340 = vector.extract_strided_slice %get3A_293 {offsets = [2], sizes = [1], strides = [1]} : vector<16xf32> to vector<1xf32>
          %squeeze3A_341 = vector.extract %slice3A_340[0] : f32 from vector<1xf32>
          %mul3A_342 = arith.constant 16 : i32
          %mul3A_343 = arith.muli %scan3A_285, %mul3A_342 : i32
          %add3A_344 = arith.constant 0 : i32
          %add3A_345 = arith.addi %add3A_344, %mul3A_343 : i32
          %add3A_346 = arith.constant 2 : i32
          %add3A_347 = arith.addi %add3A_345, %add3A_346 : i32
          %get3A_348 = arith.index_cast %add3A_347 : i32 to index
          %get3A_349 = arith.constant 0 : index
          %get3A_350 = tpu.vector_load %arg16[%get3A_348, %get3A_349] {strides = array<i32>} : memref<256x32xf32, #tpu.memory_space<vmem>>, vector<16xf32>,
          %mul3A_351 = vector.broadcast %squeeze3A_341 : f32 to vector<16xf32>
          %mul3A_352 = arith.mulf %get3A_350, %mul3A_351 : vector<16xf32>
          %swap3A_353 = arith.index_cast %add3A_347 : i32 to index
          %swap3A_354 = arith.constant 0 : index
          %swap3A_355 = tpu.vector_load %arg16[%swap3A_353, %swap3A_354] {strides = array<i32>} : memref<256x32xf32, #tpu.memory_space<vmem>>, vector<16xf32>,
          tpu.vector_store %arg16[%swap3A_353, %swap3A_354], %mul3A_352 {strides = array<i32>} : memref<256x32xf32, #tpu.memory_space<vmem>>, vector<16xf32>,
          %get3A_356 = arith.index_cast %add3A_347 : i32 to index
          %get3A_357 = arith.constant 16 : index
          %get3A_358 = tpu.vector_load %arg16[%get3A_356, %get3A_357] {strides = array<i32>} : memref<256x32xf32, #tpu.memory_space<vmem>>, vector<16xf32>,
          %mul3A_359 = vector.broadcast %squeeze3A_341 : f32 to vector<16xf32>
          %mul3A_360 = arith.mulf %get3A_358, %mul3A_359 : vector<16xf32>
          %swap3A_361 = arith.index_cast %add3A_347 : i32 to index
          %swap3A_362 = arith.constant 16 : index
          %swap3A_363 = tpu.vector_load %arg16[%swap3A_361, %swap3A_362] {strides = array<i32>} : memref<256x32xf32, #tpu.memory_space<vmem>>, vector<16xf32>,
          tpu.vector_store %arg16[%swap3A_361, %swap3A_362], %mul3A_360 {strides = array<i32>} : memref<256x32xf32, #tpu.memory_space<vmem>>, vector<16xf32>,
          %slice3A_364 = vector.extract_strided_slice %get3A_293 {offsets = [3], sizes = [1], strides = [1]} : vector<16xf32> to vector<1xf32>
          %squeeze3A_365 = vector.extract %slice3A_364[0] : f32 from vector<1xf32>
          %mul3A_366 = arith.constant 16 : i32
          %mul3A_367 = arith.muli %scan3A_285, %mul3A_366 : i32
          %add3A_368 = arith.constant 0 : i32
          %add3A_369 = arith.addi %add3A_368, %mul3A_367 : i32
          %add3A_370 = arith.constant 3 : i32
          %add3A_371 = arith.addi %add3A_369, %add3A_370 : i32
          %get3A_372 = arith.index_cast %add3A_371 : i32 to index
          %get3A_373 = arith.constant 0 : index
          %get3A_374 = tpu.vector_load %arg16[%get3A_372, %get3A_373] {strides = array<i32>} : memref<256x32xf32, #tpu.memory_space<vmem>>, vector<16xf32>,
          %mul3A_375 = vector.broadcast %squeeze3A_365 : f32 to vector<16xf32>
          %mul3A_376 = arith.mulf %get3A_374, %mul3A_375 : vector<16xf32>
          %swap3A_377 = arith.index_cast %add3A_371 : i32 to index
          %swap3A_378 = arith.constant 0 : index
          %swap3A_379 = tpu.vector_load %arg16[%swap3A_377, %swap3A_378] {strides = array<i32>} : memref<256x32xf32, #tpu.memory_space<vmem>>, vector<16xf32>,
          tpu.vector_store %arg16[%swap3A_377, %swap3A_378], %mul3A_376 {strides = array<i32>} : memref<256x32xf32, #tpu.memory_space<vmem>>, vector<16xf32>,
          %get3A_380 = arith.index_cast %add3A_371 : i32 to index
          %get3A_381 = arith.constant 16 : index
          %get3A_382 = tpu.vector_load %arg16[%get3A_380, %get3A_381] {strides = array<i32>} : memref<256x32xf32, #tpu.memory_space<vmem>>, vector<16xf32>,
          %mul3A_383 = vector.broadcast %squeeze3A_365 : f32 to vector<16xf32>
          %mul3A_384 = arith.mulf %get3A_382, %mul3A_383 : vector<16xf32>
          %swap3A_385 = arith.index_cast %add3A_371 : i32 to index
          %swap3A_386 = arith.constant 16 : index
          %swap3A_387 = tpu.vector_load %arg16[%swap3A_385, %swap3A_386] {strides = array<i32>} : memref<256x32xf32, #tpu.memory_space<vmem>>, vector<16xf32>,
          tpu.vector_store %arg16[%swap3A_385, %swap3A_386], %mul3A_384 {strides = array<i32>} : memref<256x32xf32, #tpu.memory_space<vmem>>, vector<16xf32>,
          %slice3A_388 = vector.extract_strided_slice %get3A_293 {offsets = [4], sizes = [1], strides = [1]} : vector<16xf32> to vector<1xf32>
          %squeeze3A_389 = vector.extract %slice3A_388[0] : f32 from vector<1xf32>
          %mul3A_390 = arith.constant 16 : i32
          %mul3A_391 = arith.muli %scan3A_285, %mul3A_390 : i32
          %add3A_392 = arith.constant 0 : i32
          %add3A_393 = arith.addi %add3A_392, %mul3A_391 : i32
          %add3A_394 = arith.constant 4 : i32
          %add3A_395 = arith.addi %add3A_393, %add3A_394 : i32
          %get3A_396 = arith.index_cast %add3A_395 : i32 to index
          %get3A_397 = arith.constant 0 : index
          %get3A_398 = tpu.vector_load %arg16[%get3A_396, %get3A_397] {strides = array<i32>} : memref<256x32xf32, #tpu.memory_space<vmem>>, vector<16xf32>,
          %mul3A_399 = vector.broadcast %squeeze3A_389 : f32 to vector<16xf32>
          %mul3A_400 = arith.mulf %get3A_398, %mul3A_399 : vector<16xf32>
          %swap3A_401 = arith.index_cast %add3A_395 : i32 to index
          %swap3A_402 = arith.constant 0 : index
          %swap3A_403 = tpu.vector_load %arg16[%swap3A_401, %swap3A_402] {strides = array<i32>} : memref<256x32xf32, #tpu.memory_space<vmem>>, vector<16xf32>,
          tpu.vector_store %arg16[%swap3A_401, %swap3A_402], %mul3A_400 {strides = array<i32>} : memref<256x32xf32, #tpu.memory_space<vmem>>, vector<16xf32>,
          %get3A_404 = arith.index_cast %add3A_395 : i32 to index
          %get3A_405 = arith.constant 16 : index
          %get3A_406 = tpu.vector_load %arg16[%get3A_404, %get3A_405] {strides = array<i32>} : memref<256x32xf32, #tpu.memory_space<vmem>>, vector<16xf32>,
          %mul3A_407 = vector.broadcast %squeeze3A_389 : f32 to vector<16xf32>
          %mul3A_408 = arith.mulf %get3A_406, %mul3A_407 : vector<16xf32>
          %swap3A_409 = arith.index_cast %add3A_395 : i32 to index
          %swap3A_410 = arith.constant 16 : index
          %swap3A_411 = tpu.vector_load %arg16[%swap3A_409, %swap3A_410] {strides = array<i32>} : memref<256x32xf32, #tpu.memory_space<vmem>>, vector<16xf32>,
          tpu.vector_store %arg16[%swap3A_409, %swap3A_410], %mul3A_408 {strides = array<i32>} : memref<256x32xf32, #tpu.memory_space<vmem>>, vector<16xf32>,
          %slice3A_412 = vector.extract_strided_slice %get3A_293 {offsets = [5], sizes = [1], strides = [1]} : vector<16xf32> to vector<1xf32>
          %squeeze3A_413 = vector.extract %slice3A_412[0] : f32 from vector<1xf32>
          %mul3A_414 = arith.constant 16 : i32
          %mul3A_415 = arith.muli %scan3A_285, %mul3A_414 : i32
          %add3A_416 = arith.constant 0 : i32
          %add3A_417 = arith.addi %add3A_416, %mul3A_415 : i32
          %add3A_418 = arith.constant 5 : i32
          %add3A_419 = arith.addi %add3A_417, %add3A_418 : i32
          %get3A_420 = arith.index_cast %add3A_419 : i32 to index
          %get3A_421 = arith.constant 0 : index
          %get3A_422 = tpu.vector_load %arg16[%get3A_420, %get3A_421] {strides = array<i32>} : memref<256x32xf32, #tpu.memory_space<vmem>>, vector<16xf32>,
          %mul3A_423 = vector.broadcast %squeeze3A_413 : f32 to vector<16xf32>
          %mul3A_424 = arith.mulf %get3A_422, %mul3A_423 : vector<16xf32>
          %swap3A_425 = arith.index_cast %add3A_419 : i32 to index
          %swap3A_426 = arith.constant 0 : index
          %swap3A_427 = tpu.vector_load %arg16[%swap3A_425, %swap3A_426] {strides = array<i32>} : memref<256x32xf32, #tpu.memory_space<vmem>>, vector<16xf32>,
          tpu.vector_store %arg16[%swap3A_425, %swap3A_426], %mul3A_424 {strides = array<i32>} : memref<256x32xf32, #tpu.memory_space<vmem>>, vector<16xf32>,
          %get3A_428 = arith.index_cast %add3A_419 : i32 to index
          %get3A_429 = arith.constant 16 : index
          %get3A_430 = tpu.vector_load %arg16[%get3A_428, %get3A_429] {strides = array<i32>} : memref<256x32xf32, #tpu.memory_space<vmem>>, vector<16xf32>,
          %mul3A_431 = vector.broadcast %squeeze3A_413 : f32 to vector<16xf32>
          %mul3A_432 = arith.mulf %get3A_430, %mul3A_431 : vector<16xf32>
          %swap3A_433 = arith.index_cast %add3A_419 : i32 to index
          %swap3A_434 = arith.constant 16 : index
          %swap3A_435 = tpu.vector_load %arg16[%swap3A_433, %swap3A_434] {strides = array<i32>} : memref<256x32xf32, #tpu.memory_space<vmem>>, vector<16xf32>,
          tpu.vector_store %arg16[%swap3A_433, %swap3A_434], %mul3A_432 {strides = array<i32>} : memref<256x32xf32, #tpu.memory_space<vmem>>, vector<16xf32>,
          %slice3A_436 = vector.extract_strided_slice %get3A_293 {offsets = [6], sizes = [1], strides = [1]} : vector<16xf32> to vector<1xf32>
          %squeeze3A_437 = vector.extract %slice3A_436[0] : f32 from vector<1xf32>
          %mul3A_438 = arith.constant 16 : i32
          %mul3A_439 = arith.muli %scan3A_285, %mul3A_438 : i32
          %add3A_440 = arith.constant 0 : i32
          %add3A_441 = arith.addi %add3A_440, %mul3A_439 : i32
          %add3A_442 = arith.constant 6 : i32
          %add3A_443 = arith.addi %add3A_441, %add3A_442 : i32
          %get3A_444 = arith.index_cast %add3A_443 : i32 to index
          %get3A_445 = arith.constant 0 : index
          %get3A_446 = tpu.vector_load %arg16[%get3A_444, %get3A_445] {strides = array<i32>} : memref<256x32xf32, #tpu.memory_space<vmem>>, vector<16xf32>,
          %mul3A_447 = vector.broadcast %squeeze3A_437 : f32 to vector<16xf32>
          %mul3A_448 = arith.mulf %get3A_446, %mul3A_447 : vector<16xf32>
          %swap3A_449 = arith.index_cast %add3A_443 : i32 to index
          %swap3A_450 = arith.constant 0 : index
          %swap3A_451 = tpu.vector_load %arg16[%swap3A_449, %swap3A_450] {strides = array<i32>} : memref<256x32xf32, #tpu.memory_space<vmem>>, vector<16xf32>,
          tpu.vector_store %arg16[%swap3A_449, %swap3A_450], %mul3A_448 {strides = array<i32>} : memref<256x32xf32, #tpu.memory_space<vmem>>, vector<16xf32>,
          %get3A_452 = arith.index_cast %add3A_443 : i32 to index
          %get3A_453 = arith.constant 16 : index
          %get3A_454 = tpu.vector_load %arg16[%get3A_452, %get3A_453] {strides = array<i32>} : memref<256x32xf32, #tpu.memory_space<vmem>>, vector<16xf32>,
          %mul3A_455 = vector.broadcast %squeeze3A_437 : f32 to vector<16xf32>
          %mul3A_456 = arith.mulf %get3A_454, %mul3A_455 : vector<16xf32>
          %swap3A_457 = arith.index_cast %add3A_443 : i32 to index
          %swap3A_458 = arith.constant 16 : index
          %swap3A_459 = tpu.vector_load %arg16[%swap3A_457, %swap3A_458] {strides = array<i32>} : memref<256x32xf32, #tpu.memory_space<vmem>>, vector<16xf32>,
          tpu.vector_store %arg16[%swap3A_457, %swap3A_458], %mul3A_456 {strides = array<i32>} : memref<256x32xf32, #tpu.memory_space<vmem>>, vector<16xf32>,
          %slice3A_460 = vector.extract_strided_slice %get3A_293 {offsets = [7], sizes = [1], strides = [1]} : vector<16xf32> to vector<1xf32>
          %squeeze3A_461 = vector.extract %slice3A_460[0] : f32 from vector<1xf32>
          %mul3A_462 = arith.constant 16 : i32
          %mul3A_463 = arith.muli %scan3A_285, %mul3A_462 : i32
          %add3A_464 = arith.constant 0 : i32
          %add3A_465 = arith.addi %add3A_464, %mul3A_463 : i32
          %add3A_466 = arith.constant 7 : i32
          %add3A_467 = arith.addi %add3A_465, %add3A_466 : i32
          %get3A_468 = arith.index_cast %add3A_467 : i32 to index
          %get3A_469 = arith.constant 0 : index
          %get3A_470 = tpu.vector_load %arg16[%get3A_468, %get3A_469] {strides = array<i32>} : memref<256x32xf32, #tpu.memory_space<vmem>>, vector<16xf32>,
          %mul3A_471 = vector.broadcast %squeeze3A_461 : f32 to vector<16xf32>
          %mul3A_472 = arith.mulf %get3A_470, %mul3A_471 : vector<16xf32>
          %swap3A_473 = arith.index_cast %add3A_467 : i32 to index
          %swap3A_474 = arith.constant 0 : index
          %swap3A_475 = tpu.vector_load %arg16[%swap3A_473, %swap3A_474] {strides = array<i32>} : memref<256x32xf32, #tpu.memory_space<vmem>>, vector<16xf32>,
          tpu.vector_store %arg16[%swap3A_473, %swap3A_474], %mul3A_472 {strides = array<i32>} : memref<256x32xf32, #tpu.memory_space<vmem>>, vector<16xf32>,
          %get3A_476 = arith.index_cast %add3A_467 : i32 to index
          %get3A_477 = arith.constant 16 : index
          %get3A_478 = tpu.vector_load %arg16[%get3A_476, %get3A_477] {strides = array<i32>} : memref<256x32xf32, #tpu.memory_space<vmem>>, vector<16xf32>,
          %mul3A_479 = vector.broadcast %squeeze3A_461 : f32 to vector<16xf32>
          %mul3A_480 = arith.mulf %get3A_478, %mul3A_479 : vector<16xf32>
          %swap3A_481 = arith.index_cast %add3A_467 : i32 to index
          %swap3A_482 = arith.constant 16 : index
          %swap3A_483 = tpu.vector_load %arg16[%swap3A_481, %swap3A_482] {strides = array<i32>} : memref<256x32xf32, #tpu.memory_space<vmem>>, vector<16xf32>,
          tpu.vector_store %arg16[%swap3A_481, %swap3A_482], %mul3A_480 {strides = array<i32>} : memref<256x32xf32, #tpu.memory_space<vmem>>, vector<16xf32>,
          %slice3A_484 = vector.extract_strided_slice %get3A_293 {offsets = [8], sizes = [1], strides = [1]} : vector<16xf32> to vector<1xf32>
          %squeeze3A_485 = vector.extract %slice3A_484[0] : f32 from vector<1xf32>
          %mul3A_486 = arith.constant 16 : i32
          %mul3A_487 = arith.muli %scan3A_285, %mul3A_486 : i32
          %add3A_488 = arith.constant 0 : i32
          %add3A_489 = arith.addi %add3A_488, %mul3A_487 : i32
          %add3A_490 = arith.constant 8 : i32
          %add3A_491 = arith.addi %add3A_489, %add3A_490 : i32
          %get3A_492 = arith.index_cast %add3A_491 : i32 to index
          %get3A_493 = arith.constant 0 : index
          %get3A_494 = tpu.vector_load %arg16[%get3A_492, %get3A_493] {strides = array<i32>} : memref<256x32xf32, #tpu.memory_space<vmem>>, vector<16xf32>,
          %mul3A_495 = vector.broadcast %squeeze3A_485 : f32 to vector<16xf32>
          %mul3A_496 = arith.mulf %get3A_494, %mul3A_495 : vector<16xf32>
          %swap3A_497 = arith.index_cast %add3A_491 : i32 to index
          %swap3A_498 = arith.constant 0 : index
          %swap3A_499 = tpu.vector_load %arg16[%swap3A_497, %swap3A_498] {strides = array<i32>} : memref<256x32xf32, #tpu.memory_space<vmem>>, vector<16xf32>,
          tpu.vector_store %arg16[%swap3A_497, %swap3A_498], %mul3A_496 {strides = array<i32>} : memref<256x32xf32, #tpu.memory_space<vmem>>, vector<16xf32>,
          %get3A_500 = arith.index_cast %add3A_491 : i32 to index
          %get3A_501 = arith.constant 16 : index
          %get3A_502 = tpu.vector_load %arg16[%get3A_500, %get3A_501] {strides = array<i32>} : memref<256x32xf32, #tpu.memory_space<vmem>>, vector<16xf32>,
          %mul3A_503 = vector.broadcast %squeeze3A_485 : f32 to vector<16xf32>
          %mul3A_504 = arith.mulf %get3A_502, %mul3A_503 : vector<16xf32>
          %swap3A_505 = arith.index_cast %add3A_491 : i32 to index
          %swap3A_506 = arith.constant 16 : index
          %swap3A_507 = tpu.vector_load %arg16[%swap3A_505, %swap3A_506] {strides = array<i32>} : memref<256x32xf32, #tpu.memory_space<vmem>>, vector<16xf32>,
          tpu.vector_store %arg16[%swap3A_505, %swap3A_506], %mul3A_504 {strides = array<i32>} : memref<256x32xf32, #tpu.memory_space<vmem>>, vector<16xf32>,
          %slice3A_508 = vector.extract_strided_slice %get3A_293 {offsets = [9], sizes = [1], strides = [1]} : vector<16xf32> to vector<1xf32>
          %squeeze3A_509 = vector.extract %slice3A_508[0] : f32 from vector<1xf32>
          %mul3A_510 = arith.constant 16 : i32
          %mul3A_511 = arith.muli %scan3A_285, %mul3A_510 : i32
          %add3A_512 = arith.constant 0 : i32
          %add3A_513 = arith.addi %add3A_512, %mul3A_511 : i32
          %add3A_514 = arith.constant 9 : i32
          %add3A_515 = arith.addi %add3A_513, %add3A_514 : i32
          %get3A_516 = arith.index_cast %add3A_515 : i32 to index
          %get3A_517 = arith.constant 0 : index
          %get3A_518 = tpu.vector_load %arg16[%get3A_516, %get3A_517] {strides = array<i32>} : memref<256x32xf32, #tpu.memory_space<vmem>>, vector<16xf32>,
          %mul3A_519 = vector.broadcast %squeeze3A_509 : f32 to vector<16xf32>
          %mul3A_520 = arith.mulf %get3A_518, %mul3A_519 : vector<16xf32>
          %swap3A_521 = arith.index_cast %add3A_515 : i32 to index
          %swap3A_522 = arith.constant 0 : index
          %swap3A_523 = tpu.vector_load %arg16[%swap3A_521, %swap3A_522] {strides = array<i32>} : memref<256x32xf32, #tpu.memory_space<vmem>>, vector<16xf32>,
          tpu.vector_store %arg16[%swap3A_521, %swap3A_522], %mul3A_520 {strides = array<i32>} : memref<256x32xf32, #tpu.memory_space<vmem>>, vector<16xf32>,
          %get3A_524 = arith.index_cast %add3A_515 : i32 to index
          %get3A_525 = arith.constant 16 : index
          %get3A_526 = tpu.vector_load %arg16[%get3A_524, %get3A_525] {strides = array<i32>} : memref<256x32xf32, #tpu.memory_space<vmem>>, vector<16xf32>,
          %mul3A_527 = vector.broadcast %squeeze3A_509 : f32 to vector<16xf32>
          %mul3A_528 = arith.mulf %get3A_526, %mul3A_527 : vector<16xf32>
          %swap3A_529 = arith.index_cast %add3A_515 : i32 to index
          %swap3A_530 = arith.constant 16 : index
          %swap3A_531 = tpu.vector_load %arg16[%swap3A_529, %swap3A_530] {strides = array<i32>} : memref<256x32xf32, #tpu.memory_space<vmem>>, vector<16xf32>,
          tpu.vector_store %arg16[%swap3A_529, %swap3A_530], %mul3A_528 {strides = array<i32>} : memref<256x32xf32, #tpu.memory_space<vmem>>, vector<16xf32>,
          %slice3A_532 = vector.extract_strided_slice %get3A_293 {offsets = [10], sizes = [1], strides = [1]} : vector<16xf32> to vector<1xf32>
          %squeeze3A_533 = vector.extract %slice3A_532[0] : f32 from vector<1xf32>
          %mul3A_534 = arith.constant 16 : i32
          %mul3A_535 = arith.muli %scan3A_285, %mul3A_534 : i32
          %add3A_536 = arith.constant 0 : i32
          %add3A_537 = arith.addi %add3A_536, %mul3A_535 : i32
          %add3A_538 = arith.constant 10 : i32
          %add3A_539 = arith.addi %add3A_537, %add3A_538 : i32
          %get3A_540 = arith.index_cast %add3A_539 : i32 to index
          %get3A_541 = arith.constant 0 : index
          %get3A_542 = tpu.vector_load %arg16[%get3A_540, %get3A_541] {strides = array<i32>} : memref<256x32xf32, #tpu.memory_space<vmem>>, vector<16xf32>,
          %mul3A_543 = vector.broadcast %squeeze3A_533 : f32 to vector<16xf32>
          %mul3A_544 = arith.mulf %get3A_542, %mul3A_543 : vector<16xf32>
          %swap3A_545 = arith.index_cast %add3A_539 : i32 to index
          %swap3A_546 = arith.constant 0 : index
          %swap3A_547 = tpu.vector_load %arg16[%swap3A_545, %swap3A_546] {strides = array<i32>} : memref<256x32xf32, #tpu.memory_space<vmem>>, vector<16xf32>,
          tpu.vector_store %arg16[%swap3A_545, %swap3A_546], %mul3A_544 {strides = array<i32>} : memref<256x32xf32, #tpu.memory_space<vmem>>, vector<16xf32>,
          %get3A_548 = arith.index_cast %add3A_539 : i32 to index
          %get3A_549 = arith.constant 16 : index
          %get3A_550 = tpu.vector_load %arg16[%get3A_548, %get3A_549] {strides = array<i32>} : memref<256x32xf32, #tpu.memory_space<vmem>>, vector<16xf32>,
          %mul3A_551 = vector.broadcast %squeeze3A_533 : f32 to vector<16xf32>
          %mul3A_552 = arith.mulf %get3A_550, %mul3A_551 : vector<16xf32>
          %swap3A_553 = arith.index_cast %add3A_539 : i32 to index
          %swap3A_554 = arith.constant 16 : index
          %swap3A_555 = tpu.vector_load %arg16[%swap3A_553, %swap3A_554] {strides = array<i32>} : memref<256x32xf32, #tpu.memory_space<vmem>>, vector<16xf32>,
          tpu.vector_store %arg16[%swap3A_553, %swap3A_554], %mul3A_552 {strides = array<i32>} : memref<256x32xf32, #tpu.memory_space<vmem>>, vector<16xf32>,
          %slice3A_556 = vector.extract_strided_slice %get3A_293 {offsets = [11], sizes = [1], strides = [1]} : vector<16xf32> to vector<1xf32>
          %squeeze3A_557 = vector.extract %slice3A_556[0] : f32 from vector<1xf32>
          %mul3A_558 = arith.constant 16 : i32
          %mul3A_559 = arith.muli %scan3A_285, %mul3A_558 : i32
          %add3A_560 = arith.constant 0 : i32
          %add3A_561 = arith.addi %add3A_560, %mul3A_559 : i32
          %add3A_562 = arith.constant 11 : i32
          %add3A_563 = arith.addi %add3A_561, %add3A_562 : i32
          %get3A_564 = arith.index_cast %add3A_563 : i32 to index
          %get3A_565 = arith.constant 0 : index
          %get3A_566 = tpu.vector_load %arg16[%get3A_564, %get3A_565] {strides = array<i32>} : memref<256x32xf32, #tpu.memory_space<vmem>>, vector<16xf32>,
          %mul3A_567 = vector.broadcast %squeeze3A_557 : f32 to vector<16xf32>
          %mul3A_568 = arith.mulf %get3A_566, %mul3A_567 : vector<16xf32>
          %swap3A_569 = arith.index_cast %add3A_563 : i32 to index
          %swap3A_570 = arith.constant 0 : index
          %swap3A_571 = tpu.vector_load %arg16[%swap3A_569, %swap3A_570] {strides = array<i32>} : memref<256x32xf32, #tpu.memory_space<vmem>>, vector<16xf32>,
          tpu.vector_store %arg16[%swap3A_569, %swap3A_570], %mul3A_568 {strides = array<i32>} : memref<256x32xf32, #tpu.memory_space<vmem>>, vector<16xf32>,
          %get3A_572 = arith.index_cast %add3A_563 : i32 to index
          %get3A_573 = arith.constant 16 : index
          %get3A_574 = tpu.vector_load %arg16[%get3A_572, %get3A_573] {strides = array<i32>} : memref<256x32xf32, #tpu.memory_space<vmem>>, vector<16xf32>,
          %mul3A_575 = vector.broadcast %squeeze3A_557 : f32 to vector<16xf32>
          %mul3A_576 = arith.mulf %get3A_574, %mul3A_575 : vector<16xf32>
          %swap3A_577 = arith.index_cast %add3A_563 : i32 to index
          %swap3A_578 = arith.constant 16 : index
          %swap3A_579 = tpu.vector_load %arg16[%swap3A_577, %swap3A_578] {strides = array<i32>} : memref<256x32xf32, #tpu.memory_space<vmem>>, vector<16xf32>,
          tpu.vector_store %arg16[%swap3A_577, %swap3A_578], %mul3A_576 {strides = array<i32>} : memref<256x32xf32, #tpu.memory_space<vmem>>, vector<16xf32>,
          %slice3A_580 = vector.extract_strided_slice %get3A_293 {offsets = [12], sizes = [1], strides = [1]} : vector<16xf32> to vector<1xf32>
          %squeeze3A_581 = vector.extract %slice3A_580[0] : f32 from vector<1xf32>
          %mul3A_582 = arith.constant 16 : i32
          %mul3A_583 = arith.muli %scan3A_285, %mul3A_582 : i32
          %add3A_584 = arith.constant 0 : i32
          %add3A_585 = arith.addi %add3A_584, %mul3A_583 : i32
          %add3A_586 = arith.constant 12 : i32
          %add3A_587 = arith.addi %add3A_585, %add3A_586 : i32
          %get3A_588 = arith.index_cast %add3A_587 : i32 to index
          %get3A_589 = arith.constant 0 : index
          %get3A_590 = tpu.vector_load %arg16[%get3A_588, %get3A_589] {strides = array<i32>} : memref<256x32xf32, #tpu.memory_space<vmem>>, vector<16xf32>,
          %mul3A_591 = vector.broadcast %squeeze3A_581 : f32 to vector<16xf32>
          %mul3A_592 = arith.mulf %get3A_590, %mul3A_591 : vector<16xf32>
          %swap3A_593 = arith.index_cast %add3A_587 : i32 to index
          %swap3A_594 = arith.constant 0 : index
          %swap3A_595 = tpu.vector_load %arg16[%swap3A_593, %swap3A_594] {strides = array<i32>} : memref<256x32xf32, #tpu.memory_space<vmem>>, vector<16xf32>,
          tpu.vector_store %arg16[%swap3A_593, %swap3A_594], %mul3A_592 {strides = array<i32>} : memref<256x32xf32, #tpu.memory_space<vmem>>, vector<16xf32>,
          %get3A_596 = arith.index_cast %add3A_587 : i32 to index
          %get3A_597 = arith.constant 16 : index
          %get3A_598 = tpu.vector_load %arg16[%get3A_596, %get3A_597] {strides = array<i32>} : memref<256x32xf32, #tpu.memory_space<vmem>>, vector<16xf32>,
          %mul3A_599 = vector.broadcast %squeeze3A_581 : f32 to vector<16xf32>
          %mul3A_600 = arith.mulf %get3A_598, %mul3A_599 : vector<16xf32>
          %swap3A_601 = arith.index_cast %add3A_587 : i32 to index
          %swap3A_602 = arith.constant 16 : index
          %swap3A_603 = tpu.vector_load %arg16[%swap3A_601, %swap3A_602] {strides = array<i32>} : memref<256x32xf32, #tpu.memory_space<vmem>>, vector<16xf32>,
          tpu.vector_store %arg16[%swap3A_601, %swap3A_602], %mul3A_600 {strides = array<i32>} : memref<256x32xf32, #tpu.memory_space<vmem>>, vector<16xf32>,
          %slice3A_604 = vector.extract_strided_slice %get3A_293 {offsets = [13], sizes = [1], strides = [1]} : vector<16xf32> to vector<1xf32>
          %squeeze3A_605 = vector.extract %slice3A_604[0] : f32 from vector<1xf32>
          %mul3A_606 = arith.constant 16 : i32
          %mul3A_607 = arith.muli %scan3A_285, %mul3A_606 : i32
          %add3A_608 = arith.constant 0 : i32
          %add3A_609 = arith.addi %add3A_608, %mul3A_607 : i32
          %add3A_610 = arith.constant 13 : i32
          %add3A_611 = arith.addi %add3A_609, %add3A_610 : i32
          %get3A_612 = arith.index_cast %add3A_611 : i32 to index
          %get3A_613 = arith.constant 0 : index
          %get3A_614 = tpu.vector_load %arg16[%get3A_612, %get3A_613] {strides = array<i32>} : memref<256x32xf32, #tpu.memory_space<vmem>>, vector<16xf32>,
          %mul3A_615 = vector.broadcast %squeeze3A_605 : f32 to vector<16xf32>
          %mul3A_616 = arith.mulf %get3A_614, %mul3A_615 : vector<16xf32>
          %swap3A_617 = arith.index_cast %add3A_611 : i32 to index
          %swap3A_618 = arith.constant 0 : index
          %swap3A_619 = tpu.vector_load %arg16[%swap3A_617, %swap3A_618] {strides = array<i32>} : memref<256x32xf32, #tpu.memory_space<vmem>>, vector<16xf32>,
          tpu.vector_store %arg16[%swap3A_617, %swap3A_618], %mul3A_616 {strides = array<i32>} : memref<256x32xf32, #tpu.memory_space<vmem>>, vector<16xf32>,
          %get3A_620 = arith.index_cast %add3A_611 : i32 to index
          %get3A_621 = arith.constant 16 : index
          %get3A_622 = tpu.vector_load %arg16[%get3A_620, %get3A_621] {strides = array<i32>} : memref<256x32xf32, #tpu.memory_space<vmem>>, vector<16xf32>,
          %mul3A_623 = vector.broadcast %squeeze3A_605 : f32 to vector<16xf32>
          %mul3A_624 = arith.mulf %get3A_622, %mul3A_623 : vector<16xf32>
          %swap3A_625 = arith.index_cast %add3A_611 : i32 to index
          %swap3A_626 = arith.constant 16 : index
          %swap3A_627 = tpu.vector_load %arg16[%swap3A_625, %swap3A_626] {strides = array<i32>} : memref<256x32xf32, #tpu.memory_space<vmem>>, vector<16xf32>,
          tpu.vector_store %arg16[%swap3A_625, %swap3A_626], %mul3A_624 {strides = array<i32>} : memref<256x32xf32, #tpu.memory_space<vmem>>, vector<16xf32>,
          %slice3A_628 = vector.extract_strided_slice %get3A_293 {offsets = [14], sizes = [1], strides = [1]} : vector<16xf32> to vector<1xf32>
          %squeeze3A_629 = vector.extract %slice3A_628[0] : f32 from vector<1xf32>
          %mul3A_630 = arith.constant 16 : i32
          %mul3A_631 = arith.muli %scan3A_285, %mul3A_630 : i32
          %add3A_632 = arith.constant 0 : i32
          %add3A_633 = arith.addi %add3A_632, %mul3A_631 : i32
          %add3A_634 = arith.constant 14 : i32
          %add3A_635 = arith.addi %add3A_633, %add3A_634 : i32
          %get3A_636 = arith.index_cast %add3A_635 : i32 to index
          %get3A_637 = arith.constant 0 : index
          %get3A_638 = tpu.vector_load %arg16[%get3A_636, %get3A_637] {strides = array<i32>} : memref<256x32xf32, #tpu.memory_space<vmem>>, vector<16xf32>,
          %mul3A_639 = vector.broadcast %squeeze3A_629 : f32 to vector<16xf32>
          %mul3A_640 = arith.mulf %get3A_638, %mul3A_639 : vector<16xf32>
          %swap3A_641 = arith.index_cast %add3A_635 : i32 to index
          %swap3A_642 = arith.constant 0 : index
          %swap3A_643 = tpu.vector_load %arg16[%swap3A_641, %swap3A_642] {strides = array<i32>} : memref<256x32xf32, #tpu.memory_space<vmem>>, vector<16xf32>,
          tpu.vector_store %arg16[%swap3A_641, %swap3A_642], %mul3A_640 {strides = array<i32>} : memref<256x32xf32, #tpu.memory_space<vmem>>, vector<16xf32>,
          %get3A_644 = arith.index_cast %add3A_635 : i32 to index
          %get3A_645 = arith.constant 16 : index
          %get3A_646 = tpu.vector_load %arg16[%get3A_644, %get3A_645] {strides = array<i32>} : memref<256x32xf32, #tpu.memory_space<vmem>>, vector<16xf32>,
          %mul3A_647 = vector.broadcast %squeeze3A_629 : f32 to vector<16xf32>
          %mul3A_648 = arith.mulf %get3A_646, %mul3A_647 : vector<16xf32>
          %swap3A_649 = arith.index_cast %add3A_635 : i32 to index
          %swap3A_650 = arith.constant 16 : index
          %swap3A_651 = tpu.vector_load %arg16[%swap3A_649, %swap3A_650] {strides = array<i32>} : memref<256x32xf32, #tpu.memory_space<vmem>>, vector<16xf32>,
          tpu.vector_store %arg16[%swap3A_649, %swap3A_650], %mul3A_648 {strides = array<i32>} : memref<256x32xf32, #tpu.memory_space<vmem>>, vector<16xf32>,
          %slice3A_652 = vector.extract_strided_slice %get3A_293 {offsets = [15], sizes = [1], strides = [1]} : vector<16xf32> to vector<1xf32>
          %squeeze3A_653 = vector.extract %slice3A_652[0] : f32 from vector<1xf32>
          %mul3A_654 = arith.constant 16 : i32
          %mul3A_655 = arith.muli %scan3A_285, %mul3A_654 : i32
          %add3A_656 = arith.constant 0 : i32
          %add3A_657 = arith.addi %add3A_656, %mul3A_655 : i32
          %add3A_658 = arith.constant 15 : i32
          %add3A_659 = arith.addi %add3A_657, %add3A_658 : i32
          %get3A_660 = arith.index_cast %add3A_659 : i32 to index
          %get3A_661 = arith.constant 0 : index
          %get3A_662 = tpu.vector_load %arg16[%get3A_660, %get3A_661] {strides = array<i32>} : memref<256x32xf32, #tpu.memory_space<vmem>>, vector<16xf32>,
          %mul3A_663 = vector.broadcast %squeeze3A_653 : f32 to vector<16xf32>
          %mul3A_664 = arith.mulf %get3A_662, %mul3A_663 : vector<16xf32>
          %swap3A_665 = arith.index_cast %add3A_659 : i32 to index
          %swap3A_666 = arith.constant 0 : index
          %swap3A_667 = tpu.vector_load %arg16[%swap3A_665, %swap3A_666] {strides = array<i32>} : memref<256x32xf32, #tpu.memory_space<vmem>>, vector<16xf32>,
          tpu.vector_store %arg16[%swap3A_665, %swap3A_666], %mul3A_664 {strides = array<i32>} : memref<256x32xf32, #tpu.memory_space<vmem>>, vector<16xf32>,
          %get3A_668 = arith.index_cast %add3A_659 : i32 to index
          %get3A_669 = arith.constant 16 : index
          %get3A_670 = tpu.vector_load %arg16[%get3A_668, %get3A_669] {strides = array<i32>} : memref<256x32xf32, #tpu.memory_space<vmem>>, vector<16xf32>,
          %mul3A_671 = vector.broadcast %squeeze3A_653 : f32 to vector<16xf32>
          %mul3A_672 = arith.mulf %get3A_670, %mul3A_671 : vector<16xf32>
          %swap3A_673 = arith.index_cast %add3A_659 : i32 to index
          %swap3A_674 = arith.constant 16 : index
          %swap3A_675 = tpu.vector_load %arg16[%swap3A_673, %swap3A_674] {strides = array<i32>} : memref<256x32xf32, #tpu.memory_space<vmem>>, vector<16xf32>,
          tpu.vector_store %arg16[%swap3A_673, %swap3A_674], %mul3A_672 {strides = array<i32>} : memref<256x32xf32, #tpu.memory_space<vmem>>, vector<16xf32>,
        }
        %scan3A_256 = arith.constant 8 : i32
        %mul3A_257 = arith.constant 256 : i32
        %mul3A_258 = arith.muli %add3A_250, %mul3A_257 : i32
        %dma_start3A_259 = arith.constant 0 : i32
        %dma_start3A_260 = arith.constant 0 : i32
        %dma_start3A_261 = tpu.memref_slice %arg16[%dma_start3A_259, %dma_start3A_260] : memref<256x32xf32, #tpu.memory_space<vmem>> -> memref<128x32xf32, #tpu.memory_space<vmem>>
        %dma_start3A_262 = tpu.memref_slice %arg10[%mul3A_258] : memref<20480xi32, #tpu.memory_space<vmem>> -> memref<128xi32, #tpu.memory_space<vmem>>
        %dma_start3A_263 = arith.constant 0 : i32
        %dma_start3A_264 = arith.constant 0 : i32
        %dma_start3A_265 = tpu.memref_slice %arg19[%dma_start3A_263, %dma_start3A_264] : memref<10016x32xf32, #tpu.memory_space<vmem_shared>> -> memref<10016x32xf32, #tpu.memory_space<vmem_shared>>
        tpu.enqueue_indirect_dma source(%dma_start3A_261 : memref<128x32xf32, #tpu.memory_space<vmem>>) target(%dma_start3A_265 : memref<10016x32xf32, #tpu.memory_space<vmem_shared>>) offsets(%dma_start3A_262 : memref<128xi32, #tpu.memory_space<vmem>>) semaphore(%arg24 : memref<!tpu.dma_semaphore, #tpu.memory_space<semaphore_mem>>) {add = true}
        %scan3A_266 = arith.constant 0 : i32
        %scan3A_267 = arith.constant 0 : i32
        %scan3A_268 = arith.constant 8 : i32
        %scan3A_269 = arith.addi %scan3A_267, %scan3A_268 : i32
        %scan3A_270 = arith.constant 1 : i32
        scf.for %scan3A_285 = %scan3A_267 to %scan3A_269 step %scan3A_270  : i32 {
          %mul3A_286 = arith.constant 256 : i32
          %mul3A_287 = arith.muli %add3A_250, %mul3A_286 : i32
          %add3A_288 = arith.constant 128 : i32
          %add3A_289 = arith.addi %mul3A_287, %add3A_288 : i32
          %mul3A_290 = arith.constant 16 : i32
          %mul3A_291 = arith.muli %scan3A_285, %mul3A_290 : i32
          %add3A_292 = arith.addi %add3A_289, %mul3A_291 : i32
          %get3A = arith.index_cast %add3A_292 : i32 to index
          %get3A_293 = tpu.vector_load %arg11[%get3A] {strides = array<i32>} : memref<20480xf32, #tpu.memory_space<vmem>>, vector<16xf32>,
          %slice3A = vector.extract_strided_slice %get3A_293 {offsets = [0], sizes = [1], strides = [1]} : vector<16xf32> to vector<1xf32>
          %squeeze3A = vector.extract %slice3A[0] : f32 from vector<1xf32>
          %mul3A_294 = arith.constant 16 : i32
          %mul3A_295 = arith.muli %scan3A_285, %mul3A_294 : i32
          %add3A_296 = arith.constant 128 : i32
          %add3A_297 = arith.addi %add3A_296, %mul3A_295 : i32
          %add3A_298 = arith.constant 0 : i32
          %add3A_299 = arith.addi %add3A_297, %add3A_298 : i32
          %get3A_300 = arith.index_cast %add3A_299 : i32 to index
          %get3A_301 = arith.constant 0 : index
          %get3A_302 = tpu.vector_load %arg16[%get3A_300, %get3A_301] {strides = array<i32>} : memref<256x32xf32, #tpu.memory_space<vmem>>, vector<16xf32>,
          %mul3A_303 = vector.broadcast %squeeze3A : f32 to vector<16xf32>
          %mul3A_304 = arith.mulf %get3A_302, %mul3A_303 : vector<16xf32>
          %swap3A_305 = arith.index_cast %add3A_299 : i32 to index
          %swap3A_306 = arith.constant 0 : index
          %swap3A_307 = tpu.vector_load %arg16[%swap3A_305, %swap3A_306] {strides = array<i32>} : memref<256x32xf32, #tpu.memory_space<vmem>>, vector<16xf32>,
          tpu.vector_store %arg16[%swap3A_305, %swap3A_306], %mul3A_304 {strides = array<i32>} : memref<256x32xf32, #tpu.memory_space<vmem>>, vector<16xf32>,
          %get3A_308 = arith.index_cast %add3A_299 : i32 to index
          %get3A_309 = arith.constant 16 : index
          %get3A_310 = tpu.vector_load %arg16[%get3A_308, %get3A_309] {strides = array<i32>} : memref<256x32xf32, #tpu.memory_space<vmem>>, vector<16xf32>,
          %mul3A_311 = vector.broadcast %squeeze3A : f32 to vector<16xf32>
          %mul3A_312 = arith.mulf %get3A_310, %mul3A_311 : vector<16xf32>
          %swap3A_313 = arith.index_cast %add3A_299 : i32 to index
          %swap3A_314 = arith.constant 16 : index
          %swap3A_315 = tpu.vector_load %arg16[%swap3A_313, %swap3A_314] {strides = array<i32>} : memref<256x32xf32, #tpu.memory_space<vmem>>, vector<16xf32>,
          tpu.vector_store %arg16[%swap3A_313, %swap3A_314], %mul3A_312 {strides = array<i32>} : memref<256x32xf32, #tpu.memory_space<vmem>>, vector<16xf32>,
          %slice3A_316 = vector.extract_strided_slice %get3A_293 {offsets = [1], sizes = [1], strides = [1]} : vector<16xf32> to vector<1xf32>
          %squeeze3A_317 = vector.extract %slice3A_316[0] : f32 from vector<1xf32>
          %mul3A_318 = arith.constant 16 : i32
          %mul3A_319 = arith.muli %scan3A_285, %mul3A_318 : i32
          %add3A_320 = arith.constant 128 : i32
          %add3A_321 = arith.addi %add3A_320, %mul3A_319 : i32
          %add3A_322 = arith.constant 1 : i32
          %add3A_323 = arith.addi %add3A_321, %add3A_322 : i32
          %get3A_324 = arith.index_cast %add3A_323 : i32 to index
          %get3A_325 = arith.constant 0 : index
          %get3A_326 = tpu.vector_load %arg16[%get3A_324, %get3A_325] {strides = array<i32>} : memref<256x32xf32, #tpu.memory_space<vmem>>, vector<16xf32>,
          %mul3A_327 = vector.broadcast %squeeze3A_317 : f32 to vector<16xf32>
          %mul3A_328 = arith.mulf %get3A_326, %mul3A_327 : vector<16xf32>
          %swap3A_329 = arith.index_cast %add3A_323 : i32 to index
          %swap3A_330 = arith.constant 0 : index
          %swap3A_331 = tpu.vector_load %arg16[%swap3A_329, %swap3A_330] {strides = array<i32>} : memref<256x32xf32, #tpu.memory_space<vmem>>, vector<16xf32>,
          tpu.vector_store %arg16[%swap3A_329, %swap3A_330], %mul3A_328 {strides = array<i32>} : memref<256x32xf32, #tpu.memory_space<vmem>>, vector<16xf32>,
          %get3A_332 = arith.index_cast %add3A_323 : i32 to index
          %get3A_333 = arith.constant 16 : index
          %get3A_334 = tpu.vector_load %arg16[%get3A_332, %get3A_333] {strides = array<i32>} : memref<256x32xf32, #tpu.memory_space<vmem>>, vector<16xf32>,
          %mul3A_335 = vector.broadcast %squeeze3A_317 : f32 to vector<16xf32>
          %mul3A_336 = arith.mulf %get3A_334, %mul3A_335 : vector<16xf32>
          %swap3A_337 = arith.index_cast %add3A_323 : i32 to index
          %swap3A_338 = arith.constant 16 : index
          %swap3A_339 = tpu.vector_load %arg16[%swap3A_337, %swap3A_338] {strides = array<i32>} : memref<256x32xf32, #tpu.memory_space<vmem>>, vector<16xf32>,
          tpu.vector_store %arg16[%swap3A_337, %swap3A_338], %mul3A_336 {strides = array<i32>} : memref<256x32xf32, #tpu.memory_space<vmem>>, vector<16xf32>,
          %slice3A_340 = vector.extract_strided_slice %get3A_293 {offsets = [2], sizes = [1], strides = [1]} : vector<16xf32> to vector<1xf32>
          %squeeze3A_341 = vector.extract %slice3A_340[0] : f32 from vector<1xf32>
          %mul3A_342 = arith.constant 16 : i32
          %mul3A_343 = arith.muli %scan3A_285, %mul3A_342 : i32
          %add3A_344 = arith.constant 128 : i32
          %add3A_345 = arith.addi %add3A_344, %mul3A_343 : i32
          %add3A_346 = arith.constant 2 : i32
          %add3A_347 = arith.addi %add3A_345, %add3A_346 : i32
          %get3A_348 = arith.index_cast %add3A_347 : i32 to index
          %get3A_349 = arith.constant 0 : index
          %get3A_350 = tpu.vector_load %arg16[%get3A_348, %get3A_349] {strides = array<i32>} : memref<256x32xf32, #tpu.memory_space<vmem>>, vector<16xf32>,
          %mul3A_351 = vector.broadcast %squeeze3A_341 : f32 to vector<16xf32>
          %mul3A_352 = arith.mulf %get3A_350, %mul3A_351 : vector<16xf32>
          %swap3A_353 = arith.index_cast %add3A_347 : i32 to index
          %swap3A_354 = arith.constant 0 : index
          %swap3A_355 = tpu.vector_load %arg16[%swap3A_353, %swap3A_354] {strides = array<i32>} : memref<256x32xf32, #tpu.memory_space<vmem>>, vector<16xf32>,
          tpu.vector_store %arg16[%swap3A_353, %swap3A_354], %mul3A_352 {strides = array<i32>} : memref<256x32xf32, #tpu.memory_space<vmem>>, vector<16xf32>,
          %get3A_356 = arith.index_cast %add3A_347 : i32 to index
          %get3A_357 = arith.constant 16 : index
          %get3A_358 = tpu.vector_load %arg16[%get3A_356, %get3A_357] {strides = array<i32>} : memref<256x32xf32, #tpu.memory_space<vmem>>, vector<16xf32>,
          %mul3A_359 = vector.broadcast %squeeze3A_341 : f32 to vector<16xf32>
          %mul3A_360 = arith.mulf %get3A_358, %mul3A_359 : vector<16xf32>
          %swap3A_361 = arith.index_cast %add3A_347 : i32 to index
          %swap3A_362 = arith.constant 16 : index
          %swap3A_363 = tpu.vector_load %arg16[%swap3A_361, %swap3A_362] {strides = array<i32>} : memref<256x32xf32, #tpu.memory_space<vmem>>, vector<16xf32>,
          tpu.vector_store %arg16[%swap3A_361, %swap3A_362], %mul3A_360 {strides = array<i32>} : memref<256x32xf32, #tpu.memory_space<vmem>>, vector<16xf32>,
          %slice3A_364 = vector.extract_strided_slice %get3A_293 {offsets = [3], sizes = [1], strides = [1]} : vector<16xf32> to vector<1xf32>
          %squeeze3A_365 = vector.extract %slice3A_364[0] : f32 from vector<1xf32>
          %mul3A_366 = arith.constant 16 : i32
          %mul3A_367 = arith.muli %scan3A_285, %mul3A_366 : i32
          %add3A_368 = arith.constant 128 : i32
          %add3A_369 = arith.addi %add3A_368, %mul3A_367 : i32
          %add3A_370 = arith.constant 3 : i32
          %add3A_371 = arith.addi %add3A_369, %add3A_370 : i32
          %get3A_372 = arith.index_cast %add3A_371 : i32 to index
          %get3A_373 = arith.constant 0 : index
          %get3A_374 = tpu.vector_load %arg16[%get3A_372, %get3A_373] {strides = array<i32>} : memref<256x32xf32, #tpu.memory_space<vmem>>, vector<16xf32>,
          %mul3A_375 = vector.broadcast %squeeze3A_365 : f32 to vector<16xf32>
          %mul3A_376 = arith.mulf %get3A_374, %mul3A_375 : vector<16xf32>
          %swap3A_377 = arith.index_cast %add3A_371 : i32 to index
          %swap3A_378 = arith.constant 0 : index
          %swap3A_379 = tpu.vector_load %arg16[%swap3A_377, %swap3A_378] {strides = array<i32>} : memref<256x32xf32, #tpu.memory_space<vmem>>, vector<16xf32>,
          tpu.vector_store %arg16[%swap3A_377, %swap3A_378], %mul3A_376 {strides = array<i32>} : memref<256x32xf32, #tpu.memory_space<vmem>>, vector<16xf32>,
          %get3A_380 = arith.index_cast %add3A_371 : i32 to index
          %get3A_381 = arith.constant 16 : index
          %get3A_382 = tpu.vector_load %arg16[%get3A_380, %get3A_381] {strides = array<i32>} : memref<256x32xf32, #tpu.memory_space<vmem>>, vector<16xf32>,
          %mul3A_383 = vector.broadcast %squeeze3A_365 : f32 to vector<16xf32>
          %mul3A_384 = arith.mulf %get3A_382, %mul3A_383 : vector<16xf32>
          %swap3A_385 = arith.index_cast %add3A_371 : i32 to index
          %swap3A_386 = arith.constant 16 : index
          %swap3A_387 = tpu.vector_load %arg16[%swap3A_385, %swap3A_386] {strides = array<i32>} : memref<256x32xf32, #tpu.memory_space<vmem>>, vector<16xf32>,
          tpu.vector_store %arg16[%swap3A_385, %swap3A_386], %mul3A_384 {strides = array<i32>} : memref<256x32xf32, #tpu.memory_space<vmem>>, vector<16xf32>,
          %slice3A_388 = vector.extract_strided_slice %get3A_293 {offsets = [4], sizes = [1], strides = [1]} : vector<16xf32> to vector<1xf32>
          %squeeze3A_389 = vector.extract %slice3A_388[0] : f32 from vector<1xf32>
          %mul3A_390 = arith.constant 16 : i32
          %mul3A_391 = arith.muli %scan3A_285, %mul3A_390 : i32
          %add3A_392 = arith.constant 128 : i32
          %add3A_393 = arith.addi %add3A_392, %mul3A_391 : i32
          %add3A_394 = arith.constant 4 : i32
          %add3A_395 = arith.addi %add3A_393, %add3A_394 : i32
          %get3A_396 = arith.index_cast %add3A_395 : i32 to index
          %get3A_397 = arith.constant 0 : index
          %get3A_398 = tpu.vector_load %arg16[%get3A_396, %get3A_397] {strides = array<i32>} : memref<256x32xf32, #tpu.memory_space<vmem>>, vector<16xf32>,
          %mul3A_399 = vector.broadcast %squeeze3A_389 : f32 to vector<16xf32>
          %mul3A_400 = arith.mulf %get3A_398, %mul3A_399 : vector<16xf32>
          %swap3A_401 = arith.index_cast %add3A_395 : i32 to index
          %swap3A_402 = arith.constant 0 : index
          %swap3A_403 = tpu.vector_load %arg16[%swap3A_401, %swap3A_402] {strides = array<i32>} : memref<256x32xf32, #tpu.memory_space<vmem>>, vector<16xf32>,
          tpu.vector_store %arg16[%swap3A_401, %swap3A_402], %mul3A_400 {strides = array<i32>} : memref<256x32xf32, #tpu.memory_space<vmem>>, vector<16xf32>,
          %get3A_404 = arith.index_cast %add3A_395 : i32 to index
          %get3A_405 = arith.constant 16 : index
          %get3A_406 = tpu.vector_load %arg16[%get3A_404, %get3A_405] {strides = array<i32>} : memref<256x32xf32, #tpu.memory_space<vmem>>, vector<16xf32>,
          %mul3A_407 = vector.broadcast %squeeze3A_389 : f32 to vector<16xf32>
          %mul3A_408 = arith.mulf %get3A_406, %mul3A_407 : vector<16xf32>
          %swap3A_409 = arith.index_cast %add3A_395 : i32 to index
          %swap3A_410 = arith.constant 16 : index
          %swap3A_411 = tpu.vector_load %arg16[%swap3A_409, %swap3A_410] {strides = array<i32>} : memref<256x32xf32, #tpu.memory_space<vmem>>, vector<16xf32>,
          tpu.vector_store %arg16[%swap3A_409, %swap3A_410], %mul3A_408 {strides = array<i32>} : memref<256x32xf32, #tpu.memory_space<vmem>>, vector<16xf32>,
          %slice3A_412 = vector.extract_strided_slice %get3A_293 {offsets = [5], sizes = [1], strides = [1]} : vector<16xf32> to vector<1xf32>
          %squeeze3A_413 = vector.extract %slice3A_412[0] : f32 from vector<1xf32>
          %mul3A_414 = arith.constant 16 : i32
          %mul3A_415 = arith.muli %scan3A_285, %mul3A_414 : i32
          %add3A_416 = arith.constant 128 : i32
          %add3A_417 = arith.addi %add3A_416, %mul3A_415 : i32
          %add3A_418 = arith.constant 5 : i32
          %add3A_419 = arith.addi %add3A_417, %add3A_418 : i32
          %get3A_420 = arith.index_cast %add3A_419 : i32 to index
          %get3A_421 = arith.constant 0 : index
          %get3A_422 = tpu.vector_load %arg16[%get3A_420, %get3A_421] {strides = array<i32>} : memref<256x32xf32, #tpu.memory_space<vmem>>, vector<16xf32>,
          %mul3A_423 = vector.broadcast %squeeze3A_413 : f32 to vector<16xf32>
          %mul3A_424 = arith.mulf %get3A_422, %mul3A_423 : vector<16xf32>
          %swap3A_425 = arith.index_cast %add3A_419 : i32 to index
          %swap3A_426 = arith.constant 0 : index
          %swap3A_427 = tpu.vector_load %arg16[%swap3A_425, %swap3A_426] {strides = array<i32>} : memref<256x32xf32, #tpu.memory_space<vmem>>, vector<16xf32>,
          tpu.vector_store %arg16[%swap3A_425, %swap3A_426], %mul3A_424 {strides = array<i32>} : memref<256x32xf32, #tpu.memory_space<vmem>>, vector<16xf32>,
          %get3A_428 = arith.index_cast %add3A_419 : i32 to index
          %get3A_429 = arith.constant 16 : index
          %get3A_430 = tpu.vector_load %arg16[%get3A_428, %get3A_429] {strides = array<i32>} : memref<256x32xf32, #tpu.memory_space<vmem>>, vector<16xf32>,
          %mul3A_431 = vector.broadcast %squeeze3A_413 : f32 to vector<16xf32>
          %mul3A_432 = arith.mulf %get3A_430, %mul3A_431 : vector<16xf32>
          %swap3A_433 = arith.index_cast %add3A_419 : i32 to index
          %swap3A_434 = arith.constant 16 : index
          %swap3A_435 = tpu.vector_load %arg16[%swap3A_433, %swap3A_434] {strides = array<i32>} : memref<256x32xf32, #tpu.memory_space<vmem>>, vector<16xf32>,
          tpu.vector_store %arg16[%swap3A_433, %swap3A_434], %mul3A_432 {strides = array<i32>} : memref<256x32xf32, #tpu.memory_space<vmem>>, vector<16xf32>,
          %slice3A_436 = vector.extract_strided_slice %get3A_293 {offsets = [6], sizes = [1], strides = [1]} : vector<16xf32> to vector<1xf32>
          %squeeze3A_437 = vector.extract %slice3A_436[0] : f32 from vector<1xf32>
          %mul3A_438 = arith.constant 16 : i32
          %mul3A_439 = arith.muli %scan3A_285, %mul3A_438 : i32
          %add3A_440 = arith.constant 128 : i32
          %add3A_441 = arith.addi %add3A_440, %mul3A_439 : i32
          %add3A_442 = arith.constant 6 : i32
          %add3A_443 = arith.addi %add3A_441, %add3A_442 : i32
          %get3A_444 = arith.index_cast %add3A_443 : i32 to index
          %get3A_445 = arith.constant 0 : index
          %get3A_446 = tpu.vector_load %arg16[%get3A_444, %get3A_445] {strides = array<i32>} : memref<256x32xf32, #tpu.memory_space<vmem>>, vector<16xf32>,
          %mul3A_447 = vector.broadcast %squeeze3A_437 : f32 to vector<16xf32>
          %mul3A_448 = arith.mulf %get3A_446, %mul3A_447 : vector<16xf32>
          %swap3A_449 = arith.index_cast %add3A_443 : i32 to index
          %swap3A_450 = arith.constant 0 : index
          %swap3A_451 = tpu.vector_load %arg16[%swap3A_449, %swap3A_450] {strides = array<i32>} : memref<256x32xf32, #tpu.memory_space<vmem>>, vector<16xf32>,
          tpu.vector_store %arg16[%swap3A_449, %swap3A_450], %mul3A_448 {strides = array<i32>} : memref<256x32xf32, #tpu.memory_space<vmem>>, vector<16xf32>,
          %get3A_452 = arith.index_cast %add3A_443 : i32 to index
          %get3A_453 = arith.constant 16 : index
          %get3A_454 = tpu.vector_load %arg16[%get3A_452, %get3A_453] {strides = array<i32>} : memref<256x32xf32, #tpu.memory_space<vmem>>, vector<16xf32>,
          %mul3A_455 = vector.broadcast %squeeze3A_437 : f32 to vector<16xf32>
          %mul3A_456 = arith.mulf %get3A_454, %mul3A_455 : vector<16xf32>
          %swap3A_457 = arith.index_cast %add3A_443 : i32 to index
          %swap3A_458 = arith.constant 16 : index
          %swap3A_459 = tpu.vector_load %arg16[%swap3A_457, %swap3A_458] {strides = array<i32>} : memref<256x32xf32, #tpu.memory_space<vmem>>, vector<16xf32>,
          tpu.vector_store %arg16[%swap3A_457, %swap3A_458], %mul3A_456 {strides = array<i32>} : memref<256x32xf32, #tpu.memory_space<vmem>>, vector<16xf32>,
          %slice3A_460 = vector.extract_strided_slice %get3A_293 {offsets = [7], sizes = [1], strides = [1]} : vector<16xf32> to vector<1xf32>
          %squeeze3A_461 = vector.extract %slice3A_460[0] : f32 from vector<1xf32>
          %mul3A_462 = arith.constant 16 : i32
          %mul3A_463 = arith.muli %scan3A_285, %mul3A_462 : i32
          %add3A_464 = arith.constant 128 : i32
          %add3A_465 = arith.addi %add3A_464, %mul3A_463 : i32
          %add3A_466 = arith.constant 7 : i32
          %add3A_467 = arith.addi %add3A_465, %add3A_466 : i32
          %get3A_468 = arith.index_cast %add3A_467 : i32 to index
          %get3A_469 = arith.constant 0 : index
          %get3A_470 = tpu.vector_load %arg16[%get3A_468, %get3A_469] {strides = array<i32>} : memref<256x32xf32, #tpu.memory_space<vmem>>, vector<16xf32>,
          %mul3A_471 = vector.broadcast %squeeze3A_461 : f32 to vector<16xf32>
          %mul3A_472 = arith.mulf %get3A_470, %mul3A_471 : vector<16xf32>
          %swap3A_473 = arith.index_cast %add3A_467 : i32 to index
          %swap3A_474 = arith.constant 0 : index
          %swap3A_475 = tpu.vector_load %arg16[%swap3A_473, %swap3A_474] {strides = array<i32>} : memref<256x32xf32, #tpu.memory_space<vmem>>, vector<16xf32>,
          tpu.vector_store %arg16[%swap3A_473, %swap3A_474], %mul3A_472 {strides = array<i32>} : memref<256x32xf32, #tpu.memory_space<vmem>>, vector<16xf32>,
          %get3A_476 = arith.index_cast %add3A_467 : i32 to index
          %get3A_477 = arith.constant 16 : index
          %get3A_478 = tpu.vector_load %arg16[%get3A_476, %get3A_477] {strides = array<i32>} : memref<256x32xf32, #tpu.memory_space<vmem>>, vector<16xf32>,
          %mul3A_479 = vector.broadcast %squeeze3A_461 : f32 to vector<16xf32>
          %mul3A_480 = arith.mulf %get3A_478, %mul3A_479 : vector<16xf32>
          %swap3A_481 = arith.index_cast %add3A_467 : i32 to index
          %swap3A_482 = arith.constant 16 : index
          %swap3A_483 = tpu.vector_load %arg16[%swap3A_481, %swap3A_482] {strides = array<i32>} : memref<256x32xf32, #tpu.memory_space<vmem>>, vector<16xf32>,
          tpu.vector_store %arg16[%swap3A_481, %swap3A_482], %mul3A_480 {strides = array<i32>} : memref<256x32xf32, #tpu.memory_space<vmem>>, vector<16xf32>,
          %slice3A_484 = vector.extract_strided_slice %get3A_293 {offsets = [8], sizes = [1], strides = [1]} : vector<16xf32> to vector<1xf32>
          %squeeze3A_485 = vector.extract %slice3A_484[0] : f32 from vector<1xf32>
          %mul3A_486 = arith.constant 16 : i32
          %mul3A_487 = arith.muli %scan3A_285, %mul3A_486 : i32
          %add3A_488 = arith.constant 128 : i32
          %add3A_489 = arith.addi %add3A_488, %mul3A_487 : i32
          %add3A_490 = arith.constant 8 : i32
          %add3A_491 = arith.addi %add3A_489, %add3A_490 : i32
          %get3A_492 = arith.index_cast %add3A_491 : i32 to index
          %get3A_493 = arith.constant 0 : index
          %get3A_494 = tpu.vector_load %arg16[%get3A_492, %get3A_493] {strides = array<i32>} : memref<256x32xf32, #tpu.memory_space<vmem>>, vector<16xf32>,
          %mul3A_495 = vector.broadcast %squeeze3A_485 : f32 to vector<16xf32>
          %mul3A_496 = arith.mulf %get3A_494, %mul3A_495 : vector<16xf32>
          %swap3A_497 = arith.index_cast %add3A_491 : i32 to index
          %swap3A_498 = arith.constant 0 : index
          %swap3A_499 = tpu.vector_load %arg16[%swap3A_497, %swap3A_498] {strides = array<i32>} : memref<256x32xf32, #tpu.memory_space<vmem>>, vector<16xf32>,
          tpu.vector_store %arg16[%swap3A_497, %swap3A_498], %mul3A_496 {strides = array<i32>} : memref<256x32xf32, #tpu.memory_space<vmem>>, vector<16xf32>,
          %get3A_500 = arith.index_cast %add3A_491 : i32 to index
          %get3A_501 = arith.constant 16 : index
          %get3A_502 = tpu.vector_load %arg16[%get3A_500, %get3A_501] {strides = array<i32>} : memref<256x32xf32, #tpu.memory_space<vmem>>, vector<16xf32>,
          %mul3A_503 = vector.broadcast %squeeze3A_485 : f32 to vector<16xf32>
          %mul3A_504 = arith.mulf %get3A_502, %mul3A_503 : vector<16xf32>
          %swap3A_505 = arith.index_cast %add3A_491 : i32 to index
          %swap3A_506 = arith.constant 16 : index
          %swap3A_507 = tpu.vector_load %arg16[%swap3A_505, %swap3A_506] {strides = array<i32>} : memref<256x32xf32, #tpu.memory_space<vmem>>, vector<16xf32>,
          tpu.vector_store %arg16[%swap3A_505, %swap3A_506], %mul3A_504 {strides = array<i32>} : memref<256x32xf32, #tpu.memory_space<vmem>>, vector<16xf32>,
          %slice3A_508 = vector.extract_strided_slice %get3A_293 {offsets = [9], sizes = [1], strides = [1]} : vector<16xf32> to vector<1xf32>
          %squeeze3A_509 = vector.extract %slice3A_508[0] : f32 from vector<1xf32>
          %mul3A_510 = arith.constant 16 : i32
          %mul3A_511 = arith.muli %scan3A_285, %mul3A_510 : i32
          %add3A_512 = arith.constant 128 : i32
          %add3A_513 = arith.addi %add3A_512, %mul3A_511 : i32
          %add3A_514 = arith.constant 9 : i32
          %add3A_515 = arith.addi %add3A_513, %add3A_514 : i32
          %get3A_516 = arith.index_cast %add3A_515 : i32 to index
          %get3A_517 = arith.constant 0 : index
          %get3A_518 = tpu.vector_load %arg16[%get3A_516, %get3A_517] {strides = array<i32>} : memref<256x32xf32, #tpu.memory_space<vmem>>, vector<16xf32>,
          %mul3A_519 = vector.broadcast %squeeze3A_509 : f32 to vector<16xf32>
          %mul3A_520 = arith.mulf %get3A_518, %mul3A_519 : vector<16xf32>
          %swap3A_521 = arith.index_cast %add3A_515 : i32 to index
          %swap3A_522 = arith.constant 0 : index
          %swap3A_523 = tpu.vector_load %arg16[%swap3A_521, %swap3A_522] {strides = array<i32>} : memref<256x32xf32, #tpu.memory_space<vmem>>, vector<16xf32>,
          tpu.vector_store %arg16[%swap3A_521, %swap3A_522], %mul3A_520 {strides = array<i32>} : memref<256x32xf32, #tpu.memory_space<vmem>>, vector<16xf32>,
          %get3A_524 = arith.index_cast %add3A_515 : i32 to index
          %get3A_525 = arith.constant 16 : index
          %get3A_526 = tpu.vector_load %arg16[%get3A_524, %get3A_525] {strides = array<i32>} : memref<256x32xf32, #tpu.memory_space<vmem>>, vector<16xf32>,
          %mul3A_527 = vector.broadcast %squeeze3A_509 : f32 to vector<16xf32>
          %mul3A_528 = arith.mulf %get3A_526, %mul3A_527 : vector<16xf32>
          %swap3A_529 = arith.index_cast %add3A_515 : i32 to index
          %swap3A_530 = arith.constant 16 : index
          %swap3A_531 = tpu.vector_load %arg16[%swap3A_529, %swap3A_530] {strides = array<i32>} : memref<256x32xf32, #tpu.memory_space<vmem>>, vector<16xf32>,
          tpu.vector_store %arg16[%swap3A_529, %swap3A_530], %mul3A_528 {strides = array<i32>} : memref<256x32xf32, #tpu.memory_space<vmem>>, vector<16xf32>,
          %slice3A_532 = vector.extract_strided_slice %get3A_293 {offsets = [10], sizes = [1], strides = [1]} : vector<16xf32> to vector<1xf32>
          %squeeze3A_533 = vector.extract %slice3A_532[0] : f32 from vector<1xf32>
          %mul3A_534 = arith.constant 16 : i32
          %mul3A_535 = arith.muli %scan3A_285, %mul3A_534 : i32
          %add3A_536 = arith.constant 128 : i32
          %add3A_537 = arith.addi %add3A_536, %mul3A_535 : i32
          %add3A_538 = arith.constant 10 : i32
          %add3A_539 = arith.addi %add3A_537, %add3A_538 : i32
          %get3A_540 = arith.index_cast %add3A_539 : i32 to index
          %get3A_541 = arith.constant 0 : index
          %get3A_542 = tpu.vector_load %arg16[%get3A_540, %get3A_541] {strides = array<i32>} : memref<256x32xf32, #tpu.memory_space<vmem>>, vector<16xf32>,
          %mul3A_543 = vector.broadcast %squeeze3A_533 : f32 to vector<16xf32>
          %mul3A_544 = arith.mulf %get3A_542, %mul3A_543 : vector<16xf32>
          %swap3A_545 = arith.index_cast %add3A_539 : i32 to index
          %swap3A_546 = arith.constant 0 : index
          %swap3A_547 = tpu.vector_load %arg16[%swap3A_545, %swap3A_546] {strides = array<i32>} : memref<256x32xf32, #tpu.memory_space<vmem>>, vector<16xf32>,
          tpu.vector_store %arg16[%swap3A_545, %swap3A_546], %mul3A_544 {strides = array<i32>} : memref<256x32xf32, #tpu.memory_space<vmem>>, vector<16xf32>,
          %get3A_548 = arith.index_cast %add3A_539 : i32 to index
          %get3A_549 = arith.constant 16 : index
          %get3A_550 = tpu.vector_load %arg16[%get3A_548, %get3A_549] {strides = array<i32>} : memref<256x32xf32, #tpu.memory_space<vmem>>, vector<16xf32>,
          %mul3A_551 = vector.broadcast %squeeze3A_533 : f32 to vector<16xf32>
          %mul3A_552 = arith.mulf %get3A_550, %mul3A_551 : vector<16xf32>
          %swap3A_553 = arith.index_cast %add3A_539 : i32 to index
          %swap3A_554 = arith.constant 16 : index
          %swap3A_555 = tpu.vector_load %arg16[%swap3A_553, %swap3A_554] {strides = array<i32>} : memref<256x32xf32, #tpu.memory_space<vmem>>, vector<16xf32>,
          tpu.vector_store %arg16[%swap3A_553, %swap3A_554], %mul3A_552 {strides = array<i32>} : memref<256x32xf32, #tpu.memory_space<vmem>>, vector<16xf32>,
          %slice3A_556 = vector.extract_strided_slice %get3A_293 {offsets = [11], sizes = [1], strides = [1]} : vector<16xf32> to vector<1xf32>
          %squeeze3A_557 = vector.extract %slice3A_556[0] : f32 from vector<1xf32>
          %mul3A_558 = arith.constant 16 : i32
          %mul3A_559 = arith.muli %scan3A_285, %mul3A_558 : i32
          %add3A_560 = arith.constant 128 : i32
          %add3A_561 = arith.addi %add3A_560, %mul3A_559 : i32
          %add3A_562 = arith.constant 11 : i32
          %add3A_563 = arith.addi %add3A_561, %add3A_562 : i32
          %get3A_564 = arith.index_cast %add3A_563 : i32 to index
          %get3A_565 = arith.constant 0 : index
          %get3A_566 = tpu.vector_load %arg16[%get3A_564, %get3A_565] {strides = array<i32>} : memref<256x32xf32, #tpu.memory_space<vmem>>, vector<16xf32>,
          %mul3A_567 = vector.broadcast %squeeze3A_557 : f32 to vector<16xf32>
          %mul3A_568 = arith.mulf %get3A_566, %mul3A_567 : vector<16xf32>
          %swap3A_569 = arith.index_cast %add3A_563 : i32 to index
          %swap3A_570 = arith.constant 0 : index
          %swap3A_571 = tpu.vector_load %arg16[%swap3A_569, %swap3A_570] {strides = array<i32>} : memref<256x32xf32, #tpu.memory_space<vmem>>, vector<16xf32>,
          tpu.vector_store %arg16[%swap3A_569, %swap3A_570], %mul3A_568 {strides = array<i32>} : memref<256x32xf32, #tpu.memory_space<vmem>>, vector<16xf32>,
          %get3A_572 = arith.index_cast %add3A_563 : i32 to index
          %get3A_573 = arith.constant 16 : index
          %get3A_574 = tpu.vector_load %arg16[%get3A_572, %get3A_573] {strides = array<i32>} : memref<256x32xf32, #tpu.memory_space<vmem>>, vector<16xf32>,
          %mul3A_575 = vector.broadcast %squeeze3A_557 : f32 to vector<16xf32>
          %mul3A_576 = arith.mulf %get3A_574, %mul3A_575 : vector<16xf32>
          %swap3A_577 = arith.index_cast %add3A_563 : i32 to index
          %swap3A_578 = arith.constant 16 : index
          %swap3A_579 = tpu.vector_load %arg16[%swap3A_577, %swap3A_578] {strides = array<i32>} : memref<256x32xf32, #tpu.memory_space<vmem>>, vector<16xf32>,
          tpu.vector_store %arg16[%swap3A_577, %swap3A_578], %mul3A_576 {strides = array<i32>} : memref<256x32xf32, #tpu.memory_space<vmem>>, vector<16xf32>,
          %slice3A_580 = vector.extract_strided_slice %get3A_293 {offsets = [12], sizes = [1], strides = [1]} : vector<16xf32> to vector<1xf32>
          %squeeze3A_581 = vector.extract %slice3A_580[0] : f32 from vector<1xf32>
          %mul3A_582 = arith.constant 16 : i32
          %mul3A_583 = arith.muli %scan3A_285, %mul3A_582 : i32
          %add3A_584 = arith.constant 128 : i32
          %add3A_585 = arith.addi %add3A_584, %mul3A_583 : i32
          %add3A_586 = arith.constant 12 : i32
          %add3A_587 = arith.addi %add3A_585, %add3A_586 : i32
          %get3A_588 = arith.index_cast %add3A_587 : i32 to index
          %get3A_589 = arith.constant 0 : index
          %get3A_590 = tpu.vector_load %arg16[%get3A_588, %get3A_589] {strides = array<i32>} : memref<256x32xf32, #tpu.memory_space<vmem>>, vector<16xf32>,
          %mul3A_591 = vector.broadcast %squeeze3A_581 : f32 to vector<16xf32>
          %mul3A_592 = arith.mulf %get3A_590, %mul3A_591 : vector<16xf32>
          %swap3A_593 = arith.index_cast %add3A_587 : i32 to index
          %swap3A_594 = arith.constant 0 : index
          %swap3A_595 = tpu.vector_load %arg16[%swap3A_593, %swap3A_594] {strides = array<i32>} : memref<256x32xf32, #tpu.memory_space<vmem>>, vector<16xf32>,
          tpu.vector_store %arg16[%swap3A_593, %swap3A_594], %mul3A_592 {strides = array<i32>} : memref<256x32xf32, #tpu.memory_space<vmem>>, vector<16xf32>,
          %get3A_596 = arith.index_cast %add3A_587 : i32 to index
          %get3A_597 = arith.constant 16 : index
          %get3A_598 = tpu.vector_load %arg16[%get3A_596, %get3A_597] {strides = array<i32>} : memref<256x32xf32, #tpu.memory_space<vmem>>, vector<16xf32>,
          %mul3A_599 = vector.broadcast %squeeze3A_581 : f32 to vector<16xf32>
          %mul3A_600 = arith.mulf %get3A_598, %mul3A_599 : vector<16xf32>
          %swap3A_601 = arith.index_cast %add3A_587 : i32 to index
          %swap3A_602 = arith.constant 16 : index
          %swap3A_603 = tpu.vector_load %arg16[%swap3A_601, %swap3A_602] {strides = array<i32>} : memref<256x32xf32, #tpu.memory_space<vmem>>, vector<16xf32>,
          tpu.vector_store %arg16[%swap3A_601, %swap3A_602], %mul3A_600 {strides = array<i32>} : memref<256x32xf32, #tpu.memory_space<vmem>>, vector<16xf32>,
          %slice3A_604 = vector.extract_strided_slice %get3A_293 {offsets = [13], sizes = [1], strides = [1]} : vector<16xf32> to vector<1xf32>
          %squeeze3A_605 = vector.extract %slice3A_604[0] : f32 from vector<1xf32>
          %mul3A_606 = arith.constant 16 : i32
          %mul3A_607 = arith.muli %scan3A_285, %mul3A_606 : i32
          %add3A_608 = arith.constant 128 : i32
          %add3A_609 = arith.addi %add3A_608, %mul3A_607 : i32
          %add3A_610 = arith.constant 13 : i32
          %add3A_611 = arith.addi %add3A_609, %add3A_610 : i32
          %get3A_612 = arith.index_cast %add3A_611 : i32 to index
          %get3A_613 = arith.constant 0 : index
          %get3A_614 = tpu.vector_load %arg16[%get3A_612, %get3A_613] {strides = array<i32>} : memref<256x32xf32, #tpu.memory_space<vmem>>, vector<16xf32>,
          %mul3A_615 = vector.broadcast %squeeze3A_605 : f32 to vector<16xf32>
          %mul3A_616 = arith.mulf %get3A_614, %mul3A_615 : vector<16xf32>
          %swap3A_617 = arith.index_cast %add3A_611 : i32 to index
          %swap3A_618 = arith.constant 0 : index
          %swap3A_619 = tpu.vector_load %arg16[%swap3A_617, %swap3A_618] {strides = array<i32>} : memref<256x32xf32, #tpu.memory_space<vmem>>, vector<16xf32>,
          tpu.vector_store %arg16[%swap3A_617, %swap3A_618], %mul3A_616 {strides = array<i32>} : memref<256x32xf32, #tpu.memory_space<vmem>>, vector<16xf32>,
          %get3A_620 = arith.index_cast %add3A_611 : i32 to index
          %get3A_621 = arith.constant 16 : index
          %get3A_622 = tpu.vector_load %arg16[%get3A_620, %get3A_621] {strides = array<i32>} : memref<256x32xf32, #tpu.memory_space<vmem>>, vector<16xf32>,
          %mul3A_623 = vector.broadcast %squeeze3A_605 : f32 to vector<16xf32>
          %mul3A_624 = arith.mulf %get3A_622, %mul3A_623 : vector<16xf32>
          %swap3A_625 = arith.index_cast %add3A_611 : i32 to index
          %swap3A_626 = arith.constant 16 : index
          %swap3A_627 = tpu.vector_load %arg16[%swap3A_625, %swap3A_626] {strides = array<i32>} : memref<256x32xf32, #tpu.memory_space<vmem>>, vector<16xf32>,
          tpu.vector_store %arg16[%swap3A_625, %swap3A_626], %mul3A_624 {strides = array<i32>} : memref<256x32xf32, #tpu.memory_space<vmem>>, vector<16xf32>,
          %slice3A_628 = vector.extract_strided_slice %get3A_293 {offsets = [14], sizes = [1], strides = [1]} : vector<16xf32> to vector<1xf32>
          %squeeze3A_629 = vector.extract %slice3A_628[0] : f32 from vector<1xf32>
          %mul3A_630 = arith.constant 16 : i32
          %mul3A_631 = arith.muli %scan3A_285, %mul3A_630 : i32
          %add3A_632 = arith.constant 128 : i32
          %add3A_633 = arith.addi %add3A_632, %mul3A_631 : i32
          %add3A_634 = arith.constant 14 : i32
          %add3A_635 = arith.addi %add3A_633, %add3A_634 : i32
          %get3A_636 = arith.index_cast %add3A_635 : i32 to index
          %get3A_637 = arith.constant 0 : index
          %get3A_638 = tpu.vector_load %arg16[%get3A_636, %get3A_637] {strides = array<i32>} : memref<256x32xf32, #tpu.memory_space<vmem>>, vector<16xf32>,
          %mul3A_639 = vector.broadcast %squeeze3A_629 : f32 to vector<16xf32>
          %mul3A_640 = arith.mulf %get3A_638, %mul3A_639 : vector<16xf32>
          %swap3A_641 = arith.index_cast %add3A_635 : i32 to index
          %swap3A_642 = arith.constant 0 : index
          %swap3A_643 = tpu.vector_load %arg16[%swap3A_641, %swap3A_642] {strides = array<i32>} : memref<256x32xf32, #tpu.memory_space<vmem>>, vector<16xf32>,
          tpu.vector_store %arg16[%swap3A_641, %swap3A_642], %mul3A_640 {strides = array<i32>} : memref<256x32xf32, #tpu.memory_space<vmem>>, vector<16xf32>,
          %get3A_644 = arith.index_cast %add3A_635 : i32 to index
          %get3A_645 = arith.constant 16 : index
          %get3A_646 = tpu.vector_load %arg16[%get3A_644, %get3A_645] {strides = array<i32>} : memref<256x32xf32, #tpu.memory_space<vmem>>, vector<16xf32>,
          %mul3A_647 = vector.broadcast %squeeze3A_629 : f32 to vector<16xf32>
          %mul3A_648 = arith.mulf %get3A_646, %mul3A_647 : vector<16xf32>
          %swap3A_649 = arith.index_cast %add3A_635 : i32 to index
          %swap3A_650 = arith.constant 16 : index
          %swap3A_651 = tpu.vector_load %arg16[%swap3A_649, %swap3A_650] {strides = array<i32>} : memref<256x32xf32, #tpu.memory_space<vmem>>, vector<16xf32>,
          tpu.vector_store %arg16[%swap3A_649, %swap3A_650], %mul3A_648 {strides = array<i32>} : memref<256x32xf32, #tpu.memory_space<vmem>>, vector<16xf32>,
          %slice3A_652 = vector.extract_strided_slice %get3A_293 {offsets = [15], sizes = [1], strides = [1]} : vector<16xf32> to vector<1xf32>
          %squeeze3A_653 = vector.extract %slice3A_652[0] : f32 from vector<1xf32>
          %mul3A_654 = arith.constant 16 : i32
          %mul3A_655 = arith.muli %scan3A_285, %mul3A_654 : i32
          %add3A_656 = arith.constant 128 : i32
          %add3A_657 = arith.addi %add3A_656, %mul3A_655 : i32
          %add3A_658 = arith.constant 15 : i32
          %add3A_659 = arith.addi %add3A_657, %add3A_658 : i32
          %get3A_660 = arith.index_cast %add3A_659 : i32 to index
          %get3A_661 = arith.constant 0 : index
          %get3A_662 = tpu.vector_load %arg16[%get3A_660, %get3A_661] {strides = array<i32>} : memref<256x32xf32, #tpu.memory_space<vmem>>, vector<16xf32>,
          %mul3A_663 = vector.broadcast %squeeze3A_653 : f32 to vector<16xf32>
          %mul3A_664 = arith.mulf %get3A_662, %mul3A_663 : vector<16xf32>
          %swap3A_665 = arith.index_cast %add3A_659 : i32 to index
          %swap3A_666 = arith.constant 0 : index
          %swap3A_667 = tpu.vector_load %arg16[%swap3A_665, %swap3A_666] {strides = array<i32>} : memref<256x32xf32, #tpu.memory_space<vmem>>, vector<16xf32>,
          tpu.vector_store %arg16[%swap3A_665, %swap3A_666], %mul3A_664 {strides = array<i32>} : memref<256x32xf32, #tpu.memory_space<vmem>>, vector<16xf32>,
          %get3A_668 = arith.index_cast %add3A_659 : i32 to index
          %get3A_669 = arith.constant 16 : index
          %get3A_670 = tpu.vector_load %arg16[%get3A_668, %get3A_669] {strides = array<i32>} : memref<256x32xf32, #tpu.memory_space<vmem>>, vector<16xf32>,
          %mul3A_671 = vector.broadcast %squeeze3A_653 : f32 to vector<16xf32>
          %mul3A_672 = arith.mulf %get3A_670, %mul3A_671 : vector<16xf32>
          %swap3A_673 = arith.index_cast %add3A_659 : i32 to index
          %swap3A_674 = arith.constant 16 : index
          %swap3A_675 = tpu.vector_load %arg16[%swap3A_673, %swap3A_674] {strides = array<i32>} : memref<256x32xf32, #tpu.memory_space<vmem>>, vector<16xf32>,
          tpu.vector_store %arg16[%swap3A_673, %swap3A_674], %mul3A_672 {strides = array<i32>} : memref<256x32xf32, #tpu.memory_space<vmem>>, vector<16xf32>,
        }
        %scan3A_271 = arith.constant 8 : i32
        %mul3A_272 = arith.constant 256 : i32
        %mul3A_273 = arith.muli %add3A_250, %mul3A_272 : i32
        %add3A_274 = arith.constant 128 : i32
        %add3A_275 = arith.addi %mul3A_273, %add3A_274 : i32
        "tpu.region"() ({
          %run_scoped3A = tpu.sem_alloc : memref<!tpu.dma_semaphore, #tpu.memory_space<semaphore_mem>>
          %dma_start3A_285 = arith.constant 128 : i32
          %dma_start3A_286 = arith.constant 0 : i32
          %dma_start3A_287 = tpu.memref_slice %arg16[%dma_start3A_285, %dma_start3A_286] : memref<256x32xf32, #tpu.memory_space<vmem>> -> memref<128x32xf32, #tpu.memory_space<vmem>>
          %dma_start3A_288 = tpu.memref_slice %arg10[%add3A_275] : memref<20480xi32, #tpu.memory_space<vmem>> -> memref<128xi32, #tpu.memory_space<vmem>>
          %dma_start3A_289 = arith.constant 0 : i32
          %dma_start3A_290 = arith.constant 0 : i32
          %dma_start3A_291 = tpu.memref_slice %arg19[%dma_start3A_289, %dma_start3A_290] : memref<10016x32xf32, #tpu.memory_space<vmem_shared>> -> memref<10016x32xf32, #tpu.memory_space<vmem_shared>>
          tpu.enqueue_indirect_dma source(%dma_start3A_287 : memref<128x32xf32, #tpu.memory_space<vmem>>) target(%dma_start3A_291 : memref<10016x32xf32, #tpu.memory_space<vmem_shared>>) offsets(%dma_start3A_288 : memref<128xi32, #tpu.memory_space<vmem>>) semaphore(%run_scoped3A : memref<!tpu.dma_semaphore, #tpu.memory_space<semaphore_mem>>) {add = true}
          %dma_wait3A_292 = arith.constant 128 : i32
          %dma_wait3A_293 = arith.constant 0 : i32
          %dma_wait3A_294 = tpu.memref_slice %arg16[%dma_wait3A_292, %dma_wait3A_293] : memref<256x32xf32, #tpu.memory_space<vmem>> -> memref<128x32xf32, #tpu.memory_space<vmem>>
          %dma_wait3A_295 = tpu.memref_slice %arg10[%add3A_275] : memref<20480xi32, #tpu.memory_space<vmem>> -> memref<128xi32, #tpu.memory_space<vmem>>
          %dma_wait3A_296 = arith.constant 0 : i32
          %dma_wait3A_297 = arith.constant 0 : i32
          %dma_wait3A_298 = tpu.memref_slice %arg19[%dma_wait3A_296, %dma_wait3A_297] : memref<10016x32xf32, #tpu.memory_space<vmem_shared>> -> memref<10016x32xf32, #tpu.memory_space<vmem_shared>>
          tpu.wait_indirect_dma semaphore(%run_scoped3A : memref<!tpu.dma_semaphore, #tpu.memory_space<semaphore_mem>>) src(%dma_wait3A_294 : memref<128x32xf32, #tpu.memory_space<vmem>>) dst(%dma_wait3A_298 : memref<10016x32xf32, #tpu.memory_space<vmem_shared>>)
          tpu.yield
        }) : () -> ()
        %mul3A_276 = arith.constant 256 : i32
        %mul3A_277 = arith.muli %add3A_250, %mul3A_276 : i32
        %dma_wait3A_278 = arith.constant 0 : i32
        %dma_wait3A_279 = arith.constant 0 : i32
        %dma_wait3A_280 = tpu.memref_slice %arg16[%dma_wait3A_278, %dma_wait3A_279] : memref<256x32xf32, #tpu.memory_space<vmem>> -> memref<128x32xf32, #tpu.memory_space<vmem>>
        %dma_wait3A_281 = tpu.memref_slice %arg10[%mul3A_277] : memref<20480xi32, #tpu.memory_space<vmem>> -> memref<128xi32, #tpu.memory_space<vmem>>
        %dma_wait3A_282 = arith.constant 0 : i32
        %dma_wait3A_283 = arith.constant 0 : i32
        %dma_wait3A_284 = tpu.memref_slice %arg19[%dma_wait3A_282, %dma_wait3A_283] : memref<10016x32xf32, #tpu.memory_space<vmem_shared>> -> memref<10016x32xf32, #tpu.memory_space<vmem_shared>>
        tpu.wait_indirect_dma semaphore(%arg24 : memref<!tpu.dma_semaphore, #tpu.memory_space<semaphore_mem>>) src(%dma_wait3A_280 : memref<128x32xf32, #tpu.memory_space<vmem>>) dst(%dma_wait3A_284 : memref<10016x32xf32, #tpu.memory_space<vmem_shared>>)
      }
      %scan3A_159 = arith.constant 40 : i32
      %barrier3A_160 = arith.constant 0 : index
      tpu.barrier barrier_id(%barrier3A_160)
      %add3A_161 = arith.constant 0 : i32
      %add3A_162 = arith.addi %mul3A_1, %add3A_161 : i32
      "tpu.region"() ({
        %run_scoped3A = tpu.sem_alloc : memref<!tpu.dma_semaphore, #tpu.memory_space<semaphore_mem>>
        %dma_start3A_172 = arith.constant 0 : i32
        %dma_start3A_173 = arith.constant 0 : i32
        %dma_start3A_174 = tpu.memref_slice %arg8[%add3A, %dma_start3A_172, %dma_start3A_173] : memref<4x10016x32xf32, #tpu.memory_space<hbm>> -> memref<1x10016x32xf32, #tpu.memory_space<hbm>>
        %dma_start3A_175 = tpu.memref_squeeze %dma_start3A_174 : memref<1x10016x32xf32, #tpu.memory_space<hbm>> -> memref<10016x32xf32, #tpu.memory_space<hbm>>
        %dma_start3A_176 = arith.constant 0 : i32
        %dma_start3A_177 = tpu.memref_slice %dma_start3A_175[%add3A_162, %dma_start3A_176] : memref<10016x32xf32, #tpu.memory_space<hbm>> -> memref<128x32xf32, #tpu.memory_space<hbm>>
        %dma_start3A_178 = arith.constant 0 : i32
        %dma_start3A_179 = tpu.memref_slice %arg19[%add3A_162, %dma_start3A_178] : memref<10016x32xf32, #tpu.memory_space<vmem_shared>> -> memref<128x32xf32, #tpu.memory_space<vmem_shared>>
        tpu.enqueue_dma source(%dma_start3A_179 : memref<128x32xf32, #tpu.memory_space<vmem_shared>>) target(%dma_start3A_177 : memref<128x32xf32, #tpu.memory_space<hbm>>) target_semaphore(%run_scoped3A : memref<!tpu.dma_semaphore, #tpu.memory_space<semaphore_mem>>)
        %dma_wait3A = arith.constant 0 : i32
        %dma_wait3A_180 = arith.constant 0 : i32
        %dma_wait3A_181 = tpu.memref_slice %arg8[%add3A, %dma_wait3A, %dma_wait3A_180] : memref<4x10016x32xf32, #tpu.memory_space<hbm>> -> memref<1x10016x32xf32, #tpu.memory_space<hbm>>
        %dma_wait3A_182 = tpu.memref_squeeze %dma_wait3A_181 : memref<1x10016x32xf32, #tpu.memory_space<hbm>> -> memref<10016x32xf32, #tpu.memory_space<hbm>>
        %dma_wait3A_183 = arith.constant 0 : i32
        %dma_wait3A_184 = tpu.memref_slice %dma_wait3A_182[%add3A_162, %dma_wait3A_183] : memref<10016x32xf32, #tpu.memory_space<hbm>> -> memref<128x32xf32, #tpu.memory_space<hbm>>
        %dma_wait3A_185 = arith.constant 0 : i32
        %dma_wait3A_186 = tpu.memref_slice %arg19[%add3A_162, %dma_wait3A_185] : memref<10016x32xf32, #tpu.memory_space<vmem_shared>> -> memref<128x32xf32, #tpu.memory_space<vmem_shared>>
        tpu.wait_dma2 semaphore(%run_scoped3A : memref<!tpu.dma_semaphore, #tpu.memory_space<semaphore_mem>>) src(%dma_wait3A_186 : memref<128x32xf32, #tpu.memory_space<vmem_shared>>) dst(%dma_wait3A_184 : memref<128x32xf32, #tpu.memory_space<hbm>>)
        tpu.yield
      }) : () -> ()
      %add3A_163 = arith.constant 128 : i32
      %add3A_164 = arith.addi %mul3A_1, %add3A_163 : i32
      "tpu.region"() ({
        %run_scoped3A = tpu.sem_alloc : memref<!tpu.dma_semaphore, #tpu.memory_space<semaphore_mem>>
        %dma_start3A_172 = arith.constant 0 : i32
        %dma_start3A_173 = arith.constant 0 : i32
        %dma_start3A_174 = tpu.memref_slice %arg8[%add3A, %dma_start3A_172, %dma_start3A_173] : memref<4x10016x32xf32, #tpu.memory_space<hbm>> -> memref<1x10016x32xf32, #tpu.memory_space<hbm>>
        %dma_start3A_175 = tpu.memref_squeeze %dma_start3A_174 : memref<1x10016x32xf32, #tpu.memory_space<hbm>> -> memref<10016x32xf32, #tpu.memory_space<hbm>>
        %dma_start3A_176 = arith.constant 0 : i32
        %dma_start3A_177 = tpu.memref_slice %dma_start3A_175[%add3A_164, %dma_start3A_176] : memref<10016x32xf32, #tpu.memory_space<hbm>> -> memref<128x32xf32, #tpu.memory_space<hbm>>
        %dma_start3A_178 = arith.constant 0 : i32
        %dma_start3A_179 = tpu.memref_slice %arg19[%add3A_164, %dma_start3A_178] : memref<10016x32xf32, #tpu.memory_space<vmem_shared>> -> memref<128x32xf32, #tpu.memory_space<vmem_shared>>
        tpu.enqueue_dma source(%dma_start3A_179 : memref<128x32xf32, #tpu.memory_space<vmem_shared>>) target(%dma_start3A_177 : memref<128x32xf32, #tpu.memory_space<hbm>>) target_semaphore(%run_scoped3A : memref<!tpu.dma_semaphore, #tpu.memory_space<semaphore_mem>>)
        %dma_wait3A = arith.constant 0 : i32
        %dma_wait3A_180 = arith.constant 0 : i32
        %dma_wait3A_181 = tpu.memref_slice %arg8[%add3A, %dma_wait3A, %dma_wait3A_180] : memref<4x10016x32xf32, #tpu.memory_space<hbm>> -> memref<1x10016x32xf32, #tpu.memory_space<hbm>>
        %dma_wait3A_182 = tpu.memref_squeeze %dma_wait3A_181 : memref<1x10016x32xf32, #tpu.memory_space<hbm>> -> memref<10016x32xf32, #tpu.memory_space<hbm>>
        %dma_wait3A_183 = arith.constant 0 : i32
        %dma_wait3A_184 = tpu.memref_slice %dma_wait3A_182[%add3A_164, %dma_wait3A_183] : memref<10016x32xf32, #tpu.memory_space<hbm>> -> memref<128x32xf32, #tpu.memory_space<hbm>>
        %dma_wait3A_185 = arith.constant 0 : i32
        %dma_wait3A_186 = tpu.memref_slice %arg19[%add3A_164, %dma_wait3A_185] : memref<10016x32xf32, #tpu.memory_space<vmem_shared>> -> memref<128x32xf32, #tpu.memory_space<vmem_shared>>
        tpu.wait_dma2 semaphore(%run_scoped3A : memref<!tpu.dma_semaphore, #tpu.memory_space<semaphore_mem>>) src(%dma_wait3A_186 : memref<128x32xf32, #tpu.memory_space<vmem_shared>>) dst(%dma_wait3A_184 : memref<128x32xf32, #tpu.memory_space<hbm>>)
        tpu.yield
      }) : () -> ()
      %add3A_165 = arith.constant 256 : i32
      %add3A_166 = arith.addi %mul3A_1, %add3A_165 : i32
      "tpu.region"() ({
        %run_scoped3A = tpu.sem_alloc : memref<!tpu.dma_semaphore, #tpu.memory_space<semaphore_mem>>
        %dma_start3A_172 = arith.constant 0 : i32
        %dma_start3A_173 = arith.constant 0 : i32
        %dma_start3A_174 = tpu.memref_slice %arg8[%add3A, %dma_start3A_172, %dma_start3A_173] : memref<4x10016x32xf32, #tpu.memory_space<hbm>> -> memref<1x10016x32xf32, #tpu.memory_space<hbm>>
        %dma_start3A_175 = tpu.memref_squeeze %dma_start3A_174 : memref<1x10016x32xf32, #tpu.memory_space<hbm>> -> memref<10016x32xf32, #tpu.memory_space<hbm>>
        %dma_start3A_176 = arith.constant 0 : i32
        %dma_start3A_177 = tpu.memref_slice %dma_start3A_175[%add3A_166, %dma_start3A_176] : memref<10016x32xf32, #tpu.memory_space<hbm>> -> memref<128x32xf32, #tpu.memory_space<hbm>>
        %dma_start3A_178 = arith.constant 0 : i32
        %dma_start3A_179 = tpu.memref_slice %arg19[%add3A_166, %dma_start3A_178] : memref<10016x32xf32, #tpu.memory_space<vmem_shared>> -> memref<128x32xf32, #tpu.memory_space<vmem_shared>>
        tpu.enqueue_dma source(%dma_start3A_179 : memref<128x32xf32, #tpu.memory_space<vmem_shared>>) target(%dma_start3A_177 : memref<128x32xf32, #tpu.memory_space<hbm>>) target_semaphore(%run_scoped3A : memref<!tpu.dma_semaphore, #tpu.memory_space<semaphore_mem>>)
        %dma_wait3A = arith.constant 0 : i32
        %dma_wait3A_180 = arith.constant 0 : i32
        %dma_wait3A_181 = tpu.memref_slice %arg8[%add3A, %dma_wait3A, %dma_wait3A_180] : memref<4x10016x32xf32, #tpu.memory_space<hbm>> -> memref<1x10016x32xf32, #tpu.memory_space<hbm>>
        %dma_wait3A_182 = tpu.memref_squeeze %dma_wait3A_181 : memref<1x10016x32xf32, #tpu.memory_space<hbm>> -> memref<10016x32xf32, #tpu.memory_space<hbm>>
        %dma_wait3A_183 = arith.constant 0 : i32
        %dma_wait3A_184 = tpu.memref_slice %dma_wait3A_182[%add3A_166, %dma_wait3A_183] : memref<10016x32xf32, #tpu.memory_space<hbm>> -> memref<128x32xf32, #tpu.memory_space<hbm>>
        %dma_wait3A_185 = arith.constant 0 : i32
        %dma_wait3A_186 = tpu.memref_slice %arg19[%add3A_166, %dma_wait3A_185] : memref<10016x32xf32, #tpu.memory_space<vmem_shared>> -> memref<128x32xf32, #tpu.memory_space<vmem_shared>>
        tpu.wait_dma2 semaphore(%run_scoped3A : memref<!tpu.dma_semaphore, #tpu.memory_space<semaphore_mem>>) src(%dma_wait3A_186 : memref<128x32xf32, #tpu.memory_space<vmem_shared>>) dst(%dma_wait3A_184 : memref<128x32xf32, #tpu.memory_space<hbm>>)
        tpu.yield
      }) : () -> ()
      %add3A_167 = arith.constant 384 : i32
      %add3A_168 = arith.addi %mul3A_1, %add3A_167 : i32
      "tpu.region"() ({
        %run_scoped3A = tpu.sem_alloc : memref<!tpu.dma_semaphore, #tpu.memory_space<semaphore_mem>>
        %dma_start3A_172 = arith.constant 0 : i32
        %dma_start3A_173 = arith.constant 0 : i32
        %dma_start3A_174 = tpu.memref_slice %arg8[%add3A, %dma_start3A_172, %dma_start3A_173] : memref<4x10016x32xf32, #tpu.memory_space<hbm>> -> memref<1x10016x32xf32, #tpu.memory_space<hbm>>
        %dma_start3A_175 = tpu.memref_squeeze %dma_start3A_174 : memref<1x10016x32xf32, #tpu.memory_space<hbm>> -> memref<10016x32xf32, #tpu.memory_space<hbm>>
        %dma_start3A_176 = arith.constant 0 : i32
        %dma_start3A_177 = tpu.memref_slice %dma_start3A_175[%add3A_168, %dma_start3A_176] : memref<10016x32xf32, #tpu.memory_space<hbm>> -> memref<128x32xf32, #tpu.memory_space<hbm>>
        %dma_start3A_178 = arith.constant 0 : i32
        %dma_start3A_179 = tpu.memref_slice %arg19[%add3A_168, %dma_start3A_178] : memref<10016x32xf32, #tpu.memory_space<vmem_shared>> -> memref<128x32xf32, #tpu.memory_space<vmem_shared>>
        tpu.enqueue_dma source(%dma_start3A_179 : memref<128x32xf32, #tpu.memory_space<vmem_shared>>) target(%dma_start3A_177 : memref<128x32xf32, #tpu.memory_space<hbm>>) target_semaphore(%run_scoped3A : memref<!tpu.dma_semaphore, #tpu.memory_space<semaphore_mem>>)
        %dma_wait3A = arith.constant 0 : i32
        %dma_wait3A_180 = arith.constant 0 : i32
        %dma_wait3A_181 = tpu.memref_slice %arg8[%add3A, %dma_wait3A, %dma_wait3A_180] : memref<4x10016x32xf32, #tpu.memory_space<hbm>> -> memref<1x10016x32xf32, #tpu.memory_space<hbm>>
        %dma_wait3A_182 = tpu.memref_squeeze %dma_wait3A_181 : memref<1x10016x32xf32, #tpu.memory_space<hbm>> -> memref<10016x32xf32, #tpu.memory_space<hbm>>
        %dma_wait3A_183 = arith.constant 0 : i32
        %dma_wait3A_184 = tpu.memref_slice %dma_wait3A_182[%add3A_168, %dma_wait3A_183] : memref<10016x32xf32, #tpu.memory_space<hbm>> -> memref<128x32xf32, #tpu.memory_space<hbm>>
        %dma_wait3A_185 = arith.constant 0 : i32
        %dma_wait3A_186 = tpu.memref_slice %arg19[%add3A_168, %dma_wait3A_185] : memref<10016x32xf32, #tpu.memory_space<vmem_shared>> -> memref<128x32xf32, #tpu.memory_space<vmem_shared>>
        tpu.wait_dma2 semaphore(%run_scoped3A : memref<!tpu.dma_semaphore, #tpu.memory_space<semaphore_mem>>) src(%dma_wait3A_186 : memref<128x32xf32, #tpu.memory_space<vmem_shared>>) dst(%dma_wait3A_184 : memref<128x32xf32, #tpu.memory_space<hbm>>)
        tpu.yield
      }) : () -> ()
      %add3A_169 = arith.constant 512 : i32
      %add3A_170 = arith.addi %mul3A_1, %add3A_169 : i32
      "tpu.region"() ({
        %run_scoped3A = tpu.sem_alloc : memref<!tpu.dma_semaphore, #tpu.memory_space<semaphore_mem>>
        %dma_start3A_172 = arith.constant 0 : i32
        %dma_start3A_173 = arith.constant 0 : i32
        %dma_start3A_174 = tpu.memref_slice %arg8[%add3A, %dma_start3A_172, %dma_start3A_173] : memref<4x10016x32xf32, #tpu.memory_space<hbm>> -> memref<1x10016x32xf32, #tpu.memory_space<hbm>>
        %dma_start3A_175 = tpu.memref_squeeze %dma_start3A_174 : memref<1x10016x32xf32, #tpu.memory_space<hbm>> -> memref<10016x32xf32, #tpu.memory_space<hbm>>
        %dma_start3A_176 = arith.constant 0 : i32
        %dma_start3A_177 = tpu.memref_slice %dma_start3A_175[%add3A_170, %dma_start3A_176] : memref<10016x32xf32, #tpu.memory_space<hbm>> -> memref<114x32xf32, #tpu.memory_space<hbm>>
        %dma_start3A_178 = arith.constant 0 : i32
        %dma_start3A_179 = tpu.memref_slice %arg19[%add3A_170, %dma_start3A_178] : memref<10016x32xf32, #tpu.memory_space<vmem_shared>> -> memref<114x32xf32, #tpu.memory_space<vmem_shared>>
        tpu.enqueue_dma source(%dma_start3A_179 : memref<114x32xf32, #tpu.memory_space<vmem_shared>>) target(%dma_start3A_177 : memref<114x32xf32, #tpu.memory_space<hbm>>) target_semaphore(%run_scoped3A : memref<!tpu.dma_semaphore, #tpu.memory_space<semaphore_mem>>)
        %dma_wait3A = arith.constant 0 : i32
        %dma_wait3A_180 = arith.constant 0 : i32
        %dma_wait3A_181 = tpu.memref_slice %arg8[%add3A, %dma_wait3A, %dma_wait3A_180] : memref<4x10016x32xf32, #tpu.memory_space<hbm>> -> memref<1x10016x32xf32, #tpu.memory_space<hbm>>
        %dma_wait3A_182 = tpu.memref_squeeze %dma_wait3A_181 : memref<1x10016x32xf32, #tpu.memory_space<hbm>> -> memref<10016x32xf32, #tpu.memory_space<hbm>>
        %dma_wait3A_183 = arith.constant 0 : i32
        %dma_wait3A_184 = tpu.memref_slice %dma_wait3A_182[%add3A_170, %dma_wait3A_183] : memref<10016x32xf32, #tpu.memory_space<hbm>> -> memref<114x32xf32, #tpu.memory_space<hbm>>
        %dma_wait3A_185 = arith.constant 0 : i32
        %dma_wait3A_186 = tpu.memref_slice %arg19[%add3A_170, %dma_wait3A_185] : memref<10016x32xf32, #tpu.memory_space<vmem_shared>> -> memref<114x32xf32, #tpu.memory_space<vmem_shared>>
        tpu.wait_dma2 semaphore(%run_scoped3A : memref<!tpu.dma_semaphore, #tpu.memory_space<semaphore_mem>>) src(%dma_wait3A_186 : memref<114x32xf32, #tpu.memory_space<vmem_shared>>) dst(%dma_wait3A_184 : memref<114x32xf32, #tpu.memory_space<hbm>>)
        tpu.yield
      }) : () -> ()
      %barrier3A_171 = arith.constant 0 : index
      tpu.barrier barrier_id(%barrier3A_171)
    }
    %scan3A_130 = arith.constant 2 : i32
    return
  }
}

module attributes {stable_mosaic.version = 14 : i64} {
  func.func @body(%arg0: i32, %arg1: memref<1024x128xf32, #tpu.memory_space<vmem>>, %arg2: memref<128x128xf32, #tpu.memory_space<vmem>>, %arg3: memref<128x1xf32, #tpu.memory_space<vmem>>, %arg4: memref<128x1xf32, #tpu.memory_space<vmem>>, %arg5: memref<4x1024x32xf32, #tpu.memory_space<vmem>>, %arg6: memref<1024x1xf32, #tpu.memory_space<vmem>>, %arg7: memref<1024x1xf32, #tpu.memory_space<vmem>>) attributes {dimension_semantics = [#tpu.dimension_semantics<arbitrary>], iteration_bounds = array<i64: 10>, scalar_prefetch = 0 : i64, scratch_operands = 0 : i64, tpu.core_type = #tpu.core_type<tc>, window_params = [{transform_indices = @transform_0, window_bounds = array<i64: 1024, 128>}, {pipeline_mode = #tpu.pipeline_mode<synchronous>, transform_indices = @transform_1, window_bounds = array<i64: 128, 128>}, {pipeline_mode = #tpu.pipeline_mode<synchronous>, transform_indices = @transform_2, window_bounds = array<i64: 128, 1>}, {pipeline_mode = #tpu.pipeline_mode<synchronous>, transform_indices = @transform_3, window_bounds = array<i64: 128, 1>}, {transform_indices = @transform_4, window_bounds = array<i64: 4, 1024, 32>}, {transform_indices = @transform_5, window_bounds = array<i64: 1024, 1>}, {transform_indices = @transform_6, window_bounds = array<i64: 1024, 1>}]} {
    %get3A = arith.constant 0 : index
    %get3A_0 = arith.constant 0 : index
    %get3A_1 = vector.load %arg1[%get3A, %get3A_0] : memref<1024x128xf32, #tpu.memory_space<vmem>>, vector<1024x128xf32>
    %get3A_2 = arith.constant 0 : index
    %get3A_3 = arith.constant 0 : index
    %get3A_4 = vector.load %arg2[%get3A_2, %get3A_3] : memref<128x128xf32, #tpu.memory_space<vmem>>, vector<128x128xf32>
    %dot_general3A = arith.constant dense<0.000000e+00> : vector<1024x128xf32>
    %dot_general3A_5 = tpu.matmul %get3A_1, %get3A_4, %dot_general3A {dimension_numbers = #tpu.dot_dimension_numbers<[1], [1], [0], [0], [0, 0, 1, 0], [], []>, transpose_lhs_hint = false} : vector<1024x128xf32>, vector<128x128xf32>, vector<1024x128xf32> -> vector<1024x128xf32>
    %slice3A = vector.extract_strided_slice %dot_general3A_5 {offsets = [0, 0], sizes = [1024, 32], strides = [1, 1]} : vector<1024x128xf32> to vector<1024x32xf32>
    %swap3A = arith.constant 0 : index
    %swap3A_6 = arith.constant 0 : index
    %swap3A_7 = arith.constant 0 : index
    %swap3A_8 = vector.load %arg5[%swap3A, %swap3A_6, %swap3A_7] : memref<4x1024x32xf32, #tpu.memory_space<vmem>>, vector<1x1024x32xf32>
    %swap3A_9 = vector.shape_cast %swap3A_8 : vector<1x1024x32xf32> to vector<1024x32xf32>
    %swap3A_10 = vector.shape_cast %slice3A : vector<1024x32xf32> to vector<1x1024x32xf32>
    tpu.vector_store %arg5[%swap3A, %swap3A_6, %swap3A_7], %swap3A_10 {strides = array<i32>} : memref<4x1024x32xf32, #tpu.memory_space<vmem>>, vector<1x1024x32xf32>,
    %slice3A_11 = vector.extract_strided_slice %dot_general3A_5 {offsets = [0, 32], sizes = [1024, 32], strides = [1, 1]} : vector<1024x128xf32> to vector<1024x32xf32>
    %swap3A_12 = arith.constant 1 : index
    %swap3A_13 = arith.constant 0 : index
    %swap3A_14 = arith.constant 0 : index
    %swap3A_15 = vector.load %arg5[%swap3A_12, %swap3A_13, %swap3A_14] : memref<4x1024x32xf32, #tpu.memory_space<vmem>>, vector<1x1024x32xf32>
    %swap3A_16 = vector.shape_cast %swap3A_15 : vector<1x1024x32xf32> to vector<1024x32xf32>
    %swap3A_17 = vector.shape_cast %slice3A_11 : vector<1024x32xf32> to vector<1x1024x32xf32>
    tpu.vector_store %arg5[%swap3A_12, %swap3A_13, %swap3A_14], %swap3A_17 {strides = array<i32>} : memref<4x1024x32xf32, #tpu.memory_space<vmem>>, vector<1x1024x32xf32>,
    %slice3A_18 = vector.extract_strided_slice %dot_general3A_5 {offsets = [0, 64], sizes = [1024, 32], strides = [1, 1]} : vector<1024x128xf32> to vector<1024x32xf32>
    %swap3A_19 = arith.constant 2 : index
    %swap3A_20 = arith.constant 0 : index
    %swap3A_21 = arith.constant 0 : index
    %swap3A_22 = vector.load %arg5[%swap3A_19, %swap3A_20, %swap3A_21] : memref<4x1024x32xf32, #tpu.memory_space<vmem>>, vector<1x1024x32xf32>
    %swap3A_23 = vector.shape_cast %swap3A_22 : vector<1x1024x32xf32> to vector<1024x32xf32>
    %swap3A_24 = vector.shape_cast %slice3A_18 : vector<1024x32xf32> to vector<1x1024x32xf32>
    tpu.vector_store %arg5[%swap3A_19, %swap3A_20, %swap3A_21], %swap3A_24 {strides = array<i32>} : memref<4x1024x32xf32, #tpu.memory_space<vmem>>, vector<1x1024x32xf32>,
    %slice3A_25 = vector.extract_strided_slice %dot_general3A_5 {offsets = [0, 96], sizes = [1024, 32], strides = [1, 1]} : vector<1024x128xf32> to vector<1024x32xf32>
    %swap3A_26 = arith.constant 3 : index
    %swap3A_27 = arith.constant 0 : index
    %swap3A_28 = arith.constant 0 : index
    %swap3A_29 = vector.load %arg5[%swap3A_26, %swap3A_27, %swap3A_28] : memref<4x1024x32xf32, #tpu.memory_space<vmem>>, vector<1x1024x32xf32>
    %swap3A_30 = vector.shape_cast %swap3A_29 : vector<1x1024x32xf32> to vector<1024x32xf32>
    %swap3A_31 = vector.shape_cast %slice3A_25 : vector<1024x32xf32> to vector<1x1024x32xf32>
    tpu.vector_store %arg5[%swap3A_26, %swap3A_27, %swap3A_28], %swap3A_31 {strides = array<i32>} : memref<4x1024x32xf32, #tpu.memory_space<vmem>>, vector<1x1024x32xf32>,
    %get3A_32 = arith.constant 0 : index
    %get3A_33 = arith.constant 0 : index
    %get3A_34 = vector.load %arg3[%get3A_32, %get3A_33] : memref<128x1xf32, #tpu.memory_space<vmem>>, vector<128x1xf32>
    %dot_general3A_35 = arith.constant dense<0.000000e+00> : vector<1024x1xf32>
    %dot_general3A_36 = tpu.matmul %dot_general3A_5, %get3A_34, %dot_general3A_35 {dimension_numbers = #tpu.dot_dimension_numbers<[1], [0], [0], [1], [0, 0, 1, 1], [], []>, transpose_lhs_hint = false} : vector<1024x128xf32>, vector<128x1xf32>, vector<1024x1xf32> -> vector<1024x1xf32>
    %swap3A_37 = arith.constant 0 : index
    %swap3A_38 = arith.constant 0 : index
    %swap3A_39 = vector.load %arg6[%swap3A_37, %swap3A_38] : memref<1024x1xf32, #tpu.memory_space<vmem>>, vector<1024x1xf32>
    tpu.vector_store %arg6[%swap3A_37, %swap3A_38], %dot_general3A_36 {strides = array<i32>} : memref<1024x1xf32, #tpu.memory_space<vmem>>, vector<1024x1xf32>,
    %get3A_40 = arith.constant 0 : index
    %get3A_41 = arith.constant 0 : index
    %get3A_42 = vector.load %arg4[%get3A_40, %get3A_41] : memref<128x1xf32, #tpu.memory_space<vmem>>, vector<128x1xf32>
    %dot_general3A_43 = arith.constant dense<0.000000e+00> : vector<1024x1xf32>
    %dot_general3A_44 = tpu.matmul %dot_general3A_5, %get3A_42, %dot_general3A_43 {dimension_numbers = #tpu.dot_dimension_numbers<[1], [0], [0], [1], [0, 0, 1, 1], [], []>, transpose_lhs_hint = false} : vector<1024x128xf32>, vector<128x1xf32>, vector<1024x1xf32> -> vector<1024x1xf32>
    %swap3A_45 = arith.constant 0 : index
    %swap3A_46 = arith.constant 0 : index
    %swap3A_47 = vector.load %arg7[%swap3A_45, %swap3A_46] : memref<1024x1xf32, #tpu.memory_space<vmem>>, vector<1024x1xf32>
    tpu.vector_store %arg7[%swap3A_45, %swap3A_46], %dot_general3A_44 {strides = array<i32>} : memref<1024x1xf32, #tpu.memory_space<vmem>>, vector<1024x1xf32>,
    return
  }
  func.func @transform_0(%arg0: i32) -> (i32, i32) {
    %c0_i32 = arith.constant 0 : i32
    %c0_i32_0 = arith.constant 0 : i32
    return %arg0, %c0_i32 : i32, i32
  }
  func.func @transform_1(%arg0: i32) -> (i32, i32) {
    %c0_i32 = arith.constant 0 : i32
    %c0_i32_0 = arith.constant 0 : i32
    %c0_i32_1 = arith.constant 0 : i32
    return %c0_i32, %c0_i32_0 : i32, i32
  }
  func.func @transform_2(%arg0: i32) -> (i32, i32) {
    %c0_i32 = arith.constant 0 : i32
    %c0_i32_0 = arith.constant 0 : i32
    %c0_i32_1 = arith.constant 0 : i32
    return %c0_i32, %c0_i32_0 : i32, i32
  }
  func.func @transform_3(%arg0: i32) -> (i32, i32) {
    %c0_i32 = arith.constant 0 : i32
    %c0_i32_0 = arith.constant 0 : i32
    %c0_i32_1 = arith.constant 0 : i32
    return %c0_i32, %c0_i32_0 : i32, i32
  }
  func.func @transform_4(%arg0: i32) -> (i32, i32, i32) {
    %c0_i32 = arith.constant 0 : i32
    %c0_i32_0 = arith.constant 0 : i32
    %c0_i32_1 = arith.constant 0 : i32
    return %c0_i32, %arg0, %c0_i32_0 : i32, i32, i32
  }
  func.func @transform_5(%arg0: i32) -> (i32, i32) {
    %c0_i32 = arith.constant 0 : i32
    %c0_i32_0 = arith.constant 0 : i32
    return %arg0, %c0_i32 : i32, i32
  }
  func.func @transform_6(%arg0: i32) -> (i32, i32) {
    %c0_i32 = arith.constant 0 : i32
    %c0_i32_0 = arith.constant 0 : i32
    return %arg0, %c0_i32 : i32, i32
  }
}

</mosaic_0001>

<sc_bundles>
// kernel: kernel.4.cloned.1.call-start
scs
__scs_entry_jumppad:
0x0: {  	(pc) =	sbr.rel $0x88, $3  }
0x1: {  	(tag) =	ssettag $0x0;
	lr =	simm.s32 $0x1  }
0x2: {  	[smem:$0x3F9B] =	sst lr;
	_ =	strace $0xD0000000  }
0x3: {  	_ = 	snop  }
0x4: {  	_ = 	snop  }
0x5: {  	_ = 	snop  }
0x6: {  	_ = 	snop  }
0x7: {  	_ = 	snop  }
__scs_overlays_trampoline_lowered:
0x8: {  	[smem:$0x3FAA] =	sst s0  }
0x9: {  	[smem:$0x3FAB] =	sst s1  }
0xa: {  	[smem:$0x3FAC] =	sst s2  }
0xb: {  	[smem:$0x3FAD] =	sst s3  }
0xc: {  	[smem:$0x3FAE] =	sst s4  }
0xd: {  	[smem:$0x3FAF] =	sst s5  }
0xe: {  	[smem:$0x3FB0] =	sst s6  }
0xf: {  	[smem:$0x3FB1] =	sst s7  }
0x10: {  	[smem:$0x3FB2] =	sst s8  }
0x11: {  	[smem:$0x3FB3] =	sst s9;
	s0 =	simm.s32 @!p0 $0x0  }
0x12: {  	s1 =	sld [smem:$0x3F99];
	s0 =	simm.s32 @p0 $0x1  }
0x13: {  	[smem:$0x3FB4] =	sst s0;
	s0 =	simm.s32 @!p1 $0x0  }
0x14: {  	s2 =	sld [smem:$0x3F98];
	s0 =	simm.s32 @p1 $0x1  }
0x15: {  	[smem:$0x3FB5] =	sst s0;
	s0 =	simm.s32 @!p2 $0x0  }
0x16: {  	s3 =	sld [smem:$0x3FDB];
	s0 =	simm.s32 @p2 $0x1  }
0x17: {  	s4 =	simm.s32 $0x1BF5;
	[smem:$0x3FB7] =	sst s0  }
0x18: {  	s0 =	sld [smem:$0x3F9A];
	_ =	swait.ge [sflag:s4], $0x0  }
0x19: {  	s7 =	sld [smem:$0x3F9B]  }
0x1a: {  	s8 =	sadd.s32 $0xFFFFE003, lr  }
0x1b: {  	s9 =	sadd.s32 $0xFFFFFEF7, lr;
	s5 =	simm.s32 $0xFFFFFFFF;
	p2 =	slt.u32 s8, $0xFFFFF086  }
0x1c: {  	p1 =	slt.u32 s9, $0xF7A;
	s5 =	simm.s32 @!p2 $0x0  }
0x1d: {  	s5 =	simm.s32 @p1 $0x1;
	p0 =	seq.s32 s7, s2  }
0x1e: {  	s7 =	smul.u32 @!p0 $0xF7A, s2;
	p2 =	seq.s32 @!p0 s5, $0x0  }
0x1f: {  	s9 =	smul.u32 $0xF7A, s1;
	s8 =	simm.s32 @!p0 $0x1BF5;
	p2 =	por !p2, p0  }
0x20: {  	[sflag:s8] =	ssyncset.s32 @!p0 $0xFFFFF086;
	s6 =	sadd.s32 @!p0 s3, s7;
	s7 =	simm.s32 @!p0 $0x108  }
0x21: {  	s3 =	sadd.s32 s3, s9;
	s6 =	sadd.s32 @!p0 $0x88, s6;
	s7 =	simm.s32 @p2 $0x1082  }
0x22: {  	[simem:s7], [sflag:s8] =	dma.local @!p0 [hbm:s6], $0xF7A  }
0x23: {  	s9 =	sor.u32 $0xD0000000, s2;
	s6 =	simm.s32 $0x108;
	_ =	swait.ge @!p0 [sflag:s8], $0x0  }
0x24: {  	s3 =	sadd.s32 $0x88, s3;
	s6 =	simm.s32 @!p1 $0x1082;
	[sflag:s4] =	ssyncset.s32 $0xFFFFF086  }
0x25: {  	[simem:s6], [sflag:s4] =	dma.local [hbm:s3], $0xF7A  }
0x26: {  	[smem:$0x3F9B] =	sst s1;
	(tag) =	ssettag s2;
	_ =	strace s9  }
0x27: {  	s1 =	sld [smem:$0x3FAB]  }
0x28: {  	s2 =	sld [smem:$0x3FAC]  }
0x29: {  	s4 =	sld [smem:$0x3FAE]  }
0x2a: {  	p0 =	seq.s32 s5, $0x0;
	s5 =	sld [smem:$0x3FAF]  }
0x2b: {  	s6 =	sld [smem:$0x3FB0]  }
0x2c: {  	s7 =	sld [smem:$0x3FB1]  }
0x2d: {  	s3 =	simm.s32 $0x108;
	s8 =	sld [smem:$0x3FB2]  }
0x2e: {  	s3 =	simm.s32 @!p0 $0x1082;
	s9 =	sld [smem:$0x3FB3]  }
0x2f: {  	lr =	sadd.s32 s0, s3;
	s0 =	sld [smem:$0x3FAA]  }
0x30: {  	s3 =	sld [smem:$0x3FAD]  }
0x31: {  	[smem:$0x3FB6] =	sst s10  }
0x32: {  	s10 =	sld [smem:$0x3FB4];
	_ =	sdelay $0x3  }
0x33: {  	p0 =	seq.s32 s10, $0x1;
	s10 =	sld [smem:$0x3FB6];
	_ =	sdelay $0x3  }
0x34: {  	[smem:$0x3FB6] =	sst s10  }
0x35: {  	s10 =	sld [smem:$0x3FB5];
	_ =	sdelay $0x3  }
0x36: {  	p1 =	seq.s32 s10, $0x1;
	s10 =	sld [smem:$0x3FB6];
	_ =	sdelay $0x3  }
0x37: {  	[smem:$0x3FB6] =	sst s10  }
0x38: {  	s10 =	sld [smem:$0x3FB7]  }
0x39: {  	_ = 	snop;
	(pc) =	sbr.ind lr, $3  }
0x3a: {  	_ = 	snop  }
0x3b: {  	_ = 	snop  }
0x3c: {  	p2 =	seq.s32 s10, $0x1;
	s10 =	sld [smem:$0x3FB6]  }
0x3d: {  	_ =	shalt  }
0x3e: {  	_ =	shalt  }
0x3f: {  	_ =	shalt  }
0x40: {  	_ =	shalt  }
0x41: {  	_ =	shalt  }
0x42: {  	_ =	shalt  }
0x43: {  	_ =	shalt  }
0x44: {  	_ =	shalt  }
0x45: {  	_ =	shalt  }
0x46: {  	_ =	shalt  }
0x47: {  	_ =	shalt  }
0x48: {  	_ =	shalt  }
0x49: {  	_ =	shalt  }
0x4a: {  	_ =	shalt  }
0x4b: {  	_ =	shalt  }
0x4c: {  	_ =	shalt  }
0x4d: {  	_ =	shalt  }
0x4e: {  	_ =	shalt  }
0x4f: {  	_ =	shalt  }
0x50: {  	_ =	shalt  }
0x51: {  	_ =	shalt  }
0x52: {  	_ =	shalt  }
0x53: {  	_ =	shalt  }
0x54: {  	_ =	shalt  }
0x55: {  	_ =	shalt  }
0x56: {  	_ =	shalt  }
0x57: {  	_ =	shalt  }
0x58: {  	_ =	shalt  }
0x59: {  	_ =	shalt  }
0x5a: {  	_ =	shalt  }
0x5b: {  	_ =	shalt  }
0x5c: {  	_ =	shalt  }
0x5d: {  	_ =	shalt  }
0x5e: {  	_ =	shalt  }
0x5f: {  	_ =	shalt  }
0x60: {  	_ =	shalt  }
0x61: {  	_ =	shalt  }
0x62: {  	_ =	shalt  }
0x63: {  	_ =	shalt  }
0x64: {  	_ =	shalt  }
0x65: {  	_ =	shalt  }
0x66: {  	_ =	shalt  }
0x67: {  	_ =	shalt  }
0x68: {  	_ =	shalt  }
0x69: {  	_ =	shalt  }
0x6a: {  	_ =	shalt  }
0x6b: {  	_ =	shalt  }
0x6c: {  	_ =	shalt  }
0x6d: {  	_ =	shalt  }
0x6e: {  	_ =	shalt  }
0x6f: {  	_ =	shalt  }
0x70: {  	_ =	shalt  }
0x71: {  	_ =	shalt  }
0x72: {  	_ =	shalt  }
0x73: {  	_ =	shalt  }
0x74: {  	_ =	shalt  }
0x75: {  	_ =	shalt  }
0x76: {  	_ =	shalt  }
0x77: {  	_ =	shalt  }
0x78: {  	_ =	shalt  }
0x79: {  	_ =	shalt  }
0x7a: {  	_ =	shalt  }
0x7b: {  	_ =	shalt  }
0x7c: {  	_ =	shalt  }
0x7d: {  	_ =	shalt  }
0x7e: {  	_ =	shalt  }
0x7f: {  	_ =	shalt  }
0x80: {  	_ =	shalt  }
0x81: {  	_ =	shalt  }
0x82: {  	_ =	shalt  }
0x83: {  	_ =	shalt  }
0x84: {  	_ =	shalt  }
0x85: {  	_ =	shalt  }
0x86: {  	_ =	shalt  }
0x87: {  	_ =	shalt  }
.Lfunc_end0:
.L_simem_size_0:
called_computation_lowered:
.L_overlay_start_0:
0x88: {  	s2 =	sld [smem:$0x3FD9]  }
0x89: {  	s3 =	sld [smem:$0x3FFE];
	_ =	sdelay $0x1  }
0x8a: {  	s1 =	srdreg.scid  }
0x8b: {  	s0 =	sand.u32 $0x1, s1  }
0x8c: {  	s17 =	sshll.u32 s0, $0xA;
	s2 =	sadd.s32 s3, s2  }
0x8d: {  	s2 =	sadd.s32 s2, s17  }
0x8e: {  	[smem:$0x3FC2] =	sst s2  }
0x8f: {  	_ = 	snop  }
0x90: {  	s2 =	sld [smem:$0x3FD0];
	(tm) =	ssettm $0x1  }
0x91: {  	s18 =	sld [smem:$0x3FFB];
	_ =	sdelay $0x3  }
0x92: {  	_ =	strace s18  }
0x93: {  	s3 =	sld [smem:$0x3FFC];
	_ =	sdelay $0x3  }
0x94: {  	_ =	strace s3  }
0x95: {  	s3 =	sld [smem:$0x3FFD];
	_ =	sdelay $0x3  }
0x96: {  	_ =	strace s3  }
0x97: {  	_ =	strace $0x8FFFFFFF  }
0x98: {  	s19 =	sld [smem:$0x3FDB];
	_ =	sdelay $0x1  }
0x99: {  	s4 =	simm.s32 $_scs_section_size  }
0x9a: {  	s5 =	simm.s32 $_size__tile_overlayer_lowered;
	s6 =	simm.s32 $_tile_overlayer_lowered  }
0x9b: {  	s22 =	simm.s32 $0x1BFF;
	s21 =	sshll.u32 s6, $0x1;
	s3 =	sadd.s32 s4, s19  }
0x9c: {  	s7 =	simm.s32 $0x0;
	s20 =	sshll.u32 s5, $0x1;
	s5 =	sadd.s32 s21, s3  }
0x9d: {  	[timem:s7], [sflag:s22] =	dma.local [hbm:s5], s20  }
0x9e: {  	_ =	swait.ge [sflag:s22], s20  }
0x9f: {  	s4 =	ssub.s32 $0x0, s20;
	[sflag:s22] =	ssyncset.done $0x0  }
0xa0: {  	[sflag:s22] =	ssyncadd.s32 s4;
	_ =	sdelay $0x1  }
0xa1: {  	s23 =	simm.s32 $0x1B8B  }
0xa2: {  	_ =	swait.ge [sflag:s23], $0x1  }
0xa3: {  	[sflag:s23] =	ssyncset.done $0x0  }
0xa4: {  	s25 =	simm.s32 $0x1B8E;
	s24 =	sld [smem:$0x3FFE];
	[sflag:s23] =	ssyncadd.s32 $0xFFFFFFFF  }
0xa5: {  	s26 =	simm.s32 $execute0_lowered;
	[smem:$0x3FD2] =	sst s25  }
0xa6: {  	s5 =	sshll.u32 s26, $0x1;
	_ =	strace $0x80000046;
	[dreg:$0x1] =	wrdreg $0xFFFFFFFF  }
0xa7: {  	s28 =	simm.s32 $_size_execute0_lowered;
	s3 =	sadd.s32 s3, s5;
	[dreg:$0x0] =	wrdreg $0x0  }
0xa8: {  	s5 =	sshll.u32 s28, $0x1;
	[dreg:$0x2] =	wrdreg s3  }
0xa9: {  	[dreg:$0x3] =	wrdreg s5  }
0xaa: {  	[dreg:$0x4] =	wrdreg $0xC0  }
0xab: {  	_ =	task [dreg:s7], $0x5FFFF  }
0xac: {  	[dreg:$0x1] =	wrdreg $0xFFFFFFFF  }
0xad: {  	[dreg:$0x0] =	wrdreg $0x60  }
0xae: {  	[dreg:$0x2] =	wrdreg s2  }
0xaf: {  	[dreg:$0x3] =	wrdreg s24  }
0xb0: {  	[dreg:$0x4] =	wrdreg $0x190C00  }
0xb1: {  	[dreg:$0x5] =	wrdreg $0x193380  }
0xb2: {  	[dreg:$0x6] =	wrdreg $0x9  }
0xb3: {  	_ =	task.clear_ibuf [dreg:s7], $0x7FFFF;
	_ =	strace $0x90000046  }
0xb4: {  	s29 =	simm.s32 $0x9;
	_ =	strace $0x80000048  }
0xb5: {  	_ =	swait.ge [sflag:s29], $0x1  }
0xb6: {  	[sflag:s29] =	ssyncadd.s32 $0xFFFFFFFF  }
0xb7: {  	_ =	strace $0x90000048  }
0xb8: {  	_ =	sfence  }
0xb9: {  	s30 =	sld [smem:$0x0];
	_ =	sdelay $0x2  }
0xba: {  	s31 =	sshll.u32 s1, $0xD;
	s1 =	sshrl.u32 s1, $0x2  }
0xbb: {  	s3 =	sand.u32 $0x4000, s31;
	s1 =	sadd.s32 s1, s30  }
0xbc: {  	s0 =	sor.u32 s3, s0;
	s1 =	sshll.u32 s1, $0x11  }
0xbd: {  	s0 =	sor.u32 s1, s0  }
0xbe: {  	s0 =	sadd.s32 $0x8F2B, s0  }
0xbf: {  	[sflag:s0] =	ssyncadd.remote.s32 $0x1  }
0xc0: {  	_ =	sfence.sel $0xFFFF  }
0xc1: {  	[dreg:$0x0] =	wrdreg $0xFFFFFFFF;
	(pc) =	sbr.abs _section_cstart, $3  }
0xc2: {  	[dreg:$0x1] =	wrdreg $0xFFFFFFFF  }
0xc3: {  	_ =	task.clear_ibuf [dreg:s7], $0x2FFFF;
	_ =	strace $0x9FFFFFFF  }
0xc4: {  	(tm) =	ssettm $0x7FFFFFFF  }
0xc5: {  	_ =	shalt  }
tec
execute0_lowered:
.L_overlay_start_1:
0x0: {  	(tag) =	ssettag $0x1  }
0x1: {  	s0 =	rddreg [dreg:$0x0]  }
0x2: {  	s3 =	rddreg [dreg:$0x1]  }
0x3: {  	s1 =	rddreg [dreg:$0x2]  }
0x4: {  	s2 =	rddreg [dreg:$0x3];
	s14 =	simm.s32 $0x0;
	s24 =	srdreg.scid  }
0x5: {  	s9 =	stileid.u32;
	s30 =	simm.s32 $0xF000;
	s31 =	simm.s32 $0x11720  }
0x6: {  	s28 =	simm.s32 $0x4;
	[smem:$0x7FF] =	sst s14;
	s4 =	sadd.s32 $0xA6800, s3  }
0x7: {  	s5 =	sadd.s32 $0xA6E00, s3;
	s25 =	sadd.s32 $0xA7400, s3;
	s6 =	smul.u32 $0x9E0, s9  }
0x8: {  	s8 =	smul.u32 $0xA00, s9;
	_ =	strace $0x80000047;
	[dreg:$0x6] =	wrdreg s4  }
0x9: {  	s7 =	sadd.s32 $0x14000, s3;
	s10 =	smul.u32 $0x4E40, s9;
	[dreg:$0x7] =	wrdreg s5  }
0xa: {  	s11 =	sadd.s32 $0x2508, s1;
	p0 =	seq.s32 s9, $0xF;
	[dreg:$0x8] =	wrdreg s25  }
0xb: {  	s9 =	simm.s32 $0x140C0;
	s4 =	sand.u32 $0x1, s24;
	[dreg:$0x9] =	wrdreg s7  }
0xc: {  	[dreg:$0xb] =	wrdreg s11;
	s11 =	simm.s32 $0x5;
	s26 =	ssub.s32 $0x2, s4  }
0xd: {  	s6 =	sshrl.u32 s6, $0x2;
	s3 =	sadd.s32 s3, s8;
	s0 =	sadd.s32 s0, s8  }
0xe: {  	s13 =	sadd.s32 $0x1000, s10;
	s16 =	sadd.s32 s10, s2;
	[dreg:$0xd] =	wrdreg s0  }
0xf: {  	s15 =	sadd.s32 $0x2000, s10;
	s4 =	sshll.u32 s4, $0x1;
	[dreg:$0xc] =	wrdreg s3  }
0x10: {  	s21 =	sadd.s32 $0x3000, s10;
	s23 =	sshrl.u32 s10, $0x3;
	[dreg:$0x14] =	wrdreg s4  }
0x11: {  	s22 =	sadd.s32 $0x4000, s10;
	s10 =	simm.s32 $0x160C0;
	[dreg:$0x15] =	wrdreg s23  }
0x12: {  	s29 =	sshrl.u32 s26, $0x1;
	s6 =	sadd.s32 s6, s1;
	[dreg:$0xf] =	wrdreg s16  }
0x13: {  	s12 =	sadd.s32 $0xA000, s3;
	s17 =	sadd.s32 s13, s2;
	[dreg:$0xa] =	wrdreg s6  }
0x14: {  	s18 =	sadd.s32 s15, s2;
	s0 =	sshrl.u32 s13, $0x3;
	[dreg:$0xe] =	wrdreg s12  }
0x15: {  	s19 =	sadd.s32 s21, s2;
	s24 =	sshrl.u32 s15, $0x3;
	[dreg:$0x16] =	wrdreg s0  }
0x16: {  	s20 =	sadd.s32 s22, s2;
	s25 =	sshrl.u32 s21, $0x3;
	[dreg:$0x17] =	wrdreg s24  }
0x17: {  	s21 =	simm.s32 $0x5000;
	s13 =	simm.s32 $0x80;
	[dreg:$0x18] =	wrdreg s25  }
0x18: {  	s3 =	simm.s32 $0x2;
	s4 =	simm.s32 $0x170C0;
	[dreg:$0x10] =	wrdreg s17  }
0x19: {  	s5 =	ssub.s32 s26, s29;
	s26 =	sshrl.u32 s22, $0x3;
	[dreg:$0x11] =	wrdreg s18  }
0x1a: {  	s22 =	simm.s32 $0xA000;
	s0 =	simm.s32 $0x200;
	[dreg:$0x12] =	wrdreg s19  }
0x1b: {  	s6 =	simm.s32 $0x100;
	s12 =	simm.s32 $0x1;
	[dreg:$0x13] =	wrdreg s20  }
0x1c: {  	s25 =	simm.s32 $0x150C0;
	[dreg:$0x19] =	wrdreg s26;
	s29 =	smax.u32 s5, $0x1  }
0x1d: {  	v0 =	vimm.f32 $0.0e+00;
	s26 =	simm.s32 $0x6;
	s5 =	simm.s32 $0x3;
	[dreg:$0x1a] =	wrdreg s29  }
.LBB2_1:
0x1e: {  	[dreg:$0x5] =	wrdreg s14;
	s7 =	simm.s32 $0x80;
	s8 =	simm.s32 $0x0  }
.LBB2_2:
0x1f: {  	p1 =	sne.s32 s7, $0x3F80;
	[tilespmem:s8+$0x180C0] =	vst v0;
	s14 =	smov.u32 s7;
	s7 =	sadd.s32 $0x80, s7  }
.Ltmp0:
0x20: {  	[tilespmem:s8+$0x180D0] =	vst v0;
	(pc) =	sbr.rel @p1 .LBB2_2-.Ltmp0, $2  }
0x21: {  	_ =	sdelay $0x2  }
0x22: {  	s8 =	sshra.s32 s14, $0x2  }
0x23: {  	[tilespmem:s8+$0x180C0] =	vst v0  }
0x24: {  	[tilespmem:s8+$0x180D0] =	vst v0  }
0x25: {  	[tilespmem:$0x13E40] =	vst v0  }
0x26: {  	[tilespmem:$0x13E50] =	vst v0  }
0x27: {  	[tilespmem:$0x13E60] =	vst v0  }
0x28: {  	[tilespmem:$0x13E70] =	vst v0  }
0x29: {  	[tilespmem:$0x13E80] =	vst v0  }
0x2a: {  	[tilespmem:$0x13E90] =	vst v0  }
0x2b: {  	[tilespmem:$0x13EA0] =	vst v0  }
0x2c: {  	[tilespmem:$0x13EB0] =	vst v0  }
0x2d: {  	[tilespmem:$0x13EC0] =	vst v0  }
0x2e: {  	[tilespmem:$0x13ED0] =	vst v0  }
0x2f: {  	[tilespmem:$0x13EE0] =	vst v0  }
0x30: {  	[tilespmem:$0x13EF0] =	vst v0  }
0x31: {  	[tilespmem:$0x13F00] =	vst v0  }
0x32: {  	[tilespmem:$0x13F10] =	vst v0  }
0x33: {  	[tilespmem:$0x13F20] =	vst v0  }
0x34: {  	[tilespmem:$0x13F30] =	vst v0  }
0x35: {  	[tilespmem:$0x13F40] =	vst v0  }
0x36: {  	[tilespmem:$0x13F50] =	vst v0  }
0x37: {  	[tilespmem:$0x13F60] =	vst v0  }
0x38: {  	[tilespmem:$0x13F70] =	vst v0  }
0x39: {  	[tilespmem:$0x13F80] =	vst v0  }
0x3a: {  	[tilespmem:$0x13F90] =	vst v0  }
0x3b: {  	[tilespmem:$0x13FA0] =	vst v0  }
0x3c: {  	[tilespmem:$0x13FB0] =	vst v0  }
0x3d: {  	[tilespmem:$0x13FC0] =	vst v0  }
0x3e: {  	[tilespmem:$0x13FD0] =	vst v0  }
0x3f: {  	[tilespmem:$0x13FE0] =	vst v0  }
0x40: {  	[tilespmem:$0x13FF0] =	vst v0  }
0x41: {  	[tilespmem:$0x14000] =	vst v0  }
0x42: {  	[tilespmem:$0x14010] =	vst v0  }
0x43: {  	[tilespmem:$0x14020] =	vst v0  }
0x44: {  	[tilespmem:$0x14030] =	vst v0  }
0x45: {  	[tilespmem:$0x14040] =	vst v0  }
0x46: {  	[tilespmem:$0x14050] =	vst v0  }
0x47: {  	[tilespmem:$0x14060] =	vst v0  }
0x48: {  	[tilespmem:$0x14070] =	vst v0  }
0x49: {  	[tilespmem:$0x14080] =	vst v0  }
0x4a: {  	[tilespmem:$0x14090] =	vst v0  }
0x4b: {  	[tilespmem:$0x140A0] =	vst v0  }
0x4c: {  	s7 =	simm.s32 @p0 $0x13E40;
	s8 =	rddreg [dreg:$0xb];
	[tilespmem:$0x140B0] =	vst v0  }
0x4d: {  	[spmem:s8] =	stream.linear.scatter @p0 [tilespmem:s7], [sflag:$0x6], $0x218, $0x38;
	[tilespmem:$0x1E178] =	vst v63  }
0x4e: {  	s7 =	simm.s32 @p0 $0x6  }
0x4f: {  	_ =	swait.ge @p0 [sflag:s7], $0x218  }
0x50: {  	[sflag:s7] =	ssyncset.done @p0 $0x0  }
0x51: {  	s8 =	rddreg [dreg:$0xa];
	[sflag:s7] =	ssyncadd.s32 @p0 $0xFFFFFDE8;
	s7 =	simm.s32 @!p0 $0x13E40  }
0x52: {  	[spmem:s8] =	stream.linear.scatter @!p0 [tilespmem:s7], [sflag:$0x6], $0x278, $0x38;
	[tilespmem:$0x1E178] =	vst v63  }
0x53: {  	s7 =	simm.s32 @!p0 $0x6  }
0x54: {  	_ =	swait.ge @!p0 [sflag:s7], $0x278  }
0x55: {  	[sflag:s7] =	ssyncset.done @!p0 $0x0  }
0x56: {  	[sflag:s7] =	ssyncadd.s32 @!p0 $0xFFFFFD88  }
0x57: {  	[bflag:$0x0] =	sbarrier.arrive $0xFFFF  }
0x58: {  	s7 =	simm.s32 $0x0;
	s14 =	rddreg [dreg:$0xd]  }
0x59: {  	[tilespmem:s7], [sflag:$0x6] =	stream.linear.gather [hbm4b:s14+s7], $0x5000, $0x38;
	[tilespmem:$0x1E178] =	vst v63  }
0x5a: {  	_ =	swait.ge [sflag:s26], $0x5000  }
0x5b: {  	[sflag:s26] =	ssyncset.done $0x0  }
0x5c: {  	s15 =	rddreg [dreg:$0xe];
	[sflag:s26] =	ssyncadd.s32 $0xFFFFB000  }
0x5d: {  	[tilespmem:s21], [sflag:$0x6] =	stream.linear.gather [hbm4b:s15+s7], $0x5000, $0x38;
	[tilespmem:$0x1E178] =	vst v63  }
0x5e: {  	_ =	swait.ge [sflag:s26], $0x5000  }
0x5f: {  	[sflag:s26] =	ssyncset.done $0x0  }
0x60: {  	s23 =	rddreg [dreg:$0xc];
	[sflag:s26] =	ssyncadd.s32 $0xFFFFB000  }
0x61: {  	[tilespmem:s22], [sflag:$0x6] =	stream.linear.gather [hbm4b:s23+s7], $0x5000, $0x38;
	[tilespmem:$0x1E178] =	vst v63  }
0x62: {  	_ =	swait.ge [sflag:s26], $0x5000  }
0x63: {  	[sflag:s26] =	ssyncset.done $0x0  }
0x64: {  	s24 =	rddreg [dreg:$0x6];
	[sflag:s26] =	ssyncadd.s32 $0xFFFFB000  }
0x65: {  	[tilespmem:s30], [sflag:$0x6] =	stream.linear.gather [hbm4b:s24+s7], $0x2720, $0x38;
	[tilespmem:$0x1E178] =	vst v63  }
0x66: {  	_ =	swait.ge [sflag:s26], $0x2720  }
0x67: {  	[sflag:s26] =	ssyncset.done $0x0  }
0x68: {  	s29 =	rddreg [dreg:$0x7];
	[sflag:s26] =	ssyncadd.s32 $0xFFFFD8E0  }
0x69: {  	[tilespmem:s31], [sflag:$0x6] =	stream.linear.gather [hbm4b:s29+s7], $0x2720, $0x38;
	[tilespmem:$0x1E178] =	vst v63  }
0x6a: {  	_ =	swait.ge [sflag:s26], $0x2720  }
0x6b: {  	[sflag:s26] =	ssyncset.done $0x0  }
0x6c: {  	s7 =	simm.s32 $0x0;
	[sflag:s26] =	ssyncadd.s32 $0xFFFFD8E0  }
0x6d: {  	v1 =	vld [tilespmem:s7+$0x0];
	_ =	sdelay $0x1  }
0x6e: {  	v2 =	vld [tilespmem:s7+$0x5000];
	_ =	sdelay $0x4  }
0x6f: {  	v3 =	vld [tilespmem:s7+$0xA000]  }
0x70: {  	v1 =	vld.idx.msk [tilespmem:v1+s30+$0x0], $0xffff;
	_ =	sdelay $0x1  }
0x71: {  	v2 =	vld.idx.msk [tilespmem:v2+s31+$0x0], $0xffff;
	_ =	sdelay $0x2  }
0x72: {  	v1 =	vmul.f32 v1, v3;
	_ =	sdelay $0x1  }
0x73: {  	v1 =	vadd.f32 v2, v1;
	_ =	sdelay $0x1  }
0x74: {  	v2 =	vmul.f32 $9.999999770e-03, v1;
	_ =	sdelay $0x1  }
0x75: {  	v1 =	vmax.f32 v1, v2  }
0x76: {  	v1 =	vmul.f32 $1.442695020e+00, v1;
	_ =	sdelay $0x1  }
0x77: {  	(erf) = vpow2.f32 v1;
	_ =	sdelay $0x2  }
0x78: {  	v1 =	vld [tilespmem:s7+$0x10];
	_ =	sdelay $0x1  }
0x79: {  	v2 =	vld [tilespmem:s7+$0x5010];
	_ =	sdelay $0x3  }
0x7a: {  	v3 =	vpop (erf)  }
0x7b: {  	[tilespmem:s7+$0xA000] =	vst v3;
	v3 =	vld [tilespmem:s7+$0xA010]  }
0x7c: {  	v1 =	vld.idx.msk [tilespmem:v1+s30+$0x0], $0xffff;
	_ =	sdelay $0x1  }
0x7d: {  	v2 =	vld.idx.msk [tilespmem:v2+s31+$0x0], $0xffff;
	_ =	sdelay $0x2  }
0x7e: {  	v1 =	vmul.f32 v1, v3;
	_ =	sdelay $0x1  }
0x7f: {  	v1 =	vadd.f32 v2, v1;
	_ =	sdelay $0x1  }
0x80: {  	v2 =	vmul.f32 $9.999999770e-03, v1;
	_ =	sdelay $0x1  }
0x81: {  	v1 =	vmax.f32 v1, v2  }
0x82: {  	v1 =	vmul.f32 $1.442695020e+00, v1;
	_ =	sdelay $0x1  }
0x83: {  	(erf) = vpow2.f32 v1;
	_ =	sdelay $0x2  }
0x84: {  	v1 =	vld [tilespmem:s7+$0x20];
	_ =	sdelay $0x1  }
0x85: {  	v2 =	vld [tilespmem:s7+$0x5020];
	_ =	sdelay $0x3  }
0x86: {  	v3 =	vpop (erf)  }
0x87: {  	[tilespmem:s7+$0xA010] =	vst v3;
	v3 =	vld [tilespmem:s7+$0xA020]  }
0x88: {  	v1 =	vld.idx.msk [tilespmem:v1+s30+$0x0], $0xffff;
	_ =	sdelay $0x1  }
0x89: {  	v2 =	vld.idx.msk [tilespmem:v2+s31+$0x0], $0xffff;
	_ =	sdelay $0x2  }
0x8a: {  	v1 =	vmul.f32 v1, v3;
	_ =	sdelay $0x1  }
0x8b: {  	v1 =	vadd.f32 v2, v1;
	_ =	sdelay $0x1  }
0x8c: {  	v2 =	vmul.f32 $9.999999770e-03, v1;
	_ =	sdelay $0x1  }
0x8d: {  	v1 =	vmax.f32 v1, v2  }
0x8e: {  	v1 =	vmul.f32 $1.442695020e+00, v1;
	_ =	sdelay $0x1  }
0x8f: {  	(erf) = vpow2.f32 v1;
	_ =	sdelay $0x2  }
0x90: {  	v1 =	vld [tilespmem:s7+$0x30];
	_ =	sdelay $0x1  }
0x91: {  	v2 =	vld [tilespmem:s7+$0x5030];
	_ =	sdelay $0x3  }
0x92: {  	v3 =	vpop (erf)  }
0x93: {  	[tilespmem:s7+$0xA020] =	vst v3;
	v3 =	vld [tilespmem:s7+$0xA030]  }
0x94: {  	v1 =	vld.idx.msk [tilespmem:v1+s30+$0x0], $0xffff;
	_ =	sdelay $0x1  }
0x95: {  	v2 =	vld.idx.msk [tilespmem:v2+s31+$0x0], $0xffff;
	_ =	sdelay $0x2  }
0x96: {  	v1 =	vmul.f32 v1, v3;
	_ =	sdelay $0x1  }
0x97: {  	v1 =	vadd.f32 v2, v1;
	_ =	sdelay $0x1  }
0x98: {  	v2 =	vmul.f32 $9.999999770e-03, v1;
	_ =	sdelay $0x1  }
0x99: {  	v1 =	vmax.f32 v1, v2  }
0x9a: {  	v1 =	vmul.f32 $1.442695020e+00, v1;
	_ =	sdelay $0x1  }
0x9b: {  	(erf) = vpow2.f32 v1;
	_ =	sdelay $0x2  }
0x9c: {  	v1 =	vld [tilespmem:s7+$0x40];
	_ =	sdelay $0x1  }
0x9d: {  	v2 =	vld [tilespmem:s7+$0x5040];
	_ =	sdelay $0x3  }
0x9e: {  	v3 =	vpop (erf)  }
0x9f: {  	[tilespmem:s7+$0xA030] =	vst v3;
	v3 =	vld [tilespmem:s7+$0xA040]  }
0xa0: {  	v1 =	vld.idx.msk [tilespmem:v1+s30+$0x0], $0xffff;
	_ =	sdelay $0x1  }
0xa1: {  	v2 =	vld.idx.msk [tilespmem:v2+s31+$0x0], $0xffff;
	_ =	sdelay $0x2  }
0xa2: {  	v1 =	vmul.f32 v1, v3;
	_ =	sdelay $0x1  }
0xa3: {  	v1 =	vadd.f32 v2, v1;
	_ =	sdelay $0x1  }
0xa4: {  	v2 =	vmul.f32 $9.999999770e-03, v1;
	_ =	sdelay $0x1  }
0xa5: {  	v1 =	vmax.f32 v1, v2  }
0xa6: {  	v1 =	vmul.f32 $1.442695020e+00, v1;
	_ =	sdelay $0x1  }
0xa7: {  	(erf) = vpow2.f32 v1;
	_ =	sdelay $0x2  }
0xa8: {  	v1 =	vld [tilespmem:s7+$0x50];
	_ =	sdelay $0x1  }
0xa9: {  	v2 =	vld [tilespmem:s7+$0x5050];
	_ =	sdelay $0x3  }
0xaa: {  	v3 =	vpop (erf)  }
0xab: {  	[tilespmem:s7+$0xA040] =	vst v3;
	v3 =	vld [tilespmem:s7+$0xA050]  }
0xac: {  	v1 =	vld.idx.msk [tilespmem:v1+s30+$0x0], $0xffff;
	_ =	sdelay $0x1  }
0xad: {  	v2 =	vld.idx.msk [tilespmem:v2+s31+$0x0], $0xffff;
	_ =	sdelay $0x2  }
0xae: {  	v1 =	vmul.f32 v1, v3;
	_ =	sdelay $0x1  }
0xaf: {  	v1 =	vadd.f32 v2, v1;
	_ =	sdelay $0x1  }
0xb0: {  	v2 =	vmul.f32 $9.999999770e-03, v1;
	_ =	sdelay $0x1  }
0xb1: {  	v1 =	vmax.f32 v1, v2  }
0xb2: {  	v1 =	vmul.f32 $1.442695020e+00, v1;
	_ =	sdelay $0x1  }
0xb3: {  	(erf) = vpow2.f32 v1;
	_ =	sdelay $0x2  }
0xb4: {  	v1 =	vld [tilespmem:s7+$0x60];
	_ =	sdelay $0x1  }
0xb5: {  	v2 =	vld [tilespmem:s7+$0x5060];
	_ =	sdelay $0x3  }
0xb6: {  	v3 =	vpop (erf)  }
0xb7: {  	[tilespmem:s7+$0xA050] =	vst v3;
	v3 =	vld [tilespmem:s7+$0xA060]  }
0xb8: {  	v1 =	vld.idx.msk [tilespmem:v1+s30+$0x0], $0xffff;
	_ =	sdelay $0x1  }
0xb9: {  	v2 =	vld.idx.msk [tilespmem:v2+s31+$0x0], $0xffff;
	_ =	sdelay $0x2  }
0xba: {  	v1 =	vmul.f32 v1, v3;
	_ =	sdelay $0x1  }
0xbb: {  	v1 =	vadd.f32 v2, v1;
	_ =	sdelay $0x1  }
0xbc: {  	v2 =	vmul.f32 $9.999999770e-03, v1;
	_ =	sdelay $0x1  }
0xbd: {  	v1 =	vmax.f32 v1, v2  }
0xbe: {  	v1 =	vmul.f32 $1.442695020e+00, v1;
	_ =	sdelay $0x1  }
0xbf: {  	(erf) = vpow2.f32 v1;
	_ =	sdelay $0x2  }
0xc0: {  	v1 =	vld [tilespmem:s7+$0x70];
	_ =	sdelay $0x1  }
0xc1: {  	v2 =	vld [tilespmem:s7+$0x5070];
	_ =	sdelay $0x3  }
0xc2: {  	v3 =	vpop (erf)  }
0xc3: {  	[tilespmem:s7+$0xA060] =	vst v3;
	v3 =	vld [tilespmem:s7+$0xA070]  }
0xc4: {  	v1 =	vld.idx.msk [tilespmem:v1+s30+$0x0], $0xffff;
	_ =	sdelay $0x1  }
0xc5: {  	v2 =	vld.idx.msk [tilespmem:v2+s31+$0x0], $0xffff;
	_ =	sdelay $0x2  }
0xc6: {  	v1 =	vmul.f32 v1, v3;
	_ =	sdelay $0x1  }
0xc7: {  	v1 =	vadd.f32 v2, v1;
	_ =	sdelay $0x1  }
0xc8: {  	v2 =	vmul.f32 $9.999999770e-03, v1;
	_ =	sdelay $0x1  }
0xc9: {  	v1 =	vmax.f32 v1, v2  }
0xca: {  	v1 =	vmul.f32 $1.442695020e+00, v1;
	_ =	sdelay $0x1  }
0xcb: {  	(erf) = vpow2.f32 v1;
	_ =	sdelay $0x1  }
0xcc: {  	s15 =	simm.s32 $0x80  }
0xcd: {  	v2 =	vld [tilespmem:s15+$0x0];
	_ =	sdelay $0x1  }
0xce: {  	v1 =	vld [tilespmem:s15+$0x5000];
	_ =	sdelay $0x3  }
0xcf: {  	s8 =	simm.s32 $0x400;
	v3 =	vpop (erf)  }
.LBB2_4:
0xd0: {  	p1 =	sne.s32 s8, $0x13E00;
	[tilespmem:s7+$0xA070] =	vst v3;
	s14 =	smov.u32 s8;
	s8 =	sadd.s32 $0x200, s8  }
0xd1: {  	s7 =	smov.u32 s15;
	v2 =	vld.idx.msk [tilespmem:v2+s30+$0x0], $0xffff  }
0xd2: {  	v3 =	vld [tilespmem:s7+$0xA000]  }
0xd3: {  	v1 =	vld.idx.msk [tilespmem:v1+s31+$0x0], $0xffff;
	_ =	sdelay $0x3  }
0xd4: {  	v2 =	vmul.f32 v2, v3;
	_ =	sdelay $0x1  }
0xd5: {  	v1 =	vadd.f32 v1, v2;
	_ =	sdelay $0x1  }
0xd6: {  	v2 =	vmul.f32 $9.999999770e-03, v1;
	_ =	sdelay $0x1  }
0xd7: {  	v1 =	vmax.f32 v1, v2  }
0xd8: {  	v1 =	vmul.f32 $1.442695020e+00, v1;
	_ =	sdelay $0x1  }
0xd9: {  	(erf) = vpow2.f32 v1;
	_ =	sdelay $0x2  }
0xda: {  	v1 =	vld [tilespmem:s7+$0x10];
	_ =	sdelay $0x1  }
0xdb: {  	v2 =	vld [tilespmem:s7+$0x5010];
	_ =	sdelay $0x3  }
0xdc: {  	v3 =	vpop (erf)  }
0xdd: {  	[tilespmem:s7+$0xA000] =	vst v3  }
0xde: {  	v1 =	vld.idx.msk [tilespmem:v1+s30+$0x0], $0xffff  }
0xdf: {  	v3 =	vld [tilespmem:s7+$0xA010]  }
0xe0: {  	v2 =	vld.idx.msk [tilespmem:v2+s31+$0x0], $0xffff;
	_ =	sdelay $0x3  }
0xe1: {  	v1 =	vmul.f32 v1, v3;
	_ =	sdelay $0x1  }
0xe2: {  	v1 =	vadd.f32 v2, v1;
	_ =	sdelay $0x1  }
0xe3: {  	v2 =	vmul.f32 $9.999999770e-03, v1;
	_ =	sdelay $0x1  }
0xe4: {  	v1 =	vmax.f32 v1, v2  }
0xe5: {  	v1 =	vmul.f32 $1.442695020e+00, v1;
	_ =	sdelay $0x1  }
0xe6: {  	(erf) = vpow2.f32 v1;
	_ =	sdelay $0x2  }
0xe7: {  	v1 =	vld [tilespmem:s7+$0x20];
	_ =	sdelay $0x1  }
0xe8: {  	v2 =	vld [tilespmem:s7+$0x5020];
	_ =	sdelay $0x3  }
0xe9: {  	v3 =	vpop (erf)  }
0xea: {  	[tilespmem:s7+$0xA010] =	vst v3  }
0xeb: {  	v1 =	vld.idx.msk [tilespmem:v1+s30+$0x0], $0xffff  }
0xec: {  	v3 =	vld [tilespmem:s7+$0xA020]  }
0xed: {  	v2 =	vld.idx.msk [tilespmem:v2+s31+$0x0], $0xffff;
	_ =	sdelay $0x3  }
0xee: {  	v1 =	vmul.f32 v1, v3;
	_ =	sdelay $0x1  }
0xef: {  	v1 =	vadd.f32 v2, v1;
	_ =	sdelay $0x1  }
0xf0: {  	v2 =	vmul.f32 $9.999999770e-03, v1;
	_ =	sdelay $0x1  }
0xf1: {  	v1 =	vmax.f32 v1, v2  }
0xf2: {  	v1 =	vmul.f32 $1.442695020e+00, v1;
	_ =	sdelay $0x1  }
0xf3: {  	(erf) = vpow2.f32 v1;
	_ =	sdelay $0x2  }
0xf4: {  	v1 =	vld [tilespmem:s7+$0x30];
	_ =	sdelay $0x1  }
0xf5: {  	v2 =	vld [tilespmem:s7+$0x5030];
	_ =	sdelay $0x3  }
0xf6: {  	v3 =	vpop (erf)  }
0xf7: {  	[tilespmem:s7+$0xA020] =	vst v3  }
0xf8: {  	v1 =	vld.idx.msk [tilespmem:v1+s30+$0x0], $0xffff  }
0xf9: {  	v3 =	vld [tilespmem:s7+$0xA030]  }
0xfa: {  	v2 =	vld.idx.msk [tilespmem:v2+s31+$0x0], $0xffff;
	_ =	sdelay $0x3  }
0xfb: {  	v1 =	vmul.f32 v1, v3;
	_ =	sdelay $0x1  }
0xfc: {  	v1 =	vadd.f32 v2, v1;
	_ =	sdelay $0x1  }
0xfd: {  	v2 =	vmul.f32 $9.999999770e-03, v1;
	_ =	sdelay $0x1  }
0xfe: {  	v1 =	vmax.f32 v1, v2  }
0xff: {  	v1 =	vmul.f32 $1.442695020e+00, v1;
	_ =	sdelay $0x1  }
0x100: {  	(erf) = vpow2.f32 v1;
	_ =	sdelay $0x2  }
0x101: {  	v1 =	vld [tilespmem:s7+$0x40];
	_ =	sdelay $0x1  }
0x102: {  	v2 =	vld [tilespmem:s7+$0x5040];
	_ =	sdelay $0x3  }
0x103: {  	v3 =	vpop (erf)  }
0x104: {  	[tilespmem:s7+$0xA030] =	vst v3  }
0x105: {  	v1 =	vld.idx.msk [tilespmem:v1+s30+$0x0], $0xffff  }
0x106: {  	v3 =	vld [tilespmem:s7+$0xA040]  }
0x107: {  	v2 =	vld.idx.msk [tilespmem:v2+s31+$0x0], $0xffff;
	_ =	sdelay $0x3  }
0x108: {  	v1 =	vmul.f32 v1, v3;
	_ =	sdelay $0x1  }
0x109: {  	v1 =	vadd.f32 v2, v1;
	_ =	sdelay $0x1  }
0x10a: {  	v2 =	vmul.f32 $9.999999770e-03, v1;
	_ =	sdelay $0x1  }
0x10b: {  	v1 =	vmax.f32 v1, v2  }
0x10c: {  	v1 =	vmul.f32 $1.442695020e+00, v1;
	_ =	sdelay $0x1  }
0x10d: {  	(erf) = vpow2.f32 v1;
	_ =	sdelay $0x2  }
0x10e: {  	v1 =	vld [tilespmem:s7+$0x50]  }
0x10f: {  	v2 =	vld [tilespmem:s7+$0x5050];
	_ =	sdelay $0x4  }
0x110: {  	v3 =	vpop (erf)  }
0x111: {  	[tilespmem:s7+$0xA040] =	vst v3;
	v3 =	vld [tilespmem:s7+$0xA050]  }
0x112: {  	v1 =	vld.idx.msk [tilespmem:v1+s30+$0x0], $0xffff  }
0x113: {  	v2 =	vld.idx.msk [tilespmem:v2+s31+$0x0], $0xffff;
	_ =	sdelay $0x4  }
0x114: {  	v1 =	vmul.f32 v1, v3;
	_ =	sdelay $0x1  }
0x115: {  	v1 =	vadd.f32 v2, v1;
	_ =	sdelay $0x1  }
0x116: {  	v2 =	vmul.f32 $9.999999770e-03, v1;
	_ =	sdelay $0x1  }
0x117: {  	v1 =	vmax.f32 v1, v2  }
0x118: {  	v1 =	vmul.f32 $1.442695020e+00, v1;
	_ =	sdelay $0x1  }
0x119: {  	(erf) = vpow2.f32 v1;
	_ =	sdelay $0x2  }
0x11a: {  	v1 =	vld [tilespmem:s7+$0x60]  }
0x11b: {  	v2 =	vld [tilespmem:s7+$0x5060];
	_ =	sdelay $0x4  }
0x11c: {  	v3 =	vpop (erf)  }
0x11d: {  	[tilespmem:s7+$0xA050] =	vst v3;
	v3 =	vld [tilespmem:s7+$0xA060]  }
0x11e: {  	v1 =	vld.idx.msk [tilespmem:v1+s30+$0x0], $0xffff  }
0x11f: {  	v2 =	vld.idx.msk [tilespmem:v2+s31+$0x0], $0xffff;
	_ =	sdelay $0x4  }
0x120: {  	v1 =	vmul.f32 v1, v3;
	_ =	sdelay $0x1  }
0x121: {  	v1 =	vadd.f32 v2, v1;
	_ =	sdelay $0x1  }
0x122: {  	v2 =	vmul.f32 $9.999999770e-03, v1;
	_ =	sdelay $0x1  }
0x123: {  	v1 =	vmax.f32 v1, v2  }
0x124: {  	v1 =	vmul.f32 $1.442695020e+00, v1;
	_ =	sdelay $0x1  }
0x125: {  	(erf) = vpow2.f32 v1;
	_ =	sdelay $0x2  }
0x126: {  	v1 =	vld [tilespmem:s7+$0x70]  }
0x127: {  	v2 =	vld [tilespmem:s7+$0x5070];
	_ =	sdelay $0x4  }
0x128: {  	v3 =	vpop (erf)  }
0x129: {  	[tilespmem:s7+$0xA060] =	vst v3;
	v3 =	vld [tilespmem:s7+$0xA070]  }
0x12a: {  	v1 =	vld.idx.msk [tilespmem:v1+s30+$0x0], $0xffff  }
0x12b: {  	v2 =	vld.idx.msk [tilespmem:v2+s31+$0x0], $0xffff;
	_ =	sdelay $0x4  }
0x12c: {  	v1 =	vmul.f32 v1, v3;
	_ =	sdelay $0x1  }
0x12d: {  	v1 =	vadd.f32 v2, v1;
	_ =	sdelay $0x1  }
0x12e: {  	v2 =	vmul.f32 $9.999999770e-03, v1;
	_ =	sdelay $0x1  }
0x12f: {  	v1 =	vmax.f32 v1, v2  }
0x130: {  	v1 =	vmul.f32 $1.442695020e+00, v1;
	_ =	sdelay $0x1  }
0x131: {  	(erf) = vpow2.f32 v1;
	_ =	sdelay $0x1  }
0x132: {  	s15 =	sshra.s32 s14, $0x2  }
0x133: {  	v2 =	vld [tilespmem:s15+$0x0]  }
0x134: {  	v1 =	vld [tilespmem:s15+$0x5000]  }
.Ltmp1:
0x135: {  	(pc) =	sbr.rel @p1 .LBB2_4-.Ltmp1, $2  }
0x136: {  	_ =	sdelay $0x2  }
0x137: {  	v3 =	vpop (erf)  }
0x138: {  	_ =	sdelay $0x2  }
0x139: {  	[tilespmem:s7+$0xA070] =	vst v3  }
0x13a: {  	v2 =	vld.idx.msk [tilespmem:v2+s30+$0x0], $0xffff  }
0x13b: {  	v3 =	vld [tilespmem:s15+$0xA000];
	_ =	sdelay $0x1  }
0x13c: {  	v1 =	vld.idx.msk [tilespmem:v1+s31+$0x0], $0xffff;
	_ =	sdelay $0x2  }
0x13d: {  	v2 =	vmul.f32 v2, v3;
	_ =	sdelay $0x1  }
0x13e: {  	v1 =	vadd.f32 v1, v2;
	_ =	sdelay $0x1  }
0x13f: {  	v2 =	vmul.f32 $9.999999770e-03, v1;
	_ =	sdelay $0x1  }
0x140: {  	v1 =	vmax.f32 v1, v2  }
0x141: {  	v1 =	vmul.f32 $1.442695020e+00, v1;
	_ =	sdelay $0x1  }
0x142: {  	(erf) = vpow2.f32 v1;
	_ =	sdelay $0x2  }
0x143: {  	v1 =	vld [tilespmem:s15+$0x10];
	_ =	sdelay $0x1  }
0x144: {  	v2 =	vld [tilespmem:s15+$0x5010];
	_ =	sdelay $0x3  }
0x145: {  	v3 =	vpop (erf)  }
0x146: {  	[tilespmem:s15+$0xA000] =	vst v3;
	v3 =	vld [tilespmem:s15+$0xA010]  }
0x147: {  	v1 =	vld.idx.msk [tilespmem:v1+s30+$0x0], $0xffff;
	_ =	sdelay $0x1  }
0x148: {  	v2 =	vld.idx.msk [tilespmem:v2+s31+$0x0], $0xffff;
	_ =	sdelay $0x2  }
0x149: {  	v1 =	vmul.f32 v1, v3;
	_ =	sdelay $0x1  }
0x14a: {  	v1 =	vadd.f32 v2, v1;
	_ =	sdelay $0x1  }
0x14b: {  	v2 =	vmul.f32 $9.999999770e-03, v1;
	_ =	sdelay $0x1  }
0x14c: {  	v1 =	vmax.f32 v1, v2  }
0x14d: {  	v1 =	vmul.f32 $1.442695020e+00, v1;
	_ =	sdelay $0x1  }
0x14e: {  	(erf) = vpow2.f32 v1;
	_ =	sdelay $0x2  }
0x14f: {  	v1 =	vld [tilespmem:s15+$0x20];
	_ =	sdelay $0x1  }
0x150: {  	v2 =	vld [tilespmem:s15+$0x5020];
	_ =	sdelay $0x3  }
0x151: {  	v3 =	vpop (erf)  }
0x152: {  	[tilespmem:s15+$0xA010] =	vst v3;
	v3 =	vld [tilespmem:s15+$0xA020]  }
0x153: {  	v1 =	vld.idx.msk [tilespmem:v1+s30+$0x0], $0xffff;
	_ =	sdelay $0x1  }
0x154: {  	v2 =	vld.idx.msk [tilespmem:v2+s31+$0x0], $0xffff;
	_ =	sdelay $0x2  }
0x155: {  	v1 =	vmul.f32 v1, v3;
	_ =	sdelay $0x1  }
0x156: {  	v1 =	vadd.f32 v2, v1;
	_ =	sdelay $0x1  }
0x157: {  	v2 =	vmul.f32 $9.999999770e-03, v1;
	_ =	sdelay $0x1  }
0x158: {  	v1 =	vmax.f32 v1, v2  }
0x159: {  	v1 =	vmul.f32 $1.442695020e+00, v1;
	_ =	sdelay $0x1  }
0x15a: {  	(erf) = vpow2.f32 v1;
	_ =	sdelay $0x2  }
0x15b: {  	v1 =	vld [tilespmem:s15+$0x30];
	_ =	sdelay $0x1  }
0x15c: {  	v2 =	vld [tilespmem:s15+$0x5030];
	_ =	sdelay $0x3  }
0x15d: {  	v3 =	vpop (erf)  }
0x15e: {  	[tilespmem:s15+$0xA020] =	vst v3;
	v3 =	vld [tilespmem:s15+$0xA030]  }
0x15f: {  	v1 =	vld.idx.msk [tilespmem:v1+s30+$0x0], $0xffff;
	_ =	sdelay $0x1  }
0x160: {  	v2 =	vld.idx.msk [tilespmem:v2+s31+$0x0], $0xffff;
	_ =	sdelay $0x2  }
0x161: {  	v1 =	vmul.f32 v1, v3;
	_ =	sdelay $0x1  }
0x162: {  	v1 =	vadd.f32 v2, v1;
	_ =	sdelay $0x1  }
0x163: {  	v2 =	vmul.f32 $9.999999770e-03, v1;
	_ =	sdelay $0x1  }
0x164: {  	v1 =	vmax.f32 v1, v2  }
0x165: {  	v1 =	vmul.f32 $1.442695020e+00, v1;
	_ =	sdelay $0x1  }
0x166: {  	(erf) = vpow2.f32 v1;
	_ =	sdelay $0x2  }
0x167: {  	v1 =	vld [tilespmem:s15+$0x40];
	_ =	sdelay $0x1  }
0x168: {  	v2 =	vld [tilespmem:s15+$0x5040];
	_ =	sdelay $0x3  }
0x169: {  	v3 =	vpop (erf)  }
0x16a: {  	[tilespmem:s15+$0xA030] =	vst v3;
	v3 =	vld [tilespmem:s15+$0xA040]  }
0x16b: {  	v1 =	vld.idx.msk [tilespmem:v1+s30+$0x0], $0xffff;
	_ =	sdelay $0x1  }
0x16c: {  	v2 =	vld.idx.msk [tilespmem:v2+s31+$0x0], $0xffff;
	_ =	sdelay $0x2  }
0x16d: {  	v1 =	vmul.f32 v1, v3;
	_ =	sdelay $0x1  }
0x16e: {  	v1 =	vadd.f32 v2, v1;
	_ =	sdelay $0x1  }
0x16f: {  	v2 =	vmul.f32 $9.999999770e-03, v1;
	_ =	sdelay $0x1  }
0x170: {  	v1 =	vmax.f32 v1, v2  }
0x171: {  	v1 =	vmul.f32 $1.442695020e+00, v1;
	_ =	sdelay $0x1  }
0x172: {  	(erf) = vpow2.f32 v1;
	_ =	sdelay $0x2  }
0x173: {  	v1 =	vld [tilespmem:s15+$0x50];
	_ =	sdelay $0x1  }
0x174: {  	v2 =	vld [tilespmem:s15+$0x5050];
	_ =	sdelay $0x3  }
0x175: {  	v3 =	vpop (erf)  }
0x176: {  	[tilespmem:s15+$0xA040] =	vst v3;
	v3 =	vld [tilespmem:s15+$0xA050]  }
0x177: {  	v1 =	vld.idx.msk [tilespmem:v1+s30+$0x0], $0xffff;
	_ =	sdelay $0x1  }
0x178: {  	v2 =	vld.idx.msk [tilespmem:v2+s31+$0x0], $0xffff;
	_ =	sdelay $0x2  }
0x179: {  	v1 =	vmul.f32 v1, v3;
	_ =	sdelay $0x1  }
0x17a: {  	v1 =	vadd.f32 v2, v1;
	_ =	sdelay $0x1  }
0x17b: {  	v2 =	vmul.f32 $9.999999770e-03, v1;
	_ =	sdelay $0x1  }
0x17c: {  	v1 =	vmax.f32 v1, v2  }
0x17d: {  	v1 =	vmul.f32 $1.442695020e+00, v1;
	_ =	sdelay $0x1  }
0x17e: {  	(erf) = vpow2.f32 v1;
	_ =	sdelay $0x2  }
0x17f: {  	v1 =	vld [tilespmem:s15+$0x60];
	_ =	sdelay $0x1  }
0x180: {  	v2 =	vld [tilespmem:s15+$0x5060];
	_ =	sdelay $0x3  }
0x181: {  	v3 =	vpop (erf)  }
0x182: {  	[tilespmem:s15+$0xA050] =	vst v3;
	v3 =	vld [tilespmem:s15+$0xA060]  }
0x183: {  	v1 =	vld.idx.msk [tilespmem:v1+s30+$0x0], $0xffff;
	_ =	sdelay $0x1  }
0x184: {  	v2 =	vld.idx.msk [tilespmem:v2+s31+$0x0], $0xffff;
	_ =	sdelay $0x2  }
0x185: {  	v1 =	vmul.f32 v1, v3;
	_ =	sdelay $0x1  }
0x186: {  	v1 =	vadd.f32 v2, v1;
	_ =	sdelay $0x1  }
0x187: {  	v2 =	vmul.f32 $9.999999770e-03, v1;
	_ =	sdelay $0x1  }
0x188: {  	v1 =	vmax.f32 v1, v2  }
0x189: {  	v1 =	vmul.f32 $1.442695020e+00, v1;
	_ =	sdelay $0x1  }
0x18a: {  	(erf) = vpow2.f32 v1;
	_ =	sdelay $0x2  }
0x18b: {  	v1 =	vld [tilespmem:s15+$0x70];
	_ =	sdelay $0x1  }
0x18c: {  	v2 =	vld [tilespmem:s15+$0x5070];
	_ =	sdelay $0x3  }
0x18d: {  	v3 =	vpop (erf)  }
0x18e: {  	[tilespmem:s15+$0xA060] =	vst v3;
	v3 =	vld [tilespmem:s15+$0xA070]  }
0x18f: {  	v1 =	vld.idx.msk [tilespmem:v1+s30+$0x0], $0xffff;
	_ =	sdelay $0x1  }
0x190: {  	v2 =	vld.idx.msk [tilespmem:v2+s31+$0x0], $0xffff;
	_ =	sdelay $0x2  }
0x191: {  	v1 =	vmul.f32 v1, v3;
	_ =	sdelay $0x1  }
0x192: {  	v1 =	vadd.f32 v2, v1;
	_ =	sdelay $0x1  }
0x193: {  	v2 =	vmul.f32 $9.999999770e-03, v1;
	_ =	sdelay $0x1  }
0x194: {  	v1 =	vmax.f32 v1, v2  }
0x195: {  	v1 =	vmul.f32 $1.442695020e+00, v1;
	_ =	sdelay $0x1  }
0x196: {  	(erf) = vpow2.f32 v1;
	_ =	sdelay $0x8  }
0x197: {  	v1 =	vpop (erf)  }
0x198: {  	[tilespmem:s15+$0xA070] =	vst v1  }
0x199: {  	[spmem:s1] =	stream.indirect.scatter.add.f32 [tilespmem:s22], [sflag:$0x3], $0x1, s21, s0, $0xb8;
	[tilespmem:$0x1E178] =	vst v63  }
0x19a: {  	s23 =	simm.s32 $0x5200;
	s8 =	simm.s32 $0xA200  }
0x19b: {  	[spmem:s1] =	stream.indirect.scatter.add.f32 [tilespmem:s8], [sflag:$0x4], $0x1, s23, s0, $0xb8;
	[tilespmem:$0x1E178] =	vst v63  }
0x19c: {  	_ =	swait.ge [sflag:s5], $0x200  }
0x19d: {  	[sflag:s5] =	ssyncset.done $0x0  }
0x19e: {  	s24 =	simm.s32 $0xA400;
	s29 =	simm.s32 $0x5400;
	[sflag:s5] =	ssyncadd.s32 $0xFFFFFE00  }
0x19f: {  	[spmem:s1] =	stream.indirect.scatter.add.f32 [tilespmem:s24], [sflag:$0x3], $0x1, s29, s0, $0xb8;
	[tilespmem:$0x1E178] =	vst v63  }
0x1a0: {  	_ =	swait.ge [sflag:s28], $0x200  }
0x1a1: {  	s7 =	simm.s32 $0xFFFEE000;
	[sflag:s28] =	ssyncset.done $0x0  }
0x1a2: {  	s14 =	simm.s32 $0x5600;
	s8 =	simm.s32 $0xA600;
	[sflag:s28] =	ssyncadd.s32 $0xFFFFFE00  }
.LBB2_6:
0x1a3: {  	[spmem:s1] =	stream.indirect.scatter.add.f32 [tilespmem:s8], [sflag:$0x4], $0x1, s14, s0, $0xb8;
	[tilespmem:$0x1E178] =	vst v63  }
0x1a4: {  	p1 =	sne.s32 s7, $0xFFFFF000;
	s8 =	smov.u32 s7;
	s7 =	sadd.s32 $0x1000, s7  }
0x1a5: {  	s14 =	sshra.s32 s8, $0x2;
	_ =	swait.ge [sflag:s5], $0x200  }
0x1a6: {  	s8 =	sadd.s32 $0xF000, s14;
	[sflag:s5] =	ssyncset.done $0x0  }
.Ltmp2:
0x1a7: {  	s15 =	sadd.s32 $0xA000, s14;
	[sflag:s5] =	ssyncadd.s32 $0xFFFFFE00;
	(pc) =	sbr.rel @p1 .LBB2_6-.Ltmp2, $4  }
0x1a8: {  	[spmem:s1] =	stream.indirect.scatter.add.f32 [tilespmem:s8], [sflag:$0x3], $0x1, s15, s0, $0xb8;
	[tilespmem:$0x1E178] =	vst v63  }
0x1a9: {  	_ =	swait.ge [sflag:s28], $0x200  }
0x1aa: {  	[sflag:s28] =	ssyncset.done $0x0  }
0x1ab: {  	s8 =	sadd.s32 $0xF200, s14;
	s14 =	sadd.s32 $0xA200, s14;
	[sflag:s28] =	ssyncadd.s32 $0xFFFFFE00  }
0x1ac: {  	[spmem:s1] =	stream.indirect.scatter.add.f32 [tilespmem:s8], [sflag:$0x4], $0x1, s14, s0, $0xb8;
	[tilespmem:$0x1E178] =	vst v63  }
0x1ad: {  	_ =	swait.ge [sflag:s5], $0x200  }
0x1ae: {  	[sflag:s5] =	ssyncset.done $0x0  }
0x1af: {  	[sflag:s5] =	ssyncadd.s32 $0xFFFFFE00  }
0x1b0: {  	_ =	swait.ge [sflag:s28], $0x200  }
0x1b1: {  	[sflag:s28] =	ssyncset.done $0x0  }
0x1b2: {  	[sflag:s28] =	ssyncadd.s32 $0xFFFFFE00  }
0x1b3: {  	[bflag:$0x0] =	sbarrier.arrive $0xFFFF  }
0x1b4: {  	[tilespmem:s30], [sflag:$0x6] =	stream.linear.gather [spmem:s1], $0x2720, $0x38;
	[tilespmem:$0x1E178] =	vst v63  }
0x1b5: {  	_ =	swait.ge [sflag:s26], $0x2720  }
0x1b6: {  	[sflag:s26] =	ssyncset.done $0x0  }
0x1b7: {  	s7 =	simm.s32 $0x0;
	[sflag:s26] =	ssyncadd.s32 $0xFFFFD8E0  }
0x1b8: {  	v1 =	vld [tilespmem:s7+$0x5000];
	_ =	sdelay $0x7  }
0x1b9: {  	v1 =	vld.idx.msk [tilespmem:v1+s30+$0x0], $0xffff;
	_ =	sdelay $0x4  }
0x1ba: {  	v1 =	vmax.f32 v1, $1.000000020e-16  }
0x1bb: {  	(erf) = vrcp.f32 v1;
	_ =	sdelay $0x3  }
0x1bc: {  	v2 =	vld [tilespmem:s7+$0xA000]  }
0x1bd: {  	v1 =	vld [tilespmem:s7+$0x5010];
	_ =	sdelay $0x3  }
0x1be: {  	v3 =	vpop (erf)  }
0x1bf: {  	v2 =	vmul.f32 v3, v2;
	_ =	sdelay $0x1  }
0x1c0: {  	[tilespmem:s7+$0xA000] =	vst v2  }
0x1c1: {  	v1 =	vld.idx.msk [tilespmem:v1+s30+$0x0], $0xffff;
	_ =	sdelay $0x4  }
0x1c2: {  	v1 =	vmax.f32 v1, $1.000000020e-16  }
0x1c3: {  	(erf) = vrcp.f32 v1;
	_ =	sdelay $0x3  }
0x1c4: {  	v2 =	vld [tilespmem:s7+$0xA010]  }
0x1c5: {  	v1 =	vld [tilespmem:s7+$0x5020];
	_ =	sdelay $0x3  }
0x1c6: {  	v3 =	vpop (erf)  }
0x1c7: {  	v2 =	vmul.f32 v3, v2;
	_ =	sdelay $0x1  }
0x1c8: {  	[tilespmem:s7+$0xA010] =	vst v2  }
0x1c9: {  	v1 =	vld.idx.msk [tilespmem:v1+s30+$0x0], $0xffff;
	_ =	sdelay $0x4  }
0x1ca: {  	v1 =	vmax.f32 v1, $1.000000020e-16  }
0x1cb: {  	(erf) = vrcp.f32 v1;
	_ =	sdelay $0x3  }
0x1cc: {  	v2 =	vld [tilespmem:s7+$0xA020]  }
0x1cd: {  	v1 =	vld [tilespmem:s7+$0x5030];
	_ =	sdelay $0x3  }
0x1ce: {  	v3 =	vpop (erf)  }
0x1cf: {  	v2 =	vmul.f32 v3, v2;
	_ =	sdelay $0x1  }
0x1d0: {  	[tilespmem:s7+$0xA020] =	vst v2  }
0x1d1: {  	v1 =	vld.idx.msk [tilespmem:v1+s30+$0x0], $0xffff;
	_ =	sdelay $0x4  }
0x1d2: {  	v1 =	vmax.f32 v1, $1.000000020e-16  }
0x1d3: {  	(erf) = vrcp.f32 v1;
	_ =	sdelay $0x3  }
0x1d4: {  	v2 =	vld [tilespmem:s7+$0xA030]  }
0x1d5: {  	v1 =	vld [tilespmem:s7+$0x5040];
	_ =	sdelay $0x3  }
0x1d6: {  	v3 =	vpop (erf)  }
0x1d7: {  	v2 =	vmul.f32 v3, v2;
	_ =	sdelay $0x1  }
0x1d8: {  	[tilespmem:s7+$0xA030] =	vst v2  }
0x1d9: {  	v1 =	vld.idx.msk [tilespmem:v1+s30+$0x0], $0xffff;
	_ =	sdelay $0x4  }
0x1da: {  	v1 =	vmax.f32 v1, $1.000000020e-16  }
0x1db: {  	(erf) = vrcp.f32 v1;
	_ =	sdelay $0x3  }
0x1dc: {  	v2 =	vld [tilespmem:s7+$0xA040]  }
0x1dd: {  	v1 =	vld [tilespmem:s7+$0x5050];
	_ =	sdelay $0x3  }
0x1de: {  	v3 =	vpop (erf)  }
0x1df: {  	v2 =	vmul.f32 v3, v2;
	_ =	sdelay $0x1  }
0x1e0: {  	[tilespmem:s7+$0xA040] =	vst v2  }
0x1e1: {  	v1 =	vld.idx.msk [tilespmem:v1+s30+$0x0], $0xffff;
	_ =	sdelay $0x4  }
0x1e2: {  	v1 =	vmax.f32 v1, $1.000000020e-16  }
0x1e3: {  	(erf) = vrcp.f32 v1;
	_ =	sdelay $0x3  }
0x1e4: {  	v2 =	vld [tilespmem:s7+$0xA050]  }
0x1e5: {  	v1 =	vld [tilespmem:s7+$0x5060];
	_ =	sdelay $0x3  }
0x1e6: {  	v3 =	vpop (erf)  }
0x1e7: {  	v2 =	vmul.f32 v3, v2;
	_ =	sdelay $0x1  }
0x1e8: {  	[tilespmem:s7+$0xA050] =	vst v2  }
0x1e9: {  	v1 =	vld.idx.msk [tilespmem:v1+s30+$0x0], $0xffff;
	_ =	sdelay $0x4  }
0x1ea: {  	v1 =	vmax.f32 v1, $1.000000020e-16  }
0x1eb: {  	(erf) = vrcp.f32 v1;
	_ =	sdelay $0x3  }
0x1ec: {  	v2 =	vld [tilespmem:s7+$0xA060]  }
0x1ed: {  	v1 =	vld [tilespmem:s7+$0x5070];
	_ =	sdelay $0x3  }
0x1ee: {  	v3 =	vpop (erf)  }
0x1ef: {  	v2 =	vmul.f32 v3, v2;
	_ =	sdelay $0x1  }
0x1f0: {  	[tilespmem:s7+$0xA060] =	vst v2  }
0x1f1: {  	v1 =	vld.idx.msk [tilespmem:v1+s30+$0x0], $0xffff;
	_ =	sdelay $0x4  }
0x1f2: {  	v1 =	vmax.f32 v1, $1.000000020e-16  }
0x1f3: {  	(erf) = vrcp.f32 v1;
	_ =	sdelay $0x2  }
0x1f4: {  	s14 =	simm.s32 $0x80  }
0x1f5: {  	s8 =	simm.s32 $0x400;
	v1 =	vld [tilespmem:s14+$0x5000]  }
.LBB2_8:
0x1f6: {  	p1 =	sne.s32 s8, $0x13E00;
	v2 =	vld [tilespmem:s7+$0xA070];
	_ =	sdelay $0x3  }
0x1f7: {  	v3 =	vpop (erf)  }
0x1f8: {  	v2 =	vmul.f32 v3, v2;
	_ =	sdelay $0x1  }
0x1f9: {  	[tilespmem:s7+$0xA070] =	vst v2;
	s7 =	smov.u32 s14  }
0x1fa: {  	v1 =	vld.idx.msk [tilespmem:v1+s30+$0x0], $0xffff;
	_ =	sdelay $0x5  }
0x1fb: {  	v1 =	vmax.f32 v1, $1.000000020e-16  }
0x1fc: {  	(erf) = vrcp.f32 v1;
	_ =	sdelay $0x3  }
0x1fd: {  	v1 =	vld [tilespmem:s7+$0x5010]  }
0x1fe: {  	v2 =	vld [tilespmem:s7+$0xA000];
	_ =	sdelay $0x3  }
0x1ff: {  	v3 =	vpop (erf)  }
0x200: {  	v2 =	vmul.f32 v3, v2;
	_ =	sdelay $0x1  }
0x201: {  	[tilespmem:s7+$0xA000] =	vst v2  }
0x202: {  	v1 =	vld.idx.msk [tilespmem:v1+s30+$0x0], $0xffff;
	_ =	sdelay $0x5  }
0x203: {  	v1 =	vmax.f32 v1, $1.000000020e-16  }
0x204: {  	(erf) = vrcp.f32 v1;
	_ =	sdelay $0x3  }
0x205: {  	v1 =	vld [tilespmem:s7+$0x5020]  }
0x206: {  	v2 =	vld [tilespmem:s7+$0xA010];
	_ =	sdelay $0x3  }
0x207: {  	v3 =	vpop (erf)  }
0x208: {  	v2 =	vmul.f32 v3, v2;
	_ =	sdelay $0x1  }
0x209: {  	[tilespmem:s7+$0xA010] =	vst v2  }
0x20a: {  	v1 =	vld.idx.msk [tilespmem:v1+s30+$0x0], $0xffff;
	_ =	sdelay $0x5  }
0x20b: {  	v1 =	vmax.f32 v1, $1.000000020e-16  }
0x20c: {  	(erf) = vrcp.f32 v1;
	_ =	sdelay $0x3  }
0x20d: {  	v1 =	vld [tilespmem:s7+$0x5030]  }
0x20e: {  	v2 =	vld [tilespmem:s7+$0xA020];
	_ =	sdelay $0x3  }
0x20f: {  	v3 =	vpop (erf)  }
0x210: {  	v2 =	vmul.f32 v3, v2;
	_ =	sdelay $0x1  }
0x211: {  	[tilespmem:s7+$0xA020] =	vst v2  }
0x212: {  	v1 =	vld.idx.msk [tilespmem:v1+s30+$0x0], $0xffff;
	_ =	sdelay $0x5  }
0x213: {  	v1 =	vmax.f32 v1, $1.000000020e-16  }
0x214: {  	(erf) = vrcp.f32 v1;
	_ =	sdelay $0x3  }
0x215: {  	v1 =	vld [tilespmem:s7+$0x5040]  }
0x216: {  	v2 =	vld [tilespmem:s7+$0xA030];
	_ =	sdelay $0x3  }
0x217: {  	v3 =	vpop (erf)  }
0x218: {  	v2 =	vmul.f32 v3, v2;
	_ =	sdelay $0x1  }
0x219: {  	[tilespmem:s7+$0xA030] =	vst v2  }
0x21a: {  	v1 =	vld.idx.msk [tilespmem:v1+s30+$0x0], $0xffff;
	_ =	sdelay $0x5  }
0x21b: {  	v1 =	vmax.f32 v1, $1.000000020e-16  }
0x21c: {  	(erf) = vrcp.f32 v1;
	_ =	sdelay $0x3  }
0x21d: {  	v1 =	vld [tilespmem:s7+$0x5050]  }
0x21e: {  	v2 =	vld [tilespmem:s7+$0xA040];
	_ =	sdelay $0x3  }
0x21f: {  	v3 =	vpop (erf)  }
0x220: {  	v2 =	vmul.f32 v3, v2;
	_ =	sdelay $0x1  }
0x221: {  	[tilespmem:s7+$0xA040] =	vst v2  }
0x222: {  	v1 =	vld.idx.msk [tilespmem:v1+s30+$0x0], $0xffff;
	_ =	sdelay $0x5  }
0x223: {  	v1 =	vmax.f32 v1, $1.000000020e-16  }
0x224: {  	(erf) = vrcp.f32 v1;
	_ =	sdelay $0x3  }
0x225: {  	v1 =	vld [tilespmem:s7+$0x5060]  }
0x226: {  	v2 =	vld [tilespmem:s7+$0xA050];
	_ =	sdelay $0x3  }
0x227: {  	v3 =	vpop (erf)  }
0x228: {  	v2 =	vmul.f32 v3, v2;
	_ =	sdelay $0x1  }
0x229: {  	[tilespmem:s7+$0xA050] =	vst v2  }
0x22a: {  	v1 =	vld.idx.msk [tilespmem:v1+s30+$0x0], $0xffff;
	_ =	sdelay $0x5  }
0x22b: {  	v1 =	vmax.f32 v1, $1.000000020e-16  }
0x22c: {  	(erf) = vrcp.f32 v1;
	_ =	sdelay $0x3  }
0x22d: {  	v1 =	vld [tilespmem:s7+$0x5070]  }
0x22e: {  	v2 =	vld [tilespmem:s7+$0xA060];
	_ =	sdelay $0x3  }
0x22f: {  	v3 =	vpop (erf)  }
0x230: {  	v2 =	vmul.f32 v3, v2;
	_ =	sdelay $0x1  }
0x231: {  	[tilespmem:s7+$0xA060] =	vst v2  }
0x232: {  	v1 =	vld.idx.msk [tilespmem:v1+s30+$0x0], $0xffff;
	_ =	sdelay $0x5  }
0x233: {  	v1 =	vmax.f32 v1, $1.000000020e-16  }
.Ltmp3:
0x234: {  	(erf) = vrcp.f32 v1;
	(pc) =	sbr.rel @p1 .LBB2_8-.Ltmp3, $3  }
0x235: {  	_ =	sdelay $0x1  }
0x236: {  	s14 =	sshra.s32 s8, $0x2  }
0x237: {  	s8 =	sadd.s32 $0x200, s8;
	v1 =	vld [tilespmem:s14+$0x5000]  }
0x238: {  	v2 =	vld [tilespmem:s7+$0xA070];
	_ =	sdelay $0x3  }
0x239: {  	v3 =	vpop (erf)  }
0x23a: {  	v2 =	vmul.f32 v3, v2;
	_ =	sdelay $0x1  }
0x23b: {  	[tilespmem:s7+$0xA070] =	vst v2  }
0x23c: {  	v1 =	vld.idx.msk [tilespmem:v1+s30+$0x0], $0xffff;
	_ =	sdelay $0x4  }
0x23d: {  	v1 =	vmax.f32 v1, $1.000000020e-16  }
0x23e: {  	(erf) = vrcp.f32 v1;
	_ =	sdelay $0x3  }
0x23f: {  	v2 =	vld [tilespmem:s14+$0xA000]  }
0x240: {  	v1 =	vld [tilespmem:s14+$0x5010];
	_ =	sdelay $0x3  }
0x241: {  	v3 =	vpop (erf)  }
0x242: {  	v2 =	vmul.f32 v3, v2;
	_ =	sdelay $0x1  }
0x243: {  	[tilespmem:s14+$0xA000] =	vst v2  }
0x244: {  	v1 =	vld.idx.msk [tilespmem:v1+s30+$0x0], $0xffff;
	_ =	sdelay $0x4  }
0x245: {  	v1 =	vmax.f32 v1, $1.000000020e-16  }
0x246: {  	(erf) = vrcp.f32 v1;
	_ =	sdelay $0x3  }
0x247: {  	v2 =	vld [tilespmem:s14+$0xA010]  }
0x248: {  	v1 =	vld [tilespmem:s14+$0x5020];
	_ =	sdelay $0x3  }
0x249: {  	v3 =	vpop (erf)  }
0x24a: {  	v2 =	vmul.f32 v3, v2;
	_ =	sdelay $0x1  }
0x24b: {  	[tilespmem:s14+$0xA010] =	vst v2  }
0x24c: {  	v1 =	vld.idx.msk [tilespmem:v1+s30+$0x0], $0xffff;
	_ =	sdelay $0x4  }
0x24d: {  	v1 =	vmax.f32 v1, $1.000000020e-16  }
0x24e: {  	(erf) = vrcp.f32 v1;
	_ =	sdelay $0x3  }
0x24f: {  	v2 =	vld [tilespmem:s14+$0xA020]  }
0x250: {  	v1 =	vld [tilespmem:s14+$0x5030];
	_ =	sdelay $0x3  }
0x251: {  	v3 =	vpop (erf)  }
0x252: {  	v2 =	vmul.f32 v3, v2;
	_ =	sdelay $0x1  }
0x253: {  	[tilespmem:s14+$0xA020] =	vst v2  }
0x254: {  	v1 =	vld.idx.msk [tilespmem:v1+s30+$0x0], $0xffff;
	_ =	sdelay $0x4  }
0x255: {  	v1 =	vmax.f32 v1, $1.000000020e-16  }
0x256: {  	(erf) = vrcp.f32 v1;
	_ =	sdelay $0x3  }
0x257: {  	v2 =	vld [tilespmem:s14+$0xA030]  }
0x258: {  	v1 =	vld [tilespmem:s14+$0x5040];
	_ =	sdelay $0x3  }
0x259: {  	v3 =	vpop (erf)  }
0x25a: {  	v2 =	vmul.f32 v3, v2;
	_ =	sdelay $0x1  }
0x25b: {  	[tilespmem:s14+$0xA030] =	vst v2  }
0x25c: {  	v1 =	vld.idx.msk [tilespmem:v1+s30+$0x0], $0xffff;
	_ =	sdelay $0x4  }
0x25d: {  	v1 =	vmax.f32 v1, $1.000000020e-16  }
0x25e: {  	(erf) = vrcp.f32 v1;
	_ =	sdelay $0x3  }
0x25f: {  	v2 =	vld [tilespmem:s14+$0xA040]  }
0x260: {  	v1 =	vld [tilespmem:s14+$0x5050];
	_ =	sdelay $0x3  }
0x261: {  	v3 =	vpop (erf)  }
0x262: {  	v2 =	vmul.f32 v3, v2;
	_ =	sdelay $0x1  }
0x263: {  	[tilespmem:s14+$0xA040] =	vst v2  }
0x264: {  	v1 =	vld.idx.msk [tilespmem:v1+s30+$0x0], $0xffff;
	_ =	sdelay $0x4  }
0x265: {  	v1 =	vmax.f32 v1, $1.000000020e-16  }
0x266: {  	(erf) = vrcp.f32 v1;
	_ =	sdelay $0x3  }
0x267: {  	v2 =	vld [tilespmem:s14+$0xA050]  }
0x268: {  	v1 =	vld [tilespmem:s14+$0x5060];
	_ =	sdelay $0x3  }
0x269: {  	v3 =	vpop (erf)  }
0x26a: {  	v2 =	vmul.f32 v3, v2;
	_ =	sdelay $0x1  }
0x26b: {  	[tilespmem:s14+$0xA050] =	vst v2  }
0x26c: {  	v1 =	vld.idx.msk [tilespmem:v1+s30+$0x0], $0xffff;
	_ =	sdelay $0x4  }
0x26d: {  	v1 =	vmax.f32 v1, $1.000000020e-16  }
0x26e: {  	(erf) = vrcp.f32 v1;
	_ =	sdelay $0x3  }
0x26f: {  	v2 =	vld [tilespmem:s14+$0xA060]  }
0x270: {  	v1 =	vld [tilespmem:s14+$0x5070];
	_ =	sdelay $0x3  }
0x271: {  	v3 =	vpop (erf)  }
0x272: {  	v2 =	vmul.f32 v3, v2;
	_ =	sdelay $0x1  }
0x273: {  	[tilespmem:s14+$0xA060] =	vst v2  }
0x274: {  	v1 =	vld.idx.msk [tilespmem:v1+s30+$0x0], $0xffff;
	_ =	sdelay $0x4  }
0x275: {  	v1 =	vmax.f32 v1, $1.000000020e-16  }
0x276: {  	(erf) = vrcp.f32 v1;
	_ =	sdelay $0x4  }
0x277: {  	v1 =	vld [tilespmem:s14+$0xA070];
	_ =	sdelay $0x3  }
0x278: {  	v2 =	vpop (erf)  }
0x279: {  	v1 =	vmul.f32 v2, v1;
	_ =	sdelay $0x1  }
0x27a: {  	[tilespmem:s14+$0xA070] =	vst v1  }
0x27b: {  	p2 =	por $0x1, $0x1;
	s7 =	simm.s32 $0x0;
	[bflag:$0x0] =	sbarrier.arrive $0xFFFF  }
.LBB2_10:
0x27c: {  	s8 =	simm.s32 $0x180C0  }
0x27d: {  	[spmem:s16] =	stream.linear.scatter [tilespmem:s8], [sflag:$0x6], $0x1000, $0x38;
	[tilespmem:$0x1E178] =	vst v63  }
0x27e: {  	_ =	swait.ge [sflag:s26], $0x1000  }
0x27f: {  	[sflag:s26] =	ssyncset.done $0x0  }
0x280: {  	[sflag:s26] =	ssyncadd.s32 $0xFFFFF000  }
0x281: {  	[spmem:s17] =	stream.linear.scatter [tilespmem:s8], [sflag:$0x6], $0x1000, $0x38;
	[tilespmem:$0x1E178] =	vst v63  }
0x282: {  	_ =	swait.ge [sflag:s26], $0x1000  }
0x283: {  	[sflag:s26] =	ssyncset.done $0x0  }
0x284: {  	[sflag:s26] =	ssyncadd.s32 $0xFFFFF000  }
0x285: {  	[spmem:s18] =	stream.linear.scatter [tilespmem:s8], [sflag:$0x6], $0x1000, $0x38;
	[tilespmem:$0x1E178] =	vst v63  }
0x286: {  	_ =	swait.ge [sflag:s26], $0x1000  }
0x287: {  	[sflag:s26] =	ssyncset.done $0x0  }
0x288: {  	[sflag:s26] =	ssyncadd.s32 $0xFFFFF000  }
0x289: {  	[spmem:s19] =	stream.linear.scatter [tilespmem:s8], [sflag:$0x6], $0x1000, $0x38;
	[tilespmem:$0x1E178] =	vst v63  }
0x28a: {  	_ =	swait.ge [sflag:s26], $0x1000  }
0x28b: {  	[sflag:s26] =	ssyncset.done $0x0  }
0x28c: {  	[sflag:s26] =	ssyncadd.s32 $0xFFFFF000  }
0x28d: {  	[spmem:s20] =	stream.linear.scatter [tilespmem:s8], [sflag:$0x6], $0xE40, $0x38;
	[tilespmem:$0x1E178] =	vst v63  }
0x28e: {  	_ =	swait.ge [sflag:s26], $0xE40  }
0x28f: {  	s14 =	simm.s32 $0x0;
	s24 =	rddreg [dreg:$0x14];
	[sflag:s26] =	ssyncset.done $0x0  }
0x290: {  	p1 =	por p2, p2;
	s7 =	sor.u32 s24, s7;
	[sflag:s26] =	ssyncadd.s32 $0xFFFFF1C0  }
0x291: {  	s21 =	simm.s32 $0xA100;
	s7 =	smul.u32 $0x9C80, s7;
	[bflag:$0x0] =	sbarrier.arrive $0xFFFF  }
0x292: {  	s22 =	simm.s32 $0xA180;
	s23 =	simm.s32 $0x0;
	s29 =	rddreg [dreg:$0x8]  }
0x293: {  	s19 =	simm.s32 $0xA000;
	s20 =	simm.s32 $0xA080;
	s8 =	sadd.s32 s29, s7  }
0x294: {  	[tilespmem:s9], [sflag:$0x1] =	stream.indirect.gather [hbm4b:s8+s6], $0x20, s14, s6, $0xb8;
	[tilespmem:$0x1E178] =	vst v63  }
.LBB2_11:
0x295: {  	s24 =	sshll.u32 s23, $0x9  }
0x296: {  	s14 =	sor.u32 $0x100, s24  }
0x297: {  	[tilespmem:s10], [sflag:$0x2] =	stream.indirect.gather [hbm4b:s8+s6], $0x20, s14, s6, $0xb8;
	[tilespmem:$0x1E178] =	vst v63  }
0x298: {  	_ =	swait.ge [sflag:s12], $0x2000  }
0x299: {  	[sflag:s12] =	ssyncset.done $0x0  }
0x29a: {  	s16 =	simm.s32 $0x141C0;
	[sflag:s12] =	ssyncadd.s32 $0xFFFFE000  }
0x29b: {  	v7 =	vld [tilespmem:s16+$0xFFFFFFA0]  }
0x29c: {  	v4 =	vld [tilespmem:s16+$0xFFFFFFF0]  }
0x29d: {  	v1 =	vld [tilespmem:s16+$0xFFFFFF60]  }
0x29e: {  	v5 =	vmov s19;
	v8 =	vld [tilespmem:s16+$0xFFFFFFD0]  }
0x29f: {  	v9 =	vld [tilespmem:s16+$0x80]  }
0x2a0: {  	v12 =	vld [tilespmem:s16+$0xFFFFFF10]  }
0x2a1: {  	v16 =	vld [tilespmem:s16+$0xE0]  }
0x2a2: {  	s15 =	simm.s32 $0x0;
	v11 =	vld [tilespmem:s16+$0xFFFFFF40]  }
0x2a3: {  	v2 =	vld.idx.msk [tilespmem:v5+s15+$0x0 ss:$0x1], $0xffff  }
0x2a4: {  	v3 =	vld [tilespmem:s16+$0xFFFFFF90]  }
0x2a5: {  	v10 =	vld [tilespmem:s16+$0xFFFFFFC0]  }
0x2a6: {  	v13 =	vld [tilespmem:s16+$0xFFFFFF00]  }
0x2a7: {  	v14 =	vld [tilespmem:s16+$0xD0]  }
0x2a8: {  	v23 =	vld [tilespmem:s16+$0xC0]  }
0x2a9: {  	v21 =	vld [tilespmem:s16+$0x90];
	v19 =	vbroadcast v2, $0x0;
	v6 =	vbroadcast v2, $0xF  }
0x2aa: {  	v22 =	vld [tilespmem:s16+$0xFFFFFF50];
	v20 =	vbroadcast v2, $0x2;
	v18 =	vbroadcast v2, $0xE  }
0x2ab: {  	v17 =	vld [tilespmem:s16+$0xB0];
	v15 =	vbroadcast v2, $0xC;
	v25 =	vmul.f32 v19, v13  }
0x2ac: {  	s17 =	simm.s32 $0x40;
	s18 =	simm.s32 $0x141C0;
	s15 =	sshll.u32 s23, $0xB;
	v13 =	vbroadcast v2, $0xD;
	v24 =	vmul.f32 v11, v20;
	v11 =	vld [tilespmem:s16+$0x60]  }
.LBB2_12:
0x2ad: {  	p2 =	sne.s32 s17, $0x1C0  }
0x2ae: {  	[tilespmem:s16+$0xFFFFFF00] =	vst v25;
	v25 =	vld [tilespmem:s16+$0xFFFFFFB0];
	v23 =	vmul.f32 v23, v18;
	v16 =	vmul.f32 v16, v6;
	s18 =	sadd.s32 $0x200, s18;
	s29 =	smov.u32 s17;
	s17 =	sadd.s32 $0x40, s17  }
0x2af: {  	[tilespmem:s16+$0xFFFFFF40] =	vst v24;
	v24 =	vbroadcast v2, $0xA;
	v21 =	vmul.f32 v21, v15;
	v26 =	vld [tilespmem:s16+$0xA0]  }
0x2b0: {  	v12 =	vmul.f32 v12, v19;
	v19 =	vmul.f32 v22, v20;
	v20 =	vld [tilespmem:s16+$0x70];
	[tilespmem:s16+$0xE0] =	vst v16  }
0x2b1: {  	v16 =	vbroadcast v2, $0x5;
	v22 =	vld [tilespmem:s16+$0xFFFFFFE0];
	v17 =	vmul.f32 v17, v13;
	[tilespmem:s16+$0xC0] =	vst v23  }
0x2b2: {  	v14 =	vmul.f32 v14, v18;
	[tilespmem:s16+$0xFFFFFF10] =	vst v12;
	v12 =	vbroadcast v2, $0x6;
	v23 =	vld [tilespmem:s16+$0x40]  }
0x2b3: {  	v27 =	vbroadcast v2, $0xB;
	v7 =	vmul.f32 v7, v16;
	v18 =	vld [tilespmem:s16+$0xFFFFFF20];
	[tilespmem:s16+$0x90] =	vst v21  }
0x2b4: {  	v21 =	vbroadcast v2, $0x9;
	[tilespmem:s16+$0xFFFFFF50] =	vst v19;
	v19 =	vld [tilespmem:s16+$0x20];
	v13 =	vmul.f32 v26, v13  }
0x2b5: {  	v16 =	vmul.f32 v25, v16;
	v25 =	vld [tilespmem:s16+$0x50];
	v20 =	vmul.f32 v20, v27;
	[tilespmem:s16+$0xD0] =	vst v14  }
0x2b6: {  	v9 =	vmul.f32 v9, v15;
	v14 =	vbroadcast v2, $0x7;
	v26 =	vld [tilespmem:s16+$0x30];
	[tilespmem:s16+$0xA0] =	vst v13  }
0x2b7: {  	v10 =	vmul.f32 v10, v12;
	v13 =	vbroadcast v2, $0x3;
	v15 =	vld [tilespmem:s16+$0x0];
	[tilespmem:s16+$0x70] =	vst v20  }
0x2b8: {  	v11 =	vmul.f32 v11, v27;
	v8 =	vmul.f32 v8, v12;
	v12 =	vld [tilespmem:s16+$0x10];
	[tilespmem:s16+$0x80] =	vst v9  }
0x2b9: {  	v20 =	vbroadcast v2, $0x8;
	v23 =	vmul.f32 v23, v24;
	v9 =	vld [tilespmem:s16+$0xFFFFFF30];
	[tilespmem:s16+$0xB0] =	vst v17  }
0x2ba: {  	v17 =	vbroadcast v2, $0x1;
	v27 =	vld [tilespmem:s16+$0xFFFFFF70];
	[tilespmem:s16+$0xFFFFFFD0] =	vst v8;
	v24 =	vmul.f32 v25, v24  }
0x2bb: {  	v4 =	vmul.f32 v4, v14;
	v8 =	vmul.f32 v22, v14;
	[tilespmem:s16+$0xFFFFFFC0] =	vst v10;
	v10 =	vld [tilespmem:s16+$0xF0]  }
0x2bc: {  	v22 =	vmul.f32 v26, v21;
	v14 =	vld [tilespmem:s16+$0xFFFFFF80];
	[tilespmem:s16+$0xFFFFFFA0] =	vst v7;
	v15 =	vmul.f32 v15, v20  }
0x2bd: {  	v7 =	vld [tilespmem:s18+$0xFFFFFFA0];
	[tilespmem:s16+$0xFFFFFFF0] =	vst v4;
	v20 =	vmul.f32 v12, v20;
	v12 =	vmul.f32 v19, v21  }
0x2be: {  	v4 =	vmul.f32 v18, v17;
	v17 =	vmul.f32 v9, v17;
	[tilespmem:s16+$0x60] =	vst v11  }
0x2bf: {  	v1 =	vmul.f32 v1, v13;
	v9 =	vmul.f32 v27, v13;
	[tilespmem:s16+$0xFFFFFFB0] =	vst v16  }
0x2c0: {  	v2 =	vbroadcast v2, $0x4;
	[tilespmem:s16+$0xFFFFFF20] =	vst v4;
	v4 =	vmul.f32 v10, v6  }
0x2c1: {  	[tilespmem:s16+$0xFFFFFF60] =	vst v1  }
0x2c2: {  	v6 =	vmul.f32 v14, v2;
	v1 =	vmul.f32 v3, v2;
	[tilespmem:s16+$0x40] =	vst v23  }
0x2c3: {  	[tilespmem:s16+$0xFFFFFFE0] =	vst v8  }
0x2c4: {  	[tilespmem:s16+$0xF0] =	vst v4  }
0x2c5: {  	[tilespmem:s16+$0xFFFFFF90] =	vst v1  }
0x2c6: {  	[tilespmem:s16+$0xFFFFFF70] =	vst v9  }
0x2c7: {  	v4 =	vld [tilespmem:s18+$0xFFFFFFF0];
	[tilespmem:s16+$0x20] =	vst v12  }
0x2c8: {  	v1 =	vld [tilespmem:s18+$0xFFFFFF60];
	[tilespmem:s16+$0x30] =	vst v22  }
0x2c9: {  	v8 =	vld [tilespmem:s18+$0xFFFFFFD0];
	[tilespmem:s16+$0xFFFFFF80] =	vst v6  }
0x2ca: {  	v9 =	vld [tilespmem:s18+$0x80];
	[tilespmem:s16+$0x50] =	vst v24  }
0x2cb: {  	v12 =	vld [tilespmem:s18+$0xFFFFFF10];
	[tilespmem:s16+$0x0] =	vst v15  }
0x2cc: {  	v16 =	vld [tilespmem:s18+$0xE0];
	[tilespmem:s16+$0xFFFFFF30] =	vst v17  }
0x2cd: {  	s29 =	sshra.s32 s29, $0x2;
	v11 =	vld [tilespmem:s18+$0xFFFFFF40];
	[tilespmem:s16+$0x10] =	vst v20;
	s16 =	smov.u32 s18  }
0x2ce: {  	v2 =	vld.idx.msk [tilespmem:v5+s29+$0x0 ss:$0x1], $0xffff  }
0x2cf: {  	v3 =	vld [tilespmem:s18+$0xFFFFFF90]  }
0x2d0: {  	v10 =	vld [tilespmem:s18+$0xFFFFFFC0]  }
0x2d1: {  	v13 =	vld [tilespmem:s18+$0xFFFFFF00]  }
0x2d2: {  	v14 =	vld [tilespmem:s18+$0xD0]  }
.Ltmp4:
0x2d3: {  	v23 =	vld [tilespmem:s18+$0xC0];
	(pc) =	sbr.rel @p2 .LBB2_12-.Ltmp4, $4  }
0x2d4: {  	v19 =	vbroadcast v2, $0x0;
	v6 =	vbroadcast v2, $0xF;
	v21 =	vld [tilespmem:s18+$0x90]  }
0x2d5: {  	v20 =	vbroadcast v2, $0x2;
	v18 =	vbroadcast v2, $0xE;
	v22 =	vld [tilespmem:s18+$0xFFFFFF50]  }
0x2d6: {  	v25 =	vmul.f32 v19, v13;
	v13 =	vbroadcast v2, $0xD;
	v17 =	vld [tilespmem:s18+$0xB0]  }
0x2d7: {  	v15 =	vbroadcast v2, $0xC;
	v24 =	vmul.f32 v11, v20;
	v11 =	vld [tilespmem:s18+$0x60]  }
0x2d8: {  	[tilespmem:s16+$0xFFFFFF00] =	vst v25;
	v5 =	vmul.f32 v16, v6  }
0x2d9: {  	v16 =	vmul.f32 v23, v18;
	[tilespmem:s16+$0xFFFFFF40] =	vst v24  }
0x2da: {  	v12 =	vmul.f32 v12, v19;
	[tilespmem:s16+$0xE0] =	vst v5  }
0x2db: {  	v23 =	vld [tilespmem:s16+$0xA0];
	v9 =	vmul.f32 v9, v15;
	[tilespmem:s16+$0xC0] =	vst v16  }
0x2dc: {  	v19 =	vld [tilespmem:s16+$0x70];
	v5 =	vmul.f32 v21, v15;
	v20 =	vmul.f32 v22, v20;
	[tilespmem:s16+$0xFFFFFF10] =	vst v12  }
0x2dd: {  	v12 =	vmul.f32 v14, v18;
	v18 =	vbroadcast v2, $0xB;
	[tilespmem:s16+$0x80] =	vst v9  }
0x2de: {  	[tilespmem:s16+$0x90] =	vst v5  }
0x2df: {  	[tilespmem:s16+$0xFFFFFF50] =	vst v20;
	v11 =	vmul.f32 v11, v18  }
0x2e0: {  	[tilespmem:s16+$0xD0] =	vst v12;
	v20 =	vmul.f32 v23, v13  }
0x2e1: {  	v9 =	vbroadcast v2, $0x7;
	v19 =	vmul.f32 v19, v18;
	[tilespmem:s16+$0x60] =	vst v11  }
0x2e2: {  	v14 =	vld [tilespmem:s16+$0xFFFFFF20];
	v12 =	vbroadcast v2, $0x6;
	v13 =	vmul.f32 v17, v13;
	[tilespmem:s16+$0xA0] =	vst v20  }
0x2e3: {  	v16 =	vld [tilespmem:s16+$0xFFFFFFB0];
	v4 =	vmul.f32 v4, v9;
	[tilespmem:s16+$0x70] =	vst v19  }
0x2e4: {  	v5 =	vld [tilespmem:s16+$0xFFFFFFE0];
	v17 =	vbroadcast v2, $0x5;
	v8 =	vmul.f32 v8, v12;
	[tilespmem:s16+$0xB0] =	vst v13  }
0x2e5: {  	v18 =	vbroadcast v2, $0x1;
	v10 =	vmul.f32 v10, v12;
	[tilespmem:s16+$0xFFFFFFF0] =	vst v4  }
0x2e6: {  	v21 =	vld [tilespmem:s16+$0x40];
	v7 =	vmul.f32 v7, v17;
	[tilespmem:s16+$0xFFFFFFD0] =	vst v8  }
0x2e7: {  	v14 =	vmul.f32 v14, v18;
	[tilespmem:s16+$0xFFFFFFC0] =	vst v10  }
0x2e8: {  	v13 =	vld [tilespmem:s16+$0xFFFFFF70];
	[tilespmem:s16+$0xFFFFFFA0] =	vst v7;
	v7 =	vmul.f32 v16, v17;
	v16 =	vbroadcast v2, $0x3  }
0x2e9: {  	v4 =	vbroadcast v2, $0xA;
	v17 =	vld [tilespmem:s16+$0xF0];
	[tilespmem:s16+$0xFFFFFF20] =	vst v14;
	v5 =	vmul.f32 v5, v9  }
0x2ea: {  	v8 =	vld [tilespmem:s16+$0xFFFFFF80];
	v9 =	vbroadcast v2, $0x4;
	v1 =	vmul.f32 v1, v16;
	[tilespmem:s16+$0xFFFFFFB0] =	vst v7  }
0x2eb: {  	v15 =	vld [tilespmem:s16+$0x20];
	v7 =	vmul.f32 v21, v4;
	[tilespmem:s16+$0xFFFFFFE0] =	vst v5  }
0x2ec: {  	v19 =	vld [tilespmem:s16+$0x30];
	v3 =	vmul.f32 v3, v9;
	[tilespmem:s16+$0xFFFFFF60] =	vst v1  }
0x2ed: {  	v22 =	vld [tilespmem:s16+$0x50];
	v5 =	vmul.f32 v13, v16;
	[tilespmem:s16+$0x40] =	vst v7  }
0x2ee: {  	v12 =	vld [tilespmem:s16+$0x0];
	[tilespmem:s16+$0xFFFFFF90] =	vst v3;
	v1 =	vmul.f32 v17, v6;
	v6 =	vbroadcast v2, $0x9  }
0x2ef: {  	v11 =	vld [tilespmem:s16+$0xFFFFFF30];
	[tilespmem:s16+$0xFFFFFF70] =	vst v5;
	v5 =	vmul.f32 v8, v9  }
0x2f0: {  	v10 =	vld [tilespmem:s16+$0x10];
	[tilespmem:s16+$0xF0] =	vst v1;
	v1 =	vmul.f32 v15, v6  }
0x2f1: {  	v2 =	vbroadcast v2, $0x8;
	v3 =	vmul.f32 v19, v6;
	[tilespmem:s16+$0xFFFFFF80] =	vst v5  }
0x2f2: {  	[tilespmem:s16+$0x20] =	vst v1;
	v1 =	vmul.f32 v22, v4  }
0x2f3: {  	[tilespmem:s16+$0x30] =	vst v3;
	v3 =	vmul.f32 v12, v2  }
0x2f4: {  	v4 =	vmul.f32 v11, v18;
	[tilespmem:s16+$0x50] =	vst v1  }
0x2f5: {  	v1 =	vmul.f32 v10, v2;
	[tilespmem:s16+$0x0] =	vst v3  }
0x2f6: {  	[tilespmem:s16+$0xFFFFFF30] =	vst v4  }
0x2f7: {  	s29 =	sadd.s32 $0x5000, s24;
	[tilespmem:s16+$0x10] =	vst v1;
	s16 =	simm.s32 $0x152B0  }
0x2f8: {  	[spmem:s2] =	stream.indirect.scatter.add.f32 [tilespmem:s9], [sflag:$0x5], $0x20, s29, s13, $0xb8;
	[tilespmem:$0x1E178] =	vst v63  }
0x2f9: {  	v7 =	vld [tilespmem:s16+$0xFFFFFEB0]  }
0x2fa: {  	v12 =	vld [tilespmem:s16+$0xFFFFFFF0]  }
0x2fb: {  	v1 =	vld [tilespmem:s16+$0xFFFFFE70]  }
0x2fc: {  	v5 =	vld [tilespmem:s16+$0xFFFFFF00]  }
0x2fd: {  	v4 =	vmov s20;
	v8 =	vld [tilespmem:s16+$0xFFFFFEE0]  }
0x2fe: {  	v9 =	vld [tilespmem:s16+$0xFFFFFF90]  }
0x2ff: {  	v13 =	vld [tilespmem:s16+$0xFFFFFE20]  }
0x300: {  	v11 =	vld [tilespmem:s16+$0xFFFFFE50]  }
0x301: {  	s17 =	simm.s32 $0x0;
	v3 =	vld [tilespmem:s16+$0xFFFFFEA0]  }
0x302: {  	v2 =	vld.idx.msk [tilespmem:v4+s17+$0x0 ss:$0x1], $0xffff  }
0x303: {  	v10 =	vld [tilespmem:s16+$0xFFFFFED0]  }
0x304: {  	v14 =	vld [tilespmem:s16+$0xFFFFFE10]  }
0x305: {  	v15 =	vld [tilespmem:s16+$0xFFFFFFE0]  }
0x306: {  	v23 =	vld [tilespmem:s16+$0xFFFFFFD0]  }
0x307: {  	v21 =	vld [tilespmem:s16+$0xFFFFFFA0];
	v19 =	vbroadcast v2, $0x0;
	v6 =	vbroadcast v2, $0xF  }
0x308: {  	v22 =	vld [tilespmem:s16+$0xFFFFFE60];
	v20 =	vbroadcast v2, $0x2;
	v18 =	vbroadcast v2, $0xE  }
0x309: {  	v17 =	vld [tilespmem:s16+$0xFFFFFFC0];
	v16 =	vbroadcast v2, $0xC;
	v25 =	vmul.f32 v19, v14  }
0x30a: {  	s18 =	simm.s32 $0x152B0;
	s17 =	simm.s32 $0x40;
	v14 =	vbroadcast v2, $0xD;
	v24 =	vmul.f32 v11, v20;
	v11 =	vld [tilespmem:s16+$0xFFFFFF70]  }
.LBB2_14:
0x30b: {  	p2 =	sne.s32 s17, $0x1C0  }
0x30c: {  	[tilespmem:s16+$0xFFFFFE10] =	vst v25;
	v25 =	vld [tilespmem:s16+$0xFFFFFEC0];
	v23 =	vmul.f32 v23, v18;
	v12 =	vmul.f32 v12, v6;
	s18 =	sadd.s32 $0x200, s18;
	s29 =	smov.u32 s17;
	s17 =	sadd.s32 $0x40, s17  }
0x30d: {  	[tilespmem:s16+$0xFFFFFE50] =	vst v24;
	v24 =	vbroadcast v2, $0xA;
	v21 =	vmul.f32 v21, v16;
	v26 =	vld [tilespmem:s16+$0xFFFFFFB0]  }
0x30e: {  	v13 =	vmul.f32 v13, v19;
	v19 =	vmul.f32 v22, v20;
	v20 =	vld [tilespmem:s16+$0xFFFFFF80];
	[tilespmem:s16+$0xFFFFFFF0] =	vst v12  }
0x30f: {  	v12 =	vbroadcast v2, $0x5;
	v22 =	vld [tilespmem:s16+$0xFFFFFEF0];
	v17 =	vmul.f32 v17, v14;
	[tilespmem:s16+$0xFFFFFFD0] =	vst v23  }
0x310: {  	v15 =	vmul.f32 v15, v18;
	[tilespmem:s16+$0xFFFFFE20] =	vst v13;
	v13 =	vbroadcast v2, $0x6;
	v23 =	vld [tilespmem:s16+$0xFFFFFF50]  }
0x311: {  	v27 =	vbroadcast v2, $0xB;
	v7 =	vmul.f32 v7, v12;
	v18 =	vld [tilespmem:s16+$0xFFFFFE30];
	[tilespmem:s16+$0xFFFFFFA0] =	vst v21  }
0x312: {  	v21 =	vbroadcast v2, $0x9;
	[tilespmem:s16+$0xFFFFFE60] =	vst v19;
	v19 =	vld [tilespmem:s16+$0xFFFFFF30];
	v14 =	vmul.f32 v26, v14  }
0x313: {  	v12 =	vmul.f32 v25, v12;
	v25 =	vld [tilespmem:s16+$0xFFFFFF60];
	v20 =	vmul.f32 v20, v27;
	[tilespmem:s16+$0xFFFFFFE0] =	vst v15  }
0x314: {  	v9 =	vmul.f32 v9, v16;
	v15 =	vbroadcast v2, $0x7;
	v26 =	vld [tilespmem:s16+$0xFFFFFF40];
	[tilespmem:s16+$0xFFFFFFB0] =	vst v14  }
0x315: {  	v10 =	vmul.f32 v10, v13;
	v14 =	vbroadcast v2, $0x3;
	v16 =	vld [tilespmem:s16+$0xFFFFFF10];
	[tilespmem:s16+$0xFFFFFF80] =	vst v20  }
0x316: {  	v11 =	vmul.f32 v11, v27;
	v8 =	vmul.f32 v8, v13;
	v13 =	vld [tilespmem:s16+$0xFFFFFF20];
	[tilespmem:s16+$0xFFFFFF90] =	vst v9  }
0x317: {  	v20 =	vbroadcast v2, $0x8;
	v23 =	vmul.f32 v23, v24;
	v9 =	vld [tilespmem:s16+$0xFFFFFE40];
	[tilespmem:s16+$0xFFFFFFC0] =	vst v17  }
0x318: {  	v17 =	vbroadcast v2, $0x1;
	v27 =	vld [tilespmem:s16+$0xFFFFFE80];
	[tilespmem:s16+$0xFFFFFEE0] =	vst v8;
	v24 =	vmul.f32 v25, v24  }
0x319: {  	v5 =	vmul.f32 v5, v15;
	v8 =	vmul.f32 v22, v15;
	[tilespmem:s16+$0xFFFFFED0] =	vst v10;
	v10 =	vld [tilespmem:s16+$0x0]  }
0x31a: {  	v22 =	vmul.f32 v26, v21;
	v15 =	vld [tilespmem:s16+$0xFFFFFE90];
	[tilespmem:s16+$0xFFFFFEB0] =	vst v7;
	v16 =	vmul.f32 v16, v20  }
0x31b: {  	v7 =	vld [tilespmem:s18+$0xFFFFFEB0];
	[tilespmem:s16+$0xFFFFFF00] =	vst v5;
	v20 =	vmul.f32 v13, v20;
	v5 =	vmul.f32 v19, v21  }
0x31c: {  	v13 =	vmul.f32 v18, v17;
	v17 =	vmul.f32 v9, v17;
	[tilespmem:s16+$0xFFFFFF70] =	vst v11  }
0x31d: {  	v1 =	vmul.f32 v1, v14;
	v9 =	vmul.f32 v27, v14;
	[tilespmem:s16+$0xFFFFFEC0] =	vst v12  }
0x31e: {  	v2 =	vbroadcast v2, $0x4;
	[tilespmem:s16+$0xFFFFFE30] =	vst v13;
	v6 =	vmul.f32 v10, v6  }
0x31f: {  	[tilespmem:s16+$0xFFFFFE70] =	vst v1  }
0x320: {  	v10 =	vmul.f32 v15, v2;
	v1 =	vmul.f32 v3, v2;
	[tilespmem:s16+$0xFFFFFF50] =	vst v23  }
0x321: {  	[tilespmem:s16+$0xFFFFFEF0] =	vst v8  }
0x322: {  	[tilespmem:s16+$0x0] =	vst v6  }
0x323: {  	[tilespmem:s16+$0xFFFFFEA0] =	vst v1  }
0x324: {  	[tilespmem:s16+$0xFFFFFE80] =	vst v9  }
0x325: {  	v12 =	vld [tilespmem:s18+$0xFFFFFFF0];
	[tilespmem:s16+$0xFFFFFF30] =	vst v5  }
0x326: {  	v1 =	vld [tilespmem:s18+$0xFFFFFE70];
	[tilespmem:s16+$0xFFFFFF40] =	vst v22  }
0x327: {  	v5 =	vld [tilespmem:s18+$0xFFFFFF00];
	[tilespmem:s16+$0xFFFFFE90] =	vst v10  }
0x328: {  	v8 =	vld [tilespmem:s18+$0xFFFFFEE0];
	[tilespmem:s16+$0xFFFFFF60] =	vst v24  }
0x329: {  	v9 =	vld [tilespmem:s18+$0xFFFFFF90];
	[tilespmem:s16+$0xFFFFFF10] =	vst v16  }
0x32a: {  	v13 =	vld [tilespmem:s18+$0xFFFFFE20];
	[tilespmem:s16+$0xFFFFFE40] =	vst v17  }
0x32b: {  	s29 =	sshra.s32 s29, $0x2;
	v11 =	vld [tilespmem:s18+$0xFFFFFE50];
	[tilespmem:s16+$0xFFFFFF20] =	vst v20;
	s16 =	smov.u32 s18  }
0x32c: {  	v2 =	vld.idx.msk [tilespmem:v4+s29+$0x0 ss:$0x1], $0xffff  }
0x32d: {  	v3 =	vld [tilespmem:s18+$0xFFFFFEA0]  }
0x32e: {  	v10 =	vld [tilespmem:s18+$0xFFFFFED0]  }
0x32f: {  	v14 =	vld [tilespmem:s18+$0xFFFFFE10]  }
0x330: {  	v15 =	vld [tilespmem:s18+$0xFFFFFFE0]  }
.Ltmp5:
0x331: {  	v23 =	vld [tilespmem:s18+$0xFFFFFFD0];
	(pc) =	sbr.rel @p2 .LBB2_14-.Ltmp5, $4  }
0x332: {  	v19 =	vbroadcast v2, $0x0;
	v6 =	vbroadcast v2, $0xF;
	v21 =	vld [tilespmem:s18+$0xFFFFFFA0]  }
0x333: {  	v20 =	vbroadcast v2, $0x2;
	v18 =	vbroadcast v2, $0xE;
	v22 =	vld [tilespmem:s18+$0xFFFFFE60]  }
0x334: {  	v25 =	vmul.f32 v19, v14;
	v14 =	vbroadcast v2, $0xD;
	v17 =	vld [tilespmem:s18+$0xFFFFFFC0]  }
0x335: {  	v16 =	vbroadcast v2, $0xC;
	v24 =	vmul.f32 v11, v20;
	v11 =	vld [tilespmem:s18+$0xFFFFFF70]  }
0x336: {  	[tilespmem:s16+$0xFFFFFE10] =	vst v25;
	v4 =	vmul.f32 v12, v6  }
0x337: {  	v12 =	vmul.f32 v23, v18;
	[tilespmem:s16+$0xFFFFFE50] =	vst v24  }
0x338: {  	v13 =	vmul.f32 v13, v19;
	[tilespmem:s16+$0xFFFFFFF0] =	vst v4  }
0x339: {  	v23 =	vld [tilespmem:s16+$0xFFFFFFB0];
	v9 =	vmul.f32 v9, v16;
	[tilespmem:s16+$0xFFFFFFD0] =	vst v12  }
0x33a: {  	v19 =	vld [tilespmem:s16+$0xFFFFFF80];
	v4 =	vmul.f32 v21, v16;
	v20 =	vmul.f32 v22, v20;
	[tilespmem:s16+$0xFFFFFE20] =	vst v13  }
0x33b: {  	v13 =	vmul.f32 v15, v18;
	v18 =	vbroadcast v2, $0xB;
	[tilespmem:s16+$0xFFFFFF90] =	vst v9  }
0x33c: {  	[tilespmem:s16+$0xFFFFFFA0] =	vst v4  }
0x33d: {  	[tilespmem:s16+$0xFFFFFE60] =	vst v20;
	v11 =	vmul.f32 v11, v18  }
0x33e: {  	[tilespmem:s16+$0xFFFFFFE0] =	vst v13;
	v20 =	vmul.f32 v23, v14  }
0x33f: {  	v9 =	vbroadcast v2, $0x7;
	v19 =	vmul.f32 v19, v18;
	[tilespmem:s16+$0xFFFFFF70] =	vst v11  }
0x340: {  	v15 =	vld [tilespmem:s16+$0xFFFFFE30];
	v13 =	vbroadcast v2, $0x6;
	v14 =	vmul.f32 v17, v14;
	[tilespmem:s16+$0xFFFFFFB0] =	vst v20  }
0x341: {  	v12 =	vld [tilespmem:s16+$0xFFFFFEC0];
	v5 =	vmul.f32 v5, v9;
	[tilespmem:s16+$0xFFFFFF80] =	vst v19  }
0x342: {  	v4 =	vld [tilespmem:s16+$0xFFFFFEF0];
	v17 =	vbroadcast v2, $0x5;
	v8 =	vmul.f32 v8, v13;
	[tilespmem:s16+$0xFFFFFFC0] =	vst v14  }
0x343: {  	v18 =	vbroadcast v2, $0x1;
	v10 =	vmul.f32 v10, v13;
	[tilespmem:s16+$0xFFFFFF00] =	vst v5  }
0x344: {  	v21 =	vld [tilespmem:s16+$0xFFFFFF50];
	v7 =	vmul.f32 v7, v17;
	[tilespmem:s16+$0xFFFFFEE0] =	vst v8  }
0x345: {  	v15 =	vmul.f32 v15, v18;
	[tilespmem:s16+$0xFFFFFED0] =	vst v10  }
0x346: {  	v14 =	vld [tilespmem:s16+$0xFFFFFE80];
	[tilespmem:s16+$0xFFFFFEB0] =	vst v7;
	v7 =	vmul.f32 v12, v17;
	v12 =	vbroadcast v2, $0x3  }
0x347: {  	v5 =	vbroadcast v2, $0xA;
	v17 =	vld [tilespmem:s16+$0x0];
	[tilespmem:s16+$0xFFFFFE30] =	vst v15;
	v4 =	vmul.f32 v4, v9  }
0x348: {  	v8 =	vld [tilespmem:s16+$0xFFFFFE90];
	v9 =	vbroadcast v2, $0x4;
	v1 =	vmul.f32 v1, v12;
	[tilespmem:s16+$0xFFFFFEC0] =	vst v7  }
0x349: {  	v16 =	vld [tilespmem:s16+$0xFFFFFF30];
	v7 =	vmul.f32 v21, v5;
	[tilespmem:s16+$0xFFFFFEF0] =	vst v4  }
0x34a: {  	v19 =	vld [tilespmem:s16+$0xFFFFFF40];
	v3 =	vmul.f32 v3, v9;
	[tilespmem:s16+$0xFFFFFE70] =	vst v1  }
0x34b: {  	v11 =	vld [tilespmem:s16+$0xFFFFFE40];
	v4 =	vmul.f32 v14, v12;
	[tilespmem:s16+$0xFFFFFF50] =	vst v7  }
0x34c: {  	v22 =	vld [tilespmem:s16+$0xFFFFFF60];
	[tilespmem:s16+$0xFFFFFEA0] =	vst v3;
	v1 =	vmul.f32 v17, v6;
	v6 =	vbroadcast v2, $0x9  }
0x34d: {  	v13 =	vld [tilespmem:s16+$0xFFFFFF10];
	[tilespmem:s16+$0xFFFFFE80] =	vst v4;
	v4 =	vmul.f32 v8, v9  }
0x34e: {  	v10 =	vld [tilespmem:s16+$0xFFFFFF20];
	[tilespmem:s16+$0x0] =	vst v1;
	v1 =	vmul.f32 v16, v6  }
0x34f: {  	v3 =	vmul.f32 v19, v6;
	[tilespmem:s16+$0xFFFFFE90] =	vst v4  }
0x350: {  	v2 =	vbroadcast v2, $0x8;
	v4 =	vmul.f32 v11, v18;
	[tilespmem:s16+$0xFFFFFF30] =	vst v1  }
0x351: {  	v1 =	vmul.f32 v22, v5;
	[tilespmem:s16+$0xFFFFFF40] =	vst v3  }
0x352: {  	v3 =	vmul.f32 v13, v2;
	[tilespmem:s16+$0xFFFFFE40] =	vst v4  }
0x353: {  	[tilespmem:s16+$0xFFFFFF60] =	vst v1;
	v1 =	vmul.f32 v10, v2  }
0x354: {  	[tilespmem:s16+$0xFFFFFF10] =	vst v3  }
0x355: {  	s18 =	sadd.s32 $0x5080, s24;
	[tilespmem:s16+$0xFFFFFF20] =	vst v1  }
0x356: {  	[spmem:s2] =	stream.indirect.scatter.add.f32 [tilespmem:s25], [sflag:$0x6], $0x20, s18, s13, $0xb8;
	[tilespmem:$0x1E178] =	vst v63  }
0x357: {  	_ =	swait.ge [sflag:s26], $0x1000  }
0x358: {  	[sflag:s26] =	ssyncset.done $0x0  }
0x359: {  	[sflag:s26] =	ssyncadd.s32 $0xFFFFF000  }
0x35a: {  	p2 =	seq.s32 s23, $0x27;
	_ =	swait.ge [sflag:s11], $0x1000  }
0x35b: {  	s15 =	sshrl.u32 @!p2 s15, $0x2;
	s17 =	simm.s32 @!p2 $0x140C0;
	[sflag:s11] =	ssyncset.done $0x0  }
0x35c: {  	s15 =	sadd.s32 @!p2 $0x200, s15;
	s16 =	simm.s32 @!p2 $0x100;
	[sflag:s11] =	ssyncadd.s32 $0xFFFFF000  }
0x35d: {  	[tilespmem:s17], [sflag:$0x1] =	stream.indirect.gather @!p2 [hbm4b:s8+s16], $0x20, s15, s16, $0xb8;
	[tilespmem:$0x1E178] =	vst v63  }
0x35e: {  	_ =	swait.ge [sflag:s3], $0x2000  }
0x35f: {  	[sflag:s3] =	ssyncset.done $0x0  }
0x360: {  	s15 =	simm.s32 $0x161C0;
	[sflag:s3] =	ssyncadd.s32 $0xFFFFE000  }
0x361: {  	v7 =	vld [tilespmem:s15+$0xFFFFFFA0]  }
0x362: {  	v4 =	vld [tilespmem:s15+$0xFFFFFFF0]  }
0x363: {  	v1 =	vld [tilespmem:s15+$0xFFFFFF60]  }
0x364: {  	v5 =	vmov s21;
	v8 =	vld [tilespmem:s15+$0xFFFFFFD0]  }
0x365: {  	v9 =	vld [tilespmem:s15+$0x80]  }
0x366: {  	v12 =	vld [tilespmem:s15+$0xFFFFFF10]  }
0x367: {  	v16 =	vld [tilespmem:s15+$0xE0]  }
0x368: {  	s29 =	simm.s32 $0x0;
	v11 =	vld [tilespmem:s15+$0xFFFFFF40]  }
0x369: {  	v2 =	vld.idx.msk [tilespmem:v5+s29+$0x0 ss:$0x1], $0xffff  }
0x36a: {  	v3 =	vld [tilespmem:s15+$0xFFFFFF90]  }
0x36b: {  	v10 =	vld [tilespmem:s15+$0xFFFFFFC0]  }
0x36c: {  	v13 =	vld [tilespmem:s15+$0xFFFFFF00]  }
0x36d: {  	v14 =	vld [tilespmem:s15+$0xD0]  }
0x36e: {  	v23 =	vld [tilespmem:s15+$0xC0]  }
0x36f: {  	v21 =	vld [tilespmem:s15+$0x90];
	v19 =	vbroadcast v2, $0x0;
	v6 =	vbroadcast v2, $0xF  }
0x370: {  	v22 =	vld [tilespmem:s15+$0xFFFFFF50];
	v20 =	vbroadcast v2, $0x2;
	v18 =	vbroadcast v2, $0xE  }
0x371: {  	v17 =	vld [tilespmem:s15+$0xB0];
	v15 =	vbroadcast v2, $0xC;
	v25 =	vmul.f32 v19, v13  }
0x372: {  	s16 =	simm.s32 $0x40;
	s17 =	simm.s32 $0x161C0;
	v13 =	vbroadcast v2, $0xD;
	v24 =	vmul.f32 v11, v20;
	v11 =	vld [tilespmem:s15+$0x60]  }
.LBB2_16:
0x373: {  	p2 =	sne.s32 s16, $0x1C0  }
0x374: {  	[tilespmem:s15+$0xFFFFFF00] =	vst v25;
	v25 =	vld [tilespmem:s15+$0xFFFFFFB0];
	v23 =	vmul.f32 v23, v18;
	v16 =	vmul.f32 v16, v6;
	s17 =	sadd.s32 $0x200, s17;
	s18 =	smov.u32 s16;
	s16 =	sadd.s32 $0x40, s16  }
0x375: {  	[tilespmem:s15+$0xFFFFFF40] =	vst v24;
	v24 =	vbroadcast v2, $0xA;
	v21 =	vmul.f32 v21, v15;
	v26 =	vld [tilespmem:s15+$0xA0]  }
0x376: {  	v12 =	vmul.f32 v12, v19;
	v19 =	vmul.f32 v22, v20;
	v20 =	vld [tilespmem:s15+$0x70];
	[tilespmem:s15+$0xE0] =	vst v16  }
0x377: {  	v16 =	vbroadcast v2, $0x5;
	v22 =	vld [tilespmem:s15+$0xFFFFFFE0];
	v17 =	vmul.f32 v17, v13;
	[tilespmem:s15+$0xC0] =	vst v23  }
0x378: {  	v14 =	vmul.f32 v14, v18;
	[tilespmem:s15+$0xFFFFFF10] =	vst v12;
	v12 =	vbroadcast v2, $0x6;
	v23 =	vld [tilespmem:s15+$0x40]  }
0x379: {  	v27 =	vbroadcast v2, $0xB;
	v7 =	vmul.f32 v7, v16;
	v18 =	vld [tilespmem:s15+$0xFFFFFF20];
	[tilespmem:s15+$0x90] =	vst v21  }
0x37a: {  	v21 =	vbroadcast v2, $0x9;
	[tilespmem:s15+$0xFFFFFF50] =	vst v19;
	v19 =	vld [tilespmem:s15+$0x20];
	v13 =	vmul.f32 v26, v13  }
0x37b: {  	v16 =	vmul.f32 v25, v16;
	v25 =	vld [tilespmem:s15+$0x50];
	v20 =	vmul.f32 v20, v27;
	[tilespmem:s15+$0xD0] =	vst v14  }
0x37c: {  	v9 =	vmul.f32 v9, v15;
	v14 =	vbroadcast v2, $0x7;
	v26 =	vld [tilespmem:s15+$0x30];
	[tilespmem:s15+$0xA0] =	vst v13  }
0x37d: {  	v10 =	vmul.f32 v10, v12;
	v13 =	vbroadcast v2, $0x3;
	v15 =	vld [tilespmem:s15+$0x0];
	[tilespmem:s15+$0x70] =	vst v20  }
0x37e: {  	v11 =	vmul.f32 v11, v27;
	v8 =	vmul.f32 v8, v12;
	v12 =	vld [tilespmem:s15+$0x10];
	[tilespmem:s15+$0x80] =	vst v9  }
0x37f: {  	v20 =	vbroadcast v2, $0x8;
	v23 =	vmul.f32 v23, v24;
	v9 =	vld [tilespmem:s15+$0xFFFFFF30];
	[tilespmem:s15+$0xB0] =	vst v17  }
0x380: {  	v17 =	vbroadcast v2, $0x1;
	v27 =	vld [tilespmem:s15+$0xFFFFFF70];
	[tilespmem:s15+$0xFFFFFFD0] =	vst v8;
	v24 =	vmul.f32 v25, v24  }
0x381: {  	v4 =	vmul.f32 v4, v14;
	v8 =	vmul.f32 v22, v14;
	[tilespmem:s15+$0xFFFFFFC0] =	vst v10;
	v10 =	vld [tilespmem:s15+$0xF0]  }
0x382: {  	v22 =	vmul.f32 v26, v21;
	v14 =	vld [tilespmem:s15+$0xFFFFFF80];
	[tilespmem:s15+$0xFFFFFFA0] =	vst v7;
	v15 =	vmul.f32 v15, v20  }
0x383: {  	v7 =	vld [tilespmem:s17+$0xFFFFFFA0];
	[tilespmem:s15+$0xFFFFFFF0] =	vst v4;
	v20 =	vmul.f32 v12, v20;
	v12 =	vmul.f32 v19, v21  }
0x384: {  	v4 =	vmul.f32 v18, v17;
	v17 =	vmul.f32 v9, v17;
	[tilespmem:s15+$0x60] =	vst v11  }
0x385: {  	v1 =	vmul.f32 v1, v13;
	v9 =	vmul.f32 v27, v13;
	[tilespmem:s15+$0xFFFFFFB0] =	vst v16  }
0x386: {  	v2 =	vbroadcast v2, $0x4;
	[tilespmem:s15+$0xFFFFFF20] =	vst v4;
	v4 =	vmul.f32 v10, v6  }
0x387: {  	[tilespmem:s15+$0xFFFFFF60] =	vst v1  }
0x388: {  	v6 =	vmul.f32 v14, v2;
	v1 =	vmul.f32 v3, v2;
	[tilespmem:s15+$0x40] =	vst v23  }
0x389: {  	[tilespmem:s15+$0xFFFFFFE0] =	vst v8  }
0x38a: {  	[tilespmem:s15+$0xF0] =	vst v4  }
0x38b: {  	[tilespmem:s15+$0xFFFFFF90] =	vst v1  }
0x38c: {  	[tilespmem:s15+$0xFFFFFF70] =	vst v9  }
0x38d: {  	v4 =	vld [tilespmem:s17+$0xFFFFFFF0];
	[tilespmem:s15+$0x20] =	vst v12  }
0x38e: {  	v1 =	vld [tilespmem:s17+$0xFFFFFF60];
	[tilespmem:s15+$0x30] =	vst v22  }
0x38f: {  	v8 =	vld [tilespmem:s17+$0xFFFFFFD0];
	[tilespmem:s15+$0xFFFFFF80] =	vst v6  }
0x390: {  	v9 =	vld [tilespmem:s17+$0x80];
	[tilespmem:s15+$0x50] =	vst v24  }
0x391: {  	v12 =	vld [tilespmem:s17+$0xFFFFFF10];
	[tilespmem:s15+$0x0] =	vst v15  }
0x392: {  	v16 =	vld [tilespmem:s17+$0xE0];
	[tilespmem:s15+$0xFFFFFF30] =	vst v17  }
0x393: {  	s18 =	sshra.s32 s18, $0x2;
	v11 =	vld [tilespmem:s17+$0xFFFFFF40];
	[tilespmem:s15+$0x10] =	vst v20;
	s15 =	smov.u32 s17  }
0x394: {  	v2 =	vld.idx.msk [tilespmem:v5+s18+$0x0 ss:$0x1], $0xffff  }
0x395: {  	v3 =	vld [tilespmem:s17+$0xFFFFFF90]  }
0x396: {  	v10 =	vld [tilespmem:s17+$0xFFFFFFC0]  }
0x397: {  	v13 =	vld [tilespmem:s17+$0xFFFFFF00]  }
0x398: {  	v14 =	vld [tilespmem:s17+$0xD0]  }
.Ltmp6:
0x399: {  	v23 =	vld [tilespmem:s17+$0xC0];
	(pc) =	sbr.rel @p2 .LBB2_16-.Ltmp6, $4  }
0x39a: {  	v19 =	vbroadcast v2, $0x0;
	v6 =	vbroadcast v2, $0xF;
	v21 =	vld [tilespmem:s17+$0x90]  }
0x39b: {  	v20 =	vbroadcast v2, $0x2;
	v18 =	vbroadcast v2, $0xE;
	v22 =	vld [tilespmem:s17+$0xFFFFFF50]  }
0x39c: {  	v25 =	vmul.f32 v19, v13;
	v13 =	vbroadcast v2, $0xD;
	v17 =	vld [tilespmem:s17+$0xB0]  }
0x39d: {  	v15 =	vbroadcast v2, $0xC;
	v24 =	vmul.f32 v11, v20;
	v11 =	vld [tilespmem:s17+$0x60]  }
0x39e: {  	[tilespmem:s15+$0xFFFFFF00] =	vst v25;
	v5 =	vmul.f32 v16, v6  }
0x39f: {  	v16 =	vmul.f32 v23, v18;
	[tilespmem:s15+$0xFFFFFF40] =	vst v24  }
0x3a0: {  	v12 =	vmul.f32 v12, v19;
	[tilespmem:s15+$0xE0] =	vst v5  }
0x3a1: {  	v23 =	vld [tilespmem:s15+$0xA0];
	v9 =	vmul.f32 v9, v15;
	[tilespmem:s15+$0xC0] =	vst v16  }
0x3a2: {  	v19 =	vld [tilespmem:s15+$0x70];
	v5 =	vmul.f32 v21, v15;
	v20 =	vmul.f32 v22, v20;
	[tilespmem:s15+$0xFFFFFF10] =	vst v12  }
0x3a3: {  	v12 =	vmul.f32 v14, v18;
	v18 =	vbroadcast v2, $0xB;
	[tilespmem:s15+$0x80] =	vst v9  }
0x3a4: {  	[tilespmem:s15+$0x90] =	vst v5  }
0x3a5: {  	[tilespmem:s15+$0xFFFFFF50] =	vst v20;
	v11 =	vmul.f32 v11, v18  }
0x3a6: {  	[tilespmem:s15+$0xD0] =	vst v12;
	v20 =	vmul.f32 v23, v13  }
0x3a7: {  	v9 =	vbroadcast v2, $0x7;
	v19 =	vmul.f32 v19, v18;
	[tilespmem:s15+$0x60] =	vst v11  }
0x3a8: {  	v14 =	vld [tilespmem:s15+$0xFFFFFF20];
	v12 =	vbroadcast v2, $0x6;
	v13 =	vmul.f32 v17, v13;
	[tilespmem:s15+$0xA0] =	vst v20  }
0x3a9: {  	v16 =	vld [tilespmem:s15+$0xFFFFFFB0];
	v4 =	vmul.f32 v4, v9;
	[tilespmem:s15+$0x70] =	vst v19  }
0x3aa: {  	v5 =	vld [tilespmem:s15+$0xFFFFFFE0];
	v17 =	vbroadcast v2, $0x5;
	v8 =	vmul.f32 v8, v12;
	[tilespmem:s15+$0xB0] =	vst v13  }
0x3ab: {  	v18 =	vbroadcast v2, $0x1;
	v10 =	vmul.f32 v10, v12;
	[tilespmem:s15+$0xFFFFFFF0] =	vst v4  }
0x3ac: {  	v21 =	vld [tilespmem:s15+$0x40];
	v7 =	vmul.f32 v7, v17;
	[tilespmem:s15+$0xFFFFFFD0] =	vst v8  }
0x3ad: {  	v14 =	vmul.f32 v14, v18;
	[tilespmem:s15+$0xFFFFFFC0] =	vst v10  }
0x3ae: {  	v13 =	vld [tilespmem:s15+$0xFFFFFF70];
	[tilespmem:s15+$0xFFFFFFA0] =	vst v7;
	v7 =	vmul.f32 v16, v17;
	v16 =	vbroadcast v2, $0x3  }
0x3af: {  	v4 =	vbroadcast v2, $0xA;
	v17 =	vld [tilespmem:s15+$0xF0];
	[tilespmem:s15+$0xFFFFFF20] =	vst v14;
	v5 =	vmul.f32 v5, v9  }
0x3b0: {  	v8 =	vld [tilespmem:s15+$0xFFFFFF80];
	v9 =	vbroadcast v2, $0x4;
	v1 =	vmul.f32 v1, v16;
	[tilespmem:s15+$0xFFFFFFB0] =	vst v7  }
0x3b1: {  	v15 =	vld [tilespmem:s15+$0x20];
	v7 =	vmul.f32 v21, v4;
	[tilespmem:s15+$0xFFFFFFE0] =	vst v5  }
0x3b2: {  	v19 =	vld [tilespmem:s15+$0x30];
	v3 =	vmul.f32 v3, v9;
	[tilespmem:s15+$0xFFFFFF60] =	vst v1  }
0x3b3: {  	v22 =	vld [tilespmem:s15+$0x50];
	v5 =	vmul.f32 v13, v16;
	[tilespmem:s15+$0x40] =	vst v7  }
0x3b4: {  	v12 =	vld [tilespmem:s15+$0x0];
	[tilespmem:s15+$0xFFFFFF90] =	vst v3;
	v1 =	vmul.f32 v17, v6;
	v6 =	vbroadcast v2, $0x9  }
0x3b5: {  	v11 =	vld [tilespmem:s15+$0xFFFFFF30];
	[tilespmem:s15+$0xFFFFFF70] =	vst v5;
	v5 =	vmul.f32 v8, v9  }
0x3b6: {  	v10 =	vld [tilespmem:s15+$0x10];
	[tilespmem:s15+$0xF0] =	vst v1;
	v1 =	vmul.f32 v15, v6  }
0x3b7: {  	v2 =	vbroadcast v2, $0x8;
	v3 =	vmul.f32 v19, v6;
	[tilespmem:s15+$0xFFFFFF80] =	vst v5  }
0x3b8: {  	[tilespmem:s15+$0x20] =	vst v1;
	v1 =	vmul.f32 v22, v4  }
0x3b9: {  	[tilespmem:s15+$0x30] =	vst v3;
	v3 =	vmul.f32 v12, v2  }
0x3ba: {  	v4 =	vmul.f32 v11, v18;
	[tilespmem:s15+$0x50] =	vst v1  }
0x3bb: {  	v1 =	vmul.f32 v10, v2;
	[tilespmem:s15+$0x0] =	vst v3  }
0x3bc: {  	[tilespmem:s15+$0xFFFFFF30] =	vst v4  }
0x3bd: {  	s14 =	sadd.s32 $0x5000, s14;
	[tilespmem:s15+$0x10] =	vst v1  }
0x3be: {  	[spmem:s2] =	stream.indirect.scatter.add.f32 [tilespmem:s10], [sflag:$0x5], $0x20, s14, s13, $0xb8;
	[tilespmem:$0x1E178] =	vst v63  }
0x3bf: {  	s14 =	simm.s32 $0x172B0  }
0x3c0: {  	v7 =	vld [tilespmem:s14+$0xFFFFFEB0]  }
0x3c1: {  	v12 =	vld [tilespmem:s14+$0xFFFFFFF0]  }
0x3c2: {  	v1 =	vld [tilespmem:s14+$0xFFFFFE70]  }
0x3c3: {  	v5 =	vld [tilespmem:s14+$0xFFFFFF00]  }
0x3c4: {  	v4 =	vmov s22;
	v8 =	vld [tilespmem:s14+$0xFFFFFEE0]  }
0x3c5: {  	v9 =	vld [tilespmem:s14+$0xFFFFFF90]  }
0x3c6: {  	v13 =	vld [tilespmem:s14+$0xFFFFFE20]  }
0x3c7: {  	v11 =	vld [tilespmem:s14+$0xFFFFFE50]  }
0x3c8: {  	s29 =	simm.s32 $0x0;
	v3 =	vld [tilespmem:s14+$0xFFFFFEA0]  }
0x3c9: {  	v2 =	vld.idx.msk [tilespmem:v4+s29+$0x0 ss:$0x1], $0xffff  }
0x3ca: {  	v10 =	vld [tilespmem:s14+$0xFFFFFED0]  }
0x3cb: {  	v14 =	vld [tilespmem:s14+$0xFFFFFE10]  }
0x3cc: {  	v15 =	vld [tilespmem:s14+$0xFFFFFFE0]  }
0x3cd: {  	v23 =	vld [tilespmem:s14+$0xFFFFFFD0]  }
0x3ce: {  	v21 =	vld [tilespmem:s14+$0xFFFFFFA0];
	v19 =	vbroadcast v2, $0x0;
	v6 =	vbroadcast v2, $0xF  }
0x3cf: {  	v22 =	vld [tilespmem:s14+$0xFFFFFE60];
	v20 =	vbroadcast v2, $0x2;
	v18 =	vbroadcast v2, $0xE  }
0x3d0: {  	v17 =	vld [tilespmem:s14+$0xFFFFFFC0];
	v16 =	vbroadcast v2, $0xC;
	v25 =	vmul.f32 v19, v14  }
0x3d1: {  	s16 =	simm.s32 $0x172B0;
	s15 =	simm.s32 $0x40;
	v14 =	vbroadcast v2, $0xD;
	v24 =	vmul.f32 v11, v20;
	v11 =	vld [tilespmem:s14+$0xFFFFFF70]  }
.LBB2_18:
0x3d2: {  	p2 =	sne.s32 s15, $0x1C0  }
0x3d3: {  	[tilespmem:s14+$0xFFFFFE10] =	vst v25;
	v25 =	vld [tilespmem:s14+$0xFFFFFEC0];
	v23 =	vmul.f32 v23, v18;
	v12 =	vmul.f32 v12, v6;
	s16 =	sadd.s32 $0x200, s16;
	s17 =	smov.u32 s15;
	s15 =	sadd.s32 $0x40, s15  }
0x3d4: {  	[tilespmem:s14+$0xFFFFFE50] =	vst v24;
	v24 =	vbroadcast v2, $0xA;
	v21 =	vmul.f32 v21, v16;
	v26 =	vld [tilespmem:s14+$0xFFFFFFB0]  }
0x3d5: {  	v13 =	vmul.f32 v13, v19;
	v19 =	vmul.f32 v22, v20;
	v20 =	vld [tilespmem:s14+$0xFFFFFF80];
	[tilespmem:s14+$0xFFFFFFF0] =	vst v12  }
0x3d6: {  	v12 =	vbroadcast v2, $0x5;
	v22 =	vld [tilespmem:s14+$0xFFFFFEF0];
	v17 =	vmul.f32 v17, v14;
	[tilespmem:s14+$0xFFFFFFD0] =	vst v23  }
0x3d7: {  	v15 =	vmul.f32 v15, v18;
	[tilespmem:s14+$0xFFFFFE20] =	vst v13;
	v13 =	vbroadcast v2, $0x6;
	v23 =	vld [tilespmem:s14+$0xFFFFFF50]  }
0x3d8: {  	v27 =	vbroadcast v2, $0xB;
	v7 =	vmul.f32 v7, v12;
	v18 =	vld [tilespmem:s14+$0xFFFFFE30];
	[tilespmem:s14+$0xFFFFFFA0] =	vst v21  }
0x3d9: {  	v21 =	vbroadcast v2, $0x9;
	[tilespmem:s14+$0xFFFFFE60] =	vst v19;
	v19 =	vld [tilespmem:s14+$0xFFFFFF30];
	v14 =	vmul.f32 v26, v14  }
0x3da: {  	v12 =	vmul.f32 v25, v12;
	v25 =	vld [tilespmem:s14+$0xFFFFFF60];
	v20 =	vmul.f32 v20, v27;
	[tilespmem:s14+$0xFFFFFFE0] =	vst v15  }
0x3db: {  	v9 =	vmul.f32 v9, v16;
	v15 =	vbroadcast v2, $0x7;
	v26 =	vld [tilespmem:s14+$0xFFFFFF40];
	[tilespmem:s14+$0xFFFFFFB0] =	vst v14  }
0x3dc: {  	v10 =	vmul.f32 v10, v13;
	v14 =	vbroadcast v2, $0x3;
	v16 =	vld [tilespmem:s14+$0xFFFFFF10];
	[tilespmem:s14+$0xFFFFFF80] =	vst v20  }
0x3dd: {  	v11 =	vmul.f32 v11, v27;
	v8 =	vmul.f32 v8, v13;
	v13 =	vld [tilespmem:s14+$0xFFFFFF20];
	[tilespmem:s14+$0xFFFFFF90] =	vst v9  }
0x3de: {  	v20 =	vbroadcast v2, $0x8;
	v23 =	vmul.f32 v23, v24;
	v9 =	vld [tilespmem:s14+$0xFFFFFE40];
	[tilespmem:s14+$0xFFFFFFC0] =	vst v17  }
0x3df: {  	v17 =	vbroadcast v2, $0x1;
	v27 =	vld [tilespmem:s14+$0xFFFFFE80];
	[tilespmem:s14+$0xFFFFFEE0] =	vst v8;
	v24 =	vmul.f32 v25, v24  }
0x3e0: {  	v5 =	vmul.f32 v5, v15;
	v8 =	vmul.f32 v22, v15;
	[tilespmem:s14+$0xFFFFFED0] =	vst v10;
	v10 =	vld [tilespmem:s14+$0x0]  }
0x3e1: {  	v22 =	vmul.f32 v26, v21;
	v15 =	vld [tilespmem:s14+$0xFFFFFE90];
	[tilespmem:s14+$0xFFFFFEB0] =	vst v7;
	v16 =	vmul.f32 v16, v20  }
0x3e2: {  	v7 =	vld [tilespmem:s16+$0xFFFFFEB0];
	[tilespmem:s14+$0xFFFFFF00] =	vst v5;
	v20 =	vmul.f32 v13, v20;
	v5 =	vmul.f32 v19, v21  }
0x3e3: {  	v13 =	vmul.f32 v18, v17;
	v17 =	vmul.f32 v9, v17;
	[tilespmem:s14+$0xFFFFFF70] =	vst v11  }
0x3e4: {  	v1 =	vmul.f32 v1, v14;
	v9 =	vmul.f32 v27, v14;
	[tilespmem:s14+$0xFFFFFEC0] =	vst v12  }
0x3e5: {  	v2 =	vbroadcast v2, $0x4;
	[tilespmem:s14+$0xFFFFFE30] =	vst v13;
	v6 =	vmul.f32 v10, v6  }
0x3e6: {  	[tilespmem:s14+$0xFFFFFE70] =	vst v1  }
0x3e7: {  	v10 =	vmul.f32 v15, v2;
	v1 =	vmul.f32 v3, v2;
	[tilespmem:s14+$0xFFFFFF50] =	vst v23  }
0x3e8: {  	[tilespmem:s14+$0xFFFFFEF0] =	vst v8  }
0x3e9: {  	[tilespmem:s14+$0x0] =	vst v6  }
0x3ea: {  	[tilespmem:s14+$0xFFFFFEA0] =	vst v1  }
0x3eb: {  	[tilespmem:s14+$0xFFFFFE80] =	vst v9  }
0x3ec: {  	v12 =	vld [tilespmem:s16+$0xFFFFFFF0];
	[tilespmem:s14+$0xFFFFFF30] =	vst v5  }
0x3ed: {  	v1 =	vld [tilespmem:s16+$0xFFFFFE70];
	[tilespmem:s14+$0xFFFFFF40] =	vst v22  }
0x3ee: {  	v5 =	vld [tilespmem:s16+$0xFFFFFF00];
	[tilespmem:s14+$0xFFFFFE90] =	vst v10  }
0x3ef: {  	v8 =	vld [tilespmem:s16+$0xFFFFFEE0];
	[tilespmem:s14+$0xFFFFFF60] =	vst v24  }
0x3f0: {  	v9 =	vld [tilespmem:s16+$0xFFFFFF90];
	[tilespmem:s14+$0xFFFFFF10] =	vst v16  }
0x3f1: {  	v13 =	vld [tilespmem:s16+$0xFFFFFE20];
	[tilespmem:s14+$0xFFFFFE40] =	vst v17  }
0x3f2: {  	s17 =	sshra.s32 s17, $0x2;
	v11 =	vld [tilespmem:s16+$0xFFFFFE50];
	[tilespmem:s14+$0xFFFFFF20] =	vst v20;
	s14 =	smov.u32 s16  }
0x3f3: {  	v2 =	vld.idx.msk [tilespmem:v4+s17+$0x0 ss:$0x1], $0xffff  }
0x3f4: {  	v3 =	vld [tilespmem:s16+$0xFFFFFEA0]  }
0x3f5: {  	v10 =	vld [tilespmem:s16+$0xFFFFFED0]  }
0x3f6: {  	v14 =	vld [tilespmem:s16+$0xFFFFFE10]  }
0x3f7: {  	v15 =	vld [tilespmem:s16+$0xFFFFFFE0]  }
.Ltmp7:
0x3f8: {  	v23 =	vld [tilespmem:s16+$0xFFFFFFD0];
	(pc) =	sbr.rel @p2 .LBB2_18-.Ltmp7, $4  }
0x3f9: {  	v19 =	vbroadcast v2, $0x0;
	v6 =	vbroadcast v2, $0xF;
	v21 =	vld [tilespmem:s16+$0xFFFFFFA0]  }
0x3fa: {  	v20 =	vbroadcast v2, $0x2;
	v18 =	vbroadcast v2, $0xE;
	v22 =	vld [tilespmem:s16+$0xFFFFFE60]  }
0x3fb: {  	v25 =	vmul.f32 v19, v14;
	v14 =	vbroadcast v2, $0xD;
	v17 =	vld [tilespmem:s16+$0xFFFFFFC0]  }
0x3fc: {  	v16 =	vbroadcast v2, $0xC;
	v24 =	vmul.f32 v11, v20;
	v11 =	vld [tilespmem:s16+$0xFFFFFF70]  }
0x3fd: {  	[tilespmem:s14+$0xFFFFFE10] =	vst v25;
	v4 =	vmul.f32 v12, v6  }
0x3fe: {  	v30 =	vmul.f32 v23, v18;
	[tilespmem:s14+$0xFFFFFE50] =	vst v24  }
0x3ff: {  	v13 =	vmul.f32 v13, v19;
	[tilespmem:s14+$0xFFFFFFF0] =	vst v4  }
0x400: {  	v35 =	vmul.f32 v15, v18;
	[tilespmem:s14+$0xFFFFFFD0] =	vst v30  }
0x401: {  	v33 =	vmul.f32 v21, v16;
	[tilespmem:s14+$0xFFFFFE20] =	vst v13  }
0x402: {  	v41 =	vbroadcast v2, $0x6;
	v9 =	vmul.f32 v9, v16;
	[tilespmem:s14+$0xFFFFFFE0] =	vst v35  }
0x403: {  	v20 =	vmul.f32 v22, v20;
	[tilespmem:s14+$0xFFFFFFA0] =	vst v33  }
0x404: {  	v45 =	vbroadcast v2, $0x5;
	v8 =	vmul.f32 v8, v41;
	[tilespmem:s14+$0xFFFFFF90] =	vst v9  }
0x405: {  	v47 =	vbroadcast v2, $0x7;
	v10 =	vmul.f32 v10, v41;
	[tilespmem:s14+$0xFFFFFE60] =	vst v20  }
0x406: {  	v54 =	vbroadcast v2, $0x3;
	v7 =	vmul.f32 v7, v45;
	[tilespmem:s14+$0xFFFFFEE0] =	vst v8  }
0x407: {  	v31 =	vld [tilespmem:s14+$0xFFFFFFB0];
	v59 =	vbroadcast v2, $0x4;
	v5 =	vmul.f32 v5, v47;
	[tilespmem:s14+$0xFFFFFED0] =	vst v10  }
0x408: {  	v32 =	vld [tilespmem:s14+$0xFFFFFF80];
	v1 =	vmul.f32 v1, v54;
	[tilespmem:s14+$0xFFFFFEB0] =	vst v7  }
0x409: {  	v34 =	vld [tilespmem:s14+$0xFFFFFEC0];
	v37 =	vbroadcast v2, $0xB;
	v3 =	vmul.f32 v3, v59;
	[tilespmem:s14+$0xFFFFFF00] =	vst v5  }
0x40a: {  	v36 =	vld [tilespmem:s14+$0xFFFFFE30];
	v43 =	vmul.f32 v17, v14;
	[tilespmem:s14+$0xFFFFFE70] =	vst v1  }
0x40b: {  	v40 =	vld [tilespmem:s14+$0xFFFFFF50];
	v11 =	vmul.f32 v11, v37;
	[tilespmem:s14+$0xFFFFFEA0] =	vst v3  }
0x40c: {  	v38 =	vld [tilespmem:s14+$0xFFFFFEF0];
	v39 =	vmul.f32 v31, v14;
	[tilespmem:s14+$0xFFFFFFC0] =	vst v43  }
0x40d: {  	v52 =	vbroadcast v2, $0x1;
	v55 =	vld [tilespmem:s14+$0x0];
	v19 =	vmul.f32 v32, v37;
	[tilespmem:s14+$0xFFFFFF70] =	vst v11  }
0x40e: {  	v49 =	vld [tilespmem:s14+$0xFFFFFE80];
	v56 =	vbroadcast v2, $0xA;
	v53 =	vmul.f32 v34, v45;
	[tilespmem:s14+$0xFFFFFFB0] =	vst v39  }
0x40f: {  	v46 =	vld [tilespmem:s14+$0xFFFFFF40];
	v15 =	vmul.f32 v36, v52;
	[tilespmem:s14+$0xFFFFFF80] =	vst v19  }
0x410: {  	v50 =	vld [tilespmem:s14+$0xFFFFFE90];
	v58 =	vmul.f32 v40, v56;
	[tilespmem:s14+$0xFFFFFEC0] =	vst v53  }
0x411: {  	v44 =	vld [tilespmem:s14+$0xFFFFFF30];
	v4 =	vmul.f32 v38, v47;
	[tilespmem:s14+$0xFFFFFE30] =	vst v15  }
0x412: {  	v57 =	vld [tilespmem:s14+$0xFFFFFE40];
	v60 =	vbroadcast v2, $0x9;
	v1 =	vmul.f32 v55, v6;
	[tilespmem:s14+$0xFFFFFF50] =	vst v58  }
0x413: {  	v42 =	vld [tilespmem:s14+$0xFFFFFF60];
	v61 =	vmul.f32 v49, v54;
	[tilespmem:s14+$0xFFFFFEF0] =	vst v4  }
0x414: {  	v48 =	vld [tilespmem:s14+$0xFFFFFF10];
	v3 =	vmul.f32 v46, v60;
	[tilespmem:s14+$0x0] =	vst v1  }
0x415: {  	v51 =	vld [tilespmem:s14+$0xFFFFFF20];
	v62 =	vmul.f32 v50, v59;
	[tilespmem:s14+$0xFFFFFE80] =	vst v61  }
0x416: {  	v1 =	vmul.f32 v44, v60;
	[tilespmem:s14+$0xFFFFFF40] =	vst v3  }
0x417: {  	v2 =	vbroadcast v2, $0x8;
	v63 =	vmul.f32 v57, v52;
	[tilespmem:s14+$0xFFFFFE90] =	vst v62  }
0x418: {  	[tilespmem:s14+$0xFFFFFF30] =	vst v1;
	v1 =	vmul.f32 v42, v56  }
0x419: {  	v3 =	vmul.f32 v48, v2;
	[tilespmem:s14+$0xFFFFFE40] =	vst v63  }
0x41a: {  	[tilespmem:s14+$0xFFFFFF60] =	vst v1;
	v1 =	vmul.f32 v51, v2  }
0x41b: {  	[tilespmem:s14+$0xFFFFFF10] =	vst v3  }
0x41c: {  	s29 =	sadd.s32 $0x5180, s24;
	s23 =	sadd.s32 $0x1, s23;
	[tilespmem:s14+$0xFFFFFF20] =	vst v1  }
0x41d: {  	[spmem:s2] =	stream.indirect.scatter.add.f32 [tilespmem:s4], [sflag:$0x6], $0x20, s29, s13, $0xb8;
	[tilespmem:$0x1E178] =	vst v63  }
0x41e: {  	p2 =	sne.s32 s23, $0x28;
	_ =	swait.ge [sflag:s26], $0x1000  }
.Ltmp8:
0x41f: {  	[sflag:s26] =	ssyncset.done $0x0;
	(pc) =	sbr.rel @p2 .LBB2_11-.Ltmp8, $4  }
0x420: {  	[sflag:s26] =	ssyncadd.s32 $0xFFFFF000  }
0x421: {  	_ =	swait.ge [sflag:s11], $0x1000  }
0x422: {  	s19 =	sadd.s32 $0x200, s19;
	s20 =	sadd.s32 $0x200, s20;
	[sflag:s11] =	ssyncset.done $0x0  }
0x423: {  	s21 =	sadd.s32 $0x200, s21;
	s22 =	sadd.s32 $0x200, s22;
	[sflag:s11] =	ssyncadd.s32 $0xFFFFF000  }
0x424: {  	[bflag:$0x0] =	sbarrier.arrive $0xFFFF  }
0x425: {  	s8 =	rddreg [dreg:$0x9]  }
0x426: {  	s17 =	stileid.u32;
	s14 =	rddreg [dreg:$0x15]  }
0x427: {  	s16 =	rddreg [dreg:$0xf];
	s7 =	sadd.s32 s8, s7;
	s8 =	sshll.u32 s17, $0x6  }
0x428: {  	s15 =	sshrl.u32 s16, $0x3;
	s14 =	sadd.s32 s14, s7;
	s8 =	sor.u32 $0x1C06, s8  }
0x429: {  	[hbm:s14], [sflag:s8] =	dma.local [spmem:s15], $0x200  }
0x42a: {  	_ =	swait.ge [sflag:s26], $0x200  }
0x42b: {  	s18 =	rddreg [dreg:$0x16]  }
0x42c: {  	[sflag:s26] =	ssyncset.done $0x0;
	s17 =	rddreg [dreg:$0x10]  }
0x42d: {  	[sflag:s26] =	ssyncadd.s32 $0xFFFFFE00;
	s14 =	sadd.s32 s18, s7;
	s19 =	sshrl.u32 s17, $0x3  }
0x42e: {  	[hbm:s14], [sflag:s8] =	dma.local [spmem:s19], $0x200  }
0x42f: {  	_ =	swait.ge [sflag:s26], $0x200  }
0x430: {  	s20 =	rddreg [dreg:$0x17]  }
0x431: {  	[sflag:s26] =	ssyncset.done $0x0;
	s18 =	rddreg [dreg:$0x11]  }
0x432: {  	[sflag:s26] =	ssyncadd.s32 $0xFFFFFE00;
	s14 =	sadd.s32 s20, s7;
	s21 =	sshrl.u32 s18, $0x3  }
0x433: {  	[hbm:s14], [sflag:s8] =	dma.local [spmem:s21], $0x200  }
0x434: {  	_ =	swait.ge [sflag:s26], $0x200  }
0x435: {  	s22 =	rddreg [dreg:$0x18]  }
0x436: {  	[sflag:s26] =	ssyncset.done $0x0;
	s19 =	rddreg [dreg:$0x12]  }
0x437: {  	[sflag:s26] =	ssyncadd.s32 $0xFFFFFE00;
	s14 =	sadd.s32 s22, s7;
	s23 =	sshrl.u32 s19, $0x3  }
0x438: {  	[hbm:s14], [sflag:s8] =	dma.local [spmem:s23], $0x200  }
0x439: {  	_ =	swait.ge [sflag:s26], $0x200  }
0x43a: {  	s24 =	rddreg [dreg:$0x19]  }
0x43b: {  	[sflag:s26] =	ssyncset.done $0x0;
	s20 =	rddreg [dreg:$0x13]  }
0x43c: {  	[sflag:s26] =	ssyncadd.s32 $0xFFFFFE00;
	s7 =	sadd.s32 s24, s7;
	s29 =	sshrl.u32 s20, $0x3  }
0x43d: {  	[hbm:s7], [sflag:s8] =	dma.local [spmem:s29], $0x1C8  }
.Ltmp9:
0x43e: {  	_ =	swait.ge [sflag:s26], $0x1C8;
	(pc) =	sbr.rel @p1 .LBB2_10-.Ltmp9, $4  }
0x43f: {  	[sflag:s26] =	ssyncset.done $0x0  }
0x440: {  	[sflag:s26] =	ssyncadd.s32 $0xFFFFFE38  }
0x441: {  	[bflag:$0x0] =	sbarrier.arrive $0xFFFF  }
0x442: {  	p2 =	por $0x0, $0x0;
	s7 =	simm.s32 $0x1  }
0x443: {  	s14 =	rddreg [dreg:$0x5]  }
0x444: {  	s7 =	rddreg [dreg:$0x1a];
	s14 =	sadd.s32 $0x1, s14  }
0x445: {  	p1 =	sne.s32 s14, s7  }
.Ltmp10:
0x446: {  	_ = 	snop;
	(pc) =	sbr.rel @p1 .LBB2_1-.Ltmp10, $2  }
0x447: {  	_ =	sdelay $0x2  }
0x448: {  	s21 =	simm.s32 $0x5000;
	s22 =	simm.s32 $0xA000  }
0x449: {  	_ =	sfence.sel $0x180000  }
0x44a: {  	[bflag:$0x0] =	sbarrier.arrive $0xFFFF  }
0x44b: {  	_ =	strace $0x90000047  }
0x44c: {  	s0 =	stileid.u32;
	[bflag:$0x2] =	sbarrier.arrive $0xFFFF  }
0x44d: {  	p0 =	sne.s32 s0, $0x0;
	s0 =	rddreg [dreg:$0x4]  }
0x44e: {  	s0 =	sadd.s32 @!p0 $0x100000, s0  }
0x44f: {  	[sflag:s0] =	ssyncadd.tile.s32 @!p0 $0x1;
	_ =	shalt  }
.Lfunc_end2:
_tile_overlayer_lowered:
.L_overlay_start_2:
0x450: {  	(tag) =	ssettag $0x2  }
0x451: {  	s0 =	rddreg [dreg:$0x0];
	s2 =	stileid.u32  }
0x452: {  	s1 =	rddreg [dreg:$0x1];
	p0 =	sne.s32 s2, $0x0  }
0x453: {  	s3 =	rddreg [dreg:$0x2];
	[bflag:$0x3] =	sbarrier.arrive $0xFFFF;
	s2 =	simm.s32 @!p0 $0x1C06  }
0x454: {  	[timem:s3], [sflag:s2] =	dma.local @!p0 [hbm:s0], s1  }
0x455: {  	s0 =	simm.s32 @!p0 $0x6  }
0x456: {  	_ =	swait.ge @!p0 [sflag:s0], s1  }
0x457: {  	s1 =	ssub.s32 @!p0 $0x0, s1;
	[sflag:s0] =	ssyncset.done @!p0 $0x0  }
0x458: {  	[sflag:s0] =	ssyncadd.s32 @!p0 s1  }
0x459: {  	[bflag:$0x3] =	sbarrier.arrive $0xFFFF  }
0x45a: {  	_ =	shalt  }

</sc_bundles>
